<compile_context>
chip_gen: v7x
topology: tpu7x:2x2x1
jax: 0.10.2.dev20260603
libtpu: 0.0.44.dev20260713+nightly
codegen_flags: <defaults>
</compile_context>

<pallas_src>
import functools

import jax
import jax.numpy as jnp
from jax import lax
from jax.experimental import pallas as pl
from jax.experimental.pallas import tpu as pltpu
from jax.experimental.pallas import tpu_sc as plsc

N = 4096
K = 16
H = 4
NB = 4
NEG = -1e30
R_B = 512
R_L = 512
V_OFF = 16

LAYERS = [(16, 16), (16, 16), (16, 32), (32, 64)]


def _prep_body(x_ref, xT_ref, WiT_ref, bi_ref, WkmT_ref, bkm_ref, WvT_ref,
               bv_ref, T1_ref, posT_ref, x1_ref, maskc_ref, maskr_ref):
    xo = x_ref[0]
    xt = xT_ref[0]
    ar = jnp.abs(xt).sum(axis=1, keepdims=True)
    mr = (ar != 0.0).astype(jnp.float32)
    cent_r = (xt * mr).sum(axis=0, keepdims=True) / jnp.sum(mr)
    c_r = xt - cent_r
    n2_r = (c_r * c_r).sum(axis=1, keepdims=True)
    md_r = jnp.sqrt(jnp.max(jnp.where(mr > 0, n2_r, -jnp.inf)))
    pos_r = c_r / (md_r + 1e-8)
    ac = jnp.abs(xo).sum(axis=0, keepdims=True)
    mc = (ac != 0.0).astype(jnp.float32)
    cent_c = (xo * mc).sum(axis=1, keepdims=True) / jnp.sum(mc)
    c_c = xo - cent_c
    n2_c = (c_c * c_c).sum(axis=0, keepdims=True)
    md_c = jnp.sqrt(jnp.max(jnp.where(mc > 0, n2_c, -jnp.inf)))
    posT_ref[0] = c_c / (md_c + 1e-8)

    feat = jnp.maximum(jnp.dot(pos_r, WiT_ref[...],
                               preferred_element_type=jnp.float32)
                       + bi_ref[...], 0.0)
    km = jnp.dot(feat, WkmT_ref[...],
                 preferred_element_type=jnp.float32) + bkm_ref[...]
    v = jnp.dot(feat, WvT_ref[...],
                preferred_element_type=jnp.float32) + bv_ref[...]
    z1 = jnp.zeros((N, 1), jnp.float32)
    z8 = jnp.zeros((N, 8), jnp.float32)
    T1_ref[...] = jnp.concatenate([pos_r, z1, km, z8, v], axis=1)
    x1_ref[...] = feat
    maskc_ref[0] = mc
    maskr_ref[...] = mr


def _knn_body(T1_ref, posT_ref, maskc_ref, idx_ref):
    rows = T1_ref[:, 0:3]
    pt = posT_ref[0]
    mc = maskc_ref[0]
    dot = jnp.dot(rows, pt, preferred_element_type=jnp.float32)
    xxr = (rows * rows).sum(axis=1, keepdims=True)
    xxc = (pt * pt).sum(axis=0, keepdims=True)
    pd = 2.0 * dot - xxr - xxc
    pd = jnp.where(mc > 0, pd, NEG)
    Hn = N // 2
    A = pd[:, :Hn]
    Bv = pd[:, Hn:]
    iotaA = lax.broadcasted_iota(jnp.int32, A.shape, 1)
    cmp = A >= Bv
    hi = jnp.where(cmp, A, Bv)
    lo = jnp.where(cmp, Bv, A)
    hidx = jnp.where(cmp, iotaA, iotaA + Hn)
    loidx = jnp.where(cmp, iotaA + Hn, iotaA)
    off = pl.program_id(0) * N
    big = jnp.int32(2**30)
    cols = []
    for _ in range(K):
        mx = jnp.max(hi, axis=1, keepdims=True)
        am = jnp.min(jnp.where(hi == mx, hidx, big), axis=1, keepdims=True)
        cols.append(am)
        pmask = iotaA == (am & (Hn - 1))
        hi = jnp.where(pmask, lo, hi)
        hidx = jnp.where(pmask, loidx, hidx)
        lo = jnp.where(pmask, -jnp.inf, lo)
    idx_ref[...] = jnp.concatenate(cols, axis=1) + off


def _gather(table, idx, D):
    total = idx.shape[0]
    n_workers = 32
    per_w = total // n_workers
    chunk = 1024
    iters = per_w // chunk
    mesh = plsc.VectorSubcoreMesh(core_axis_name="c", subcore_axis_name="s")

    @functools.partial(
        pl.kernel,
        mesh=mesh,
        out_type=jax.ShapeDtypeStruct((total, 128), jnp.float32),
        compiler_params=pltpu.CompilerParams(use_tc_tiling_on_sc=False),
        scratch_types=[
            pltpu.VMEM((chunk,), jnp.int32),
            pltpu.VMEM((chunk, D), jnp.float32),
            pltpu.SemaphoreType.DMA,
        ],
    )
    def gather_kernel(table_hbm, idx_hbm, out_hbm, idx_v, rows_v, sem):
        wid = lax.axis_index("s") * 2 + lax.axis_index("c")
        base = wid * per_w

        def step(i, carry):
            b0 = base + i * chunk
            pltpu.sync_copy(idx_hbm.at[pl.ds(b0, chunk)], idx_v)
            pltpu.async_copy(table_hbm.at[idx_v], rows_v, sem).wait()
            pltpu.sync_copy(rows_v,
                            out_hbm.at[pl.ds(b0, chunk), pl.ds(0, D)])
            return carry

        lax.fori_loop(0, iters, step, 0)

    return gather_kernel(table, idx)


def _layer_body(*refs, C_out, C_next, has_sc):
    x_ref, T_ref, G_ref, mr_ref = refs[0:4]
    w = list(refs[4:])
    Wp1T, bp1, Wp2T, bp2, Mh, Eh, WfcT, bfc = w[0:8]
    p = 8
    if has_sc:
        WscT, bsc = w[p:p + 2]
        p += 2
    if C_next:
        WkmNT, bkmN, WvNT, bvN = w[p:p + 4]
        p += 4
    y_ref, pool_ref = w[p:p + 2]
    Tn_ref = w[p + 2] if C_next else None

    xl = x_ref[...]
    G2 = G_ref[:, 0:V_OFF + C_out]
    pos_r = T_ref[:, 0:3]
    G3 = G2.reshape(R_L, K, G2.shape[-1])
    qp = jnp.dot(pos_r, Wp1T[...],
                 preferred_element_type=jnp.float32) + bp1[...]
    np_ = jnp.dot(G2[:, 0:3], Wp1T[...],
                  preferred_element_type=jnp.float32)
    C = qp.shape[-1]
    pe1 = jnp.maximum(
        (qp.reshape(R_L, 1, C) - np_.reshape(R_L, K, C)).reshape(R_L * K, C),
        0.0)
    pe = jnp.dot(pe1, Wp2T[...],
                 preferred_element_type=jnp.float32) + bp2[...]
    pem = jnp.dot(pe, Mh[...], preferred_element_type=jnp.float32)
    logits = pem.reshape(R_L, K, H) - G3[:, :, 4:8]
    e = jnp.exp(logits)
    attn = e * (1.0 / e.sum(axis=1, keepdims=True))
    aexp = jnp.dot(attn.reshape(R_L * K, H), Eh[...],
                   preferred_element_type=jnp.float32)
    vn = G2[:, V_OFF:V_OFF + C_out]
    agg = (aexp * (vn + pe)).reshape(R_L, K, C_out).sum(axis=1)
    out = jnp.dot(agg, WfcT[...],
                  preferred_element_type=jnp.float32) + bfc[...]
    if has_sc:
        sc = jnp.dot(xl, WscT[...],
                     preferred_element_type=jnp.float32) + bsc[...]
    else:
        sc = xl
    y = jnp.maximum(sc + out, 0.0)
    y_ref[...] = y

    ym = jnp.where(mr_ref[...] > 0, y, -jnp.inf)
    tmax = jnp.max(ym, axis=0, keepdims=True)
    t = pl.program_id(1)

    @pl.when(t == 0)
    def _():
        pool_ref[0] = tmax

    @pl.when(t != 0)
    def _():
        pool_ref[0] = jnp.maximum(pool_ref[0], tmax)

    if C_next:
        kmn = jnp.dot(y, WkmNT[...],
                      preferred_element_type=jnp.float32) + bkmN[...]
        vnx = jnp.dot(y, WvNT[...],
                      preferred_element_type=jnp.float32) + bvN[...]
        z1 = jnp.zeros((R_L, 1), jnp.float32)
        z8 = jnp.zeros((R_L, 8), jnp.float32)
        Tn_ref[...] = jnp.concatenate([pos_r, z1, kmn, z8, vnx], axis=1)


def _full(shape):
    return pl.BlockSpec(shape, lambda *_: tuple(0 for _ in shape))


def _head_mean_w(Wk, bk, c_in):
    d = Wk.shape[0] // H
    Wkm = Wk.reshape(H, d, c_in).mean(axis=1)
    bkm = bk.reshape(H, d).mean(axis=1)
    return Wkm.T, bkm[None, :]


def _pipeline(x, xT, params, nb):
    f32 = jnp.float32

    lp = [params['l1'], params['l2'], params['l3'], params['l4']]
    WkmT1, bkm1 = _head_mean_w(lp[0]['Wk'], lp[0]['bk'], 16)

    T1, posT, x1, maskc, maskr = pl.pallas_call(
        _prep_body,
        grid=(nb,),
        in_specs=[
            pl.BlockSpec((1, 3, N), lambda b: (b, 0, 0)),
            pl.BlockSpec((1, N, 3), lambda b: (b, 0, 0)),
            _full((3, 16)), _full((1, 16)),
            _full((16, H)), _full((1, H)),
            _full((16, 16)), _full((1, 16)),
        ],
        out_specs=[
            pl.BlockSpec((N, 32), lambda b: (b, 0)),
            pl.BlockSpec((1, 3, N), lambda b: (b, 0, 0)),
            pl.BlockSpec((N, 16), lambda b: (b, 0)),
            pl.BlockSpec((1, 1, N), lambda b: (b, 0, 0)),
            pl.BlockSpec((N, 1), lambda b: (b, 0)),
        ],
        out_shape=[
            jax.ShapeDtypeStruct((nb * N, 32), f32),
            jax.ShapeDtypeStruct((nb, 3, N), f32),
            jax.ShapeDtypeStruct((nb * N, 16), f32),
            jax.ShapeDtypeStruct((nb, 1, N), f32),
            jax.ShapeDtypeStruct((nb * N, 1), f32),
        ],
    )(x, xT,
      params['input']['W'].T, params['input']['b'][None, :],
      WkmT1, bkm1,
      lp[0]['Wv'].T, lp[0]['bv'][None, :])

    idxg = pl.pallas_call(
        _knn_body,
        grid=(nb, N // R_B),
        in_specs=[
            pl.BlockSpec((R_B, 32), lambda b, t: (b * (N // R_B) + t, 0)),
            pl.BlockSpec((1, 3, N), lambda b, t: (b, 0, 0)),
            pl.BlockSpec((1, 1, N), lambda b, t: (b, 0, 0)),
        ],
        out_specs=pl.BlockSpec((R_B, K), lambda b, t: (b * (N // R_B) + t, 0)),
        out_shape=jax.ShapeDtypeStruct((nb * N, K), jnp.int32),
    )(T1, posT, maskc)
    idx_flat = idxg.reshape(nb * N * K)

    xs = x1
    Tl = T1
    pools = []
    for li, (c_in, c_out) in enumerate(LAYERS):
        D = 16 + c_out
        p = lp[li]
        has_sc = 'Wsc' in p
        c_next = LAYERS[li + 1][1] if li + 1 < len(LAYERS) else 0
        G = _gather(Tl, idx_flat, D)

        d_out = c_out // H
        weights = [
            p['Wp1'].T, p['bp1'][None, :],
            p['Wp2'].T, p['bp2'][None, :],
            jnp.repeat(jnp.eye(H, dtype=f32), d_out, axis=0) / d_out,
            jnp.repeat(jnp.eye(H, dtype=f32), d_out, axis=1),
            p['Wfc'].T, p['bfc'][None, :],
        ]
        wspecs = [
            _full((3, c_out)), _full((1, c_out)),
            _full((c_out, c_out)), _full((1, c_out)),
            _full((c_out, H)), _full((H, c_out)),
            _full((c_out, c_out)), _full((1, c_out)),
        ]
        if has_sc:
            weights += [p['Wsc'].T, p['bsc'][None, :]]
            wspecs += [_full((c_in, c_out)), _full((1, c_out))]
        if c_next:
            WkmNT, bkmN = _head_mean_w(lp[li + 1]['Wk'], lp[li + 1]['bk'],
                                       c_out)
            weights += [WkmNT, bkmN,
                        lp[li + 1]['Wv'].T, lp[li + 1]['bv'][None, :]]
            wspecs += [_full((c_out, H)), _full((1, H)),
                       _full((c_out, c_next)), _full((1, c_next))]

        D_next = 16 + c_next
        fb = lambda b, t: (b * (N // R_L) + t, 0)
        out_specs = [
            pl.BlockSpec((R_L, c_out), fb),
            pl.BlockSpec((1, 1, c_out), lambda b, t: (b, 0, 0)),
        ]
        out_shape = [
            jax.ShapeDtypeStruct((nb * N, c_out), f32),
            jax.ShapeDtypeStruct((nb, 1, c_out), f32),
        ]
        if c_next:
            out_specs.append(pl.BlockSpec((R_L, D_next), fb))
            out_shape.append(jax.ShapeDtypeStruct((nb * N, D_next), f32))

        outs = pl.pallas_call(
            functools.partial(_layer_body, C_out=c_out, C_next=c_next,
                              has_sc=has_sc),
            grid=(nb, N // R_L),
            in_specs=[
                pl.BlockSpec((R_L, c_in), fb),
                pl.BlockSpec((R_L, D), fb),
                pl.BlockSpec((R_L * K, 128), fb),
                pl.BlockSpec((R_L, 1), fb),
            ] + wspecs,
            out_specs=out_specs,
            out_shape=out_shape,
        )(xs, Tl, G, maskr, *weights)

        if c_next:
            xs, pool, Tl = outs
        else:
            xs, pool = outs
        pools.append(pool[:, 0, :])

    return jnp.concatenate(pools, axis=1)


def kernel(x, params):
    x = x.astype(jnp.float32)
    xT = jnp.transpose(x, (0, 2, 1))
    ng = 2
    g = NB // ng
    outs = [_pipeline(x[i * g:(i + 1) * g], xT[i * g:(i + 1) * g], params, g)
            for i in range(ng)]
    return jnp.concatenate(outs, axis=0)

# --- scband reference (transcript-rebuilt; emitter-appended) ---
"""Pipeline reference for scband-point-transformer-feature-extractor-29970281791914 (READ-ONLY COPY).

The authoritative reference and input builder live on the scoring server;
editing this copy changes nothing except your own understanding.
"""

import jax, jax.numpy as jnp
import numpy as np

K = 16
H = 4

def _linear(x, W, b):
    return x @ W.T + b

def _normalize(xyz, m):
    mf = m.astype(xyz.dtype)[None, None, :]
    cnt = mf.sum(axis=2, keepdims=True)
    centroids = (xyz * mf).sum(axis=2, keepdims=True) / cnt
    c = xyz - centroids
    norms = jnp.sqrt((c ** 2).sum(axis=1))
    md = jnp.where(m[None, :], norms, -jnp.inf).max(axis=1, keepdims=True)[:, :, None]
    return c / (md + 1e-08)

def _knn(pos_t, k, m):
    xp = jnp.transpose(pos_t, (0, 2, 1))
    inner = -2.0 * jnp.einsum('bnc,bmc->bnm', xp, xp)
    xx = jnp.sum(pos_t ** 2, axis=1, keepdims=True)
    pd = -xx - inner - jnp.transpose(xx, (0, 2, 1))
    pd = jnp.where(m[None, None, :], pd, -jnp.inf)
    return jax.lax.top_k(pd, k)[1]

def _index_points(points, idx):
    return jax.vmap(lambda p, i: p[i])(points, idx)

def _pt_layer(x, pos, p, k, num_heads, m):
    B, N, _ = x.shape
    idx = _knn(jnp.transpose(pos, (0, 2, 1)), k, m)
    xn = _index_points(x, idx)
    pn = _index_points(pos, idx)
    pos_diff = pos[:, :, None, :] - pn
    pe = _linear(jax.nn.relu(_linear(pos_diff, p['Wp1'], p['bp1'])), p['Wp2'], p['bp2'])
    q = _linear(x, p['Wq'], p['bq'])
    kp = _linear(xn, p['Wk'], p['bk'])
    v = _linear(xn, p['Wv'], p['bv'])
    out_ch = q.shape[-1]
    d = out_ch // num_heads
    qh = q.reshape(B, N, num_heads, d)[:, :, :, None, :]
    kh = jnp.transpose(kp.reshape(B, N, k, num_heads, d), (0, 1, 3, 2, 4))
    vh = jnp.transpose(v.reshape(B, N, k, num_heads, d), (0, 1, 3, 2, 4))
    ph = jnp.transpose(pe.reshape(B, N, k, num_heads, d), (0, 1, 3, 2, 4))
    attn = (qh - kh + ph).mean(axis=-1)
    attn = jax.nn.softmax(attn, axis=-1)
    agg = jnp.sum(attn[..., None] * (vh + ph), axis=3).reshape(B, N, out_ch)
    out = _linear(agg, p['Wfc'], p['bfc'])
    sc = _linear(x, p['Wsc'], p['bsc']) if 'Wsc' in p else x
    return sc + out

def _forward(x, params, valid_masks):
    outs = []
    for i in range(x.shape[0]):
        m = valid_masks[i]
        vx = _normalize(x[i][None], m)
        pos = jnp.transpose(vx, (0, 2, 1))
        feat = jax.nn.relu(_linear(pos, params['input']['W'], params['input']['b']))
        x1 = jax.nn.relu(_pt_layer(feat, pos, params['l1'], K, H, m))
        x2 = jax.nn.relu(_pt_layer(x1, pos, params['l2'], K, H, m))
        x3 = jax.nn.relu(_pt_layer(x2, pos, params['l3'], K, H, m))
        x4 = jax.nn.relu(_pt_layer(x3, pos, params['l4'], K, H, m))
        xc = jnp.concatenate([x1, x2, x3, x4], axis=2)
        outs.append(jnp.where(m[None, :, None], xc, -jnp.inf).max(axis=1))
    return jnp.concatenate(outs, axis=0)

def _make_params(key):
    cnt = [0]
    def lin(i, o):
        cnt[0] += 1
        W = jax.random.normal(jax.random.fold_in(key, cnt[0]), (o, i), dtype=jnp.float32) * 0.05
        b = jnp.zeros((o,), jnp.float32)
        return W, b
    def layer(in_c, out_c):
        p = {}
        p['Wq'], p['bq'] = lin(in_c, out_c)
        p['Wk'], p['bk'] = lin(in_c, out_c)
        p['Wv'], p['bv'] = lin(in_c, out_c)
        p['Wp1'], p['bp1'] = lin(3, out_c)
        p['Wp2'], p['bp2'] = lin(out_c, out_c)
        p['Wfc'], p['bfc'] = lin(out_c, out_c)
        if in_c != out_c:
            p['Wsc'], p['bsc'] = lin(in_c, out_c)
        return p
    Wi, bi = lin(3, 16)
    return {'input': {'W': Wi, 'b': bi}, 'l1': layer(16, 16), 'l2': layer(16, 16), 'l3': layer(16, 32), 'l4': layer(32, 64)}

def setup_inputs(seed: int = 0):
    key = jax.random.key(seed)
    x = jax.random.normal(jax.random.fold_in(key, 1), (4, 3, 4096), dtype=jnp.float32)
    params = _make_params(jax.random.fold_in(key, 2))
    return {'x': x, 'params': params}

def reference(x, params):
    valid_masks = jnp.abs(x).sum(axis=1) != 0
    return _forward(x, params, valid_masks)

if __name__ == "__main__":
    import jax
    _d = setup_inputs()
    print(jax.jit(kernel)(*tuple(_d.values())))

</pallas_src>

<mosaic_0001>
#map = affine_map<(d0, d1) -> (0, 0)>
#map1 = affine_map<(d0, d1) -> (0)>
module attributes {stable_mosaic.version = 14 : i64} {
  func.func @gather_kernel(%arg0: i32, %arg1: i32, %arg2: memref<8192x32xf32, #tpu.memory_space<hbm>>, %arg3: memref<131072xi32, #tpu.memory_space<hbm>>, %arg4: memref<131072x128xf32, #tpu.memory_space<hbm>>, %arg5: memref<1024xi32, #tpu.memory_space<vmem>>, %arg6: memref<1024x32xf32, #tpu.memory_space<vmem>>, %arg7: memref<!tpu.dma_semaphore, #tpu.memory_space<semaphore_mem>>) attributes {dimension_semantics = [#tpu.dimension_semantics<core_parallel>, #tpu.dimension_semantics<subcore_parallel>], iteration_bounds = array<i64: 2, 16>, scalar_prefetch = 0 : i64, scratch_operands = 3 : i64, tpu.core_type = #tpu.core_type<sc_vector_subcore>, window_params = [{transform_indices = #map}, {transform_indices = #map1}, {transform_indices = #map}]} {
    %mul3A = arith.constant 2 : i32
    %mul3A_0 = arith.muli %arg1, %mul3A : i32
    %add3A = arith.addi %mul3A_0, %arg0 : i32
    %mul3A_1 = arith.constant 4096 : i32
    %mul3A_2 = arith.muli %add3A, %mul3A_1 : i32
    %scan3A = arith.constant 0 : i32
    %scan3A_3 = arith.constant 0 : i32
    %scan3A_4 = arith.constant 4 : i32
    %scan3A_5 = arith.addi %scan3A_3, %scan3A_4 : i32
    %scan3A_6 = arith.constant 1 : i32
    scf.for %scan3A_8 = %scan3A_3 to %scan3A_5 step %scan3A_6  : i32 {
      %mul3A_9 = arith.constant 1024 : i32
      %mul3A_10 = arith.muli %scan3A_8, %mul3A_9 : i32
      %add3A_11 = arith.addi %mul3A_2, %mul3A_10 : i32
      "tpu.region"() ({
        %run_scoped3A = tpu.sem_alloc : memref<!tpu.dma_semaphore, #tpu.memory_space<semaphore_mem>>
        %dma_start3A_16 = tpu.memref_slice %arg3[%add3A_11] : memref<131072xi32, #tpu.memory_space<hbm>> -> memref<1024xi32, #tpu.memory_space<hbm>>
        %dma_start3A_17 = tpu.memref_slice %arg3[%add3A_11] : memref<131072xi32, #tpu.memory_space<hbm>> -> memref<1024xi32, #tpu.memory_space<hbm>>
        tpu.enqueue_dma source(%dma_start3A_17 : memref<1024xi32, #tpu.memory_space<hbm>>) target(%arg5 : memref<1024xi32, #tpu.memory_space<vmem>>) target_semaphore(%run_scoped3A : memref<!tpu.dma_semaphore, #tpu.memory_space<semaphore_mem>>)
        %dma_wait3A_18 = tpu.memref_slice %arg3[%add3A_11] : memref<131072xi32, #tpu.memory_space<hbm>> -> memref<1024xi32, #tpu.memory_space<hbm>>
        %dma_wait3A_19 = tpu.memref_slice %arg3[%add3A_11] : memref<131072xi32, #tpu.memory_space<hbm>> -> memref<1024xi32, #tpu.memory_space<hbm>>
        tpu.wait_dma2 semaphore(%run_scoped3A : memref<!tpu.dma_semaphore, #tpu.memory_space<semaphore_mem>>) src(%dma_wait3A_19 : memref<1024xi32, #tpu.memory_space<hbm>>) dst(%arg5 : memref<1024xi32, #tpu.memory_space<vmem>>)
        tpu.yield
      }) : () -> ()
      %dma_start3A = arith.constant 0 : i32
      %dma_start3A_12 = arith.constant 0 : i32
      %dma_start3A_13 = tpu.memref_slice %arg2[%dma_start3A, %dma_start3A_12] : memref<8192x32xf32, #tpu.memory_space<hbm>> -> memref<8192x32xf32, #tpu.memory_space<hbm>>
      tpu.enqueue_indirect_dma source(%dma_start3A_13 : memref<8192x32xf32, #tpu.memory_space<hbm>>) target(%arg6 : memref<1024x32xf32, #tpu.memory_space<vmem>>) offsets(%arg5 : memref<1024xi32, #tpu.memory_space<vmem>>) semaphore(%arg7 : memref<!tpu.dma_semaphore, #tpu.memory_space<semaphore_mem>>)
      %dma_wait3A = arith.constant 0 : i32
      %dma_wait3A_14 = arith.constant 0 : i32
      %dma_wait3A_15 = tpu.memref_slice %arg2[%dma_wait3A, %dma_wait3A_14] : memref<8192x32xf32, #tpu.memory_space<hbm>> -> memref<8192x32xf32, #tpu.memory_space<hbm>>
      tpu.wait_indirect_dma semaphore(%arg7 : memref<!tpu.dma_semaphore, #tpu.memory_space<semaphore_mem>>) src(%dma_wait3A_15 : memref<8192x32xf32, #tpu.memory_space<hbm>>) dst(%arg6 : memref<1024x32xf32, #tpu.memory_space<vmem>>)
      "tpu.region"() ({
        %run_scoped3A = tpu.sem_alloc : memref<!tpu.dma_semaphore, #tpu.memory_space<semaphore_mem>>
        %dma_start3A_16 = arith.constant 0 : i32
        %dma_start3A_17 = tpu.memref_slice %arg4[%add3A_11, %dma_start3A_16] : memref<131072x128xf32, #tpu.memory_space<hbm>> -> memref<1024x32xf32, #tpu.memory_space<hbm>>
        %dma_start3A_18 = arith.constant 0 : i32
        %dma_start3A_19 = tpu.memref_slice %arg4[%add3A_11, %dma_start3A_18] : memref<131072x128xf32, #tpu.memory_space<hbm>> -> memref<1024x32xf32, #tpu.memory_space<hbm>>
        tpu.enqueue_dma source(%arg6 : memref<1024x32xf32, #tpu.memory_space<vmem>>) target(%dma_start3A_19 : memref<1024x32xf32, #tpu.memory_space<hbm>>) target_semaphore(%run_scoped3A : memref<!tpu.dma_semaphore, #tpu.memory_space<semaphore_mem>>)
        %dma_wait3A_20 = arith.constant 0 : i32
        %dma_wait3A_21 = tpu.memref_slice %arg4[%add3A_11, %dma_wait3A_20] : memref<131072x128xf32, #tpu.memory_space<hbm>> -> memref<1024x32xf32, #tpu.memory_space<hbm>>
        %dma_wait3A_22 = arith.constant 0 : i32
        %dma_wait3A_23 = tpu.memref_slice %arg4[%add3A_11, %dma_wait3A_22] : memref<131072x128xf32, #tpu.memory_space<hbm>> -> memref<1024x32xf32, #tpu.memory_space<hbm>>
        tpu.wait_dma2 semaphore(%run_scoped3A : memref<!tpu.dma_semaphore, #tpu.memory_space<semaphore_mem>>) src(%arg6 : memref<1024x32xf32, #tpu.memory_space<vmem>>) dst(%dma_wait3A_23 : memref<1024x32xf32, #tpu.memory_space<hbm>>)
        tpu.yield
      }) : () -> ()
    }
    %scan3A_7 = arith.constant 4 : i32
    return
  }
}

#map = affine_map<(d0, d1) -> (0, 0)>
#map1 = affine_map<(d0, d1) -> (0)>
module attributes {stable_mosaic.version = 14 : i64} {
  func.func @gather_kernel(%arg0: i32, %arg1: i32, %arg2: memref<8192x32xf32, #tpu.memory_space<hbm>>, %arg3: memref<131072xi32, #tpu.memory_space<hbm>>, %arg4: memref<131072x128xf32, #tpu.memory_space<hbm>>, %arg5: memref<1024xi32, #tpu.memory_space<vmem>>, %arg6: memref<1024x32xf32, #tpu.memory_space<vmem>>, %arg7: memref<!tpu.dma_semaphore, #tpu.memory_space<semaphore_mem>>) attributes {dimension_semantics = [#tpu.dimension_semantics<core_parallel>, #tpu.dimension_semantics<subcore_parallel>], iteration_bounds = array<i64: 2, 16>, scalar_prefetch = 0 : i64, scratch_operands = 3 : i64, tpu.core_type = #tpu.core_type<sc_vector_subcore>, window_params = [{transform_indices = #map}, {transform_indices = #map1}, {transform_indices = #map}]} {
    %mul3A = arith.constant 2 : i32
    %mul3A_0 = arith.muli %arg1, %mul3A : i32
    %add3A = arith.addi %mul3A_0, %arg0 : i32
    %mul3A_1 = arith.constant 4096 : i32
    %mul3A_2 = arith.muli %add3A, %mul3A_1 : i32
    %scan3A = arith.constant 0 : i32
    %scan3A_3 = arith.constant 0 : i32
    %scan3A_4 = arith.constant 4 : i32
    %scan3A_5 = arith.addi %scan3A_3, %scan3A_4 : i32
    %scan3A_6 = arith.constant 1 : i32
    scf.for %scan3A_8 = %scan3A_3 to %scan3A_5 step %scan3A_6  : i32 {
      %mul3A_9 = arith.constant 1024 : i32
      %mul3A_10 = arith.muli %scan3A_8, %mul3A_9 : i32
      %add3A_11 = arith.addi %mul3A_2, %mul3A_10 : i32
      "tpu.region"() ({
        %run_scoped3A = tpu.sem_alloc : memref<!tpu.dma_semaphore, #tpu.memory_space<semaphore_mem>>
        %dma_start3A_16 = tpu.memref_slice %arg3[%add3A_11] : memref<131072xi32, #tpu.memory_space<hbm>> -> memref<1024xi32, #tpu.memory_space<hbm>>
        %dma_start3A_17 = tpu.memref_slice %arg3[%add3A_11] : memref<131072xi32, #tpu.memory_space<hbm>> -> memref<1024xi32, #tpu.memory_space<hbm>>
        tpu.enqueue_dma source(%dma_start3A_17 : memref<1024xi32, #tpu.memory_space<hbm>>) target(%arg5 : memref<1024xi32, #tpu.memory_space<vmem>>) target_semaphore(%run_scoped3A : memref<!tpu.dma_semaphore, #tpu.memory_space<semaphore_mem>>)
        %dma_wait3A_18 = tpu.memref_slice %arg3[%add3A_11] : memref<131072xi32, #tpu.memory_space<hbm>> -> memref<1024xi32, #tpu.memory_space<hbm>>
        %dma_wait3A_19 = tpu.memref_slice %arg3[%add3A_11] : memref<131072xi32, #tpu.memory_space<hbm>> -> memref<1024xi32, #tpu.memory_space<hbm>>
        tpu.wait_dma2 semaphore(%run_scoped3A : memref<!tpu.dma_semaphore, #tpu.memory_space<semaphore_mem>>) src(%dma_wait3A_19 : memref<1024xi32, #tpu.memory_space<hbm>>) dst(%arg5 : memref<1024xi32, #tpu.memory_space<vmem>>)
        tpu.yield
      }) : () -> ()
      %dma_start3A = arith.constant 0 : i32
      %dma_start3A_12 = arith.constant 0 : i32
      %dma_start3A_13 = tpu.memref_slice %arg2[%dma_start3A, %dma_start3A_12] : memref<8192x32xf32, #tpu.memory_space<hbm>> -> memref<8192x32xf32, #tpu.memory_space<hbm>>
      tpu.enqueue_indirect_dma source(%dma_start3A_13 : memref<8192x32xf32, #tpu.memory_space<hbm>>) target(%arg6 : memref<1024x32xf32, #tpu.memory_space<vmem>>) offsets(%arg5 : memref<1024xi32, #tpu.memory_space<vmem>>) semaphore(%arg7 : memref<!tpu.dma_semaphore, #tpu.memory_space<semaphore_mem>>)
      %dma_wait3A = arith.constant 0 : i32
      %dma_wait3A_14 = arith.constant 0 : i32
      %dma_wait3A_15 = tpu.memref_slice %arg2[%dma_wait3A, %dma_wait3A_14] : memref<8192x32xf32, #tpu.memory_space<hbm>> -> memref<8192x32xf32, #tpu.memory_space<hbm>>
      tpu.wait_indirect_dma semaphore(%arg7 : memref<!tpu.dma_semaphore, #tpu.memory_space<semaphore_mem>>) src(%dma_wait3A_15 : memref<8192x32xf32, #tpu.memory_space<hbm>>) dst(%arg6 : memref<1024x32xf32, #tpu.memory_space<vmem>>)
      "tpu.region"() ({
        %run_scoped3A = tpu.sem_alloc : memref<!tpu.dma_semaphore, #tpu.memory_space<semaphore_mem>>
        %dma_start3A_16 = arith.constant 0 : i32
        %dma_start3A_17 = tpu.memref_slice %arg4[%add3A_11, %dma_start3A_16] : memref<131072x128xf32, #tpu.memory_space<hbm>> -> memref<1024x32xf32, #tpu.memory_space<hbm>>
        %dma_start3A_18 = arith.constant 0 : i32
        %dma_start3A_19 = tpu.memref_slice %arg4[%add3A_11, %dma_start3A_18] : memref<131072x128xf32, #tpu.memory_space<hbm>> -> memref<1024x32xf32, #tpu.memory_space<hbm>>
        tpu.enqueue_dma source(%arg6 : memref<1024x32xf32, #tpu.memory_space<vmem>>) target(%dma_start3A_19 : memref<1024x32xf32, #tpu.memory_space<hbm>>) target_semaphore(%run_scoped3A : memref<!tpu.dma_semaphore, #tpu.memory_space<semaphore_mem>>)
        %dma_wait3A_20 = arith.constant 0 : i32
        %dma_wait3A_21 = tpu.memref_slice %arg4[%add3A_11, %dma_wait3A_20] : memref<131072x128xf32, #tpu.memory_space<hbm>> -> memref<1024x32xf32, #tpu.memory_space<hbm>>
        %dma_wait3A_22 = arith.constant 0 : i32
        %dma_wait3A_23 = tpu.memref_slice %arg4[%add3A_11, %dma_wait3A_22] : memref<131072x128xf32, #tpu.memory_space<hbm>> -> memref<1024x32xf32, #tpu.memory_space<hbm>>
        tpu.wait_dma2 semaphore(%run_scoped3A : memref<!tpu.dma_semaphore, #tpu.memory_space<semaphore_mem>>) src(%arg6 : memref<1024x32xf32, #tpu.memory_space<vmem>>) dst(%dma_wait3A_23 : memref<1024x32xf32, #tpu.memory_space<hbm>>)
        tpu.yield
      }) : () -> ()
    }
    %scan3A_7 = arith.constant 4 : i32
    return
  }
}

#map = affine_map<(d0, d1) -> (0, 0)>
#map1 = affine_map<(d0, d1) -> (0)>
module attributes {stable_mosaic.version = 14 : i64} {
  func.func @gather_kernel(%arg0: i32, %arg1: i32, %arg2: memref<8192x32xf32, #tpu.memory_space<hbm>>, %arg3: memref<131072xi32, #tpu.memory_space<hbm>>, %arg4: memref<131072x128xf32, #tpu.memory_space<hbm>>, %arg5: memref<1024xi32, #tpu.memory_space<vmem>>, %arg6: memref<1024x32xf32, #tpu.memory_space<vmem>>, %arg7: memref<!tpu.dma_semaphore, #tpu.memory_space<semaphore_mem>>) attributes {dimension_semantics = [#tpu.dimension_semantics<core_parallel>, #tpu.dimension_semantics<subcore_parallel>], iteration_bounds = array<i64: 2, 16>, scalar_prefetch = 0 : i64, scratch_operands = 3 : i64, tpu.core_type = #tpu.core_type<sc_vector_subcore>, window_params = [{transform_indices = #map}, {transform_indices = #map1}, {transform_indices = #map}]} {
    %mul3A = arith.constant 2 : i32
    %mul3A_0 = arith.muli %arg1, %mul3A : i32
    %add3A = arith.addi %mul3A_0, %arg0 : i32
    %mul3A_1 = arith.constant 4096 : i32
    %mul3A_2 = arith.muli %add3A, %mul3A_1 : i32
    %scan3A = arith.constant 0 : i32
    %scan3A_3 = arith.constant 0 : i32
    %scan3A_4 = arith.constant 4 : i32
    %scan3A_5 = arith.addi %scan3A_3, %scan3A_4 : i32
    %scan3A_6 = arith.constant 1 : i32
    scf.for %scan3A_8 = %scan3A_3 to %scan3A_5 step %scan3A_6  : i32 {
      %mul3A_9 = arith.constant 1024 : i32
      %mul3A_10 = arith.muli %scan3A_8, %mul3A_9 : i32
      %add3A_11 = arith.addi %mul3A_2, %mul3A_10 : i32
      "tpu.region"() ({
        %run_scoped3A = tpu.sem_alloc : memref<!tpu.dma_semaphore, #tpu.memory_space<semaphore_mem>>
        %dma_start3A_16 = tpu.memref_slice %arg3[%add3A_11] : memref<131072xi32, #tpu.memory_space<hbm>> -> memref<1024xi32, #tpu.memory_space<hbm>>
        %dma_start3A_17 = tpu.memref_slice %arg3[%add3A_11] : memref<131072xi32, #tpu.memory_space<hbm>> -> memref<1024xi32, #tpu.memory_space<hbm>>
        tpu.enqueue_dma source(%dma_start3A_17 : memref<1024xi32, #tpu.memory_space<hbm>>) target(%arg5 : memref<1024xi32, #tpu.memory_space<vmem>>) target_semaphore(%run_scoped3A : memref<!tpu.dma_semaphore, #tpu.memory_space<semaphore_mem>>)
        %dma_wait3A_18 = tpu.memref_slice %arg3[%add3A_11] : memref<131072xi32, #tpu.memory_space<hbm>> -> memref<1024xi32, #tpu.memory_space<hbm>>
        %dma_wait3A_19 = tpu.memref_slice %arg3[%add3A_11] : memref<131072xi32, #tpu.memory_space<hbm>> -> memref<1024xi32, #tpu.memory_space<hbm>>
        tpu.wait_dma2 semaphore(%run_scoped3A : memref<!tpu.dma_semaphore, #tpu.memory_space<semaphore_mem>>) src(%dma_wait3A_19 : memref<1024xi32, #tpu.memory_space<hbm>>) dst(%arg5 : memref<1024xi32, #tpu.memory_space<vmem>>)
        tpu.yield
      }) : () -> ()
      %dma_start3A = arith.constant 0 : i32
      %dma_start3A_12 = arith.constant 0 : i32
      %dma_start3A_13 = tpu.memref_slice %arg2[%dma_start3A, %dma_start3A_12] : memref<8192x32xf32, #tpu.memory_space<hbm>> -> memref<8192x32xf32, #tpu.memory_space<hbm>>
      tpu.enqueue_indirect_dma source(%dma_start3A_13 : memref<8192x32xf32, #tpu.memory_space<hbm>>) target(%arg6 : memref<1024x32xf32, #tpu.memory_space<vmem>>) offsets(%arg5 : memref<1024xi32, #tpu.memory_space<vmem>>) semaphore(%arg7 : memref<!tpu.dma_semaphore, #tpu.memory_space<semaphore_mem>>)
      %dma_wait3A = arith.constant 0 : i32
      %dma_wait3A_14 = arith.constant 0 : i32
      %dma_wait3A_15 = tpu.memref_slice %arg2[%dma_wait3A, %dma_wait3A_14] : memref<8192x32xf32, #tpu.memory_space<hbm>> -> memref<8192x32xf32, #tpu.memory_space<hbm>>
      tpu.wait_indirect_dma semaphore(%arg7 : memref<!tpu.dma_semaphore, #tpu.memory_space<semaphore_mem>>) src(%dma_wait3A_15 : memref<8192x32xf32, #tpu.memory_space<hbm>>) dst(%arg6 : memref<1024x32xf32, #tpu.memory_space<vmem>>)
      "tpu.region"() ({
        %run_scoped3A = tpu.sem_alloc : memref<!tpu.dma_semaphore, #tpu.memory_space<semaphore_mem>>
        %dma_start3A_16 = arith.constant 0 : i32
        %dma_start3A_17 = tpu.memref_slice %arg4[%add3A_11, %dma_start3A_16] : memref<131072x128xf32, #tpu.memory_space<hbm>> -> memref<1024x32xf32, #tpu.memory_space<hbm>>
        %dma_start3A_18 = arith.constant 0 : i32
        %dma_start3A_19 = tpu.memref_slice %arg4[%add3A_11, %dma_start3A_18] : memref<131072x128xf32, #tpu.memory_space<hbm>> -> memref<1024x32xf32, #tpu.memory_space<hbm>>
        tpu.enqueue_dma source(%arg6 : memref<1024x32xf32, #tpu.memory_space<vmem>>) target(%dma_start3A_19 : memref<1024x32xf32, #tpu.memory_space<hbm>>) target_semaphore(%run_scoped3A : memref<!tpu.dma_semaphore, #tpu.memory_space<semaphore_mem>>)
        %dma_wait3A_20 = arith.constant 0 : i32
        %dma_wait3A_21 = tpu.memref_slice %arg4[%add3A_11, %dma_wait3A_20] : memref<131072x128xf32, #tpu.memory_space<hbm>> -> memref<1024x32xf32, #tpu.memory_space<hbm>>
        %dma_wait3A_22 = arith.constant 0 : i32
        %dma_wait3A_23 = tpu.memref_slice %arg4[%add3A_11, %dma_wait3A_22] : memref<131072x128xf32, #tpu.memory_space<hbm>> -> memref<1024x32xf32, #tpu.memory_space<hbm>>
        tpu.wait_dma2 semaphore(%run_scoped3A : memref<!tpu.dma_semaphore, #tpu.memory_space<semaphore_mem>>) src(%arg6 : memref<1024x32xf32, #tpu.memory_space<vmem>>) dst(%dma_wait3A_23 : memref<1024x32xf32, #tpu.memory_space<hbm>>)
        tpu.yield
      }) : () -> ()
    }
    %scan3A_7 = arith.constant 4 : i32
    return
  }
}

#map = affine_map<(d0, d1) -> (0, 0)>
#map1 = affine_map<(d0, d1) -> (0)>
module attributes {stable_mosaic.version = 14 : i64} {
  func.func @gather_kernel(%arg0: i32, %arg1: i32, %arg2: memref<8192x32xf32, #tpu.memory_space<hbm>>, %arg3: memref<131072xi32, #tpu.memory_space<hbm>>, %arg4: memref<131072x128xf32, #tpu.memory_space<hbm>>, %arg5: memref<1024xi32, #tpu.memory_space<vmem>>, %arg6: memref<1024x32xf32, #tpu.memory_space<vmem>>, %arg7: memref<!tpu.dma_semaphore, #tpu.memory_space<semaphore_mem>>) attributes {dimension_semantics = [#tpu.dimension_semantics<core_parallel>, #tpu.dimension_semantics<subcore_parallel>], iteration_bounds = array<i64: 2, 16>, scalar_prefetch = 0 : i64, scratch_operands = 3 : i64, tpu.core_type = #tpu.core_type<sc_vector_subcore>, window_params = [{transform_indices = #map}, {transform_indices = #map1}, {transform_indices = #map}]} {
    %mul3A = arith.constant 2 : i32
    %mul3A_0 = arith.muli %arg1, %mul3A : i32
    %add3A = arith.addi %mul3A_0, %arg0 : i32
    %mul3A_1 = arith.constant 4096 : i32
    %mul3A_2 = arith.muli %add3A, %mul3A_1 : i32
    %scan3A = arith.constant 0 : i32
    %scan3A_3 = arith.constant 0 : i32
    %scan3A_4 = arith.constant 4 : i32
    %scan3A_5 = arith.addi %scan3A_3, %scan3A_4 : i32
    %scan3A_6 = arith.constant 1 : i32
    scf.for %scan3A_8 = %scan3A_3 to %scan3A_5 step %scan3A_6  : i32 {
      %mul3A_9 = arith.constant 1024 : i32
      %mul3A_10 = arith.muli %scan3A_8, %mul3A_9 : i32
      %add3A_11 = arith.addi %mul3A_2, %mul3A_10 : i32
      "tpu.region"() ({
        %run_scoped3A = tpu.sem_alloc : memref<!tpu.dma_semaphore, #tpu.memory_space<semaphore_mem>>
        %dma_start3A_16 = tpu.memref_slice %arg3[%add3A_11] : memref<131072xi32, #tpu.memory_space<hbm>> -> memref<1024xi32, #tpu.memory_space<hbm>>
        %dma_start3A_17 = tpu.memref_slice %arg3[%add3A_11] : memref<131072xi32, #tpu.memory_space<hbm>> -> memref<1024xi32, #tpu.memory_space<hbm>>
        tpu.enqueue_dma source(%dma_start3A_17 : memref<1024xi32, #tpu.memory_space<hbm>>) target(%arg5 : memref<1024xi32, #tpu.memory_space<vmem>>) target_semaphore(%run_scoped3A : memref<!tpu.dma_semaphore, #tpu.memory_space<semaphore_mem>>)
        %dma_wait3A_18 = tpu.memref_slice %arg3[%add3A_11] : memref<131072xi32, #tpu.memory_space<hbm>> -> memref<1024xi32, #tpu.memory_space<hbm>>
        %dma_wait3A_19 = tpu.memref_slice %arg3[%add3A_11] : memref<131072xi32, #tpu.memory_space<hbm>> -> memref<1024xi32, #tpu.memory_space<hbm>>
        tpu.wait_dma2 semaphore(%run_scoped3A : memref<!tpu.dma_semaphore, #tpu.memory_space<semaphore_mem>>) src(%dma_wait3A_19 : memref<1024xi32, #tpu.memory_space<hbm>>) dst(%arg5 : memref<1024xi32, #tpu.memory_space<vmem>>)
        tpu.yield
      }) : () -> ()
      %dma_start3A = arith.constant 0 : i32
      %dma_start3A_12 = arith.constant 0 : i32
      %dma_start3A_13 = tpu.memref_slice %arg2[%dma_start3A, %dma_start3A_12] : memref<8192x32xf32, #tpu.memory_space<hbm>> -> memref<8192x32xf32, #tpu.memory_space<hbm>>
      tpu.enqueue_indirect_dma source(%dma_start3A_13 : memref<8192x32xf32, #tpu.memory_space<hbm>>) target(%arg6 : memref<1024x32xf32, #tpu.memory_space<vmem>>) offsets(%arg5 : memref<1024xi32, #tpu.memory_space<vmem>>) semaphore(%arg7 : memref<!tpu.dma_semaphore, #tpu.memory_space<semaphore_mem>>)
      %dma_wait3A = arith.constant 0 : i32
      %dma_wait3A_14 = arith.constant 0 : i32
      %dma_wait3A_15 = tpu.memref_slice %arg2[%dma_wait3A, %dma_wait3A_14] : memref<8192x32xf32, #tpu.memory_space<hbm>> -> memref<8192x32xf32, #tpu.memory_space<hbm>>
      tpu.wait_indirect_dma semaphore(%arg7 : memref<!tpu.dma_semaphore, #tpu.memory_space<semaphore_mem>>) src(%dma_wait3A_15 : memref<8192x32xf32, #tpu.memory_space<hbm>>) dst(%arg6 : memref<1024x32xf32, #tpu.memory_space<vmem>>)
      "tpu.region"() ({
        %run_scoped3A = tpu.sem_alloc : memref<!tpu.dma_semaphore, #tpu.memory_space<semaphore_mem>>
        %dma_start3A_16 = arith.constant 0 : i32
        %dma_start3A_17 = tpu.memref_slice %arg4[%add3A_11, %dma_start3A_16] : memref<131072x128xf32, #tpu.memory_space<hbm>> -> memref<1024x32xf32, #tpu.memory_space<hbm>>
        %dma_start3A_18 = arith.constant 0 : i32
        %dma_start3A_19 = tpu.memref_slice %arg4[%add3A_11, %dma_start3A_18] : memref<131072x128xf32, #tpu.memory_space<hbm>> -> memref<1024x32xf32, #tpu.memory_space<hbm>>
        tpu.enqueue_dma source(%arg6 : memref<1024x32xf32, #tpu.memory_space<vmem>>) target(%dma_start3A_19 : memref<1024x32xf32, #tpu.memory_space<hbm>>) target_semaphore(%run_scoped3A : memref<!tpu.dma_semaphore, #tpu.memory_space<semaphore_mem>>)
        %dma_wait3A_20 = arith.constant 0 : i32
        %dma_wait3A_21 = tpu.memref_slice %arg4[%add3A_11, %dma_wait3A_20] : memref<131072x128xf32, #tpu.memory_space<hbm>> -> memref<1024x32xf32, #tpu.memory_space<hbm>>
        %dma_wait3A_22 = arith.constant 0 : i32
        %dma_wait3A_23 = tpu.memref_slice %arg4[%add3A_11, %dma_wait3A_22] : memref<131072x128xf32, #tpu.memory_space<hbm>> -> memref<1024x32xf32, #tpu.memory_space<hbm>>
        tpu.wait_dma2 semaphore(%run_scoped3A : memref<!tpu.dma_semaphore, #tpu.memory_space<semaphore_mem>>) src(%arg6 : memref<1024x32xf32, #tpu.memory_space<vmem>>) dst(%dma_wait3A_23 : memref<1024x32xf32, #tpu.memory_space<hbm>>)
        tpu.yield
      }) : () -> ()
    }
    %scan3A_7 = arith.constant 4 : i32
    return
  }
}

#map = affine_map<(d0, d1) -> (0, 0)>
#map1 = affine_map<(d0, d1) -> (0)>
module attributes {stable_mosaic.version = 14 : i64} {
  func.func @gather_kernel(%arg0: i32, %arg1: i32, %arg2: memref<8192x48xf32, #tpu.memory_space<hbm>>, %arg3: memref<131072xi32, #tpu.memory_space<hbm>>, %arg4: memref<131072x128xf32, #tpu.memory_space<hbm>>, %arg5: memref<1024xi32, #tpu.memory_space<vmem>>, %arg6: memref<1024x48xf32, #tpu.memory_space<vmem>>, %arg7: memref<!tpu.dma_semaphore, #tpu.memory_space<semaphore_mem>>) attributes {dimension_semantics = [#tpu.dimension_semantics<core_parallel>, #tpu.dimension_semantics<subcore_parallel>], iteration_bounds = array<i64: 2, 16>, scalar_prefetch = 0 : i64, scratch_operands = 3 : i64, tpu.core_type = #tpu.core_type<sc_vector_subcore>, window_params = [{transform_indices = #map}, {transform_indices = #map1}, {transform_indices = #map}]} {
    %mul3A = arith.constant 2 : i32
    %mul3A_0 = arith.muli %arg1, %mul3A : i32
    %add3A = arith.addi %mul3A_0, %arg0 : i32
    %mul3A_1 = arith.constant 4096 : i32
    %mul3A_2 = arith.muli %add3A, %mul3A_1 : i32
    %scan3A = arith.constant 0 : i32
    %scan3A_3 = arith.constant 0 : i32
    %scan3A_4 = arith.constant 4 : i32
    %scan3A_5 = arith.addi %scan3A_3, %scan3A_4 : i32
    %scan3A_6 = arith.constant 1 : i32
    scf.for %scan3A_8 = %scan3A_3 to %scan3A_5 step %scan3A_6  : i32 {
      %mul3A_9 = arith.constant 1024 : i32
      %mul3A_10 = arith.muli %scan3A_8, %mul3A_9 : i32
      %add3A_11 = arith.addi %mul3A_2, %mul3A_10 : i32
      "tpu.region"() ({
        %run_scoped3A = tpu.sem_alloc : memref<!tpu.dma_semaphore, #tpu.memory_space<semaphore_mem>>
        %dma_start3A_16 = tpu.memref_slice %arg3[%add3A_11] : memref<131072xi32, #tpu.memory_space<hbm>> -> memref<1024xi32, #tpu.memory_space<hbm>>
        %dma_start3A_17 = tpu.memref_slice %arg3[%add3A_11] : memref<131072xi32, #tpu.memory_space<hbm>> -> memref<1024xi32, #tpu.memory_space<hbm>>
        tpu.enqueue_dma source(%dma_start3A_17 : memref<1024xi32, #tpu.memory_space<hbm>>) target(%arg5 : memref<1024xi32, #tpu.memory_space<vmem>>) target_semaphore(%run_scoped3A : memref<!tpu.dma_semaphore, #tpu.memory_space<semaphore_mem>>)
        %dma_wait3A_18 = tpu.memref_slice %arg3[%add3A_11] : memref<131072xi32, #tpu.memory_space<hbm>> -> memref<1024xi32, #tpu.memory_space<hbm>>
        %dma_wait3A_19 = tpu.memref_slice %arg3[%add3A_11] : memref<131072xi32, #tpu.memory_space<hbm>> -> memref<1024xi32, #tpu.memory_space<hbm>>
        tpu.wait_dma2 semaphore(%run_scoped3A : memref<!tpu.dma_semaphore, #tpu.memory_space<semaphore_mem>>) src(%dma_wait3A_19 : memref<1024xi32, #tpu.memory_space<hbm>>) dst(%arg5 : memref<1024xi32, #tpu.memory_space<vmem>>)
        tpu.yield
      }) : () -> ()
      %dma_start3A = arith.constant 0 : i32
      %dma_start3A_12 = arith.constant 0 : i32
      %dma_start3A_13 = tpu.memref_slice %arg2[%dma_start3A, %dma_start3A_12] : memref<8192x48xf32, #tpu.memory_space<hbm>> -> memref<8192x48xf32, #tpu.memory_space<hbm>>
      tpu.enqueue_indirect_dma source(%dma_start3A_13 : memref<8192x48xf32, #tpu.memory_space<hbm>>) target(%arg6 : memref<1024x48xf32, #tpu.memory_space<vmem>>) offsets(%arg5 : memref<1024xi32, #tpu.memory_space<vmem>>) semaphore(%arg7 : memref<!tpu.dma_semaphore, #tpu.memory_space<semaphore_mem>>)
      %dma_wait3A = arith.constant 0 : i32
      %dma_wait3A_14 = arith.constant 0 : i32
      %dma_wait3A_15 = tpu.memref_slice %arg2[%dma_wait3A, %dma_wait3A_14] : memref<8192x48xf32, #tpu.memory_space<hbm>> -> memref<8192x48xf32, #tpu.memory_space<hbm>>
      tpu.wait_indirect_dma semaphore(%arg7 : memref<!tpu.dma_semaphore, #tpu.memory_space<semaphore_mem>>) src(%dma_wait3A_15 : memref<8192x48xf32, #tpu.memory_space<hbm>>) dst(%arg6 : memref<1024x48xf32, #tpu.memory_space<vmem>>)
      "tpu.region"() ({
        %run_scoped3A = tpu.sem_alloc : memref<!tpu.dma_semaphore, #tpu.memory_space<semaphore_mem>>
        %dma_start3A_16 = arith.constant 0 : i32
        %dma_start3A_17 = tpu.memref_slice %arg4[%add3A_11, %dma_start3A_16] : memref<131072x128xf32, #tpu.memory_space<hbm>> -> memref<1024x48xf32, #tpu.memory_space<hbm>>
        %dma_start3A_18 = arith.constant 0 : i32
        %dma_start3A_19 = tpu.memref_slice %arg4[%add3A_11, %dma_start3A_18] : memref<131072x128xf32, #tpu.memory_space<hbm>> -> memref<1024x48xf32, #tpu.memory_space<hbm>>
        tpu.enqueue_dma source(%arg6 : memref<1024x48xf32, #tpu.memory_space<vmem>>) target(%dma_start3A_19 : memref<1024x48xf32, #tpu.memory_space<hbm>>) target_semaphore(%run_scoped3A : memref<!tpu.dma_semaphore, #tpu.memory_space<semaphore_mem>>)
        %dma_wait3A_20 = arith.constant 0 : i32
        %dma_wait3A_21 = tpu.memref_slice %arg4[%add3A_11, %dma_wait3A_20] : memref<131072x128xf32, #tpu.memory_space<hbm>> -> memref<1024x48xf32, #tpu.memory_space<hbm>>
        %dma_wait3A_22 = arith.constant 0 : i32
        %dma_wait3A_23 = tpu.memref_slice %arg4[%add3A_11, %dma_wait3A_22] : memref<131072x128xf32, #tpu.memory_space<hbm>> -> memref<1024x48xf32, #tpu.memory_space<hbm>>
        tpu.wait_dma2 semaphore(%run_scoped3A : memref<!tpu.dma_semaphore, #tpu.memory_space<semaphore_mem>>) src(%arg6 : memref<1024x48xf32, #tpu.memory_space<vmem>>) dst(%dma_wait3A_23 : memref<1024x48xf32, #tpu.memory_space<hbm>>)
        tpu.yield
      }) : () -> ()
    }
    %scan3A_7 = arith.constant 4 : i32
    return
  }
}

#map = affine_map<(d0, d1) -> (0, 0)>
#map1 = affine_map<(d0, d1) -> (0)>
module attributes {stable_mosaic.version = 14 : i64} {
  func.func @gather_kernel(%arg0: i32, %arg1: i32, %arg2: memref<8192x48xf32, #tpu.memory_space<hbm>>, %arg3: memref<131072xi32, #tpu.memory_space<hbm>>, %arg4: memref<131072x128xf32, #tpu.memory_space<hbm>>, %arg5: memref<1024xi32, #tpu.memory_space<vmem>>, %arg6: memref<1024x48xf32, #tpu.memory_space<vmem>>, %arg7: memref<!tpu.dma_semaphore, #tpu.memory_space<semaphore_mem>>) attributes {dimension_semantics = [#tpu.dimension_semantics<core_parallel>, #tpu.dimension_semantics<subcore_parallel>], iteration_bounds = array<i64: 2, 16>, scalar_prefetch = 0 : i64, scratch_operands = 3 : i64, tpu.core_type = #tpu.core_type<sc_vector_subcore>, window_params = [{transform_indices = #map}, {transform_indices = #map1}, {transform_indices = #map}]} {
    %mul3A = arith.constant 2 : i32
    %mul3A_0 = arith.muli %arg1, %mul3A : i32
    %add3A = arith.addi %mul3A_0, %arg0 : i32
    %mul3A_1 = arith.constant 4096 : i32
    %mul3A_2 = arith.muli %add3A, %mul3A_1 : i32
    %scan3A = arith.constant 0 : i32
    %scan3A_3 = arith.constant 0 : i32
    %scan3A_4 = arith.constant 4 : i32
    %scan3A_5 = arith.addi %scan3A_3, %scan3A_4 : i32
    %scan3A_6 = arith.constant 1 : i32
    scf.for %scan3A_8 = %scan3A_3 to %scan3A_5 step %scan3A_6  : i32 {
      %mul3A_9 = arith.constant 1024 : i32
      %mul3A_10 = arith.muli %scan3A_8, %mul3A_9 : i32
      %add3A_11 = arith.addi %mul3A_2, %mul3A_10 : i32
      "tpu.region"() ({
        %run_scoped3A = tpu.sem_alloc : memref<!tpu.dma_semaphore, #tpu.memory_space<semaphore_mem>>
        %dma_start3A_16 = tpu.memref_slice %arg3[%add3A_11] : memref<131072xi32, #tpu.memory_space<hbm>> -> memref<1024xi32, #tpu.memory_space<hbm>>
        %dma_start3A_17 = tpu.memref_slice %arg3[%add3A_11] : memref<131072xi32, #tpu.memory_space<hbm>> -> memref<1024xi32, #tpu.memory_space<hbm>>
        tpu.enqueue_dma source(%dma_start3A_17 : memref<1024xi32, #tpu.memory_space<hbm>>) target(%arg5 : memref<1024xi32, #tpu.memory_space<vmem>>) target_semaphore(%run_scoped3A : memref<!tpu.dma_semaphore, #tpu.memory_space<semaphore_mem>>)
        %dma_wait3A_18 = tpu.memref_slice %arg3[%add3A_11] : memref<131072xi32, #tpu.memory_space<hbm>> -> memref<1024xi32, #tpu.memory_space<hbm>>
        %dma_wait3A_19 = tpu.memref_slice %arg3[%add3A_11] : memref<131072xi32, #tpu.memory_space<hbm>> -> memref<1024xi32, #tpu.memory_space<hbm>>
        tpu.wait_dma2 semaphore(%run_scoped3A : memref<!tpu.dma_semaphore, #tpu.memory_space<semaphore_mem>>) src(%dma_wait3A_19 : memref<1024xi32, #tpu.memory_space<hbm>>) dst(%arg5 : memref<1024xi32, #tpu.memory_space<vmem>>)
        tpu.yield
      }) : () -> ()
      %dma_start3A = arith.constant 0 : i32
      %dma_start3A_12 = arith.constant 0 : i32
      %dma_start3A_13 = tpu.memref_slice %arg2[%dma_start3A, %dma_start3A_12] : memref<8192x48xf32, #tpu.memory_space<hbm>> -> memref<8192x48xf32, #tpu.memory_space<hbm>>
      tpu.enqueue_indirect_dma source(%dma_start3A_13 : memref<8192x48xf32, #tpu.memory_space<hbm>>) target(%arg6 : memref<1024x48xf32, #tpu.memory_space<vmem>>) offsets(%arg5 : memref<1024xi32, #tpu.memory_space<vmem>>) semaphore(%arg7 : memref<!tpu.dma_semaphore, #tpu.memory_space<semaphore_mem>>)
      %dma_wait3A = arith.constant 0 : i32
      %dma_wait3A_14 = arith.constant 0 : i32
      %dma_wait3A_15 = tpu.memref_slice %arg2[%dma_wait3A, %dma_wait3A_14] : memref<8192x48xf32, #tpu.memory_space<hbm>> -> memref<8192x48xf32, #tpu.memory_space<hbm>>
      tpu.wait_indirect_dma semaphore(%arg7 : memref<!tpu.dma_semaphore, #tpu.memory_space<semaphore_mem>>) src(%dma_wait3A_15 : memref<8192x48xf32, #tpu.memory_space<hbm>>) dst(%arg6 : memref<1024x48xf32, #tpu.memory_space<vmem>>)
      "tpu.region"() ({
        %run_scoped3A = tpu.sem_alloc : memref<!tpu.dma_semaphore, #tpu.memory_space<semaphore_mem>>
        %dma_start3A_16 = arith.constant 0 : i32
        %dma_start3A_17 = tpu.memref_slice %arg4[%add3A_11, %dma_start3A_16] : memref<131072x128xf32, #tpu.memory_space<hbm>> -> memref<1024x48xf32, #tpu.memory_space<hbm>>
        %dma_start3A_18 = arith.constant 0 : i32
        %dma_start3A_19 = tpu.memref_slice %arg4[%add3A_11, %dma_start3A_18] : memref<131072x128xf32, #tpu.memory_space<hbm>> -> memref<1024x48xf32, #tpu.memory_space<hbm>>
        tpu.enqueue_dma source(%arg6 : memref<1024x48xf32, #tpu.memory_space<vmem>>) target(%dma_start3A_19 : memref<1024x48xf32, #tpu.memory_space<hbm>>) target_semaphore(%run_scoped3A : memref<!tpu.dma_semaphore, #tpu.memory_space<semaphore_mem>>)
        %dma_wait3A_20 = arith.constant 0 : i32
        %dma_wait3A_21 = tpu.memref_slice %arg4[%add3A_11, %dma_wait3A_20] : memref<131072x128xf32, #tpu.memory_space<hbm>> -> memref<1024x48xf32, #tpu.memory_space<hbm>>
        %dma_wait3A_22 = arith.constant 0 : i32
        %dma_wait3A_23 = tpu.memref_slice %arg4[%add3A_11, %dma_wait3A_22] : memref<131072x128xf32, #tpu.memory_space<hbm>> -> memref<1024x48xf32, #tpu.memory_space<hbm>>
        tpu.wait_dma2 semaphore(%run_scoped3A : memref<!tpu.dma_semaphore, #tpu.memory_space<semaphore_mem>>) src(%arg6 : memref<1024x48xf32, #tpu.memory_space<vmem>>) dst(%dma_wait3A_23 : memref<1024x48xf32, #tpu.memory_space<hbm>>)
        tpu.yield
      }) : () -> ()
    }
    %scan3A_7 = arith.constant 4 : i32
    return
  }
}

#map = affine_map<(d0, d1) -> (0, 0)>
#map1 = affine_map<(d0, d1) -> (0)>
module attributes {stable_mosaic.version = 14 : i64} {
  func.func @gather_kernel(%arg0: i32, %arg1: i32, %arg2: memref<8192x80xf32, #tpu.memory_space<hbm>>, %arg3: memref<131072xi32, #tpu.memory_space<hbm>>, %arg4: memref<131072x128xf32, #tpu.memory_space<hbm>>, %arg5: memref<1024xi32, #tpu.memory_space<vmem>>, %arg6: memref<1024x80xf32, #tpu.memory_space<vmem>>, %arg7: memref<!tpu.dma_semaphore, #tpu.memory_space<semaphore_mem>>) attributes {dimension_semantics = [#tpu.dimension_semantics<core_parallel>, #tpu.dimension_semantics<subcore_parallel>], iteration_bounds = array<i64: 2, 16>, scalar_prefetch = 0 : i64, scratch_operands = 3 : i64, tpu.core_type = #tpu.core_type<sc_vector_subcore>, window_params = [{transform_indices = #map}, {transform_indices = #map1}, {transform_indices = #map}]} {
    %mul3A = arith.constant 2 : i32
    %mul3A_0 = arith.muli %arg1, %mul3A : i32
    %add3A = arith.addi %mul3A_0, %arg0 : i32
    %mul3A_1 = arith.constant 4096 : i32
    %mul3A_2 = arith.muli %add3A, %mul3A_1 : i32
    %scan3A = arith.constant 0 : i32
    %scan3A_3 = arith.constant 0 : i32
    %scan3A_4 = arith.constant 4 : i32
    %scan3A_5 = arith.addi %scan3A_3, %scan3A_4 : i32
    %scan3A_6 = arith.constant 1 : i32
    scf.for %scan3A_8 = %scan3A_3 to %scan3A_5 step %scan3A_6  : i32 {
      %mul3A_9 = arith.constant 1024 : i32
      %mul3A_10 = arith.muli %scan3A_8, %mul3A_9 : i32
      %add3A_11 = arith.addi %mul3A_2, %mul3A_10 : i32
      "tpu.region"() ({
        %run_scoped3A = tpu.sem_alloc : memref<!tpu.dma_semaphore, #tpu.memory_space<semaphore_mem>>
        %dma_start3A_16 = tpu.memref_slice %arg3[%add3A_11] : memref<131072xi32, #tpu.memory_space<hbm>> -> memref<1024xi32, #tpu.memory_space<hbm>>
        %dma_start3A_17 = tpu.memref_slice %arg3[%add3A_11] : memref<131072xi32, #tpu.memory_space<hbm>> -> memref<1024xi32, #tpu.memory_space<hbm>>
        tpu.enqueue_dma source(%dma_start3A_17 : memref<1024xi32, #tpu.memory_space<hbm>>) target(%arg5 : memref<1024xi32, #tpu.memory_space<vmem>>) target_semaphore(%run_scoped3A : memref<!tpu.dma_semaphore, #tpu.memory_space<semaphore_mem>>)
        %dma_wait3A_18 = tpu.memref_slice %arg3[%add3A_11] : memref<131072xi32, #tpu.memory_space<hbm>> -> memref<1024xi32, #tpu.memory_space<hbm>>
        %dma_wait3A_19 = tpu.memref_slice %arg3[%add3A_11] : memref<131072xi32, #tpu.memory_space<hbm>> -> memref<1024xi32, #tpu.memory_space<hbm>>
        tpu.wait_dma2 semaphore(%run_scoped3A : memref<!tpu.dma_semaphore, #tpu.memory_space<semaphore_mem>>) src(%dma_wait3A_19 : memref<1024xi32, #tpu.memory_space<hbm>>) dst(%arg5 : memref<1024xi32, #tpu.memory_space<vmem>>)
        tpu.yield
      }) : () -> ()
      %dma_start3A = arith.constant 0 : i32
      %dma_start3A_12 = arith.constant 0 : i32
      %dma_start3A_13 = tpu.memref_slice %arg2[%dma_start3A, %dma_start3A_12] : memref<8192x80xf32, #tpu.memory_space<hbm>> -> memref<8192x80xf32, #tpu.memory_space<hbm>>
      tpu.enqueue_indirect_dma source(%dma_start3A_13 : memref<8192x80xf32, #tpu.memory_space<hbm>>) target(%arg6 : memref<1024x80xf32, #tpu.memory_space<vmem>>) offsets(%arg5 : memref<1024xi32, #tpu.memory_space<vmem>>) semaphore(%arg7 : memref<!tpu.dma_semaphore, #tpu.memory_space<semaphore_mem>>)
      %dma_wait3A = arith.constant 0 : i32
      %dma_wait3A_14 = arith.constant 0 : i32
      %dma_wait3A_15 = tpu.memref_slice %arg2[%dma_wait3A, %dma_wait3A_14] : memref<8192x80xf32, #tpu.memory_space<hbm>> -> memref<8192x80xf32, #tpu.memory_space<hbm>>
      tpu.wait_indirect_dma semaphore(%arg7 : memref<!tpu.dma_semaphore, #tpu.memory_space<semaphore_mem>>) src(%dma_wait3A_15 : memref<8192x80xf32, #tpu.memory_space<hbm>>) dst(%arg6 : memref<1024x80xf32, #tpu.memory_space<vmem>>)
      "tpu.region"() ({
        %run_scoped3A = tpu.sem_alloc : memref<!tpu.dma_semaphore, #tpu.memory_space<semaphore_mem>>
        %dma_start3A_16 = arith.constant 0 : i32
        %dma_start3A_17 = tpu.memref_slice %arg4[%add3A_11, %dma_start3A_16] : memref<131072x128xf32, #tpu.memory_space<hbm>> -> memref<1024x80xf32, #tpu.memory_space<hbm>>
        %dma_start3A_18 = arith.constant 0 : i32
        %dma_start3A_19 = tpu.memref_slice %arg4[%add3A_11, %dma_start3A_18] : memref<131072x128xf32, #tpu.memory_space<hbm>> -> memref<1024x80xf32, #tpu.memory_space<hbm>>
        tpu.enqueue_dma source(%arg6 : memref<1024x80xf32, #tpu.memory_space<vmem>>) target(%dma_start3A_19 : memref<1024x80xf32, #tpu.memory_space<hbm>>) target_semaphore(%run_scoped3A : memref<!tpu.dma_semaphore, #tpu.memory_space<semaphore_mem>>)
        %dma_wait3A_20 = arith.constant 0 : i32
        %dma_wait3A_21 = tpu.memref_slice %arg4[%add3A_11, %dma_wait3A_20] : memref<131072x128xf32, #tpu.memory_space<hbm>> -> memref<1024x80xf32, #tpu.memory_space<hbm>>
        %dma_wait3A_22 = arith.constant 0 : i32
        %dma_wait3A_23 = tpu.memref_slice %arg4[%add3A_11, %dma_wait3A_22] : memref<131072x128xf32, #tpu.memory_space<hbm>> -> memref<1024x80xf32, #tpu.memory_space<hbm>>
        tpu.wait_dma2 semaphore(%run_scoped3A : memref<!tpu.dma_semaphore, #tpu.memory_space<semaphore_mem>>) src(%arg6 : memref<1024x80xf32, #tpu.memory_space<vmem>>) dst(%dma_wait3A_23 : memref<1024x80xf32, #tpu.memory_space<hbm>>)
        tpu.yield
      }) : () -> ()
    }
    %scan3A_7 = arith.constant 4 : i32
    return
  }
}

#map = affine_map<(d0, d1) -> (0, 0)>
#map1 = affine_map<(d0, d1) -> (0)>
module attributes {stable_mosaic.version = 14 : i64} {
  func.func @gather_kernel(%arg0: i32, %arg1: i32, %arg2: memref<8192x80xf32, #tpu.memory_space<hbm>>, %arg3: memref<131072xi32, #tpu.memory_space<hbm>>, %arg4: memref<131072x128xf32, #tpu.memory_space<hbm>>, %arg5: memref<1024xi32, #tpu.memory_space<vmem>>, %arg6: memref<1024x80xf32, #tpu.memory_space<vmem>>, %arg7: memref<!tpu.dma_semaphore, #tpu.memory_space<semaphore_mem>>) attributes {dimension_semantics = [#tpu.dimension_semantics<core_parallel>, #tpu.dimension_semantics<subcore_parallel>], iteration_bounds = array<i64: 2, 16>, scalar_prefetch = 0 : i64, scratch_operands = 3 : i64, tpu.core_type = #tpu.core_type<sc_vector_subcore>, window_params = [{transform_indices = #map}, {transform_indices = #map1}, {transform_indices = #map}]} {
    %mul3A = arith.constant 2 : i32
    %mul3A_0 = arith.muli %arg1, %mul3A : i32
    %add3A = arith.addi %mul3A_0, %arg0 : i32
    %mul3A_1 = arith.constant 4096 : i32
    %mul3A_2 = arith.muli %add3A, %mul3A_1 : i32
    %scan3A = arith.constant 0 : i32
    %scan3A_3 = arith.constant 0 : i32
    %scan3A_4 = arith.constant 4 : i32
    %scan3A_5 = arith.addi %scan3A_3, %scan3A_4 : i32
    %scan3A_6 = arith.constant 1 : i32
    scf.for %scan3A_8 = %scan3A_3 to %scan3A_5 step %scan3A_6  : i32 {
      %mul3A_9 = arith.constant 1024 : i32
      %mul3A_10 = arith.muli %scan3A_8, %mul3A_9 : i32
      %add3A_11 = arith.addi %mul3A_2, %mul3A_10 : i32
      "tpu.region"() ({
        %run_scoped3A = tpu.sem_alloc : memref<!tpu.dma_semaphore, #tpu.memory_space<semaphore_mem>>
        %dma_start3A_16 = tpu.memref_slice %arg3[%add3A_11] : memref<131072xi32, #tpu.memory_space<hbm>> -> memref<1024xi32, #tpu.memory_space<hbm>>
        %dma_start3A_17 = tpu.memref_slice %arg3[%add3A_11] : memref<131072xi32, #tpu.memory_space<hbm>> -> memref<1024xi32, #tpu.memory_space<hbm>>
        tpu.enqueue_dma source(%dma_start3A_17 : memref<1024xi32, #tpu.memory_space<hbm>>) target(%arg5 : memref<1024xi32, #tpu.memory_space<vmem>>) target_semaphore(%run_scoped3A : memref<!tpu.dma_semaphore, #tpu.memory_space<semaphore_mem>>)
        %dma_wait3A_18 = tpu.memref_slice %arg3[%add3A_11] : memref<131072xi32, #tpu.memory_space<hbm>> -> memref<1024xi32, #tpu.memory_space<hbm>>
        %dma_wait3A_19 = tpu.memref_slice %arg3[%add3A_11] : memref<131072xi32, #tpu.memory_space<hbm>> -> memref<1024xi32, #tpu.memory_space<hbm>>
        tpu.wait_dma2 semaphore(%run_scoped3A : memref<!tpu.dma_semaphore, #tpu.memory_space<semaphore_mem>>) src(%dma_wait3A_19 : memref<1024xi32, #tpu.memory_space<hbm>>) dst(%arg5 : memref<1024xi32, #tpu.memory_space<vmem>>)
        tpu.yield
      }) : () -> ()
      %dma_start3A = arith.constant 0 : i32
      %dma_start3A_12 = arith.constant 0 : i32
      %dma_start3A_13 = tpu.memref_slice %arg2[%dma_start3A, %dma_start3A_12] : memref<8192x80xf32, #tpu.memory_space<hbm>> -> memref<8192x80xf32, #tpu.memory_space<hbm>>
      tpu.enqueue_indirect_dma source(%dma_start3A_13 : memref<8192x80xf32, #tpu.memory_space<hbm>>) target(%arg6 : memref<1024x80xf32, #tpu.memory_space<vmem>>) offsets(%arg5 : memref<1024xi32, #tpu.memory_space<vmem>>) semaphore(%arg7 : memref<!tpu.dma_semaphore, #tpu.memory_space<semaphore_mem>>)
      %dma_wait3A = arith.constant 0 : i32
      %dma_wait3A_14 = arith.constant 0 : i32
      %dma_wait3A_15 = tpu.memref_slice %arg2[%dma_wait3A, %dma_wait3A_14] : memref<8192x80xf32, #tpu.memory_space<hbm>> -> memref<8192x80xf32, #tpu.memory_space<hbm>>
      tpu.wait_indirect_dma semaphore(%arg7 : memref<!tpu.dma_semaphore, #tpu.memory_space<semaphore_mem>>) src(%dma_wait3A_15 : memref<8192x80xf32, #tpu.memory_space<hbm>>) dst(%arg6 : memref<1024x80xf32, #tpu.memory_space<vmem>>)
      "tpu.region"() ({
        %run_scoped3A = tpu.sem_alloc : memref<!tpu.dma_semaphore, #tpu.memory_space<semaphore_mem>>
        %dma_start3A_16 = arith.constant 0 : i32
        %dma_start3A_17 = tpu.memref_slice %arg4[%add3A_11, %dma_start3A_16] : memref<131072x128xf32, #tpu.memory_space<hbm>> -> memref<1024x80xf32, #tpu.memory_space<hbm>>
        %dma_start3A_18 = arith.constant 0 : i32
        %dma_start3A_19 = tpu.memref_slice %arg4[%add3A_11, %dma_start3A_18] : memref<131072x128xf32, #tpu.memory_space<hbm>> -> memref<1024x80xf32, #tpu.memory_space<hbm>>
        tpu.enqueue_dma source(%arg6 : memref<1024x80xf32, #tpu.memory_space<vmem>>) target(%dma_start3A_19 : memref<1024x80xf32, #tpu.memory_space<hbm>>) target_semaphore(%run_scoped3A : memref<!tpu.dma_semaphore, #tpu.memory_space<semaphore_mem>>)
        %dma_wait3A_20 = arith.constant 0 : i32
        %dma_wait3A_21 = tpu.memref_slice %arg4[%add3A_11, %dma_wait3A_20] : memref<131072x128xf32, #tpu.memory_space<hbm>> -> memref<1024x80xf32, #tpu.memory_space<hbm>>
        %dma_wait3A_22 = arith.constant 0 : i32
        %dma_wait3A_23 = tpu.memref_slice %arg4[%add3A_11, %dma_wait3A_22] : memref<131072x128xf32, #tpu.memory_space<hbm>> -> memref<1024x80xf32, #tpu.memory_space<hbm>>
        tpu.wait_dma2 semaphore(%run_scoped3A : memref<!tpu.dma_semaphore, #tpu.memory_space<semaphore_mem>>) src(%arg6 : memref<1024x80xf32, #tpu.memory_space<vmem>>) dst(%dma_wait3A_23 : memref<1024x80xf32, #tpu.memory_space<hbm>>)
        tpu.yield
      }) : () -> ()
    }
    %scan3A_7 = arith.constant 4 : i32
    return
  }
}

module attributes {stable_mosaic.version = 14 : i64} {
  func.func @_prep_body(%arg0: i32, %arg1: memref<1x3x4096xf32, #tpu.memory_space<vmem>>, %arg2: memref<1x4096x3xf32, #tpu.memory_space<vmem>>, %arg3: memref<3x16xf32, #tpu.memory_space<vmem>>, %arg4: memref<1x16xf32, #tpu.memory_space<vmem>>, %arg5: memref<16x4xf32, #tpu.memory_space<vmem>>, %arg6: memref<1x4xf32, #tpu.memory_space<vmem>>, %arg7: memref<16x16xf32, #tpu.memory_space<vmem>>, %arg8: memref<1x16xf32, #tpu.memory_space<vmem>>, %arg9: memref<4096x32xf32, #tpu.memory_space<vmem>>, %arg10: memref<1x3x4096xf32, #tpu.memory_space<vmem>>, %arg11: memref<4096x16xf32, #tpu.memory_space<vmem>>, %arg12: memref<1x1x4096xf32, #tpu.memory_space<vmem>>, %arg13: memref<4096x1xf32, #tpu.memory_space<vmem>>) attributes {dimension_semantics = [#tpu.dimension_semantics<arbitrary>], iteration_bounds = array<i64: 2>, scalar_prefetch = 0 : i64, scratch_operands = 0 : i64, tpu.core_type = #tpu.core_type<tc>, window_params = [{transform_indices = @transform_0, window_bounds = array<i64: 1, 3, 4096>}, {transform_indices = @transform_1, window_bounds = array<i64: 1, 4096, 3>}, {pipeline_mode = #tpu.pipeline_mode<synchronous>, transform_indices = @transform_2, window_bounds = array<i64: 3, 16>}, {pipeline_mode = #tpu.pipeline_mode<synchronous>, transform_indices = @transform_3, window_bounds = array<i64: 1, 16>}, {pipeline_mode = #tpu.pipeline_mode<synchronous>, transform_indices = @transform_4, window_bounds = array<i64: 16, 4>}, {pipeline_mode = #tpu.pipeline_mode<synchronous>, transform_indices = @transform_5, window_bounds = array<i64: 1, 4>}, {pipeline_mode = #tpu.pipeline_mode<synchronous>, transform_indices = @transform_6, window_bounds = array<i64: 16, 16>}, {pipeline_mode = #tpu.pipeline_mode<synchronous>, transform_indices = @transform_7, window_bounds = array<i64: 1, 16>}, {transform_indices = @transform_8, window_bounds = array<i64: 4096, 32>}, {transform_indices = @transform_9, window_bounds = array<i64: 1, 3, 4096>}, {transform_indices = @transform_10, window_bounds = array<i64: 4096, 16>}, {transform_indices = @transform_11, window_bounds = array<i64: 1, 1, 4096>}, {transform_indices = @transform_12, window_bounds = array<i64: 4096, 1>}]} {
    %get3A = arith.constant 0 : index
    %get3A_0 = arith.constant 0 : index
    %get3A_1 = arith.constant 0 : index
    %get3A_2 = vector.load %arg1[%get3A, %get3A_0, %get3A_1] : memref<1x3x4096xf32, #tpu.memory_space<vmem>>, vector<1x3x4096xf32>
    %get3A_3 = vector.shape_cast %get3A_2 : vector<1x3x4096xf32> to vector<3x4096xf32>
    %get3A_4 = arith.constant 0 : index
    %get3A_5 = arith.constant 0 : index
    %get3A_6 = arith.constant 0 : index
    %get3A_7 = vector.load %arg2[%get3A_4, %get3A_5, %get3A_6] : memref<1x4096x3xf32, #tpu.memory_space<vmem>>, vector<1x4096x3xf32>
    %get3A_8 = vector.shape_cast %get3A_7 : vector<1x4096x3xf32> to vector<4096x3xf32>
    %abs3A = math.absf %get3A_8 : vector<4096x3xf32>
    %reduce_sum3A = arith.constant dense<0.000000e+00> : vector<4096xf32>
    %reduce_sum3A_9 = vector.multi_reduction <add>, %abs3A, %reduce_sum3A [1] : vector<4096x3xf32> to vector<4096xf32>
    %broadcast_in_dim3A = vector.shape_cast %reduce_sum3A_9 : vector<4096xf32> to vector<4096x1xf32>
    %ne3A = arith.constant 0.000000e+00 : f32
    %ne3A_10 = vector.broadcast %ne3A : f32 to vector<4096x1xf32>
    %ne3A_11 = arith.cmpf one, %broadcast_in_dim3A, %ne3A_10 : vector<4096x1xf32>
    %convert_element_type3A = arith.extui %ne3A_11 : vector<4096x1xi1> to vector<4096x1xi32>
    %convert_element_type3A_12 = arith.sitofp %convert_element_type3A : vector<4096x1xi32> to vector<4096x1xf32>
    %mul3A = vector.broadcast %convert_element_type3A_12 : vector<4096x1xf32> to vector<4096x3xf32>
    %mul3A_13 = arith.mulf %get3A_8, %mul3A : vector<4096x3xf32>
    %reduce_sum3A_14 = arith.constant dense<0.000000e+00> : vector<3xf32>
    %reduce_sum3A_15 = vector.multi_reduction <add>, %mul3A_13, %reduce_sum3A_14 [0] : vector<4096x3xf32> to vector<3xf32>
    %broadcast_in_dim3A_16 = vector.shape_cast %reduce_sum3A_15 : vector<3xf32> to vector<1x3xf32>
    %reduce_sum3A_17 = vector.shape_cast %convert_element_type3A_12 : vector<4096x1xf32> to vector<1x4096x1xf32>
    %reduce_sum3A_18 = arith.constant dense<0.000000e+00> : vector<1xf32>
    %reduce_sum3A_19 = vector.multi_reduction <add>, %reduce_sum3A_17, %reduce_sum3A_18 [1, 2] : vector<1x4096x1xf32> to vector<1xf32>
    %reduce_sum3A_20 = vector.shape_cast %reduce_sum3A_19 : vector<1xf32> to vector<1x1x1xf32>
    %reduce_sum3A_21 = vector.extract %reduce_sum3A_20[0, 0, 0] : f32 from vector<1x1x1xf32>
    %div3A = vector.broadcast %reduce_sum3A_21 : f32 to vector<1x3xf32>
    %div3A_22 = arith.divf %broadcast_in_dim3A_16, %div3A : vector<1x3xf32>
    %sub3A = vector.broadcast %div3A_22 : vector<1x3xf32> to vector<4096x3xf32>
    %sub3A_23 = arith.subf %get3A_8, %sub3A : vector<4096x3xf32>
    %mul3A_24 = arith.mulf %sub3A_23, %sub3A_23 : vector<4096x3xf32>
    %reduce_sum3A_25 = arith.constant dense<0.000000e+00> : vector<4096xf32>
    %reduce_sum3A_26 = vector.multi_reduction <add>, %mul3A_24, %reduce_sum3A_25 [1] : vector<4096x3xf32> to vector<4096xf32>
    %broadcast_in_dim3A_27 = vector.shape_cast %reduce_sum3A_26 : vector<4096xf32> to vector<4096x1xf32>
    %gt3A = arith.constant 0.000000e+00 : f32
    %gt3A_28 = vector.broadcast %gt3A : f32 to vector<4096x1xf32>
    %gt3A_29 = arith.cmpf ogt, %convert_element_type3A_12, %gt3A_28 : vector<4096x1xf32>
    %jit3A = arith.constant 0xFF800000 : f32
    %broadcast_in_dim3A_30 = vector.broadcast %jit3A : f32 to vector<4096x1xf32>
    %select_n3A = arith.select %gt3A_29, %broadcast_in_dim3A_27, %broadcast_in_dim3A_30 : vector<4096x1xi1>, vector<4096x1xf32>
    %reduce_max3A = vector.shape_cast %select_n3A : vector<4096x1xf32> to vector<1x4096x1xf32>
    %reduce_max3A_31 = arith.constant dense<0xFF800000> : vector<1xf32>
    %reduce_max3A_32 = vector.multi_reduction <maximumf>, %reduce_max3A, %reduce_max3A_31 [1, 2] : vector<1x4096x1xf32> to vector<1xf32>
    %reduce_max3A_33 = vector.shape_cast %reduce_max3A_32 : vector<1xf32> to vector<1x1x1xf32>
    %reduce_max3A_34 = vector.extract %reduce_max3A_33[0, 0, 0] : f32 from vector<1x1x1xf32>
    %sqrt3A = math.sqrt %reduce_max3A_34 : f32
    %add3A = arith.constant 9.99999993E-9 : f32
    %add3A_35 = arith.addf %sqrt3A, %add3A : f32
    %div3A_36 = vector.broadcast %add3A_35 : f32 to vector<4096x3xf32>
    %div3A_37 = arith.divf %sub3A_23, %div3A_36 : vector<4096x3xf32>
    %abs3A_38 = math.absf %get3A_3 : vector<3x4096xf32>
    %reduce_sum3A_39 = arith.constant dense<0.000000e+00> : vector<4096xf32>
    %reduce_sum3A_40 = vector.multi_reduction <add>, %abs3A_38, %reduce_sum3A_39 [0] : vector<3x4096xf32> to vector<4096xf32>
    %broadcast_in_dim3A_41 = vector.shape_cast %reduce_sum3A_40 : vector<4096xf32> to vector<1x4096xf32>
    %ne3A_42 = arith.constant 0.000000e+00 : f32
    %ne3A_43 = vector.broadcast %ne3A_42 : f32 to vector<1x4096xf32>
    %ne3A_44 = arith.cmpf one, %broadcast_in_dim3A_41, %ne3A_43 : vector<1x4096xf32>
    %convert_element_type3A_45 = arith.extui %ne3A_44 : vector<1x4096xi1> to vector<1x4096xi32>
    %convert_element_type3A_46 = arith.sitofp %convert_element_type3A_45 : vector<1x4096xi32> to vector<1x4096xf32>
    %mul3A_47 = vector.broadcast %convert_element_type3A_46 : vector<1x4096xf32> to vector<3x4096xf32>
    %mul3A_48 = arith.mulf %get3A_3, %mul3A_47 : vector<3x4096xf32>
    %reduce_sum3A_49 = arith.constant dense<0.000000e+00> : vector<3xf32>
    %reduce_sum3A_50 = vector.multi_reduction <add>, %mul3A_48, %reduce_sum3A_49 [1] : vector<3x4096xf32> to vector<3xf32>
    %broadcast_in_dim3A_51 = vector.shape_cast %reduce_sum3A_50 : vector<3xf32> to vector<3x1xf32>
    %reduce_sum3A_52 = vector.shape_cast %convert_element_type3A_46 : vector<1x4096xf32> to vector<1x1x4096xf32>
    %reduce_sum3A_53 = arith.constant dense<0.000000e+00> : vector<1xf32>
    %reduce_sum3A_54 = vector.multi_reduction <add>, %reduce_sum3A_52, %reduce_sum3A_53 [1, 2] : vector<1x1x4096xf32> to vector<1xf32>
    %reduce_sum3A_55 = vector.shape_cast %reduce_sum3A_54 : vector<1xf32> to vector<1x1x1xf32>
    %reduce_sum3A_56 = vector.extract %reduce_sum3A_55[0, 0, 0] : f32 from vector<1x1x1xf32>
    %div3A_57 = vector.broadcast %reduce_sum3A_56 : f32 to vector<3x1xf32>
    %div3A_58 = arith.divf %broadcast_in_dim3A_51, %div3A_57 : vector<3x1xf32>
    %sub3A_59 = vector.broadcast %div3A_58 : vector<3x1xf32> to vector<3x4096xf32>
    %sub3A_60 = arith.subf %get3A_3, %sub3A_59 : vector<3x4096xf32>
    %mul3A_61 = arith.mulf %sub3A_60, %sub3A_60 : vector<3x4096xf32>
    %reduce_sum3A_62 = arith.constant dense<0.000000e+00> : vector<4096xf32>
    %reduce_sum3A_63 = vector.multi_reduction <add>, %mul3A_61, %reduce_sum3A_62 [0] : vector<3x4096xf32> to vector<4096xf32>
    %broadcast_in_dim3A_64 = vector.shape_cast %reduce_sum3A_63 : vector<4096xf32> to vector<1x4096xf32>
    %gt3A_65 = arith.constant 0.000000e+00 : f32
    %gt3A_66 = vector.broadcast %gt3A_65 : f32 to vector<1x4096xf32>
    %gt3A_67 = arith.cmpf ogt, %convert_element_type3A_46, %gt3A_66 : vector<1x4096xf32>
    %jit3A_68 = arith.constant 0xFF800000 : f32
    %broadcast_in_dim3A_69 = vector.broadcast %jit3A_68 : f32 to vector<1x4096xf32>
    %select_n3A_70 = arith.select %gt3A_67, %broadcast_in_dim3A_64, %broadcast_in_dim3A_69 : vector<1x4096xi1>, vector<1x4096xf32>
    %reduce_max3A_71 = vector.shape_cast %select_n3A_70 : vector<1x4096xf32> to vector<1x1x4096xf32>
    %reduce_max3A_72 = arith.constant dense<0xFF800000> : vector<1xf32>
    %reduce_max3A_73 = vector.multi_reduction <maximumf>, %reduce_max3A_71, %reduce_max3A_72 [1, 2] : vector<1x1x4096xf32> to vector<1xf32>
    %reduce_max3A_74 = vector.shape_cast %reduce_max3A_73 : vector<1xf32> to vector<1x1x1xf32>
    %reduce_max3A_75 = vector.extract %reduce_max3A_74[0, 0, 0] : f32 from vector<1x1x1xf32>
    %sqrt3A_76 = math.sqrt %reduce_max3A_75 : f32
    %add3A_77 = arith.constant 9.99999993E-9 : f32
    %add3A_78 = arith.addf %sqrt3A_76, %add3A_77 : f32
    %div3A_79 = vector.broadcast %add3A_78 : f32 to vector<3x4096xf32>
    %div3A_80 = arith.divf %sub3A_60, %div3A_79 : vector<3x4096xf32>
    %swap3A = arith.constant 0 : index
    %swap3A_81 = arith.constant 0 : index
    %swap3A_82 = arith.constant 0 : index
    %swap3A_83 = vector.load %arg10[%swap3A, %swap3A_81, %swap3A_82] : memref<1x3x4096xf32, #tpu.memory_space<vmem>>, vector<1x3x4096xf32>
    %swap3A_84 = vector.shape_cast %swap3A_83 : vector<1x3x4096xf32> to vector<3x4096xf32>
    %swap3A_85 = vector.shape_cast %div3A_80 : vector<3x4096xf32> to vector<1x3x4096xf32>
    tpu.vector_store %arg10[%swap3A, %swap3A_81, %swap3A_82], %swap3A_85 {strides = array<i32>} : memref<1x3x4096xf32, #tpu.memory_space<vmem>>, vector<1x3x4096xf32>,
    %get3A_86 = arith.constant 0 : index
    %get3A_87 = arith.constant 0 : index
    %get3A_88 = vector.load %arg3[%get3A_86, %get3A_87] : memref<3x16xf32, #tpu.memory_space<vmem>>, vector<3x16xf32>
    %dot_general3A = arith.constant dense<0.000000e+00> : vector<4096x16xf32>
    %dot_general3A_89 = tpu.matmul %div3A_37, %get3A_88, %dot_general3A {dimension_numbers = #tpu.dot_dimension_numbers<[1], [0], [0], [1], [0, 0, 1, 1], [], []>, transpose_lhs_hint = false} : vector<4096x3xf32>, vector<3x16xf32>, vector<4096x16xf32> -> vector<4096x16xf32>
    %get3A_90 = arith.constant 0 : index
    %get3A_91 = arith.constant 0 : index
    %get3A_92 = vector.load %arg4[%get3A_90, %get3A_91] : memref<1x16xf32, #tpu.memory_space<vmem>>, vector<1x16xf32>
    %add3A_93 = vector.broadcast %get3A_92 : vector<1x16xf32> to vector<4096x16xf32>
    %add3A_94 = arith.addf %dot_general3A_89, %add3A_93 : vector<4096x16xf32>
    %max3A = arith.constant 0.000000e+00 : f32
    %max3A_95 = vector.broadcast %max3A : f32 to vector<4096x16xf32>
    %max3A_96 = arith.maximumf %add3A_94, %max3A_95 : vector<4096x16xf32>
    %get3A_97 = arith.constant 0 : index
    %get3A_98 = arith.constant 0 : index
    %get3A_99 = vector.load %arg5[%get3A_97, %get3A_98] : memref<16x4xf32, #tpu.memory_space<vmem>>, vector<16x4xf32>
    %dot_general3A_100 = arith.constant dense<0.000000e+00> : vector<4096x4xf32>
    %dot_general3A_101 = tpu.matmul %max3A_96, %get3A_99, %dot_general3A_100 {dimension_numbers = #tpu.dot_dimension_numbers<[1], [0], [0], [1], [0, 0, 1, 1], [], []>, transpose_lhs_hint = false} : vector<4096x16xf32>, vector<16x4xf32>, vector<4096x4xf32> -> vector<4096x4xf32>
    %get3A_102 = arith.constant 0 : index
    %get3A_103 = arith.constant 0 : index
    %get3A_104 = vector.load %arg6[%get3A_102, %get3A_103] : memref<1x4xf32, #tpu.memory_space<vmem>>, vector<1x4xf32>
    %add3A_105 = vector.broadcast %get3A_104 : vector<1x4xf32> to vector<4096x4xf32>
    %add3A_106 = arith.addf %dot_general3A_101, %add3A_105 : vector<4096x4xf32>
    %get3A_107 = arith.constant 0 : index
    %get3A_108 = arith.constant 0 : index
    %get3A_109 = vector.load %arg7[%get3A_107, %get3A_108] : memref<16x16xf32, #tpu.memory_space<vmem>>, vector<16x16xf32>
    %dot_general3A_110 = arith.constant dense<0.000000e+00> : vector<4096x16xf32>
    %dot_general3A_111 = tpu.matmul %max3A_96, %get3A_109, %dot_general3A_110 {dimension_numbers = #tpu.dot_dimension_numbers<[1], [0], [0], [1], [0, 0, 1, 1], [], []>, transpose_lhs_hint = false} : vector<4096x16xf32>, vector<16x16xf32>, vector<4096x16xf32> -> vector<4096x16xf32>
    %get3A_112 = arith.constant 0 : index
    %get3A_113 = arith.constant 0 : index
    %get3A_114 = vector.load %arg8[%get3A_112, %get3A_113] : memref<1x16xf32, #tpu.memory_space<vmem>>, vector<1x16xf32>
    %add3A_115 = vector.broadcast %get3A_114 : vector<1x16xf32> to vector<4096x16xf32>
    %add3A_116 = arith.addf %dot_general3A_111, %add3A_115 : vector<4096x16xf32>
    %broadcast_in_dim3A_117 = arith.constant 0.000000e+00 : f32
    %broadcast_in_dim3A_118 = vector.broadcast %broadcast_in_dim3A_117 : f32 to vector<4096x1xf32>
    %broadcast_in_dim3A_119 = arith.constant 0.000000e+00 : f32
    %broadcast_in_dim3A_120 = vector.broadcast %broadcast_in_dim3A_119 : f32 to vector<4096x8xf32>
    %concatenate3A = tpu.concatenate %div3A_37, %broadcast_in_dim3A_118, %add3A_106, %broadcast_in_dim3A_120, %add3A_116 in 1 : vector<4096x3xf32>, vector<4096x1xf32>, vector<4096x4xf32>, vector<4096x8xf32>, vector<4096x16xf32> -> vector<4096x32xf32>
    %swap3A_121 = arith.constant 0 : index
    %swap3A_122 = arith.constant 0 : index
    %swap3A_123 = vector.load %arg9[%swap3A_121, %swap3A_122] : memref<4096x32xf32, #tpu.memory_space<vmem>>, vector<4096x32xf32>
    tpu.vector_store %arg9[%swap3A_121, %swap3A_122], %concatenate3A {strides = array<i32>} : memref<4096x32xf32, #tpu.memory_space<vmem>>, vector<4096x32xf32>,
    %swap3A_124 = arith.constant 0 : index
    %swap3A_125 = arith.constant 0 : index
    %swap3A_126 = vector.load %arg11[%swap3A_124, %swap3A_125] : memref<4096x16xf32, #tpu.memory_space<vmem>>, vector<4096x16xf32>
    tpu.vector_store %arg11[%swap3A_124, %swap3A_125], %max3A_96 {strides = array<i32>} : memref<4096x16xf32, #tpu.memory_space<vmem>>, vector<4096x16xf32>,
    %swap3A_127 = arith.constant 0 : index
    %swap3A_128 = arith.constant 0 : index
    %swap3A_129 = arith.constant 0 : index
    %swap3A_130 = vector.load %arg12[%swap3A_127, %swap3A_128, %swap3A_129] : memref<1x1x4096xf32, #tpu.memory_space<vmem>>, vector<1x1x4096xf32>
    %swap3A_131 = vector.shape_cast %swap3A_130 : vector<1x1x4096xf32> to vector<1x4096xf32>
    %swap3A_132 = vector.shape_cast %convert_element_type3A_46 : vector<1x4096xf32> to vector<1x1x4096xf32>
    tpu.vector_store %arg12[%swap3A_127, %swap3A_128, %swap3A_129], %swap3A_132 {strides = array<i32>} : memref<1x1x4096xf32, #tpu.memory_space<vmem>>, vector<1x1x4096xf32>,
    %swap3A_133 = arith.constant 0 : index
    %swap3A_134 = arith.constant 0 : index
    %swap3A_135 = vector.load %arg13[%swap3A_133, %swap3A_134] : memref<4096x1xf32, #tpu.memory_space<vmem>>, vector<4096x1xf32>
    tpu.vector_store %arg13[%swap3A_133, %swap3A_134], %convert_element_type3A_12 {strides = array<i32>} : memref<4096x1xf32, #tpu.memory_space<vmem>>, vector<4096x1xf32>,
    return
  }
  func.func @transform_0(%arg0: i32) -> (i32, i32, i32) {
    %c0_i32 = arith.constant 0 : i32
    %c0_i32_0 = arith.constant 0 : i32
    %c0_i32_1 = arith.constant 0 : i32
    return %arg0, %c0_i32, %c0_i32_0 : i32, i32, i32
  }
  func.func @transform_1(%arg0: i32) -> (i32, i32, i32) {
    %c0_i32 = arith.constant 0 : i32
    %c0_i32_0 = arith.constant 0 : i32
    %c0_i32_1 = arith.constant 0 : i32
    return %arg0, %c0_i32, %c0_i32_0 : i32, i32, i32
  }
  func.func @transform_2(%arg0: i32) -> (i32, i32) {
    %c0_i32 = arith.constant 0 : i32
    %c0_i32_0 = arith.constant 0 : i32
    %c0_i32_1 = arith.constant 0 : i32
    return %c0_i32, %c0_i32_0 : i32, i32
  }
  func.func @transform_3(%arg0: i32) -> (i32, i32) {
    %c0_i32 = arith.constant 0 : i32
    %c0_i32_0 = arith.constant 0 : i32
    %c0_i32_1 = arith.constant 0 : i32
    return %c0_i32, %c0_i32_0 : i32, i32
  }
  func.func @transform_4(%arg0: i32) -> (i32, i32) {
    %c0_i32 = arith.constant 0 : i32
    %c0_i32_0 = arith.constant 0 : i32
    %c0_i32_1 = arith.constant 0 : i32
    return %c0_i32, %c0_i32_0 : i32, i32
  }
  func.func @transform_5(%arg0: i32) -> (i32, i32) {
    %c0_i32 = arith.constant 0 : i32
    %c0_i32_0 = arith.constant 0 : i32
    %c0_i32_1 = arith.constant 0 : i32
    return %c0_i32, %c0_i32_0 : i32, i32
  }
  func.func @transform_6(%arg0: i32) -> (i32, i32) {
    %c0_i32 = arith.constant 0 : i32
    %c0_i32_0 = arith.constant 0 : i32
    %c0_i32_1 = arith.constant 0 : i32
    return %c0_i32, %c0_i32_0 : i32, i32
  }
  func.func @transform_7(%arg0: i32) -> (i32, i32) {
    %c0_i32 = arith.constant 0 : i32
    %c0_i32_0 = arith.constant 0 : i32
    %c0_i32_1 = arith.constant 0 : i32
    return %c0_i32, %c0_i32_0 : i32, i32
  }
  func.func @transform_8(%arg0: i32) -> (i32, i32) {
    %c0_i32 = arith.constant 0 : i32
    %c0_i32_0 = arith.constant 0 : i32
    return %arg0, %c0_i32 : i32, i32
  }
  func.func @transform_9(%arg0: i32) -> (i32, i32, i32) {
    %c0_i32 = arith.constant 0 : i32
    %c0_i32_0 = arith.constant 0 : i32
    %c0_i32_1 = arith.constant 0 : i32
    return %arg0, %c0_i32, %c0_i32_0 : i32, i32, i32
  }
  func.func @transform_10(%arg0: i32) -> (i32, i32) {
    %c0_i32 = arith.constant 0 : i32
    %c0_i32_0 = arith.constant 0 : i32
    return %arg0, %c0_i32 : i32, i32
  }
  func.func @transform_11(%arg0: i32) -> (i32, i32, i32) {
    %c0_i32 = arith.constant 0 : i32
    %c0_i32_0 = arith.constant 0 : i32
    %c0_i32_1 = arith.constant 0 : i32
    return %arg0, %c0_i32, %c0_i32_0 : i32, i32, i32
  }
  func.func @transform_12(%arg0: i32) -> (i32, i32) {
    %c0_i32 = arith.constant 0 : i32
    %c0_i32_0 = arith.constant 0 : i32
    return %arg0, %c0_i32 : i32, i32
  }
}

module attributes {stable_mosaic.version = 14 : i64} {
  func.func @_knn_body(%arg0: i32, %arg1: i32, %arg2: memref<512x32xf32, #tpu.memory_space<vmem>>, %arg3: memref<1x3x4096xf32, #tpu.memory_space<vmem>>, %arg4: memref<1x1x4096xf32, #tpu.memory_space<vmem>>, %arg5: memref<512x16xi32, #tpu.memory_space<vmem>>) attributes {dimension_semantics = [#tpu.dimension_semantics<arbitrary>, #tpu.dimension_semantics<arbitrary>], iteration_bounds = array<i64: 2, 8>, scalar_prefetch = 0 : i64, scratch_operands = 0 : i64, tpu.core_type = #tpu.core_type<tc>, window_params = [{transform_indices = @transform_0, window_bounds = array<i64: 512, 32>}, {transform_indices = @transform_1, window_bounds = array<i64: 1, 3, 4096>}, {transform_indices = @transform_2, window_bounds = array<i64: 1, 1, 4096>}, {transform_indices = @transform_3, window_bounds = array<i64: 512, 16>}]} {
    %get3A = arith.constant 0 : index
    %get3A_0 = arith.constant 0 : index
    %get3A_1 = vector.load %arg2[%get3A, %get3A_0] : memref<512x32xf32, #tpu.memory_space<vmem>>, vector<512x3xf32>
    %get3A_2 = arith.constant 0 : index
    %get3A_3 = arith.constant 0 : index
    %get3A_4 = arith.constant 0 : index
    %get3A_5 = vector.load %arg3[%get3A_2, %get3A_3, %get3A_4] : memref<1x3x4096xf32, #tpu.memory_space<vmem>>, vector<1x3x4096xf32>
    %get3A_6 = vector.shape_cast %get3A_5 : vector<1x3x4096xf32> to vector<3x4096xf32>
    %get3A_7 = arith.constant 0 : index
    %get3A_8 = arith.constant 0 : index
    %get3A_9 = arith.constant 0 : index
    %get3A_10 = vector.load %arg4[%get3A_7, %get3A_8, %get3A_9] : memref<1x1x4096xf32, #tpu.memory_space<vmem>>, vector<1x1x4096xf32>
    %get3A_11 = vector.shape_cast %get3A_10 : vector<1x1x4096xf32> to vector<1x4096xf32>
    %dot_general3A = arith.constant dense<0.000000e+00> : vector<512x4096xf32>
    %dot_general3A_12 = tpu.matmul %get3A_1, %get3A_6, %dot_general3A {dimension_numbers = #tpu.dot_dimension_numbers<[1], [0], [0], [1], [0, 0, 1, 1], [], []>, transpose_lhs_hint = false} : vector<512x3xf32>, vector<3x4096xf32>, vector<512x4096xf32> -> vector<512x4096xf32>
    %mul3A = arith.mulf %get3A_1, %get3A_1 : vector<512x3xf32>
    %reduce_sum3A = arith.constant dense<0.000000e+00> : vector<512xf32>
    %reduce_sum3A_13 = vector.multi_reduction <add>, %mul3A, %reduce_sum3A [1] : vector<512x3xf32> to vector<512xf32>
    %broadcast_in_dim3A = vector.shape_cast %reduce_sum3A_13 : vector<512xf32> to vector<512x1xf32>
    %mul3A_14 = arith.mulf %get3A_6, %get3A_6 : vector<3x4096xf32>
    %reduce_sum3A_15 = arith.constant dense<0.000000e+00> : vector<4096xf32>
    %reduce_sum3A_16 = vector.multi_reduction <add>, %mul3A_14, %reduce_sum3A_15 [0] : vector<3x4096xf32> to vector<4096xf32>
    %broadcast_in_dim3A_17 = vector.shape_cast %reduce_sum3A_16 : vector<4096xf32> to vector<1x4096xf32>
    %mul3A_18 = arith.constant 2.000000e+00 : f32
    %mul3A_19 = vector.broadcast %mul3A_18 : f32 to vector<512x4096xf32>
    %mul3A_20 = arith.mulf %mul3A_19, %dot_general3A_12 : vector<512x4096xf32>
    %sub3A = vector.broadcast %broadcast_in_dim3A : vector<512x1xf32> to vector<512x4096xf32>
    %sub3A_21 = arith.subf %mul3A_20, %sub3A : vector<512x4096xf32>
    %sub3A_22 = vector.broadcast %broadcast_in_dim3A_17 : vector<1x4096xf32> to vector<512x4096xf32>
    %sub3A_23 = arith.subf %sub3A_21, %sub3A_22 : vector<512x4096xf32>
    %gt3A = arith.constant 0.000000e+00 : f32
    %gt3A_24 = vector.broadcast %gt3A : f32 to vector<1x4096xf32>
    %gt3A_25 = arith.cmpf ogt, %get3A_11, %gt3A_24 : vector<1x4096xf32>
    %jit3A = arith.constant -1.000000e+30 : f32
    %broadcast_in_dim3A_26 = vector.shape_cast %gt3A_25 : vector<1x4096xi1> to vector<1x4096xi1>
    %broadcast_in_dim3A_27 = vector.broadcast %broadcast_in_dim3A_26 : vector<1x4096xi1> to vector<512x4096xi1>
    %broadcast_in_dim3A_28 = vector.broadcast %jit3A : f32 to vector<512x4096xf32>
    %select_n3A = arith.select %broadcast_in_dim3A_27, %sub3A_23, %broadcast_in_dim3A_28 : vector<512x4096xi1>, vector<512x4096xf32>
    %slice3A = vector.extract_strided_slice %select_n3A {offsets = [0, 0], sizes = [512, 2048], strides = [1, 1]} : vector<512x4096xf32> to vector<512x2048xf32>
    %slice3A_29 = vector.extract_strided_slice %select_n3A {offsets = [0, 2048], sizes = [512, 2048], strides = [1, 1]} : vector<512x4096xf32> to vector<512x2048xf32>
    %iota3A = tpu.iota {dimensions = array<i32: 1>} : vector<512x2048xi32>
    %ge3A = arith.cmpf oge, %slice3A, %slice3A_29 : vector<512x2048xf32>
    %select_n3A_30 = arith.select %ge3A, %slice3A, %slice3A_29 : vector<512x2048xi1>, vector<512x2048xf32>
    %select_n3A_31 = arith.select %ge3A, %slice3A_29, %slice3A : vector<512x2048xi1>, vector<512x2048xf32>
    %add3A = arith.constant 2048 : i32
    %add3A_32 = vector.broadcast %add3A : i32 to vector<512x2048xi32>
    %add3A_33 = arith.addi %iota3A, %add3A_32 : vector<512x2048xi32>
    %select_n3A_34 = arith.select %ge3A, %iota3A, %add3A_33 : vector<512x2048xi1>, vector<512x2048xi32>
    %add3A_35 = arith.constant 2048 : i32
    %add3A_36 = vector.broadcast %add3A_35 : i32 to vector<512x2048xi32>
    %add3A_37 = arith.addi %iota3A, %add3A_36 : vector<512x2048xi32>
    %select_n3A_38 = arith.select %ge3A, %add3A_37, %iota3A : vector<512x2048xi1>, vector<512x2048xi32>
    %mul3A_39 = arith.constant 4096 : i32
    %mul3A_40 = arith.muli %arg0, %mul3A_39 : i32
    %reduce_max3A = arith.constant dense<0xFF800000> : vector<512xf32>
    %reduce_max3A_41 = vector.multi_reduction <maximumf>, %select_n3A_30, %reduce_max3A [1] : vector<512x2048xf32> to vector<512xf32>
    %broadcast_in_dim3A_42 = vector.shape_cast %reduce_max3A_41 : vector<512xf32> to vector<512x1xf32>
    %eq3A = vector.broadcast %broadcast_in_dim3A_42 : vector<512x1xf32> to vector<512x2048xf32>
    %eq3A_43 = arith.cmpf oeq, %select_n3A_30, %eq3A : vector<512x2048xf32>
    %jit3A_44 = arith.constant 1073741824 : i32
    %broadcast_in_dim3A_45 = vector.broadcast %jit3A_44 : i32 to vector<512x2048xi32>
    %select_n3A_46 = arith.select %eq3A_43, %select_n3A_34, %broadcast_in_dim3A_45 : vector<512x2048xi1>, vector<512x2048xi32>
    %reduce_min3A = arith.constant dense<2147483647> : vector<512xi32>
    %reduce_min3A_47 = vector.multi_reduction <minsi>, %select_n3A_46, %reduce_min3A [1] : vector<512x2048xi32> to vector<512xi32>
    %broadcast_in_dim3A_48 = vector.shape_cast %reduce_min3A_47 : vector<512xi32> to vector<512x1xi32>
    %and3A = arith.constant 2047 : i32
    %and3A_49 = vector.broadcast %and3A : i32 to vector<512x1xi32>
    %and3A_50 = arith.andi %broadcast_in_dim3A_48, %and3A_49 : vector<512x1xi32>
    %eq3A_51 = vector.broadcast %and3A_50 : vector<512x1xi32> to vector<512x2048xi32>
    %eq3A_52 = arith.cmpi eq, %iota3A, %eq3A_51 : vector<512x2048xi32>
    %select_n3A_53 = arith.select %eq3A_52, %select_n3A_31, %select_n3A_30 : vector<512x2048xi1>, vector<512x2048xf32>
    %select_n3A_54 = arith.select %eq3A_52, %select_n3A_38, %select_n3A_34 : vector<512x2048xi1>, vector<512x2048xi32>
    %jit3A_55 = arith.constant 0xFF800000 : f32
    %broadcast_in_dim3A_56 = vector.broadcast %jit3A_55 : f32 to vector<512x2048xf32>
    %select_n3A_57 = arith.select %eq3A_52, %broadcast_in_dim3A_56, %select_n3A_31 : vector<512x2048xi1>, vector<512x2048xf32>
    %reduce_max3A_58 = arith.constant dense<0xFF800000> : vector<512xf32>
    %reduce_max3A_59 = vector.multi_reduction <maximumf>, %select_n3A_53, %reduce_max3A_58 [1] : vector<512x2048xf32> to vector<512xf32>
    %broadcast_in_dim3A_60 = vector.shape_cast %reduce_max3A_59 : vector<512xf32> to vector<512x1xf32>
    %eq3A_61 = vector.broadcast %broadcast_in_dim3A_60 : vector<512x1xf32> to vector<512x2048xf32>
    %eq3A_62 = arith.cmpf oeq, %select_n3A_53, %eq3A_61 : vector<512x2048xf32>
    %jit3A_63 = arith.constant 1073741824 : i32
    %broadcast_in_dim3A_64 = vector.broadcast %jit3A_63 : i32 to vector<512x2048xi32>
    %select_n3A_65 = arith.select %eq3A_62, %select_n3A_54, %broadcast_in_dim3A_64 : vector<512x2048xi1>, vector<512x2048xi32>
    %reduce_min3A_66 = arith.constant dense<2147483647> : vector<512xi32>
    %reduce_min3A_67 = vector.multi_reduction <minsi>, %select_n3A_65, %reduce_min3A_66 [1] : vector<512x2048xi32> to vector<512xi32>
    %broadcast_in_dim3A_68 = vector.shape_cast %reduce_min3A_67 : vector<512xi32> to vector<512x1xi32>
    %and3A_69 = arith.constant 2047 : i32
    %and3A_70 = vector.broadcast %and3A_69 : i32 to vector<512x1xi32>
    %and3A_71 = arith.andi %broadcast_in_dim3A_68, %and3A_70 : vector<512x1xi32>
    %eq3A_72 = vector.broadcast %and3A_71 : vector<512x1xi32> to vector<512x2048xi32>
    %eq3A_73 = arith.cmpi eq, %iota3A, %eq3A_72 : vector<512x2048xi32>
    %select_n3A_74 = arith.select %eq3A_73, %select_n3A_57, %select_n3A_53 : vector<512x2048xi1>, vector<512x2048xf32>
    %select_n3A_75 = arith.select %eq3A_73, %select_n3A_38, %select_n3A_54 : vector<512x2048xi1>, vector<512x2048xi32>
    %jit3A_76 = arith.constant 0xFF800000 : f32
    %broadcast_in_dim3A_77 = vector.broadcast %jit3A_76 : f32 to vector<512x2048xf32>
    %select_n3A_78 = arith.select %eq3A_73, %broadcast_in_dim3A_77, %select_n3A_57 : vector<512x2048xi1>, vector<512x2048xf32>
    %reduce_max3A_79 = arith.constant dense<0xFF800000> : vector<512xf32>
    %reduce_max3A_80 = vector.multi_reduction <maximumf>, %select_n3A_74, %reduce_max3A_79 [1] : vector<512x2048xf32> to vector<512xf32>
    %broadcast_in_dim3A_81 = vector.shape_cast %reduce_max3A_80 : vector<512xf32> to vector<512x1xf32>
    %eq3A_82 = vector.broadcast %broadcast_in_dim3A_81 : vector<512x1xf32> to vector<512x2048xf32>
    %eq3A_83 = arith.cmpf oeq, %select_n3A_74, %eq3A_82 : vector<512x2048xf32>
    %jit3A_84 = arith.constant 1073741824 : i32
    %broadcast_in_dim3A_85 = vector.broadcast %jit3A_84 : i32 to vector<512x2048xi32>
    %select_n3A_86 = arith.select %eq3A_83, %select_n3A_75, %broadcast_in_dim3A_85 : vector<512x2048xi1>, vector<512x2048xi32>
    %reduce_min3A_87 = arith.constant dense<2147483647> : vector<512xi32>
    %reduce_min3A_88 = vector.multi_reduction <minsi>, %select_n3A_86, %reduce_min3A_87 [1] : vector<512x2048xi32> to vector<512xi32>
    %broadcast_in_dim3A_89 = vector.shape_cast %reduce_min3A_88 : vector<512xi32> to vector<512x1xi32>
    %and3A_90 = arith.constant 2047 : i32
    %and3A_91 = vector.broadcast %and3A_90 : i32 to vector<512x1xi32>
    %and3A_92 = arith.andi %broadcast_in_dim3A_89, %and3A_91 : vector<512x1xi32>
    %eq3A_93 = vector.broadcast %and3A_92 : vector<512x1xi32> to vector<512x2048xi32>
    %eq3A_94 = arith.cmpi eq, %iota3A, %eq3A_93 : vector<512x2048xi32>
    %select_n3A_95 = arith.select %eq3A_94, %select_n3A_78, %select_n3A_74 : vector<512x2048xi1>, vector<512x2048xf32>
    %select_n3A_96 = arith.select %eq3A_94, %select_n3A_38, %select_n3A_75 : vector<512x2048xi1>, vector<512x2048xi32>
    %jit3A_97 = arith.constant 0xFF800000 : f32
    %broadcast_in_dim3A_98 = vector.broadcast %jit3A_97 : f32 to vector<512x2048xf32>
    %select_n3A_99 = arith.select %eq3A_94, %broadcast_in_dim3A_98, %select_n3A_78 : vector<512x2048xi1>, vector<512x2048xf32>
    %reduce_max3A_100 = arith.constant dense<0xFF800000> : vector<512xf32>
    %reduce_max3A_101 = vector.multi_reduction <maximumf>, %select_n3A_95, %reduce_max3A_100 [1] : vector<512x2048xf32> to vector<512xf32>
    %broadcast_in_dim3A_102 = vector.shape_cast %reduce_max3A_101 : vector<512xf32> to vector<512x1xf32>
    %eq3A_103 = vector.broadcast %broadcast_in_dim3A_102 : vector<512x1xf32> to vector<512x2048xf32>
    %eq3A_104 = arith.cmpf oeq, %select_n3A_95, %eq3A_103 : vector<512x2048xf32>
    %jit3A_105 = arith.constant 1073741824 : i32
    %broadcast_in_dim3A_106 = vector.broadcast %jit3A_105 : i32 to vector<512x2048xi32>
    %select_n3A_107 = arith.select %eq3A_104, %select_n3A_96, %broadcast_in_dim3A_106 : vector<512x2048xi1>, vector<512x2048xi32>
    %reduce_min3A_108 = arith.constant dense<2147483647> : vector<512xi32>
    %reduce_min3A_109 = vector.multi_reduction <minsi>, %select_n3A_107, %reduce_min3A_108 [1] : vector<512x2048xi32> to vector<512xi32>
    %broadcast_in_dim3A_110 = vector.shape_cast %reduce_min3A_109 : vector<512xi32> to vector<512x1xi32>
    %and3A_111 = arith.constant 2047 : i32
    %and3A_112 = vector.broadcast %and3A_111 : i32 to vector<512x1xi32>
    %and3A_113 = arith.andi %broadcast_in_dim3A_110, %and3A_112 : vector<512x1xi32>
    %eq3A_114 = vector.broadcast %and3A_113 : vector<512x1xi32> to vector<512x2048xi32>
    %eq3A_115 = arith.cmpi eq, %iota3A, %eq3A_114 : vector<512x2048xi32>
    %select_n3A_116 = arith.select %eq3A_115, %select_n3A_99, %select_n3A_95 : vector<512x2048xi1>, vector<512x2048xf32>
    %select_n3A_117 = arith.select %eq3A_115, %select_n3A_38, %select_n3A_96 : vector<512x2048xi1>, vector<512x2048xi32>
    %jit3A_118 = arith.constant 0xFF800000 : f32
    %broadcast_in_dim3A_119 = vector.broadcast %jit3A_118 : f32 to vector<512x2048xf32>
    %select_n3A_120 = arith.select %eq3A_115, %broadcast_in_dim3A_119, %select_n3A_99 : vector<512x2048xi1>, vector<512x2048xf32>
    %reduce_max3A_121 = arith.constant dense<0xFF800000> : vector<512xf32>
    %reduce_max3A_122 = vector.multi_reduction <maximumf>, %select_n3A_116, %reduce_max3A_121 [1] : vector<512x2048xf32> to vector<512xf32>
    %broadcast_in_dim3A_123 = vector.shape_cast %reduce_max3A_122 : vector<512xf32> to vector<512x1xf32>
    %eq3A_124 = vector.broadcast %broadcast_in_dim3A_123 : vector<512x1xf32> to vector<512x2048xf32>
    %eq3A_125 = arith.cmpf oeq, %select_n3A_116, %eq3A_124 : vector<512x2048xf32>
    %jit3A_126 = arith.constant 1073741824 : i32
    %broadcast_in_dim3A_127 = vector.broadcast %jit3A_126 : i32 to vector<512x2048xi32>
    %select_n3A_128 = arith.select %eq3A_125, %select_n3A_117, %broadcast_in_dim3A_127 : vector<512x2048xi1>, vector<512x2048xi32>
    %reduce_min3A_129 = arith.constant dense<2147483647> : vector<512xi32>
    %reduce_min3A_130 = vector.multi_reduction <minsi>, %select_n3A_128, %reduce_min3A_129 [1] : vector<512x2048xi32> to vector<512xi32>
    %broadcast_in_dim3A_131 = vector.shape_cast %reduce_min3A_130 : vector<512xi32> to vector<512x1xi32>
    %and3A_132 = arith.constant 2047 : i32
    %and3A_133 = vector.broadcast %and3A_132 : i32 to vector<512x1xi32>
    %and3A_134 = arith.andi %broadcast_in_dim3A_131, %and3A_133 : vector<512x1xi32>
    %eq3A_135 = vector.broadcast %and3A_134 : vector<512x1xi32> to vector<512x2048xi32>
    %eq3A_136 = arith.cmpi eq, %iota3A, %eq3A_135 : vector<512x2048xi32>
    %select_n3A_137 = arith.select %eq3A_136, %select_n3A_120, %select_n3A_116 : vector<512x2048xi1>, vector<512x2048xf32>
    %select_n3A_138 = arith.select %eq3A_136, %select_n3A_38, %select_n3A_117 : vector<512x2048xi1>, vector<512x2048xi32>
    %jit3A_139 = arith.constant 0xFF800000 : f32
    %broadcast_in_dim3A_140 = vector.broadcast %jit3A_139 : f32 to vector<512x2048xf32>
    %select_n3A_141 = arith.select %eq3A_136, %broadcast_in_dim3A_140, %select_n3A_120 : vector<512x2048xi1>, vector<512x2048xf32>
    %reduce_max3A_142 = arith.constant dense<0xFF800000> : vector<512xf32>
    %reduce_max3A_143 = vector.multi_reduction <maximumf>, %select_n3A_137, %reduce_max3A_142 [1] : vector<512x2048xf32> to vector<512xf32>
    %broadcast_in_dim3A_144 = vector.shape_cast %reduce_max3A_143 : vector<512xf32> to vector<512x1xf32>
    %eq3A_145 = vector.broadcast %broadcast_in_dim3A_144 : vector<512x1xf32> to vector<512x2048xf32>
    %eq3A_146 = arith.cmpf oeq, %select_n3A_137, %eq3A_145 : vector<512x2048xf32>
    %jit3A_147 = arith.constant 1073741824 : i32
    %broadcast_in_dim3A_148 = vector.broadcast %jit3A_147 : i32 to vector<512x2048xi32>
    %select_n3A_149 = arith.select %eq3A_146, %select_n3A_138, %broadcast_in_dim3A_148 : vector<512x2048xi1>, vector<512x2048xi32>
    %reduce_min3A_150 = arith.constant dense<2147483647> : vector<512xi32>
    %reduce_min3A_151 = vector.multi_reduction <minsi>, %select_n3A_149, %reduce_min3A_150 [1] : vector<512x2048xi32> to vector<512xi32>
    %broadcast_in_dim3A_152 = vector.shape_cast %reduce_min3A_151 : vector<512xi32> to vector<512x1xi32>
    %and3A_153 = arith.constant 2047 : i32
    %and3A_154 = vector.broadcast %and3A_153 : i32 to vector<512x1xi32>
    %and3A_155 = arith.andi %broadcast_in_dim3A_152, %and3A_154 : vector<512x1xi32>
    %eq3A_156 = vector.broadcast %and3A_155 : vector<512x1xi32> to vector<512x2048xi32>
    %eq3A_157 = arith.cmpi eq, %iota3A, %eq3A_156 : vector<512x2048xi32>
    %select_n3A_158 = arith.select %eq3A_157, %select_n3A_141, %select_n3A_137 : vector<512x2048xi1>, vector<512x2048xf32>
    %select_n3A_159 = arith.select %eq3A_157, %select_n3A_38, %select_n3A_138 : vector<512x2048xi1>, vector<512x2048xi32>
    %jit3A_160 = arith.constant 0xFF800000 : f32
    %broadcast_in_dim3A_161 = vector.broadcast %jit3A_160 : f32 to vector<512x2048xf32>
    %select_n3A_162 = arith.select %eq3A_157, %broadcast_in_dim3A_161, %select_n3A_141 : vector<512x2048xi1>, vector<512x2048xf32>
    %reduce_max3A_163 = arith.constant dense<0xFF800000> : vector<512xf32>
    %reduce_max3A_164 = vector.multi_reduction <maximumf>, %select_n3A_158, %reduce_max3A_163 [1] : vector<512x2048xf32> to vector<512xf32>
    %broadcast_in_dim3A_165 = vector.shape_cast %reduce_max3A_164 : vector<512xf32> to vector<512x1xf32>
    %eq3A_166 = vector.broadcast %broadcast_in_dim3A_165 : vector<512x1xf32> to vector<512x2048xf32>
    %eq3A_167 = arith.cmpf oeq, %select_n3A_158, %eq3A_166 : vector<512x2048xf32>
    %jit3A_168 = arith.constant 1073741824 : i32
    %broadcast_in_dim3A_169 = vector.broadcast %jit3A_168 : i32 to vector<512x2048xi32>
    %select_n3A_170 = arith.select %eq3A_167, %select_n3A_159, %broadcast_in_dim3A_169 : vector<512x2048xi1>, vector<512x2048xi32>
    %reduce_min3A_171 = arith.constant dense<2147483647> : vector<512xi32>
    %reduce_min3A_172 = vector.multi_reduction <minsi>, %select_n3A_170, %reduce_min3A_171 [1] : vector<512x2048xi32> to vector<512xi32>
    %broadcast_in_dim3A_173 = vector.shape_cast %reduce_min3A_172 : vector<512xi32> to vector<512x1xi32>
    %and3A_174 = arith.constant 2047 : i32
    %and3A_175 = vector.broadcast %and3A_174 : i32 to vector<512x1xi32>
    %and3A_176 = arith.andi %broadcast_in_dim3A_173, %and3A_175 : vector<512x1xi32>
    %eq3A_177 = vector.broadcast %and3A_176 : vector<512x1xi32> to vector<512x2048xi32>
    %eq3A_178 = arith.cmpi eq, %iota3A, %eq3A_177 : vector<512x2048xi32>
    %select_n3A_179 = arith.select %eq3A_178, %select_n3A_162, %select_n3A_158 : vector<512x2048xi1>, vector<512x2048xf32>
    %select_n3A_180 = arith.select %eq3A_178, %select_n3A_38, %select_n3A_159 : vector<512x2048xi1>, vector<512x2048xi32>
    %jit3A_181 = arith.constant 0xFF800000 : f32
    %broadcast_in_dim3A_182 = vector.broadcast %jit3A_181 : f32 to vector<512x2048xf32>
    %select_n3A_183 = arith.select %eq3A_178, %broadcast_in_dim3A_182, %select_n3A_162 : vector<512x2048xi1>, vector<512x2048xf32>
    %reduce_max3A_184 = arith.constant dense<0xFF800000> : vector<512xf32>
    %reduce_max3A_185 = vector.multi_reduction <maximumf>, %select_n3A_179, %reduce_max3A_184 [1] : vector<512x2048xf32> to vector<512xf32>
    %broadcast_in_dim3A_186 = vector.shape_cast %reduce_max3A_185 : vector<512xf32> to vector<512x1xf32>
    %eq3A_187 = vector.broadcast %broadcast_in_dim3A_186 : vector<512x1xf32> to vector<512x2048xf32>
    %eq3A_188 = arith.cmpf oeq, %select_n3A_179, %eq3A_187 : vector<512x2048xf32>
    %jit3A_189 = arith.constant 1073741824 : i32
    %broadcast_in_dim3A_190 = vector.broadcast %jit3A_189 : i32 to vector<512x2048xi32>
    %select_n3A_191 = arith.select %eq3A_188, %select_n3A_180, %broadcast_in_dim3A_190 : vector<512x2048xi1>, vector<512x2048xi32>
    %reduce_min3A_192 = arith.constant dense<2147483647> : vector<512xi32>
    %reduce_min3A_193 = vector.multi_reduction <minsi>, %select_n3A_191, %reduce_min3A_192 [1] : vector<512x2048xi32> to vector<512xi32>
    %broadcast_in_dim3A_194 = vector.shape_cast %reduce_min3A_193 : vector<512xi32> to vector<512x1xi32>
    %and3A_195 = arith.constant 2047 : i32
    %and3A_196 = vector.broadcast %and3A_195 : i32 to vector<512x1xi32>
    %and3A_197 = arith.andi %broadcast_in_dim3A_194, %and3A_196 : vector<512x1xi32>
    %eq3A_198 = vector.broadcast %and3A_197 : vector<512x1xi32> to vector<512x2048xi32>
    %eq3A_199 = arith.cmpi eq, %iota3A, %eq3A_198 : vector<512x2048xi32>
    %select_n3A_200 = arith.select %eq3A_199, %select_n3A_183, %select_n3A_179 : vector<512x2048xi1>, vector<512x2048xf32>
    %select_n3A_201 = arith.select %eq3A_199, %select_n3A_38, %select_n3A_180 : vector<512x2048xi1>, vector<512x2048xi32>
    %jit3A_202 = arith.constant 0xFF800000 : f32
    %broadcast_in_dim3A_203 = vector.broadcast %jit3A_202 : f32 to vector<512x2048xf32>
    %select_n3A_204 = arith.select %eq3A_199, %broadcast_in_dim3A_203, %select_n3A_183 : vector<512x2048xi1>, vector<512x2048xf32>
    %reduce_max3A_205 = arith.constant dense<0xFF800000> : vector<512xf32>
    %reduce_max3A_206 = vector.multi_reduction <maximumf>, %select_n3A_200, %reduce_max3A_205 [1] : vector<512x2048xf32> to vector<512xf32>
    %broadcast_in_dim3A_207 = vector.shape_cast %reduce_max3A_206 : vector<512xf32> to vector<512x1xf32>
    %eq3A_208 = vector.broadcast %broadcast_in_dim3A_207 : vector<512x1xf32> to vector<512x2048xf32>
    %eq3A_209 = arith.cmpf oeq, %select_n3A_200, %eq3A_208 : vector<512x2048xf32>
    %jit3A_210 = arith.constant 1073741824 : i32
    %broadcast_in_dim3A_211 = vector.broadcast %jit3A_210 : i32 to vector<512x2048xi32>
    %select_n3A_212 = arith.select %eq3A_209, %select_n3A_201, %broadcast_in_dim3A_211 : vector<512x2048xi1>, vector<512x2048xi32>
    %reduce_min3A_213 = arith.constant dense<2147483647> : vector<512xi32>
    %reduce_min3A_214 = vector.multi_reduction <minsi>, %select_n3A_212, %reduce_min3A_213 [1] : vector<512x2048xi32> to vector<512xi32>
    %broadcast_in_dim3A_215 = vector.shape_cast %reduce_min3A_214 : vector<512xi32> to vector<512x1xi32>
    %and3A_216 = arith.constant 2047 : i32
    %and3A_217 = vector.broadcast %and3A_216 : i32 to vector<512x1xi32>
    %and3A_218 = arith.andi %broadcast_in_dim3A_215, %and3A_217 : vector<512x1xi32>
    %eq3A_219 = vector.broadcast %and3A_218 : vector<512x1xi32> to vector<512x2048xi32>
    %eq3A_220 = arith.cmpi eq, %iota3A, %eq3A_219 : vector<512x2048xi32>
    %select_n3A_221 = arith.select %eq3A_220, %select_n3A_204, %select_n3A_200 : vector<512x2048xi1>, vector<512x2048xf32>
    %select_n3A_222 = arith.select %eq3A_220, %select_n3A_38, %select_n3A_201 : vector<512x2048xi1>, vector<512x2048xi32>
    %jit3A_223 = arith.constant 0xFF800000 : f32
    %broadcast_in_dim3A_224 = vector.broadcast %jit3A_223 : f32 to vector<512x2048xf32>
    %select_n3A_225 = arith.select %eq3A_220, %broadcast_in_dim3A_224, %select_n3A_204 : vector<512x2048xi1>, vector<512x2048xf32>
    %reduce_max3A_226 = arith.constant dense<0xFF800000> : vector<512xf32>
    %reduce_max3A_227 = vector.multi_reduction <maximumf>, %select_n3A_221, %reduce_max3A_226 [1] : vector<512x2048xf32> to vector<512xf32>
    %broadcast_in_dim3A_228 = vector.shape_cast %reduce_max3A_227 : vector<512xf32> to vector<512x1xf32>
    %eq3A_229 = vector.broadcast %broadcast_in_dim3A_228 : vector<512x1xf32> to vector<512x2048xf32>
    %eq3A_230 = arith.cmpf oeq, %select_n3A_221, %eq3A_229 : vector<512x2048xf32>
    %jit3A_231 = arith.constant 1073741824 : i32
    %broadcast_in_dim3A_232 = vector.broadcast %jit3A_231 : i32 to vector<512x2048xi32>
    %select_n3A_233 = arith.select %eq3A_230, %select_n3A_222, %broadcast_in_dim3A_232 : vector<512x2048xi1>, vector<512x2048xi32>
    %reduce_min3A_234 = arith.constant dense<2147483647> : vector<512xi32>
    %reduce_min3A_235 = vector.multi_reduction <minsi>, %select_n3A_233, %reduce_min3A_234 [1] : vector<512x2048xi32> to vector<512xi32>
    %broadcast_in_dim3A_236 = vector.shape_cast %reduce_min3A_235 : vector<512xi32> to vector<512x1xi32>
    %and3A_237 = arith.constant 2047 : i32
    %and3A_238 = vector.broadcast %and3A_237 : i32 to vector<512x1xi32>
    %and3A_239 = arith.andi %broadcast_in_dim3A_236, %and3A_238 : vector<512x1xi32>
    %eq3A_240 = vector.broadcast %and3A_239 : vector<512x1xi32> to vector<512x2048xi32>
    %eq3A_241 = arith.cmpi eq, %iota3A, %eq3A_240 : vector<512x2048xi32>
    %select_n3A_242 = arith.select %eq3A_241, %select_n3A_225, %select_n3A_221 : vector<512x2048xi1>, vector<512x2048xf32>
    %select_n3A_243 = arith.select %eq3A_241, %select_n3A_38, %select_n3A_222 : vector<512x2048xi1>, vector<512x2048xi32>
    %jit3A_244 = arith.constant 0xFF800000 : f32
    %broadcast_in_dim3A_245 = vector.broadcast %jit3A_244 : f32 to vector<512x2048xf32>
    %select_n3A_246 = arith.select %eq3A_241, %broadcast_in_dim3A_245, %select_n3A_225 : vector<512x2048xi1>, vector<512x2048xf32>
    %reduce_max3A_247 = arith.constant dense<0xFF800000> : vector<512xf32>
    %reduce_max3A_248 = vector.multi_reduction <maximumf>, %select_n3A_242, %reduce_max3A_247 [1] : vector<512x2048xf32> to vector<512xf32>
    %broadcast_in_dim3A_249 = vector.shape_cast %reduce_max3A_248 : vector<512xf32> to vector<512x1xf32>
    %eq3A_250 = vector.broadcast %broadcast_in_dim3A_249 : vector<512x1xf32> to vector<512x2048xf32>
    %eq3A_251 = arith.cmpf oeq, %select_n3A_242, %eq3A_250 : vector<512x2048xf32>
    %jit3A_252 = arith.constant 1073741824 : i32
    %broadcast_in_dim3A_253 = vector.broadcast %jit3A_252 : i32 to vector<512x2048xi32>
    %select_n3A_254 = arith.select %eq3A_251, %select_n3A_243, %broadcast_in_dim3A_253 : vector<512x2048xi1>, vector<512x2048xi32>
    %reduce_min3A_255 = arith.constant dense<2147483647> : vector<512xi32>
    %reduce_min3A_256 = vector.multi_reduction <minsi>, %select_n3A_254, %reduce_min3A_255 [1] : vector<512x2048xi32> to vector<512xi32>
    %broadcast_in_dim3A_257 = vector.shape_cast %reduce_min3A_256 : vector<512xi32> to vector<512x1xi32>
    %and3A_258 = arith.constant 2047 : i32
    %and3A_259 = vector.broadcast %and3A_258 : i32 to vector<512x1xi32>
    %and3A_260 = arith.andi %broadcast_in_dim3A_257, %and3A_259 : vector<512x1xi32>
    %eq3A_261 = vector.broadcast %and3A_260 : vector<512x1xi32> to vector<512x2048xi32>
    %eq3A_262 = arith.cmpi eq, %iota3A, %eq3A_261 : vector<512x2048xi32>
    %select_n3A_263 = arith.select %eq3A_262, %select_n3A_246, %select_n3A_242 : vector<512x2048xi1>, vector<512x2048xf32>
    %select_n3A_264 = arith.select %eq3A_262, %select_n3A_38, %select_n3A_243 : vector<512x2048xi1>, vector<512x2048xi32>
    %jit3A_265 = arith.constant 0xFF800000 : f32
    %broadcast_in_dim3A_266 = vector.broadcast %jit3A_265 : f32 to vector<512x2048xf32>
    %select_n3A_267 = arith.select %eq3A_262, %broadcast_in_dim3A_266, %select_n3A_246 : vector<512x2048xi1>, vector<512x2048xf32>
    %reduce_max3A_268 = arith.constant dense<0xFF800000> : vector<512xf32>
    %reduce_max3A_269 = vector.multi_reduction <maximumf>, %select_n3A_263, %reduce_max3A_268 [1] : vector<512x2048xf32> to vector<512xf32>
    %broadcast_in_dim3A_270 = vector.shape_cast %reduce_max3A_269 : vector<512xf32> to vector<512x1xf32>
    %eq3A_271 = vector.broadcast %broadcast_in_dim3A_270 : vector<512x1xf32> to vector<512x2048xf32>
    %eq3A_272 = arith.cmpf oeq, %select_n3A_263, %eq3A_271 : vector<512x2048xf32>
    %jit3A_273 = arith.constant 1073741824 : i32
    %broadcast_in_dim3A_274 = vector.broadcast %jit3A_273 : i32 to vector<512x2048xi32>
    %select_n3A_275 = arith.select %eq3A_272, %select_n3A_264, %broadcast_in_dim3A_274 : vector<512x2048xi1>, vector<512x2048xi32>
    %reduce_min3A_276 = arith.constant dense<2147483647> : vector<512xi32>
    %reduce_min3A_277 = vector.multi_reduction <minsi>, %select_n3A_275, %reduce_min3A_276 [1] : vector<512x2048xi32> to vector<512xi32>
    %broadcast_in_dim3A_278 = vector.shape_cast %reduce_min3A_277 : vector<512xi32> to vector<512x1xi32>
    %and3A_279 = arith.constant 2047 : i32
    %and3A_280 = vector.broadcast %and3A_279 : i32 to vector<512x1xi32>
    %and3A_281 = arith.andi %broadcast_in_dim3A_278, %and3A_280 : vector<512x1xi32>
    %eq3A_282 = vector.broadcast %and3A_281 : vector<512x1xi32> to vector<512x2048xi32>
    %eq3A_283 = arith.cmpi eq, %iota3A, %eq3A_282 : vector<512x2048xi32>
    %select_n3A_284 = arith.select %eq3A_283, %select_n3A_267, %select_n3A_263 : vector<512x2048xi1>, vector<512x2048xf32>
    %select_n3A_285 = arith.select %eq3A_283, %select_n3A_38, %select_n3A_264 : vector<512x2048xi1>, vector<512x2048xi32>
    %jit3A_286 = arith.constant 0xFF800000 : f32
    %broadcast_in_dim3A_287 = vector.broadcast %jit3A_286 : f32 to vector<512x2048xf32>
    %select_n3A_288 = arith.select %eq3A_283, %broadcast_in_dim3A_287, %select_n3A_267 : vector<512x2048xi1>, vector<512x2048xf32>
    %reduce_max3A_289 = arith.constant dense<0xFF800000> : vector<512xf32>
    %reduce_max3A_290 = vector.multi_reduction <maximumf>, %select_n3A_284, %reduce_max3A_289 [1] : vector<512x2048xf32> to vector<512xf32>
    %broadcast_in_dim3A_291 = vector.shape_cast %reduce_max3A_290 : vector<512xf32> to vector<512x1xf32>
    %eq3A_292 = vector.broadcast %broadcast_in_dim3A_291 : vector<512x1xf32> to vector<512x2048xf32>
    %eq3A_293 = arith.cmpf oeq, %select_n3A_284, %eq3A_292 : vector<512x2048xf32>
    %jit3A_294 = arith.constant 1073741824 : i32
    %broadcast_in_dim3A_295 = vector.broadcast %jit3A_294 : i32 to vector<512x2048xi32>
    %select_n3A_296 = arith.select %eq3A_293, %select_n3A_285, %broadcast_in_dim3A_295 : vector<512x2048xi1>, vector<512x2048xi32>
    %reduce_min3A_297 = arith.constant dense<2147483647> : vector<512xi32>
    %reduce_min3A_298 = vector.multi_reduction <minsi>, %select_n3A_296, %reduce_min3A_297 [1] : vector<512x2048xi32> to vector<512xi32>
    %broadcast_in_dim3A_299 = vector.shape_cast %reduce_min3A_298 : vector<512xi32> to vector<512x1xi32>
    %and3A_300 = arith.constant 2047 : i32
    %and3A_301 = vector.broadcast %and3A_300 : i32 to vector<512x1xi32>
    %and3A_302 = arith.andi %broadcast_in_dim3A_299, %and3A_301 : vector<512x1xi32>
    %eq3A_303 = vector.broadcast %and3A_302 : vector<512x1xi32> to vector<512x2048xi32>
    %eq3A_304 = arith.cmpi eq, %iota3A, %eq3A_303 : vector<512x2048xi32>
    %select_n3A_305 = arith.select %eq3A_304, %select_n3A_288, %select_n3A_284 : vector<512x2048xi1>, vector<512x2048xf32>
    %select_n3A_306 = arith.select %eq3A_304, %select_n3A_38, %select_n3A_285 : vector<512x2048xi1>, vector<512x2048xi32>
    %jit3A_307 = arith.constant 0xFF800000 : f32
    %broadcast_in_dim3A_308 = vector.broadcast %jit3A_307 : f32 to vector<512x2048xf32>
    %select_n3A_309 = arith.select %eq3A_304, %broadcast_in_dim3A_308, %select_n3A_288 : vector<512x2048xi1>, vector<512x2048xf32>
    %reduce_max3A_310 = arith.constant dense<0xFF800000> : vector<512xf32>
    %reduce_max3A_311 = vector.multi_reduction <maximumf>, %select_n3A_305, %reduce_max3A_310 [1] : vector<512x2048xf32> to vector<512xf32>
    %broadcast_in_dim3A_312 = vector.shape_cast %reduce_max3A_311 : vector<512xf32> to vector<512x1xf32>
    %eq3A_313 = vector.broadcast %broadcast_in_dim3A_312 : vector<512x1xf32> to vector<512x2048xf32>
    %eq3A_314 = arith.cmpf oeq, %select_n3A_305, %eq3A_313 : vector<512x2048xf32>
    %jit3A_315 = arith.constant 1073741824 : i32
    %broadcast_in_dim3A_316 = vector.broadcast %jit3A_315 : i32 to vector<512x2048xi32>
    %select_n3A_317 = arith.select %eq3A_314, %select_n3A_306, %broadcast_in_dim3A_316 : vector<512x2048xi1>, vector<512x2048xi32>
    %reduce_min3A_318 = arith.constant dense<2147483647> : vector<512xi32>
    %reduce_min3A_319 = vector.multi_reduction <minsi>, %select_n3A_317, %reduce_min3A_318 [1] : vector<512x2048xi32> to vector<512xi32>
    %broadcast_in_dim3A_320 = vector.shape_cast %reduce_min3A_319 : vector<512xi32> to vector<512x1xi32>
    %and3A_321 = arith.constant 2047 : i32
    %and3A_322 = vector.broadcast %and3A_321 : i32 to vector<512x1xi32>
    %and3A_323 = arith.andi %broadcast_in_dim3A_320, %and3A_322 : vector<512x1xi32>
    %eq3A_324 = vector.broadcast %and3A_323 : vector<512x1xi32> to vector<512x2048xi32>
    %eq3A_325 = arith.cmpi eq, %iota3A, %eq3A_324 : vector<512x2048xi32>
    %select_n3A_326 = arith.select %eq3A_325, %select_n3A_309, %select_n3A_305 : vector<512x2048xi1>, vector<512x2048xf32>
    %select_n3A_327 = arith.select %eq3A_325, %select_n3A_38, %select_n3A_306 : vector<512x2048xi1>, vector<512x2048xi32>
    %jit3A_328 = arith.constant 0xFF800000 : f32
    %broadcast_in_dim3A_329 = vector.broadcast %jit3A_328 : f32 to vector<512x2048xf32>
    %select_n3A_330 = arith.select %eq3A_325, %broadcast_in_dim3A_329, %select_n3A_309 : vector<512x2048xi1>, vector<512x2048xf32>
    %reduce_max3A_331 = arith.constant dense<0xFF800000> : vector<512xf32>
    %reduce_max3A_332 = vector.multi_reduction <maximumf>, %select_n3A_326, %reduce_max3A_331 [1] : vector<512x2048xf32> to vector<512xf32>
    %broadcast_in_dim3A_333 = vector.shape_cast %reduce_max3A_332 : vector<512xf32> to vector<512x1xf32>
    %eq3A_334 = vector.broadcast %broadcast_in_dim3A_333 : vector<512x1xf32> to vector<512x2048xf32>
    %eq3A_335 = arith.cmpf oeq, %select_n3A_326, %eq3A_334 : vector<512x2048xf32>
    %jit3A_336 = arith.constant 1073741824 : i32
    %broadcast_in_dim3A_337 = vector.broadcast %jit3A_336 : i32 to vector<512x2048xi32>
    %select_n3A_338 = arith.select %eq3A_335, %select_n3A_327, %broadcast_in_dim3A_337 : vector<512x2048xi1>, vector<512x2048xi32>
    %reduce_min3A_339 = arith.constant dense<2147483647> : vector<512xi32>
    %reduce_min3A_340 = vector.multi_reduction <minsi>, %select_n3A_338, %reduce_min3A_339 [1] : vector<512x2048xi32> to vector<512xi32>
    %broadcast_in_dim3A_341 = vector.shape_cast %reduce_min3A_340 : vector<512xi32> to vector<512x1xi32>
    %and3A_342 = arith.constant 2047 : i32
    %and3A_343 = vector.broadcast %and3A_342 : i32 to vector<512x1xi32>
    %and3A_344 = arith.andi %broadcast_in_dim3A_341, %and3A_343 : vector<512x1xi32>
    %eq3A_345 = vector.broadcast %and3A_344 : vector<512x1xi32> to vector<512x2048xi32>
    %eq3A_346 = arith.cmpi eq, %iota3A, %eq3A_345 : vector<512x2048xi32>
    %select_n3A_347 = arith.select %eq3A_346, %select_n3A_330, %select_n3A_326 : vector<512x2048xi1>, vector<512x2048xf32>
    %select_n3A_348 = arith.select %eq3A_346, %select_n3A_38, %select_n3A_327 : vector<512x2048xi1>, vector<512x2048xi32>
    %reduce_max3A_349 = arith.constant dense<0xFF800000> : vector<512xf32>
    %reduce_max3A_350 = vector.multi_reduction <maximumf>, %select_n3A_347, %reduce_max3A_349 [1] : vector<512x2048xf32> to vector<512xf32>
    %broadcast_in_dim3A_351 = vector.shape_cast %reduce_max3A_350 : vector<512xf32> to vector<512x1xf32>
    %eq3A_352 = vector.broadcast %broadcast_in_dim3A_351 : vector<512x1xf32> to vector<512x2048xf32>
    %eq3A_353 = arith.cmpf oeq, %select_n3A_347, %eq3A_352 : vector<512x2048xf32>
    %jit3A_354 = arith.constant 1073741824 : i32
    %broadcast_in_dim3A_355 = vector.broadcast %jit3A_354 : i32 to vector<512x2048xi32>
    %select_n3A_356 = arith.select %eq3A_353, %select_n3A_348, %broadcast_in_dim3A_355 : vector<512x2048xi1>, vector<512x2048xi32>
    %reduce_min3A_357 = arith.constant dense<2147483647> : vector<512xi32>
    %reduce_min3A_358 = vector.multi_reduction <minsi>, %select_n3A_356, %reduce_min3A_357 [1] : vector<512x2048xi32> to vector<512xi32>
    %broadcast_in_dim3A_359 = vector.shape_cast %reduce_min3A_358 : vector<512xi32> to vector<512x1xi32>
    %concatenate3A = tpu.concatenate %broadcast_in_dim3A_48, %broadcast_in_dim3A_68, %broadcast_in_dim3A_89, %broadcast_in_dim3A_110, %broadcast_in_dim3A_131, %broadcast_in_dim3A_152, %broadcast_in_dim3A_173, %broadcast_in_dim3A_194, %broadcast_in_dim3A_215, %broadcast_in_dim3A_236, %broadcast_in_dim3A_257, %broadcast_in_dim3A_278, %broadcast_in_dim3A_299, %broadcast_in_dim3A_320, %broadcast_in_dim3A_341, %broadcast_in_dim3A_359 in 1 : vector<512x1xi32>, vector<512x1xi32>, vector<512x1xi32>, vector<512x1xi32>, vector<512x1xi32>, vector<512x1xi32>, vector<512x1xi32>, vector<512x1xi32>, vector<512x1xi32>, vector<512x1xi32>, vector<512x1xi32>, vector<512x1xi32>, vector<512x1xi32>, vector<512x1xi32>, vector<512x1xi32>, vector<512x1xi32> -> vector<512x16xi32>
    %add3A_360 = vector.broadcast %mul3A_40 : i32 to vector<512x16xi32>
    %add3A_361 = arith.addi %concatenate3A, %add3A_360 : vector<512x16xi32>
    %swap3A = arith.constant 0 : index
    %swap3A_362 = arith.constant 0 : index
    %swap3A_363 = vector.load %arg5[%swap3A, %swap3A_362] : memref<512x16xi32, #tpu.memory_space<vmem>>, vector<512x16xi32>
    tpu.vector_store %arg5[%swap3A, %swap3A_362], %add3A_361 {strides = array<i32>} : memref<512x16xi32, #tpu.memory_space<vmem>>, vector<512x16xi32>,
    return
  }
  func.func @transform_0(%arg0: i32, %arg1: i32) -> (i32, i32) {
    %mul3A = arith.constant 8 : i32
    %mul3A_0 = arith.muli %arg0, %mul3A : i32
    %add3A = arith.addi %mul3A_0, %arg1 : i32
    %c0_i32 = arith.constant 0 : i32
    %c0_i32_1 = arith.constant 0 : i32
    return %add3A, %c0_i32 : i32, i32
  }
  func.func @transform_1(%arg0: i32, %arg1: i32) -> (i32, i32, i32) {
    %c0_i32 = arith.constant 0 : i32
    %c0_i32_0 = arith.constant 0 : i32
    %c0_i32_1 = arith.constant 0 : i32
    return %arg0, %c0_i32, %c0_i32_0 : i32, i32, i32
  }
  func.func @transform_2(%arg0: i32, %arg1: i32) -> (i32, i32, i32) {
    %c0_i32 = arith.constant 0 : i32
    %c0_i32_0 = arith.constant 0 : i32
    %c0_i32_1 = arith.constant 0 : i32
    return %arg0, %c0_i32, %c0_i32_0 : i32, i32, i32
  }
  func.func @transform_3(%arg0: i32, %arg1: i32) -> (i32, i32) {
    %mul3A = arith.constant 8 : i32
    %mul3A_0 = arith.muli %arg0, %mul3A : i32
    %add3A = arith.addi %mul3A_0, %arg1 : i32
    %c0_i32 = arith.constant 0 : i32
    %c0_i32_1 = arith.constant 0 : i32
    return %add3A, %c0_i32 : i32, i32
  }
}

module attributes {stable_mosaic.version = 14 : i64} {
  func.func @_layer_body(%arg0: i32, %arg1: i32, %arg2: memref<512x16xf32, #tpu.memory_space<vmem>>, %arg3: memref<512x32xf32, #tpu.memory_space<vmem>>, %arg4: memref<8192x128xf32, #tpu.memory_space<vmem>>, %arg5: memref<512x1xf32, #tpu.memory_space<vmem>>, %arg6: memref<3x16xf32, #tpu.memory_space<vmem>>, %arg7: memref<1x16xf32, #tpu.memory_space<vmem>>, %arg8: memref<16x16xf32, #tpu.memory_space<vmem>>, %arg9: memref<1x16xf32, #tpu.memory_space<vmem>>, %arg10: memref<16x4xf32, #tpu.memory_space<vmem>>, %arg11: memref<4x16xf32, #tpu.memory_space<vmem>>, %arg12: memref<16x16xf32, #tpu.memory_space<vmem>>, %arg13: memref<1x16xf32, #tpu.memory_space<vmem>>, %arg14: memref<16x4xf32, #tpu.memory_space<vmem>>, %arg15: memref<1x4xf32, #tpu.memory_space<vmem>>, %arg16: memref<16x16xf32, #tpu.memory_space<vmem>>, %arg17: memref<1x16xf32, #tpu.memory_space<vmem>>, %arg18: memref<512x16xf32, #tpu.memory_space<vmem>>, %arg19: memref<1x1x16xf32, #tpu.memory_space<vmem>>, %arg20: memref<512x32xf32, #tpu.memory_space<vmem>>) attributes {dimension_semantics = [#tpu.dimension_semantics<arbitrary>, #tpu.dimension_semantics<arbitrary>], iteration_bounds = array<i64: 2, 8>, scalar_prefetch = 0 : i64, scratch_operands = 0 : i64, tpu.core_type = #tpu.core_type<tc>, window_params = [{transform_indices = @transform_0, window_bounds = array<i64: 512, 16>}, {transform_indices = @transform_1, window_bounds = array<i64: 512, 32>}, {transform_indices = @transform_2, window_bounds = array<i64: 8192, 128>}, {transform_indices = @transform_3, window_bounds = array<i64: 512, 1>}, {pipeline_mode = #tpu.pipeline_mode<synchronous>, transform_indices = @transform_4, window_bounds = array<i64: 3, 16>}, {pipeline_mode = #tpu.pipeline_mode<synchronous>, transform_indices = @transform_5, window_bounds = array<i64: 1, 16>}, {pipeline_mode = #tpu.pipeline_mode<synchronous>, transform_indices = @transform_6, window_bounds = array<i64: 16, 16>}, {pipeline_mode = #tpu.pipeline_mode<synchronous>, transform_indices = @transform_7, window_bounds = array<i64: 1, 16>}, {pipeline_mode = #tpu.pipeline_mode<synchronous>, transform_indices = @transform_8, window_bounds = array<i64: 16, 4>}, {pipeline_mode = #tpu.pipeline_mode<synchronous>, transform_indices = @transform_9, window_bounds = array<i64: 4, 16>}, {pipeline_mode = #tpu.pipeline_mode<synchronous>, transform_indices = @transform_10, window_bounds = array<i64: 16, 16>}, {pipeline_mode = #tpu.pipeline_mode<synchronous>, transform_indices = @transform_11, window_bounds = array<i64: 1, 16>}, {pipeline_mode = #tpu.pipeline_mode<synchronous>, transform_indices = @transform_12, window_bounds = array<i64: 16, 4>}, {pipeline_mode = #tpu.pipeline_mode<synchronous>, transform_indices = @transform_13, window_bounds = array<i64: 1, 4>}, {pipeline_mode = #tpu.pipeline_mode<synchronous>, transform_indices = @transform_14, window_bounds = array<i64: 16, 16>}, {pipeline_mode = #tpu.pipeline_mode<synchronous>, transform_indices = @transform_15, window_bounds = array<i64: 1, 16>}, {transform_indices = @transform_16, window_bounds = array<i64: 512, 16>}, {transform_indices = @transform_17, window_bounds = array<i64: 1, 1, 16>}, {transform_indices = @transform_18, window_bounds = array<i64: 512, 32>}]} {
    %get3A = arith.constant 0 : index
    %get3A_0 = arith.constant 0 : index
    %get3A_1 = vector.load %arg2[%get3A, %get3A_0] : memref<512x16xf32, #tpu.memory_space<vmem>>, vector<512x16xf32>
    %get3A_2 = arith.constant 0 : index
    %get3A_3 = arith.constant 0 : index
    %get3A_4 = vector.load %arg4[%get3A_2, %get3A_3] : memref<8192x128xf32, #tpu.memory_space<vmem>>, vector<8192x32xf32>
    %get3A_5 = arith.constant 0 : index
    %get3A_6 = arith.constant 0 : index
    %get3A_7 = vector.load %arg3[%get3A_5, %get3A_6] : memref<512x32xf32, #tpu.memory_space<vmem>>, vector<512x3xf32>
    %reshape3A = vector.shape_cast %get3A_4 : vector<8192x32xf32> to vector<512x16x32xf32>
    %get3A_8 = arith.constant 0 : index
    %get3A_9 = arith.constant 0 : index
    %get3A_10 = vector.load %arg6[%get3A_8, %get3A_9] : memref<3x16xf32, #tpu.memory_space<vmem>>, vector<3x16xf32>
    %dot_general3A = arith.constant dense<0.000000e+00> : vector<512x16xf32>
    %dot_general3A_11 = tpu.matmul %get3A_7, %get3A_10, %dot_general3A {dimension_numbers = #tpu.dot_dimension_numbers<[1], [0], [0], [1], [0, 0, 1, 1], [], []>, transpose_lhs_hint = false} : vector<512x3xf32>, vector<3x16xf32>, vector<512x16xf32> -> vector<512x16xf32>
    %get3A_12 = arith.constant 0 : index
    %get3A_13 = arith.constant 0 : index
    %get3A_14 = vector.load %arg7[%get3A_12, %get3A_13] : memref<1x16xf32, #tpu.memory_space<vmem>>, vector<1x16xf32>
    %add3A = vector.broadcast %get3A_14 : vector<1x16xf32> to vector<512x16xf32>
    %add3A_15 = arith.addf %dot_general3A_11, %add3A : vector<512x16xf32>
    %slice3A = vector.extract_strided_slice %get3A_4 {offsets = [0, 0], sizes = [8192, 3], strides = [1, 1]} : vector<8192x32xf32> to vector<8192x3xf32>
    %get3A_16 = arith.constant 0 : index
    %get3A_17 = arith.constant 0 : index
    %get3A_18 = vector.load %arg6[%get3A_16, %get3A_17] : memref<3x16xf32, #tpu.memory_space<vmem>>, vector<3x16xf32>
    %dot_general3A_19 = arith.constant dense<0.000000e+00> : vector<8192x16xf32>
    %dot_general3A_20 = tpu.matmul %slice3A, %get3A_18, %dot_general3A_19 {dimension_numbers = #tpu.dot_dimension_numbers<[1], [0], [0], [1], [0, 0, 1, 1], [], []>, transpose_lhs_hint = false} : vector<8192x3xf32>, vector<3x16xf32>, vector<8192x16xf32> -> vector<8192x16xf32>
    %reshape3A_21 = vector.shape_cast %add3A_15 : vector<512x16xf32> to vector<512x1x16xf32>
    %reshape3A_22 = vector.shape_cast %dot_general3A_20 : vector<8192x16xf32> to vector<512x16x16xf32>
    %sub3A = vector.broadcast %reshape3A_21 : vector<512x1x16xf32> to vector<512x16x16xf32>
    %sub3A_23 = arith.subf %sub3A, %reshape3A_22 : vector<512x16x16xf32>
    %reshape3A_24 = vector.shape_cast %sub3A_23 : vector<512x16x16xf32> to vector<8192x16xf32>
    %max3A = arith.constant 0.000000e+00 : f32
    %max3A_25 = vector.broadcast %max3A : f32 to vector<8192x16xf32>
    %max3A_26 = arith.maximumf %reshape3A_24, %max3A_25 : vector<8192x16xf32>
    %get3A_27 = arith.constant 0 : index
    %get3A_28 = arith.constant 0 : index
    %get3A_29 = vector.load %arg8[%get3A_27, %get3A_28] : memref<16x16xf32, #tpu.memory_space<vmem>>, vector<16x16xf32>
    %dot_general3A_30 = arith.constant dense<0.000000e+00> : vector<8192x16xf32>
    %dot_general3A_31 = tpu.matmul %max3A_26, %get3A_29, %dot_general3A_30 {dimension_numbers = #tpu.dot_dimension_numbers<[1], [0], [0], [1], [0, 0, 1, 1], [], []>, transpose_lhs_hint = false} : vector<8192x16xf32>, vector<16x16xf32>, vector<8192x16xf32> -> vector<8192x16xf32>
    %get3A_32 = arith.constant 0 : index
    %get3A_33 = arith.constant 0 : index
    %get3A_34 = vector.load %arg9[%get3A_32, %get3A_33] : memref<1x16xf32, #tpu.memory_space<vmem>>, vector<1x16xf32>
    %add3A_35 = vector.broadcast %get3A_34 : vector<1x16xf32> to vector<8192x16xf32>
    %add3A_36 = arith.addf %dot_general3A_31, %add3A_35 : vector<8192x16xf32>
    %get3A_37 = arith.constant 0 : index
    %get3A_38 = arith.constant 0 : index
    %get3A_39 = vector.load %arg10[%get3A_37, %get3A_38] : memref<16x4xf32, #tpu.memory_space<vmem>>, vector<16x4xf32>
    %dot_general3A_40 = arith.constant dense<0.000000e+00> : vector<8192x4xf32>
    %dot_general3A_41 = tpu.matmul %add3A_36, %get3A_39, %dot_general3A_40 {dimension_numbers = #tpu.dot_dimension_numbers<[1], [0], [0], [1], [0, 0, 1, 1], [], []>, transpose_lhs_hint = false} : vector<8192x16xf32>, vector<16x4xf32>, vector<8192x4xf32> -> vector<8192x4xf32>
    %reshape3A_42 = vector.shape_cast %dot_general3A_41 : vector<8192x4xf32> to vector<512x16x4xf32>
    %slice3A_43 = vector.extract_strided_slice %reshape3A {offsets = [0, 0, 4], sizes = [512, 16, 4], strides = [1, 1, 1]} : vector<512x16x32xf32> to vector<512x16x4xf32>
    %sub3A_44 = arith.subf %reshape3A_42, %slice3A_43 : vector<512x16x4xf32>
    %exp3A = math.exp %sub3A_44 : vector<512x16x4xf32>
    %reduce_sum3A = arith.constant dense<0.000000e+00> : vector<512x4xf32>
    %reduce_sum3A_45 = vector.multi_reduction <add>, %exp3A, %reduce_sum3A [1] : vector<512x16x4xf32> to vector<512x4xf32>
    %broadcast_in_dim3A = vector.shape_cast %reduce_sum3A_45 : vector<512x4xf32> to vector<512x1x4xf32>
    %div3A = arith.constant 1.000000e+00 : f32
    %div3A_46 = vector.broadcast %div3A : f32 to vector<512x1x4xf32>
    %div3A_47 = arith.divf %div3A_46, %broadcast_in_dim3A : vector<512x1x4xf32>
    %mul3A = vector.broadcast %div3A_47 : vector<512x1x4xf32> to vector<512x16x4xf32>
    %mul3A_48 = arith.mulf %exp3A, %mul3A : vector<512x16x4xf32>
    %reshape3A_49 = vector.shape_cast %mul3A_48 : vector<512x16x4xf32> to vector<8192x4xf32>
    %get3A_50 = arith.constant 0 : index
    %get3A_51 = arith.constant 0 : index
    %get3A_52 = vector.load %arg11[%get3A_50, %get3A_51] : memref<4x16xf32, #tpu.memory_space<vmem>>, vector<4x16xf32>
    %dot_general3A_53 = arith.constant dense<0.000000e+00> : vector<8192x16xf32>
    %dot_general3A_54 = tpu.matmul %reshape3A_49, %get3A_52, %dot_general3A_53 {dimension_numbers = #tpu.dot_dimension_numbers<[1], [0], [0], [1], [0, 0, 1, 1], [], []>, transpose_lhs_hint = false} : vector<8192x4xf32>, vector<4x16xf32>, vector<8192x16xf32> -> vector<8192x16xf32>
    %slice3A_55 = vector.extract_strided_slice %get3A_4 {offsets = [0, 16], sizes = [8192, 16], strides = [1, 1]} : vector<8192x32xf32> to vector<8192x16xf32>
    %add3A_56 = arith.addf %slice3A_55, %add3A_36 : vector<8192x16xf32>
    %mul3A_57 = arith.mulf %dot_general3A_54, %add3A_56 : vector<8192x16xf32>
    %reshape3A_58 = vector.shape_cast %mul3A_57 : vector<8192x16xf32> to vector<512x16x16xf32>
    %reduce_sum3A_59 = arith.constant dense<0.000000e+00> : vector<512x16xf32>
    %reduce_sum3A_60 = vector.multi_reduction <add>, %reshape3A_58, %reduce_sum3A_59 [1] : vector<512x16x16xf32> to vector<512x16xf32>
    %get3A_61 = arith.constant 0 : index
    %get3A_62 = arith.constant 0 : index
    %get3A_63 = vector.load %arg12[%get3A_61, %get3A_62] : memref<16x16xf32, #tpu.memory_space<vmem>>, vector<16x16xf32>
    %dot_general3A_64 = arith.constant dense<0.000000e+00> : vector<512x16xf32>
    %dot_general3A_65 = tpu.matmul %reduce_sum3A_60, %get3A_63, %dot_general3A_64 {dimension_numbers = #tpu.dot_dimension_numbers<[1], [0], [0], [1], [0, 0, 1, 1], [], []>, transpose_lhs_hint = false} : vector<512x16xf32>, vector<16x16xf32>, vector<512x16xf32> -> vector<512x16xf32>
    %get3A_66 = arith.constant 0 : index
    %get3A_67 = arith.constant 0 : index
    %get3A_68 = vector.load %arg13[%get3A_66, %get3A_67] : memref<1x16xf32, #tpu.memory_space<vmem>>, vector<1x16xf32>
    %add3A_69 = vector.broadcast %get3A_68 : vector<1x16xf32> to vector<512x16xf32>
    %add3A_70 = arith.addf %dot_general3A_65, %add3A_69 : vector<512x16xf32>
    %add3A_71 = arith.addf %get3A_1, %add3A_70 : vector<512x16xf32>
    %max3A_72 = arith.constant 0.000000e+00 : f32
    %max3A_73 = vector.broadcast %max3A_72 : f32 to vector<512x16xf32>
    %max3A_74 = arith.maximumf %add3A_71, %max3A_73 : vector<512x16xf32>
    %swap3A = arith.constant 0 : index
    %swap3A_75 = arith.constant 0 : index
    %swap3A_76 = vector.load %arg18[%swap3A, %swap3A_75] : memref<512x16xf32, #tpu.memory_space<vmem>>, vector<512x16xf32>
    tpu.vector_store %arg18[%swap3A, %swap3A_75], %max3A_74 {strides = array<i32>} : memref<512x16xf32, #tpu.memory_space<vmem>>, vector<512x16xf32>,
    %get3A_77 = arith.constant 0 : index
    %get3A_78 = arith.constant 0 : index
    %get3A_79 = vector.load %arg5[%get3A_77, %get3A_78] : memref<512x1xf32, #tpu.memory_space<vmem>>, vector<512x1xf32>
    %gt3A = arith.constant 0.000000e+00 : f32
    %gt3A_80 = vector.broadcast %gt3A : f32 to vector<512x1xf32>
    %gt3A_81 = arith.cmpf ogt, %get3A_79, %gt3A_80 : vector<512x1xf32>
    %jit3A = arith.constant 0xFF800000 : f32
    %broadcast_in_dim3A_82 = vector.shape_cast %gt3A_81 : vector<512x1xi1> to vector<512x1xi1>
    %broadcast_in_dim3A_83 = vector.broadcast %broadcast_in_dim3A_82 : vector<512x1xi1> to vector<512x16xi1>
    %broadcast_in_dim3A_84 = vector.broadcast %jit3A : f32 to vector<512x16xf32>
    %select_n3A = arith.select %broadcast_in_dim3A_83, %max3A_74, %broadcast_in_dim3A_84 : vector<512x16xi1>, vector<512x16xf32>
    %reduce_max3A = arith.constant dense<0xFF800000> : vector<16xf32>
    %reduce_max3A_85 = vector.multi_reduction <maximumf>, %select_n3A, %reduce_max3A [0] : vector<512x16xf32> to vector<16xf32>
    %broadcast_in_dim3A_86 = vector.shape_cast %reduce_max3A_85 : vector<16xf32> to vector<1x16xf32>
    %eq3A = arith.constant 0 : i32
    %eq3A_87 = arith.cmpi eq, %arg1, %eq3A : i32
    %convert_element_type3A = arith.extui %eq3A_87 : i1 to i32
    %cond3A = arith.constant 0 : i32
    %cond3A_88 = arith.cmpi ne, %convert_element_type3A, %cond3A : i32
    scf.if %cond3A_88 {
      %swap3A_120 = arith.constant 0 : index
      %swap3A_121 = arith.constant 0 : index
      %swap3A_122 = arith.constant 0 : index
      %swap3A_123 = vector.load %arg19[%swap3A_120, %swap3A_121, %swap3A_122] : memref<1x1x16xf32, #tpu.memory_space<vmem>>, vector<1x1x16xf32>
      %swap3A_124 = vector.shape_cast %swap3A_123 : vector<1x1x16xf32> to vector<1x16xf32>
      %swap3A_125 = vector.shape_cast %broadcast_in_dim3A_86 : vector<1x16xf32> to vector<1x1x16xf32>
      tpu.vector_store %arg19[%swap3A_120, %swap3A_121, %swap3A_122], %swap3A_125 {strides = array<i32>} : memref<1x1x16xf32, #tpu.memory_space<vmem>>, vector<1x1x16xf32>,
    } else {
    }
    %ne3A = arith.constant 0 : i32
    %ne3A_89 = arith.cmpi ne, %arg1, %ne3A : i32
    %convert_element_type3A_90 = arith.extui %ne3A_89 : i1 to i32
    %cond3A_91 = arith.constant 0 : i32
    %cond3A_92 = arith.cmpi ne, %convert_element_type3A_90, %cond3A_91 : i32
    scf.if %cond3A_92 {
      %get3A_120 = arith.constant 0 : index
      %get3A_121 = arith.constant 0 : index
      %get3A_122 = arith.constant 0 : index
      %get3A_123 = vector.load %arg19[%get3A_120, %get3A_121, %get3A_122] : memref<1x1x16xf32, #tpu.memory_space<vmem>>, vector<1x1x16xf32>
      %get3A_124 = vector.shape_cast %get3A_123 : vector<1x1x16xf32> to vector<1x16xf32>
      %max3A_125 = arith.maximumf %get3A_124, %broadcast_in_dim3A_86 : vector<1x16xf32>
      %swap3A_126 = arith.constant 0 : index
      %swap3A_127 = arith.constant 0 : index
      %swap3A_128 = arith.constant 0 : index
      %swap3A_129 = vector.load %arg19[%swap3A_126, %swap3A_127, %swap3A_128] : memref<1x1x16xf32, #tpu.memory_space<vmem>>, vector<1x1x16xf32>
      %swap3A_130 = vector.shape_cast %swap3A_129 : vector<1x1x16xf32> to vector<1x16xf32>
      %swap3A_131 = vector.shape_cast %max3A_125 : vector<1x16xf32> to vector<1x1x16xf32>
      tpu.vector_store %arg19[%swap3A_126, %swap3A_127, %swap3A_128], %swap3A_131 {strides = array<i32>} : memref<1x1x16xf32, #tpu.memory_space<vmem>>, vector<1x1x16xf32>,
    } else {
    }
    %get3A_93 = arith.constant 0 : index
    %get3A_94 = arith.constant 0 : index
    %get3A_95 = vector.load %arg14[%get3A_93, %get3A_94] : memref<16x4xf32, #tpu.memory_space<vmem>>, vector<16x4xf32>
    %dot_general3A_96 = arith.constant dense<0.000000e+00> : vector<512x4xf32>
    %dot_general3A_97 = tpu.matmul %max3A_74, %get3A_95, %dot_general3A_96 {dimension_numbers = #tpu.dot_dimension_numbers<[1], [0], [0], [1], [0, 0, 1, 1], [], []>, transpose_lhs_hint = false} : vector<512x16xf32>, vector<16x4xf32>, vector<512x4xf32> -> vector<512x4xf32>
    %get3A_98 = arith.constant 0 : index
    %get3A_99 = arith.constant 0 : index
    %get3A_100 = vector.load %arg15[%get3A_98, %get3A_99] : memref<1x4xf32, #tpu.memory_space<vmem>>, vector<1x4xf32>
    %add3A_101 = vector.broadcast %get3A_100 : vector<1x4xf32> to vector<512x4xf32>
    %add3A_102 = arith.addf %dot_general3A_97, %add3A_101 : vector<512x4xf32>
    %get3A_103 = arith.constant 0 : index
    %get3A_104 = arith.constant 0 : index
    %get3A_105 = vector.load %arg16[%get3A_103, %get3A_104] : memref<16x16xf32, #tpu.memory_space<vmem>>, vector<16x16xf32>
    %dot_general3A_106 = arith.constant dense<0.000000e+00> : vector<512x16xf32>
    %dot_general3A_107 = tpu.matmul %max3A_74, %get3A_105, %dot_general3A_106 {dimension_numbers = #tpu.dot_dimension_numbers<[1], [0], [0], [1], [0, 0, 1, 1], [], []>, transpose_lhs_hint = false} : vector<512x16xf32>, vector<16x16xf32>, vector<512x16xf32> -> vector<512x16xf32>
    %get3A_108 = arith.constant 0 : index
    %get3A_109 = arith.constant 0 : index
    %get3A_110 = vector.load %arg17[%get3A_108, %get3A_109] : memref<1x16xf32, #tpu.memory_space<vmem>>, vector<1x16xf32>
    %add3A_111 = vector.broadcast %get3A_110 : vector<1x16xf32> to vector<512x16xf32>
    %add3A_112 = arith.addf %dot_general3A_107, %add3A_111 : vector<512x16xf32>
    %broadcast_in_dim3A_113 = arith.constant 0.000000e+00 : f32
    %broadcast_in_dim3A_114 = vector.broadcast %broadcast_in_dim3A_113 : f32 to vector<512x1xf32>
    %broadcast_in_dim3A_115 = arith.constant 0.000000e+00 : f32
    %broadcast_in_dim3A_116 = vector.broadcast %broadcast_in_dim3A_115 : f32 to vector<512x8xf32>
    %concatenate3A = tpu.concatenate %get3A_7, %broadcast_in_dim3A_114, %add3A_102, %broadcast_in_dim3A_116, %add3A_112 in 1 : vector<512x3xf32>, vector<512x1xf32>, vector<512x4xf32>, vector<512x8xf32>, vector<512x16xf32> -> vector<512x32xf32>
    %swap3A_117 = arith.constant 0 : index
    %swap3A_118 = arith.constant 0 : index
    %swap3A_119 = vector.load %arg20[%swap3A_117, %swap3A_118] : memref<512x32xf32, #tpu.memory_space<vmem>>, vector<512x32xf32>
    tpu.vector_store %arg20[%swap3A_117, %swap3A_118], %concatenate3A {strides = array<i32>} : memref<512x32xf32, #tpu.memory_space<vmem>>, vector<512x32xf32>,
    return
  }
  func.func @transform_0(%arg0: i32, %arg1: i32) -> (i32, i32) {
    %mul3A = arith.constant 8 : i32
    %mul3A_0 = arith.muli %arg0, %mul3A : i32
    %add3A = arith.addi %mul3A_0, %arg1 : i32
    %c0_i32 = arith.constant 0 : i32
    %c0_i32_1 = arith.constant 0 : i32
    return %add3A, %c0_i32 : i32, i32
  }
  func.func @transform_1(%arg0: i32, %arg1: i32) -> (i32, i32) {
    %mul3A = arith.constant 8 : i32
    %mul3A_0 = arith.muli %arg0, %mul3A : i32
    %add3A = arith.addi %mul3A_0, %arg1 : i32
    %c0_i32 = arith.constant 0 : i32
    %c0_i32_1 = arith.constant 0 : i32
    return %add3A, %c0_i32 : i32, i32
  }
  func.func @transform_2(%arg0: i32, %arg1: i32) -> (i32, i32) {
    %mul3A = arith.constant 8 : i32
    %mul3A_0 = arith.muli %arg0, %mul3A : i32
    %add3A = arith.addi %mul3A_0, %arg1 : i32
    %c0_i32 = arith.constant 0 : i32
    %c0_i32_1 = arith.constant 0 : i32
    return %add3A, %c0_i32 : i32, i32
  }
  func.func @transform_3(%arg0: i32, %arg1: i32) -> (i32, i32) {
    %mul3A = arith.constant 8 : i32
    %mul3A_0 = arith.muli %arg0, %mul3A : i32
    %add3A = arith.addi %mul3A_0, %arg1 : i32
    %c0_i32 = arith.constant 0 : i32
    %c0_i32_1 = arith.constant 0 : i32
    return %add3A, %c0_i32 : i32, i32
  }
  func.func @transform_4(%arg0: i32, %arg1: i32) -> (i32, i32) {
    %c0_i32 = arith.constant 0 : i32
    %c0_i32_0 = arith.constant 0 : i32
    %c0_i32_1 = arith.constant 0 : i32
    return %c0_i32, %c0_i32_0 : i32, i32
  }
  func.func @transform_5(%arg0: i32, %arg1: i32) -> (i32, i32) {
    %c0_i32 = arith.constant 0 : i32
    %c0_i32_0 = arith.constant 0 : i32
    %c0_i32_1 = arith.constant 0 : i32
    return %c0_i32, %c0_i32_0 : i32, i32
  }
  func.func @transform_6(%arg0: i32, %arg1: i32) -> (i32, i32) {
    %c0_i32 = arith.constant 0 : i32
    %c0_i32_0 = arith.constant 0 : i32
    %c0_i32_1 = arith.constant 0 : i32
    return %c0_i32, %c0_i32_0 : i32, i32
  }
  func.func @transform_7(%arg0: i32, %arg1: i32) -> (i32, i32) {
    %c0_i32 = arith.constant 0 : i32
    %c0_i32_0 = arith.constant 0 : i32
    %c0_i32_1 = arith.constant 0 : i32
    return %c0_i32, %c0_i32_0 : i32, i32
  }
  func.func @transform_8(%arg0: i32, %arg1: i32) -> (i32, i32) {
    %c0_i32 = arith.constant 0 : i32
    %c0_i32_0 = arith.constant 0 : i32
    %c0_i32_1 = arith.constant 0 : i32
    return %c0_i32, %c0_i32_0 : i32, i32
  }
  func.func @transform_9(%arg0: i32, %arg1: i32) -> (i32, i32) {
    %c0_i32 = arith.constant 0 : i32
    %c0_i32_0 = arith.constant 0 : i32
    %c0_i32_1 = arith.constant 0 : i32
    return %c0_i32, %c0_i32_0 : i32, i32
  }
  func.func @transform_10(%arg0: i32, %arg1: i32) -> (i32, i32) {
    %c0_i32 = arith.constant 0 : i32
    %c0_i32_0 = arith.constant 0 : i32
    %c0_i32_1 = arith.constant 0 : i32
    return %c0_i32, %c0_i32_0 : i32, i32
  }
  func.func @transform_11(%arg0: i32, %arg1: i32) -> (i32, i32) {
    %c0_i32 = arith.constant 0 : i32
    %c0_i32_0 = arith.constant 0 : i32
    %c0_i32_1 = arith.constant 0 : i32
    return %c0_i32, %c0_i32_0 : i32, i32
  }
  func.func @transform_12(%arg0: i32, %arg1: i32) -> (i32, i32) {
    %c0_i32 = arith.constant 0 : i32
    %c0_i32_0 = arith.constant 0 : i32
    %c0_i32_1 = arith.constant 0 : i32
    return %c0_i32, %c0_i32_0 : i32, i32
  }
  func.func @transform_13(%arg0: i32, %arg1: i32) -> (i32, i32) {
    %c0_i32 = arith.constant 0 : i32
    %c0_i32_0 = arith.constant 0 : i32
    %c0_i32_1 = arith.constant 0 : i32
    return %c0_i32, %c0_i32_0 : i32, i32
  }
  func.func @transform_14(%arg0: i32, %arg1: i32) -> (i32, i32) {
    %c0_i32 = arith.constant 0 : i32
    %c0_i32_0 = arith.constant 0 : i32
    %c0_i32_1 = arith.constant 0 : i32
    return %c0_i32, %c0_i32_0 : i32, i32
  }
  func.func @transform_15(%arg0: i32, %arg1: i32) -> (i32, i32) {
    %c0_i32 = arith.constant 0 : i32
    %c0_i32_0 = arith.constant 0 : i32
    %c0_i32_1 = arith.constant 0 : i32
    return %c0_i32, %c0_i32_0 : i32, i32
  }
  func.func @transform_16(%arg0: i32, %arg1: i32) -> (i32, i32) {
    %mul3A = arith.constant 8 : i32
    %mul3A_0 = arith.muli %arg0, %mul3A : i32
    %add3A = arith.addi %mul3A_0, %arg1 : i32
    %c0_i32 = arith.constant 0 : i32
    %c0_i32_1 = arith.constant 0 : i32
    return %add3A, %c0_i32 : i32, i32
  }
  func.func @transform_17(%arg0: i32, %arg1: i32) -> (i32, i32, i32) {
    %c0_i32 = arith.constant 0 : i32
    %c0_i32_0 = arith.constant 0 : i32
    %c0_i32_1 = arith.constant 0 : i32
    return %arg0, %c0_i32, %c0_i32_0 : i32, i32, i32
  }
  func.func @transform_18(%arg0: i32, %arg1: i32) -> (i32, i32) {
    %mul3A = arith.constant 8 : i32
    %mul3A_0 = arith.muli %arg0, %mul3A : i32
    %add3A = arith.addi %mul3A_0, %arg1 : i32
    %c0_i32 = arith.constant 0 : i32
    %c0_i32_1 = arith.constant 0 : i32
    return %add3A, %c0_i32 : i32, i32
  }
}

module attributes {stable_mosaic.version = 14 : i64} {
  func.func @_layer_body(%arg0: i32, %arg1: i32, %arg2: memref<512x16xf32, #tpu.memory_space<vmem>>, %arg3: memref<512x32xf32, #tpu.memory_space<vmem>>, %arg4: memref<8192x128xf32, #tpu.memory_space<vmem>>, %arg5: memref<512x1xf32, #tpu.memory_space<vmem>>, %arg6: memref<3x16xf32, #tpu.memory_space<vmem>>, %arg7: memref<1x16xf32, #tpu.memory_space<vmem>>, %arg8: memref<16x16xf32, #tpu.memory_space<vmem>>, %arg9: memref<1x16xf32, #tpu.memory_space<vmem>>, %arg10: memref<16x4xf32, #tpu.memory_space<vmem>>, %arg11: memref<4x16xf32, #tpu.memory_space<vmem>>, %arg12: memref<16x16xf32, #tpu.memory_space<vmem>>, %arg13: memref<1x16xf32, #tpu.memory_space<vmem>>, %arg14: memref<16x4xf32, #tpu.memory_space<vmem>>, %arg15: memref<1x4xf32, #tpu.memory_space<vmem>>, %arg16: memref<16x32xf32, #tpu.memory_space<vmem>>, %arg17: memref<1x32xf32, #tpu.memory_space<vmem>>, %arg18: memref<512x16xf32, #tpu.memory_space<vmem>>, %arg19: memref<1x1x16xf32, #tpu.memory_space<vmem>>, %arg20: memref<512x48xf32, #tpu.memory_space<vmem>>) attributes {dimension_semantics = [#tpu.dimension_semantics<arbitrary>, #tpu.dimension_semantics<arbitrary>], iteration_bounds = array<i64: 2, 8>, scalar_prefetch = 0 : i64, scratch_operands = 0 : i64, tpu.core_type = #tpu.core_type<tc>, window_params = [{transform_indices = @transform_0, window_bounds = array<i64: 512, 16>}, {transform_indices = @transform_1, window_bounds = array<i64: 512, 32>}, {transform_indices = @transform_2, window_bounds = array<i64: 8192, 128>}, {transform_indices = @transform_3, window_bounds = array<i64: 512, 1>}, {pipeline_mode = #tpu.pipeline_mode<synchronous>, transform_indices = @transform_4, window_bounds = array<i64: 3, 16>}, {pipeline_mode = #tpu.pipeline_mode<synchronous>, transform_indices = @transform_5, window_bounds = array<i64: 1, 16>}, {pipeline_mode = #tpu.pipeline_mode<synchronous>, transform_indices = @transform_6, window_bounds = array<i64: 16, 16>}, {pipeline_mode = #tpu.pipeline_mode<synchronous>, transform_indices = @transform_7, window_bounds = array<i64: 1, 16>}, {pipeline_mode = #tpu.pipeline_mode<synchronous>, transform_indices = @transform_8, window_bounds = array<i64: 16, 4>}, {pipeline_mode = #tpu.pipeline_mode<synchronous>, transform_indices = @transform_9, window_bounds = array<i64: 4, 16>}, {pipeline_mode = #tpu.pipeline_mode<synchronous>, transform_indices = @transform_10, window_bounds = array<i64: 16, 16>}, {pipeline_mode = #tpu.pipeline_mode<synchronous>, transform_indices = @transform_11, window_bounds = array<i64: 1, 16>}, {pipeline_mode = #tpu.pipeline_mode<synchronous>, transform_indices = @transform_12, window_bounds = array<i64: 16, 4>}, {pipeline_mode = #tpu.pipeline_mode<synchronous>, transform_indices = @transform_13, window_bounds = array<i64: 1, 4>}, {pipeline_mode = #tpu.pipeline_mode<synchronous>, transform_indices = @transform_14, window_bounds = array<i64: 16, 32>}, {pipeline_mode = #tpu.pipeline_mode<synchronous>, transform_indices = @transform_15, window_bounds = array<i64: 1, 32>}, {transform_indices = @transform_16, window_bounds = array<i64: 512, 16>}, {transform_indices = @transform_17, window_bounds = array<i64: 1, 1, 16>}, {transform_indices = @transform_18, window_bounds = array<i64: 512, 48>}]} {
    %get3A = arith.constant 0 : index
    %get3A_0 = arith.constant 0 : index
    %get3A_1 = vector.load %arg2[%get3A, %get3A_0] : memref<512x16xf32, #tpu.memory_space<vmem>>, vector<512x16xf32>
    %get3A_2 = arith.constant 0 : index
    %get3A_3 = arith.constant 0 : index
    %get3A_4 = vector.load %arg4[%get3A_2, %get3A_3] : memref<8192x128xf32, #tpu.memory_space<vmem>>, vector<8192x32xf32>
    %get3A_5 = arith.constant 0 : index
    %get3A_6 = arith.constant 0 : index
    %get3A_7 = vector.load %arg3[%get3A_5, %get3A_6] : memref<512x32xf32, #tpu.memory_space<vmem>>, vector<512x3xf32>
    %reshape3A = vector.shape_cast %get3A_4 : vector<8192x32xf32> to vector<512x16x32xf32>
    %get3A_8 = arith.constant 0 : index
    %get3A_9 = arith.constant 0 : index
    %get3A_10 = vector.load %arg6[%get3A_8, %get3A_9] : memref<3x16xf32, #tpu.memory_space<vmem>>, vector<3x16xf32>
    %dot_general3A = arith.constant dense<0.000000e+00> : vector<512x16xf32>
    %dot_general3A_11 = tpu.matmul %get3A_7, %get3A_10, %dot_general3A {dimension_numbers = #tpu.dot_dimension_numbers<[1], [0], [0], [1], [0, 0, 1, 1], [], []>, transpose_lhs_hint = false} : vector<512x3xf32>, vector<3x16xf32>, vector<512x16xf32> -> vector<512x16xf32>
    %get3A_12 = arith.constant 0 : index
    %get3A_13 = arith.constant 0 : index
    %get3A_14 = vector.load %arg7[%get3A_12, %get3A_13] : memref<1x16xf32, #tpu.memory_space<vmem>>, vector<1x16xf32>
    %add3A = vector.broadcast %get3A_14 : vector<1x16xf32> to vector<512x16xf32>
    %add3A_15 = arith.addf %dot_general3A_11, %add3A : vector<512x16xf32>
    %slice3A = vector.extract_strided_slice %get3A_4 {offsets = [0, 0], sizes = [8192, 3], strides = [1, 1]} : vector<8192x32xf32> to vector<8192x3xf32>
    %get3A_16 = arith.constant 0 : index
    %get3A_17 = arith.constant 0 : index
    %get3A_18 = vector.load %arg6[%get3A_16, %get3A_17] : memref<3x16xf32, #tpu.memory_space<vmem>>, vector<3x16xf32>
    %dot_general3A_19 = arith.constant dense<0.000000e+00> : vector<8192x16xf32>
    %dot_general3A_20 = tpu.matmul %slice3A, %get3A_18, %dot_general3A_19 {dimension_numbers = #tpu.dot_dimension_numbers<[1], [0], [0], [1], [0, 0, 1, 1], [], []>, transpose_lhs_hint = false} : vector<8192x3xf32>, vector<3x16xf32>, vector<8192x16xf32> -> vector<8192x16xf32>
    %reshape3A_21 = vector.shape_cast %add3A_15 : vector<512x16xf32> to vector<512x1x16xf32>
    %reshape3A_22 = vector.shape_cast %dot_general3A_20 : vector<8192x16xf32> to vector<512x16x16xf32>
    %sub3A = vector.broadcast %reshape3A_21 : vector<512x1x16xf32> to vector<512x16x16xf32>
    %sub3A_23 = arith.subf %sub3A, %reshape3A_22 : vector<512x16x16xf32>
    %reshape3A_24 = vector.shape_cast %sub3A_23 : vector<512x16x16xf32> to vector<8192x16xf32>
    %max3A = arith.constant 0.000000e+00 : f32
    %max3A_25 = vector.broadcast %max3A : f32 to vector<8192x16xf32>
    %max3A_26 = arith.maximumf %reshape3A_24, %max3A_25 : vector<8192x16xf32>
    %get3A_27 = arith.constant 0 : index
    %get3A_28 = arith.constant 0 : index
    %get3A_29 = vector.load %arg8[%get3A_27, %get3A_28] : memref<16x16xf32, #tpu.memory_space<vmem>>, vector<16x16xf32>
    %dot_general3A_30 = arith.constant dense<0.000000e+00> : vector<8192x16xf32>
    %dot_general3A_31 = tpu.matmul %max3A_26, %get3A_29, %dot_general3A_30 {dimension_numbers = #tpu.dot_dimension_numbers<[1], [0], [0], [1], [0, 0, 1, 1], [], []>, transpose_lhs_hint = false} : vector<8192x16xf32>, vector<16x16xf32>, vector<8192x16xf32> -> vector<8192x16xf32>
    %get3A_32 = arith.constant 0 : index
    %get3A_33 = arith.constant 0 : index
    %get3A_34 = vector.load %arg9[%get3A_32, %get3A_33] : memref<1x16xf32, #tpu.memory_space<vmem>>, vector<1x16xf32>
    %add3A_35 = vector.broadcast %get3A_34 : vector<1x16xf32> to vector<8192x16xf32>
    %add3A_36 = arith.addf %dot_general3A_31, %add3A_35 : vector<8192x16xf32>
    %get3A_37 = arith.constant 0 : index
    %get3A_38 = arith.constant 0 : index
    %get3A_39 = vector.load %arg10[%get3A_37, %get3A_38] : memref<16x4xf32, #tpu.memory_space<vmem>>, vector<16x4xf32>
    %dot_general3A_40 = arith.constant dense<0.000000e+00> : vector<8192x4xf32>
    %dot_general3A_41 = tpu.matmul %add3A_36, %get3A_39, %dot_general3A_40 {dimension_numbers = #tpu.dot_dimension_numbers<[1], [0], [0], [1], [0, 0, 1, 1], [], []>, transpose_lhs_hint = false} : vector<8192x16xf32>, vector<16x4xf32>, vector<8192x4xf32> -> vector<8192x4xf32>
    %reshape3A_42 = vector.shape_cast %dot_general3A_41 : vector<8192x4xf32> to vector<512x16x4xf32>
    %slice3A_43 = vector.extract_strided_slice %reshape3A {offsets = [0, 0, 4], sizes = [512, 16, 4], strides = [1, 1, 1]} : vector<512x16x32xf32> to vector<512x16x4xf32>
    %sub3A_44 = arith.subf %reshape3A_42, %slice3A_43 : vector<512x16x4xf32>
    %exp3A = math.exp %sub3A_44 : vector<512x16x4xf32>
    %reduce_sum3A = arith.constant dense<0.000000e+00> : vector<512x4xf32>
    %reduce_sum3A_45 = vector.multi_reduction <add>, %exp3A, %reduce_sum3A [1] : vector<512x16x4xf32> to vector<512x4xf32>
    %broadcast_in_dim3A = vector.shape_cast %reduce_sum3A_45 : vector<512x4xf32> to vector<512x1x4xf32>
    %div3A = arith.constant 1.000000e+00 : f32
    %div3A_46 = vector.broadcast %div3A : f32 to vector<512x1x4xf32>
    %div3A_47 = arith.divf %div3A_46, %broadcast_in_dim3A : vector<512x1x4xf32>
    %mul3A = vector.broadcast %div3A_47 : vector<512x1x4xf32> to vector<512x16x4xf32>
    %mul3A_48 = arith.mulf %exp3A, %mul3A : vector<512x16x4xf32>
    %reshape3A_49 = vector.shape_cast %mul3A_48 : vector<512x16x4xf32> to vector<8192x4xf32>
    %get3A_50 = arith.constant 0 : index
    %get3A_51 = arith.constant 0 : index
    %get3A_52 = vector.load %arg11[%get3A_50, %get3A_51] : memref<4x16xf32, #tpu.memory_space<vmem>>, vector<4x16xf32>
    %dot_general3A_53 = arith.constant dense<0.000000e+00> : vector<8192x16xf32>
    %dot_general3A_54 = tpu.matmul %reshape3A_49, %get3A_52, %dot_general3A_53 {dimension_numbers = #tpu.dot_dimension_numbers<[1], [0], [0], [1], [0, 0, 1, 1], [], []>, transpose_lhs_hint = false} : vector<8192x4xf32>, vector<4x16xf32>, vector<8192x16xf32> -> vector<8192x16xf32>
    %slice3A_55 = vector.extract_strided_slice %get3A_4 {offsets = [0, 16], sizes = [8192, 16], strides = [1, 1]} : vector<8192x32xf32> to vector<8192x16xf32>
    %add3A_56 = arith.addf %slice3A_55, %add3A_36 : vector<8192x16xf32>
    %mul3A_57 = arith.mulf %dot_general3A_54, %add3A_56 : vector<8192x16xf32>
    %reshape3A_58 = vector.shape_cast %mul3A_57 : vector<8192x16xf32> to vector<512x16x16xf32>
    %reduce_sum3A_59 = arith.constant dense<0.000000e+00> : vector<512x16xf32>
    %reduce_sum3A_60 = vector.multi_reduction <add>, %reshape3A_58, %reduce_sum3A_59 [1] : vector<512x16x16xf32> to vector<512x16xf32>
    %get3A_61 = arith.constant 0 : index
    %get3A_62 = arith.constant 0 : index
    %get3A_63 = vector.load %arg12[%get3A_61, %get3A_62] : memref<16x16xf32, #tpu.memory_space<vmem>>, vector<16x16xf32>
    %dot_general3A_64 = arith.constant dense<0.000000e+00> : vector<512x16xf32>
    %dot_general3A_65 = tpu.matmul %reduce_sum3A_60, %get3A_63, %dot_general3A_64 {dimension_numbers = #tpu.dot_dimension_numbers<[1], [0], [0], [1], [0, 0, 1, 1], [], []>, transpose_lhs_hint = false} : vector<512x16xf32>, vector<16x16xf32>, vector<512x16xf32> -> vector<512x16xf32>
    %get3A_66 = arith.constant 0 : index
    %get3A_67 = arith.constant 0 : index
    %get3A_68 = vector.load %arg13[%get3A_66, %get3A_67] : memref<1x16xf32, #tpu.memory_space<vmem>>, vector<1x16xf32>
    %add3A_69 = vector.broadcast %get3A_68 : vector<1x16xf32> to vector<512x16xf32>
    %add3A_70 = arith.addf %dot_general3A_65, %add3A_69 : vector<512x16xf32>
    %add3A_71 = arith.addf %get3A_1, %add3A_70 : vector<512x16xf32>
    %max3A_72 = arith.constant 0.000000e+00 : f32
    %max3A_73 = vector.broadcast %max3A_72 : f32 to vector<512x16xf32>
    %max3A_74 = arith.maximumf %add3A_71, %max3A_73 : vector<512x16xf32>
    %swap3A = arith.constant 0 : index
    %swap3A_75 = arith.constant 0 : index
    %swap3A_76 = vector.load %arg18[%swap3A, %swap3A_75] : memref<512x16xf32, #tpu.memory_space<vmem>>, vector<512x16xf32>
    tpu.vector_store %arg18[%swap3A, %swap3A_75], %max3A_74 {strides = array<i32>} : memref<512x16xf32, #tpu.memory_space<vmem>>, vector<512x16xf32>,
    %get3A_77 = arith.constant 0 : index
    %get3A_78 = arith.constant 0 : index
    %get3A_79 = vector.load %arg5[%get3A_77, %get3A_78] : memref<512x1xf32, #tpu.memory_space<vmem>>, vector<512x1xf32>
    %gt3A = arith.constant 0.000000e+00 : f32
    %gt3A_80 = vector.broadcast %gt3A : f32 to vector<512x1xf32>
    %gt3A_81 = arith.cmpf ogt, %get3A_79, %gt3A_80 : vector<512x1xf32>
    %jit3A = arith.constant 0xFF800000 : f32
    %broadcast_in_dim3A_82 = vector.shape_cast %gt3A_81 : vector<512x1xi1> to vector<512x1xi1>
    %broadcast_in_dim3A_83 = vector.broadcast %broadcast_in_dim3A_82 : vector<512x1xi1> to vector<512x16xi1>
    %broadcast_in_dim3A_84 = vector.broadcast %jit3A : f32 to vector<512x16xf32>
    %select_n3A = arith.select %broadcast_in_dim3A_83, %max3A_74, %broadcast_in_dim3A_84 : vector<512x16xi1>, vector<512x16xf32>
    %reduce_max3A = arith.constant dense<0xFF800000> : vector<16xf32>
    %reduce_max3A_85 = vector.multi_reduction <maximumf>, %select_n3A, %reduce_max3A [0] : vector<512x16xf32> to vector<16xf32>
    %broadcast_in_dim3A_86 = vector.shape_cast %reduce_max3A_85 : vector<16xf32> to vector<1x16xf32>
    %eq3A = arith.constant 0 : i32
    %eq3A_87 = arith.cmpi eq, %arg1, %eq3A : i32
    %convert_element_type3A = arith.extui %eq3A_87 : i1 to i32
    %cond3A = arith.constant 0 : i32
    %cond3A_88 = arith.cmpi ne, %convert_element_type3A, %cond3A : i32
    scf.if %cond3A_88 {
      %swap3A_120 = arith.constant 0 : index
      %swap3A_121 = arith.constant 0 : index
      %swap3A_122 = arith.constant 0 : index
      %swap3A_123 = vector.load %arg19[%swap3A_120, %swap3A_121, %swap3A_122] : memref<1x1x16xf32, #tpu.memory_space<vmem>>, vector<1x1x16xf32>
      %swap3A_124 = vector.shape_cast %swap3A_123 : vector<1x1x16xf32> to vector<1x16xf32>
      %swap3A_125 = vector.shape_cast %broadcast_in_dim3A_86 : vector<1x16xf32> to vector<1x1x16xf32>
      tpu.vector_store %arg19[%swap3A_120, %swap3A_121, %swap3A_122], %swap3A_125 {strides = array<i32>} : memref<1x1x16xf32, #tpu.memory_space<vmem>>, vector<1x1x16xf32>,
    } else {
    }
    %ne3A = arith.constant 0 : i32
    %ne3A_89 = arith.cmpi ne, %arg1, %ne3A : i32
    %convert_element_type3A_90 = arith.extui %ne3A_89 : i1 to i32
    %cond3A_91 = arith.constant 0 : i32
    %cond3A_92 = arith.cmpi ne, %convert_element_type3A_90, %cond3A_91 : i32
    scf.if %cond3A_92 {
      %get3A_120 = arith.constant 0 : index
      %get3A_121 = arith.constant 0 : index
      %get3A_122 = arith.constant 0 : index
      %get3A_123 = vector.load %arg19[%get3A_120, %get3A_121, %get3A_122] : memref<1x1x16xf32, #tpu.memory_space<vmem>>, vector<1x1x16xf32>
      %get3A_124 = vector.shape_cast %get3A_123 : vector<1x1x16xf32> to vector<1x16xf32>
      %max3A_125 = arith.maximumf %get3A_124, %broadcast_in_dim3A_86 : vector<1x16xf32>
      %swap3A_126 = arith.constant 0 : index
      %swap3A_127 = arith.constant 0 : index
      %swap3A_128 = arith.constant 0 : index
      %swap3A_129 = vector.load %arg19[%swap3A_126, %swap3A_127, %swap3A_128] : memref<1x1x16xf32, #tpu.memory_space<vmem>>, vector<1x1x16xf32>
      %swap3A_130 = vector.shape_cast %swap3A_129 : vector<1x1x16xf32> to vector<1x16xf32>
      %swap3A_131 = vector.shape_cast %max3A_125 : vector<1x16xf32> to vector<1x1x16xf32>
      tpu.vector_store %arg19[%swap3A_126, %swap3A_127, %swap3A_128], %swap3A_131 {strides = array<i32>} : memref<1x1x16xf32, #tpu.memory_space<vmem>>, vector<1x1x16xf32>,
    } else {
    }
    %get3A_93 = arith.constant 0 : index
    %get3A_94 = arith.constant 0 : index
    %get3A_95 = vector.load %arg14[%get3A_93, %get3A_94] : memref<16x4xf32, #tpu.memory_space<vmem>>, vector<16x4xf32>
    %dot_general3A_96 = arith.constant dense<0.000000e+00> : vector<512x4xf32>
    %dot_general3A_97 = tpu.matmul %max3A_74, %get3A_95, %dot_general3A_96 {dimension_numbers = #tpu.dot_dimension_numbers<[1], [0], [0], [1], [0, 0, 1, 1], [], []>, transpose_lhs_hint = false} : vector<512x16xf32>, vector<16x4xf32>, vector<512x4xf32> -> vector<512x4xf32>
    %get3A_98 = arith.constant 0 : index
    %get3A_99 = arith.constant 0 : index
    %get3A_100 = vector.load %arg15[%get3A_98, %get3A_99] : memref<1x4xf32, #tpu.memory_space<vmem>>, vector<1x4xf32>
    %add3A_101 = vector.broadcast %get3A_100 : vector<1x4xf32> to vector<512x4xf32>
    %add3A_102 = arith.addf %dot_general3A_97, %add3A_101 : vector<512x4xf32>
    %get3A_103 = arith.constant 0 : index
    %get3A_104 = arith.constant 0 : index
    %get3A_105 = vector.load %arg16[%get3A_103, %get3A_104] : memref<16x32xf32, #tpu.memory_space<vmem>>, vector<16x32xf32>
    %dot_general3A_106 = arith.constant dense<0.000000e+00> : vector<512x32xf32>
    %dot_general3A_107 = tpu.matmul %max3A_74, %get3A_105, %dot_general3A_106 {dimension_numbers = #tpu.dot_dimension_numbers<[1], [0], [0], [1], [0, 0, 1, 1], [], []>, transpose_lhs_hint = false} : vector<512x16xf32>, vector<16x32xf32>, vector<512x32xf32> -> vector<512x32xf32>
    %get3A_108 = arith.constant 0 : index
    %get3A_109 = arith.constant 0 : index
    %get3A_110 = vector.load %arg17[%get3A_108, %get3A_109] : memref<1x32xf32, #tpu.memory_space<vmem>>, vector<1x32xf32>
    %add3A_111 = vector.broadcast %get3A_110 : vector<1x32xf32> to vector<512x32xf32>
    %add3A_112 = arith.addf %dot_general3A_107, %add3A_111 : vector<512x32xf32>
    %broadcast_in_dim3A_113 = arith.constant 0.000000e+00 : f32
    %broadcast_in_dim3A_114 = vector.broadcast %broadcast_in_dim3A_113 : f32 to vector<512x1xf32>
    %broadcast_in_dim3A_115 = arith.constant 0.000000e+00 : f32
    %broadcast_in_dim3A_116 = vector.broadcast %broadcast_in_dim3A_115 : f32 to vector<512x8xf32>
    %concatenate3A = tpu.concatenate %get3A_7, %broadcast_in_dim3A_114, %add3A_102, %broadcast_in_dim3A_116, %add3A_112 in 1 : vector<512x3xf32>, vector<512x1xf32>, vector<512x4xf32>, vector<512x8xf32>, vector<512x32xf32> -> vector<512x48xf32>
    %swap3A_117 = arith.constant 0 : index
    %swap3A_118 = arith.constant 0 : index
    %swap3A_119 = vector.load %arg20[%swap3A_117, %swap3A_118] : memref<512x48xf32, #tpu.memory_space<vmem>>, vector<512x48xf32>
    tpu.vector_store %arg20[%swap3A_117, %swap3A_118], %concatenate3A {strides = array<i32>} : memref<512x48xf32, #tpu.memory_space<vmem>>, vector<512x48xf32>,
    return
  }
  func.func @transform_0(%arg0: i32, %arg1: i32) -> (i32, i32) {
    %mul3A = arith.constant 8 : i32
    %mul3A_0 = arith.muli %arg0, %mul3A : i32
    %add3A = arith.addi %mul3A_0, %arg1 : i32
    %c0_i32 = arith.constant 0 : i32
    %c0_i32_1 = arith.constant 0 : i32
    return %add3A, %c0_i32 : i32, i32
  }
  func.func @transform_1(%arg0: i32, %arg1: i32) -> (i32, i32) {
    %mul3A = arith.constant 8 : i32
    %mul3A_0 = arith.muli %arg0, %mul3A : i32
    %add3A = arith.addi %mul3A_0, %arg1 : i32
    %c0_i32 = arith.constant 0 : i32
    %c0_i32_1 = arith.constant 0 : i32
    return %add3A, %c0_i32 : i32, i32
  }
  func.func @transform_2(%arg0: i32, %arg1: i32) -> (i32, i32) {
    %mul3A = arith.constant 8 : i32
    %mul3A_0 = arith.muli %arg0, %mul3A : i32
    %add3A = arith.addi %mul3A_0, %arg1 : i32
    %c0_i32 = arith.constant 0 : i32
    %c0_i32_1 = arith.constant 0 : i32
    return %add3A, %c0_i32 : i32, i32
  }
  func.func @transform_3(%arg0: i32, %arg1: i32) -> (i32, i32) {
    %mul3A = arith.constant 8 : i32
    %mul3A_0 = arith.muli %arg0, %mul3A : i32
    %add3A = arith.addi %mul3A_0, %arg1 : i32
    %c0_i32 = arith.constant 0 : i32
    %c0_i32_1 = arith.constant 0 : i32
    return %add3A, %c0_i32 : i32, i32
  }
  func.func @transform_4(%arg0: i32, %arg1: i32) -> (i32, i32) {
    %c0_i32 = arith.constant 0 : i32
    %c0_i32_0 = arith.constant 0 : i32
    %c0_i32_1 = arith.constant 0 : i32
    return %c0_i32, %c0_i32_0 : i32, i32
  }
  func.func @transform_5(%arg0: i32, %arg1: i32) -> (i32, i32) {
    %c0_i32 = arith.constant 0 : i32
    %c0_i32_0 = arith.constant 0 : i32
    %c0_i32_1 = arith.constant 0 : i32
    return %c0_i32, %c0_i32_0 : i32, i32
  }
  func.func @transform_6(%arg0: i32, %arg1: i32) -> (i32, i32) {
    %c0_i32 = arith.constant 0 : i32
    %c0_i32_0 = arith.constant 0 : i32
    %c0_i32_1 = arith.constant 0 : i32
    return %c0_i32, %c0_i32_0 : i32, i32
  }
  func.func @transform_7(%arg0: i32, %arg1: i32) -> (i32, i32) {
    %c0_i32 = arith.constant 0 : i32
    %c0_i32_0 = arith.constant 0 : i32
    %c0_i32_1 = arith.constant 0 : i32
    return %c0_i32, %c0_i32_0 : i32, i32
  }
  func.func @transform_8(%arg0: i32, %arg1: i32) -> (i32, i32) {
    %c0_i32 = arith.constant 0 : i32
    %c0_i32_0 = arith.constant 0 : i32
    %c0_i32_1 = arith.constant 0 : i32
    return %c0_i32, %c0_i32_0 : i32, i32
  }
  func.func @transform_9(%arg0: i32, %arg1: i32) -> (i32, i32) {
    %c0_i32 = arith.constant 0 : i32
    %c0_i32_0 = arith.constant 0 : i32
    %c0_i32_1 = arith.constant 0 : i32
    return %c0_i32, %c0_i32_0 : i32, i32
  }
  func.func @transform_10(%arg0: i32, %arg1: i32) -> (i32, i32) {
    %c0_i32 = arith.constant 0 : i32
    %c0_i32_0 = arith.constant 0 : i32
    %c0_i32_1 = arith.constant 0 : i32
    return %c0_i32, %c0_i32_0 : i32, i32
  }
  func.func @transform_11(%arg0: i32, %arg1: i32) -> (i32, i32) {
    %c0_i32 = arith.constant 0 : i32
    %c0_i32_0 = arith.constant 0 : i32
    %c0_i32_1 = arith.constant 0 : i32
    return %c0_i32, %c0_i32_0 : i32, i32
  }
  func.func @transform_12(%arg0: i32, %arg1: i32) -> (i32, i32) {
    %c0_i32 = arith.constant 0 : i32
    %c0_i32_0 = arith.constant 0 : i32
    %c0_i32_1 = arith.constant 0 : i32
    return %c0_i32, %c0_i32_0 : i32, i32
  }
  func.func @transform_13(%arg0: i32, %arg1: i32) -> (i32, i32) {
    %c0_i32 = arith.constant 0 : i32
    %c0_i32_0 = arith.constant 0 : i32
    %c0_i32_1 = arith.constant 0 : i32
    return %c0_i32, %c0_i32_0 : i32, i32
  }
  func.func @transform_14(%arg0: i32, %arg1: i32) -> (i32, i32) {
    %c0_i32 = arith.constant 0 : i32
    %c0_i32_0 = arith.constant 0 : i32
    %c0_i32_1 = arith.constant 0 : i32
    return %c0_i32, %c0_i32_0 : i32, i32
  }
  func.func @transform_15(%arg0: i32, %arg1: i32) -> (i32, i32) {
    %c0_i32 = arith.constant 0 : i32
    %c0_i32_0 = arith.constant 0 : i32
    %c0_i32_1 = arith.constant 0 : i32
    return %c0_i32, %c0_i32_0 : i32, i32
  }
  func.func @transform_16(%arg0: i32, %arg1: i32) -> (i32, i32) {
    %mul3A = arith.constant 8 : i32
    %mul3A_0 = arith.muli %arg0, %mul3A : i32
    %add3A = arith.addi %mul3A_0, %arg1 : i32
    %c0_i32 = arith.constant 0 : i32
    %c0_i32_1 = arith.constant 0 : i32
    return %add3A, %c0_i32 : i32, i32
  }
  func.func @transform_17(%arg0: i32, %arg1: i32) -> (i32, i32, i32) {
    %c0_i32 = arith.constant 0 : i32
    %c0_i32_0 = arith.constant 0 : i32
    %c0_i32_1 = arith.constant 0 : i32
    return %arg0, %c0_i32, %c0_i32_0 : i32, i32, i32
  }
  func.func @transform_18(%arg0: i32, %arg1: i32) -> (i32, i32) {
    %mul3A = arith.constant 8 : i32
    %mul3A_0 = arith.muli %arg0, %mul3A : i32
    %add3A = arith.addi %mul3A_0, %arg1 : i32
    %c0_i32 = arith.constant 0 : i32
    %c0_i32_1 = arith.constant 0 : i32
    return %add3A, %c0_i32 : i32, i32
  }
}

module attributes {stable_mosaic.version = 14 : i64} {
  func.func @_layer_body(%arg0: i32, %arg1: i32, %arg2: memref<512x16xf32, #tpu.memory_space<vmem>>, %arg3: memref<512x48xf32, #tpu.memory_space<vmem>>, %arg4: memref<8192x128xf32, #tpu.memory_space<vmem>>, %arg5: memref<512x1xf32, #tpu.memory_space<vmem>>, %arg6: memref<3x32xf32, #tpu.memory_space<vmem>>, %arg7: memref<1x32xf32, #tpu.memory_space<vmem>>, %arg8: memref<32x32xf32, #tpu.memory_space<vmem>>, %arg9: memref<1x32xf32, #tpu.memory_space<vmem>>, %arg10: memref<32x4xf32, #tpu.memory_space<vmem>>, %arg11: memref<4x32xf32, #tpu.memory_space<vmem>>, %arg12: memref<32x32xf32, #tpu.memory_space<vmem>>, %arg13: memref<1x32xf32, #tpu.memory_space<vmem>>, %arg14: memref<16x32xf32, #tpu.memory_space<vmem>>, %arg15: memref<1x32xf32, #tpu.memory_space<vmem>>, %arg16: memref<32x4xf32, #tpu.memory_space<vmem>>, %arg17: memref<1x4xf32, #tpu.memory_space<vmem>>, %arg18: memref<32x64xf32, #tpu.memory_space<vmem>>, %arg19: memref<1x64xf32, #tpu.memory_space<vmem>>, %arg20: memref<512x32xf32, #tpu.memory_space<vmem>>, %arg21: memref<1x1x32xf32, #tpu.memory_space<vmem>>, %arg22: memref<512x80xf32, #tpu.memory_space<vmem>>) attributes {dimension_semantics = [#tpu.dimension_semantics<arbitrary>, #tpu.dimension_semantics<arbitrary>], iteration_bounds = array<i64: 2, 8>, scalar_prefetch = 0 : i64, scratch_operands = 0 : i64, tpu.core_type = #tpu.core_type<tc>, window_params = [{transform_indices = @transform_0, window_bounds = array<i64: 512, 16>}, {transform_indices = @transform_1, window_bounds = array<i64: 512, 48>}, {transform_indices = @transform_2, window_bounds = array<i64: 8192, 128>}, {transform_indices = @transform_3, window_bounds = array<i64: 512, 1>}, {pipeline_mode = #tpu.pipeline_mode<synchronous>, transform_indices = @transform_4, window_bounds = array<i64: 3, 32>}, {pipeline_mode = #tpu.pipeline_mode<synchronous>, transform_indices = @transform_5, window_bounds = array<i64: 1, 32>}, {pipeline_mode = #tpu.pipeline_mode<synchronous>, transform_indices = @transform_6, window_bounds = array<i64: 32, 32>}, {pipeline_mode = #tpu.pipeline_mode<synchronous>, transform_indices = @transform_7, window_bounds = array<i64: 1, 32>}, {pipeline_mode = #tpu.pipeline_mode<synchronous>, transform_indices = @transform_8, window_bounds = array<i64: 32, 4>}, {pipeline_mode = #tpu.pipeline_mode<synchronous>, transform_indices = @transform_9, window_bounds = array<i64: 4, 32>}, {pipeline_mode = #tpu.pipeline_mode<synchronous>, transform_indices = @transform_10, window_bounds = array<i64: 32, 32>}, {pipeline_mode = #tpu.pipeline_mode<synchronous>, transform_indices = @transform_11, window_bounds = array<i64: 1, 32>}, {pipeline_mode = #tpu.pipeline_mode<synchronous>, transform_indices = @transform_12, window_bounds = array<i64: 16, 32>}, {pipeline_mode = #tpu.pipeline_mode<synchronous>, transform_indices = @transform_13, window_bounds = array<i64: 1, 32>}, {pipeline_mode = #tpu.pipeline_mode<synchronous>, transform_indices = @transform_14, window_bounds = array<i64: 32, 4>}, {pipeline_mode = #tpu.pipeline_mode<synchronous>, transform_indices = @transform_15, window_bounds = array<i64: 1, 4>}, {pipeline_mode = #tpu.pipeline_mode<synchronous>, transform_indices = @transform_16, window_bounds = array<i64: 32, 64>}, {pipeline_mode = #tpu.pipeline_mode<synchronous>, transform_indices = @transform_17, window_bounds = array<i64: 1, 64>}, {transform_indices = @transform_18, window_bounds = array<i64: 512, 32>}, {transform_indices = @transform_19, window_bounds = array<i64: 1, 1, 32>}, {transform_indices = @transform_20, window_bounds = array<i64: 512, 80>}]} {
    %get3A = arith.constant 0 : index
    %get3A_0 = arith.constant 0 : index
    %get3A_1 = vector.load %arg2[%get3A, %get3A_0] : memref<512x16xf32, #tpu.memory_space<vmem>>, vector<512x16xf32>
    %get3A_2 = arith.constant 0 : index
    %get3A_3 = arith.constant 0 : index
    %get3A_4 = vector.load %arg4[%get3A_2, %get3A_3] : memref<8192x128xf32, #tpu.memory_space<vmem>>, vector<8192x48xf32>
    %get3A_5 = arith.constant 0 : index
    %get3A_6 = arith.constant 0 : index
    %get3A_7 = vector.load %arg3[%get3A_5, %get3A_6] : memref<512x48xf32, #tpu.memory_space<vmem>>, vector<512x3xf32>
    %reshape3A = vector.shape_cast %get3A_4 : vector<8192x48xf32> to vector<512x16x48xf32>
    %get3A_8 = arith.constant 0 : index
    %get3A_9 = arith.constant 0 : index
    %get3A_10 = vector.load %arg6[%get3A_8, %get3A_9] : memref<3x32xf32, #tpu.memory_space<vmem>>, vector<3x32xf32>
    %dot_general3A = arith.constant dense<0.000000e+00> : vector<512x32xf32>
    %dot_general3A_11 = tpu.matmul %get3A_7, %get3A_10, %dot_general3A {dimension_numbers = #tpu.dot_dimension_numbers<[1], [0], [0], [1], [0, 0, 1, 1], [], []>, transpose_lhs_hint = false} : vector<512x3xf32>, vector<3x32xf32>, vector<512x32xf32> -> vector<512x32xf32>
    %get3A_12 = arith.constant 0 : index
    %get3A_13 = arith.constant 0 : index
    %get3A_14 = vector.load %arg7[%get3A_12, %get3A_13] : memref<1x32xf32, #tpu.memory_space<vmem>>, vector<1x32xf32>
    %add3A = vector.broadcast %get3A_14 : vector<1x32xf32> to vector<512x32xf32>
    %add3A_15 = arith.addf %dot_general3A_11, %add3A : vector<512x32xf32>
    %slice3A = vector.extract_strided_slice %get3A_4 {offsets = [0, 0], sizes = [8192, 3], strides = [1, 1]} : vector<8192x48xf32> to vector<8192x3xf32>
    %get3A_16 = arith.constant 0 : index
    %get3A_17 = arith.constant 0 : index
    %get3A_18 = vector.load %arg6[%get3A_16, %get3A_17] : memref<3x32xf32, #tpu.memory_space<vmem>>, vector<3x32xf32>
    %dot_general3A_19 = arith.constant dense<0.000000e+00> : vector<8192x32xf32>
    %dot_general3A_20 = tpu.matmul %slice3A, %get3A_18, %dot_general3A_19 {dimension_numbers = #tpu.dot_dimension_numbers<[1], [0], [0], [1], [0, 0, 1, 1], [], []>, transpose_lhs_hint = false} : vector<8192x3xf32>, vector<3x32xf32>, vector<8192x32xf32> -> vector<8192x32xf32>
    %reshape3A_21 = vector.shape_cast %add3A_15 : vector<512x32xf32> to vector<512x1x32xf32>
    %reshape3A_22 = vector.shape_cast %dot_general3A_20 : vector<8192x32xf32> to vector<512x16x32xf32>
    %sub3A = vector.broadcast %reshape3A_21 : vector<512x1x32xf32> to vector<512x16x32xf32>
    %sub3A_23 = arith.subf %sub3A, %reshape3A_22 : vector<512x16x32xf32>
    %reshape3A_24 = vector.shape_cast %sub3A_23 : vector<512x16x32xf32> to vector<8192x32xf32>
    %max3A = arith.constant 0.000000e+00 : f32
    %max3A_25 = vector.broadcast %max3A : f32 to vector<8192x32xf32>
    %max3A_26 = arith.maximumf %reshape3A_24, %max3A_25 : vector<8192x32xf32>
    %get3A_27 = arith.constant 0 : index
    %get3A_28 = arith.constant 0 : index
    %get3A_29 = vector.load %arg8[%get3A_27, %get3A_28] : memref<32x32xf32, #tpu.memory_space<vmem>>, vector<32x32xf32>
    %dot_general3A_30 = arith.constant dense<0.000000e+00> : vector<8192x32xf32>
    %dot_general3A_31 = tpu.matmul %max3A_26, %get3A_29, %dot_general3A_30 {dimension_numbers = #tpu.dot_dimension_numbers<[1], [0], [0], [1], [0, 0, 1, 1], [], []>, transpose_lhs_hint = false} : vector<8192x32xf32>, vector<32x32xf32>, vector<8192x32xf32> -> vector<8192x32xf32>
    %get3A_32 = arith.constant 0 : index
    %get3A_33 = arith.constant 0 : index
    %get3A_34 = vector.load %arg9[%get3A_32, %get3A_33] : memref<1x32xf32, #tpu.memory_space<vmem>>, vector<1x32xf32>
    %add3A_35 = vector.broadcast %get3A_34 : vector<1x32xf32> to vector<8192x32xf32>
    %add3A_36 = arith.addf %dot_general3A_31, %add3A_35 : vector<8192x32xf32>
    %get3A_37 = arith.constant 0 : index
    %get3A_38 = arith.constant 0 : index
    %get3A_39 = vector.load %arg10[%get3A_37, %get3A_38] : memref<32x4xf32, #tpu.memory_space<vmem>>, vector<32x4xf32>
    %dot_general3A_40 = arith.constant dense<0.000000e+00> : vector<8192x4xf32>
    %dot_general3A_41 = tpu.matmul %add3A_36, %get3A_39, %dot_general3A_40 {dimension_numbers = #tpu.dot_dimension_numbers<[1], [0], [0], [1], [0, 0, 1, 1], [], []>, transpose_lhs_hint = false} : vector<8192x32xf32>, vector<32x4xf32>, vector<8192x4xf32> -> vector<8192x4xf32>
    %reshape3A_42 = vector.shape_cast %dot_general3A_41 : vector<8192x4xf32> to vector<512x16x4xf32>
    %slice3A_43 = vector.extract_strided_slice %reshape3A {offsets = [0, 0, 4], sizes = [512, 16, 4], strides = [1, 1, 1]} : vector<512x16x48xf32> to vector<512x16x4xf32>
    %sub3A_44 = arith.subf %reshape3A_42, %slice3A_43 : vector<512x16x4xf32>
    %exp3A = math.exp %sub3A_44 : vector<512x16x4xf32>
    %reduce_sum3A = arith.constant dense<0.000000e+00> : vector<512x4xf32>
    %reduce_sum3A_45 = vector.multi_reduction <add>, %exp3A, %reduce_sum3A [1] : vector<512x16x4xf32> to vector<512x4xf32>
    %broadcast_in_dim3A = vector.shape_cast %reduce_sum3A_45 : vector<512x4xf32> to vector<512x1x4xf32>
    %div3A = arith.constant 1.000000e+00 : f32
    %div3A_46 = vector.broadcast %div3A : f32 to vector<512x1x4xf32>
    %div3A_47 = arith.divf %div3A_46, %broadcast_in_dim3A : vector<512x1x4xf32>
    %mul3A = vector.broadcast %div3A_47 : vector<512x1x4xf32> to vector<512x16x4xf32>
    %mul3A_48 = arith.mulf %exp3A, %mul3A : vector<512x16x4xf32>
    %reshape3A_49 = vector.shape_cast %mul3A_48 : vector<512x16x4xf32> to vector<8192x4xf32>
    %get3A_50 = arith.constant 0 : index
    %get3A_51 = arith.constant 0 : index
    %get3A_52 = vector.load %arg11[%get3A_50, %get3A_51] : memref<4x32xf32, #tpu.memory_space<vmem>>, vector<4x32xf32>
    %dot_general3A_53 = arith.constant dense<0.000000e+00> : vector<8192x32xf32>
    %dot_general3A_54 = tpu.matmul %reshape3A_49, %get3A_52, %dot_general3A_53 {dimension_numbers = #tpu.dot_dimension_numbers<[1], [0], [0], [1], [0, 0, 1, 1], [], []>, transpose_lhs_hint = false} : vector<8192x4xf32>, vector<4x32xf32>, vector<8192x32xf32> -> vector<8192x32xf32>
    %slice3A_55 = vector.extract_strided_slice %get3A_4 {offsets = [0, 16], sizes = [8192, 32], strides = [1, 1]} : vector<8192x48xf32> to vector<8192x32xf32>
    %add3A_56 = arith.addf %slice3A_55, %add3A_36 : vector<8192x32xf32>
    %mul3A_57 = arith.mulf %dot_general3A_54, %add3A_56 : vector<8192x32xf32>
    %reshape3A_58 = vector.shape_cast %mul3A_57 : vector<8192x32xf32> to vector<512x16x32xf32>
    %reduce_sum3A_59 = arith.constant dense<0.000000e+00> : vector<512x32xf32>
    %reduce_sum3A_60 = vector.multi_reduction <add>, %reshape3A_58, %reduce_sum3A_59 [1] : vector<512x16x32xf32> to vector<512x32xf32>
    %get3A_61 = arith.constant 0 : index
    %get3A_62 = arith.constant 0 : index
    %get3A_63 = vector.load %arg12[%get3A_61, %get3A_62] : memref<32x32xf32, #tpu.memory_space<vmem>>, vector<32x32xf32>
    %dot_general3A_64 = arith.constant dense<0.000000e+00> : vector<512x32xf32>
    %dot_general3A_65 = tpu.matmul %reduce_sum3A_60, %get3A_63, %dot_general3A_64 {dimension_numbers = #tpu.dot_dimension_numbers<[1], [0], [0], [1], [0, 0, 1, 1], [], []>, transpose_lhs_hint = false} : vector<512x32xf32>, vector<32x32xf32>, vector<512x32xf32> -> vector<512x32xf32>
    %get3A_66 = arith.constant 0 : index
    %get3A_67 = arith.constant 0 : index
    %get3A_68 = vector.load %arg13[%get3A_66, %get3A_67] : memref<1x32xf32, #tpu.memory_space<vmem>>, vector<1x32xf32>
    %add3A_69 = vector.broadcast %get3A_68 : vector<1x32xf32> to vector<512x32xf32>
    %add3A_70 = arith.addf %dot_general3A_65, %add3A_69 : vector<512x32xf32>
    %get3A_71 = arith.constant 0 : index
    %get3A_72 = arith.constant 0 : index
    %get3A_73 = vector.load %arg14[%get3A_71, %get3A_72] : memref<16x32xf32, #tpu.memory_space<vmem>>, vector<16x32xf32>
    %dot_general3A_74 = arith.constant dense<0.000000e+00> : vector<512x32xf32>
    %dot_general3A_75 = tpu.matmul %get3A_1, %get3A_73, %dot_general3A_74 {dimension_numbers = #tpu.dot_dimension_numbers<[1], [0], [0], [1], [0, 0, 1, 1], [], []>, transpose_lhs_hint = false} : vector<512x16xf32>, vector<16x32xf32>, vector<512x32xf32> -> vector<512x32xf32>
    %get3A_76 = arith.constant 0 : index
    %get3A_77 = arith.constant 0 : index
    %get3A_78 = vector.load %arg15[%get3A_76, %get3A_77] : memref<1x32xf32, #tpu.memory_space<vmem>>, vector<1x32xf32>
    %add3A_79 = vector.broadcast %get3A_78 : vector<1x32xf32> to vector<512x32xf32>
    %add3A_80 = arith.addf %dot_general3A_75, %add3A_79 : vector<512x32xf32>
    %add3A_81 = arith.addf %add3A_80, %add3A_70 : vector<512x32xf32>
    %max3A_82 = arith.constant 0.000000e+00 : f32
    %max3A_83 = vector.broadcast %max3A_82 : f32 to vector<512x32xf32>
    %max3A_84 = arith.maximumf %add3A_81, %max3A_83 : vector<512x32xf32>
    %swap3A = arith.constant 0 : index
    %swap3A_85 = arith.constant 0 : index
    %swap3A_86 = vector.load %arg20[%swap3A, %swap3A_85] : memref<512x32xf32, #tpu.memory_space<vmem>>, vector<512x32xf32>
    tpu.vector_store %arg20[%swap3A, %swap3A_85], %max3A_84 {strides = array<i32>} : memref<512x32xf32, #tpu.memory_space<vmem>>, vector<512x32xf32>,
    %get3A_87 = arith.constant 0 : index
    %get3A_88 = arith.constant 0 : index
    %get3A_89 = vector.load %arg5[%get3A_87, %get3A_88] : memref<512x1xf32, #tpu.memory_space<vmem>>, vector<512x1xf32>
    %gt3A = arith.constant 0.000000e+00 : f32
    %gt3A_90 = vector.broadcast %gt3A : f32 to vector<512x1xf32>
    %gt3A_91 = arith.cmpf ogt, %get3A_89, %gt3A_90 : vector<512x1xf32>
    %jit3A = arith.constant 0xFF800000 : f32
    %broadcast_in_dim3A_92 = vector.shape_cast %gt3A_91 : vector<512x1xi1> to vector<512x1xi1>
    %broadcast_in_dim3A_93 = vector.broadcast %broadcast_in_dim3A_92 : vector<512x1xi1> to vector<512x32xi1>
    %broadcast_in_dim3A_94 = vector.broadcast %jit3A : f32 to vector<512x32xf32>
    %select_n3A = arith.select %broadcast_in_dim3A_93, %max3A_84, %broadcast_in_dim3A_94 : vector<512x32xi1>, vector<512x32xf32>
    %reduce_max3A = arith.constant dense<0xFF800000> : vector<32xf32>
    %reduce_max3A_95 = vector.multi_reduction <maximumf>, %select_n3A, %reduce_max3A [0] : vector<512x32xf32> to vector<32xf32>
    %broadcast_in_dim3A_96 = vector.shape_cast %reduce_max3A_95 : vector<32xf32> to vector<1x32xf32>
    %eq3A = arith.constant 0 : i32
    %eq3A_97 = arith.cmpi eq, %arg1, %eq3A : i32
    %convert_element_type3A = arith.extui %eq3A_97 : i1 to i32
    %cond3A = arith.constant 0 : i32
    %cond3A_98 = arith.cmpi ne, %convert_element_type3A, %cond3A : i32
    scf.if %cond3A_98 {
      %swap3A_130 = arith.constant 0 : index
      %swap3A_131 = arith.constant 0 : index
      %swap3A_132 = arith.constant 0 : index
      %swap3A_133 = vector.load %arg21[%swap3A_130, %swap3A_131, %swap3A_132] : memref<1x1x32xf32, #tpu.memory_space<vmem>>, vector<1x1x32xf32>
      %swap3A_134 = vector.shape_cast %swap3A_133 : vector<1x1x32xf32> to vector<1x32xf32>
      %swap3A_135 = vector.shape_cast %broadcast_in_dim3A_96 : vector<1x32xf32> to vector<1x1x32xf32>
      tpu.vector_store %arg21[%swap3A_130, %swap3A_131, %swap3A_132], %swap3A_135 {strides = array<i32>} : memref<1x1x32xf32, #tpu.memory_space<vmem>>, vector<1x1x32xf32>,
    } else {
    }
    %ne3A = arith.constant 0 : i32
    %ne3A_99 = arith.cmpi ne, %arg1, %ne3A : i32
    %convert_element_type3A_100 = arith.extui %ne3A_99 : i1 to i32
    %cond3A_101 = arith.constant 0 : i32
    %cond3A_102 = arith.cmpi ne, %convert_element_type3A_100, %cond3A_101 : i32
    scf.if %cond3A_102 {
      %get3A_130 = arith.constant 0 : index
      %get3A_131 = arith.constant 0 : index
      %get3A_132 = arith.constant 0 : index
      %get3A_133 = vector.load %arg21[%get3A_130, %get3A_131, %get3A_132] : memref<1x1x32xf32, #tpu.memory_space<vmem>>, vector<1x1x32xf32>
      %get3A_134 = vector.shape_cast %get3A_133 : vector<1x1x32xf32> to vector<1x32xf32>
      %max3A_135 = arith.maximumf %get3A_134, %broadcast_in_dim3A_96 : vector<1x32xf32>
      %swap3A_136 = arith.constant 0 : index
      %swap3A_137 = arith.constant 0 : index
      %swap3A_138 = arith.constant 0 : index
      %swap3A_139 = vector.load %arg21[%swap3A_136, %swap3A_137, %swap3A_138] : memref<1x1x32xf32, #tpu.memory_space<vmem>>, vector<1x1x32xf32>
      %swap3A_140 = vector.shape_cast %swap3A_139 : vector<1x1x32xf32> to vector<1x32xf32>
      %swap3A_141 = vector.shape_cast %max3A_135 : vector<1x32xf32> to vector<1x1x32xf32>
      tpu.vector_store %arg21[%swap3A_136, %swap3A_137, %swap3A_138], %swap3A_141 {strides = array<i32>} : memref<1x1x32xf32, #tpu.memory_space<vmem>>, vector<1x1x32xf32>,
    } else {
    }
    %get3A_103 = arith.constant 0 : index
    %get3A_104 = arith.constant 0 : index
    %get3A_105 = vector.load %arg16[%get3A_103, %get3A_104] : memref<32x4xf32, #tpu.memory_space<vmem>>, vector<32x4xf32>
    %dot_general3A_106 = arith.constant dense<0.000000e+00> : vector<512x4xf32>
    %dot_general3A_107 = tpu.matmul %max3A_84, %get3A_105, %dot_general3A_106 {dimension_numbers = #tpu.dot_dimension_numbers<[1], [0], [0], [1], [0, 0, 1, 1], [], []>, transpose_lhs_hint = false} : vector<512x32xf32>, vector<32x4xf32>, vector<512x4xf32> -> vector<512x4xf32>
    %get3A_108 = arith.constant 0 : index
    %get3A_109 = arith.constant 0 : index
    %get3A_110 = vector.load %arg17[%get3A_108, %get3A_109] : memref<1x4xf32, #tpu.memory_space<vmem>>, vector<1x4xf32>
    %add3A_111 = vector.broadcast %get3A_110 : vector<1x4xf32> to vector<512x4xf32>
    %add3A_112 = arith.addf %dot_general3A_107, %add3A_111 : vector<512x4xf32>
    %get3A_113 = arith.constant 0 : index
    %get3A_114 = arith.constant 0 : index
    %get3A_115 = vector.load %arg18[%get3A_113, %get3A_114] : memref<32x64xf32, #tpu.memory_space<vmem>>, vector<32x64xf32>
    %dot_general3A_116 = arith.constant dense<0.000000e+00> : vector<512x64xf32>
    %dot_general3A_117 = tpu.matmul %max3A_84, %get3A_115, %dot_general3A_116 {dimension_numbers = #tpu.dot_dimension_numbers<[1], [0], [0], [1], [0, 0, 1, 1], [], []>, transpose_lhs_hint = false} : vector<512x32xf32>, vector<32x64xf32>, vector<512x64xf32> -> vector<512x64xf32>
    %get3A_118 = arith.constant 0 : index
    %get3A_119 = arith.constant 0 : index
    %get3A_120 = vector.load %arg19[%get3A_118, %get3A_119] : memref<1x64xf32, #tpu.memory_space<vmem>>, vector<1x64xf32>
    %add3A_121 = vector.broadcast %get3A_120 : vector<1x64xf32> to vector<512x64xf32>
    %add3A_122 = arith.addf %dot_general3A_117, %add3A_121 : vector<512x64xf32>
    %broadcast_in_dim3A_123 = arith.constant 0.000000e+00 : f32
    %broadcast_in_dim3A_124 = vector.broadcast %broadcast_in_dim3A_123 : f32 to vector<512x1xf32>
    %broadcast_in_dim3A_125 = arith.constant 0.000000e+00 : f32
    %broadcast_in_dim3A_126 = vector.broadcast %broadcast_in_dim3A_125 : f32 to vector<512x8xf32>
    %concatenate3A = tpu.concatenate %get3A_7, %broadcast_in_dim3A_124, %add3A_112, %broadcast_in_dim3A_126, %add3A_122 in 1 : vector<512x3xf32>, vector<512x1xf32>, vector<512x4xf32>, vector<512x8xf32>, vector<512x64xf32> -> vector<512x80xf32>
    %swap3A_127 = arith.constant 0 : index
    %swap3A_128 = arith.constant 0 : index
    %swap3A_129 = vector.load %arg22[%swap3A_127, %swap3A_128] : memref<512x80xf32, #tpu.memory_space<vmem>>, vector<512x80xf32>
    tpu.vector_store %arg22[%swap3A_127, %swap3A_128], %concatenate3A {strides = array<i32>} : memref<512x80xf32, #tpu.memory_space<vmem>>, vector<512x80xf32>,
    return
  }
  func.func @transform_0(%arg0: i32, %arg1: i32) -> (i32, i32) {
    %mul3A = arith.constant 8 : i32
    %mul3A_0 = arith.muli %arg0, %mul3A : i32
    %add3A = arith.addi %mul3A_0, %arg1 : i32
    %c0_i32 = arith.constant 0 : i32
    %c0_i32_1 = arith.constant 0 : i32
    return %add3A, %c0_i32 : i32, i32
  }
  func.func @transform_1(%arg0: i32, %arg1: i32) -> (i32, i32) {
    %mul3A = arith.constant 8 : i32
    %mul3A_0 = arith.muli %arg0, %mul3A : i32
    %add3A = arith.addi %mul3A_0, %arg1 : i32
    %c0_i32 = arith.constant 0 : i32
    %c0_i32_1 = arith.constant 0 : i32
    return %add3A, %c0_i32 : i32, i32
  }
  func.func @transform_2(%arg0: i32, %arg1: i32) -> (i32, i32) {
    %mul3A = arith.constant 8 : i32
    %mul3A_0 = arith.muli %arg0, %mul3A : i32
    %add3A = arith.addi %mul3A_0, %arg1 : i32
    %c0_i32 = arith.constant 0 : i32
    %c0_i32_1 = arith.constant 0 : i32
    return %add3A, %c0_i32 : i32, i32
  }
  func.func @transform_3(%arg0: i32, %arg1: i32) -> (i32, i32) {
    %mul3A = arith.constant 8 : i32
    %mul3A_0 = arith.muli %arg0, %mul3A : i32
    %add3A = arith.addi %mul3A_0, %arg1 : i32
    %c0_i32 = arith.constant 0 : i32
    %c0_i32_1 = arith.constant 0 : i32
    return %add3A, %c0_i32 : i32, i32
  }
  func.func @transform_4(%arg0: i32, %arg1: i32) -> (i32, i32) {
    %c0_i32 = arith.constant 0 : i32
    %c0_i32_0 = arith.constant 0 : i32
    %c0_i32_1 = arith.constant 0 : i32
    return %c0_i32, %c0_i32_0 : i32, i32
  }
  func.func @transform_5(%arg0: i32, %arg1: i32) -> (i32, i32) {
    %c0_i32 = arith.constant 0 : i32
    %c0_i32_0 = arith.constant 0 : i32
    %c0_i32_1 = arith.constant 0 : i32
    return %c0_i32, %c0_i32_0 : i32, i32
  }
  func.func @transform_6(%arg0: i32, %arg1: i32) -> (i32, i32) {
    %c0_i32 = arith.constant 0 : i32
    %c0_i32_0 = arith.constant 0 : i32
    %c0_i32_1 = arith.constant 0 : i32
    return %c0_i32, %c0_i32_0 : i32, i32
  }
  func.func @transform_7(%arg0: i32, %arg1: i32) -> (i32, i32) {
    %c0_i32 = arith.constant 0 : i32
    %c0_i32_0 = arith.constant 0 : i32
    %c0_i32_1 = arith.constant 0 : i32
    return %c0_i32, %c0_i32_0 : i32, i32
  }
  func.func @transform_8(%arg0: i32, %arg1: i32) -> (i32, i32) {
    %c0_i32 = arith.constant 0 : i32
    %c0_i32_0 = arith.constant 0 : i32
    %c0_i32_1 = arith.constant 0 : i32
    return %c0_i32, %c0_i32_0 : i32, i32
  }
  func.func @transform_9(%arg0: i32, %arg1: i32) -> (i32, i32) {
    %c0_i32 = arith.constant 0 : i32
    %c0_i32_0 = arith.constant 0 : i32
    %c0_i32_1 = arith.constant 0 : i32
    return %c0_i32, %c0_i32_0 : i32, i32
  }
  func.func @transform_10(%arg0: i32, %arg1: i32) -> (i32, i32) {
    %c0_i32 = arith.constant 0 : i32
    %c0_i32_0 = arith.constant 0 : i32
    %c0_i32_1 = arith.constant 0 : i32
    return %c0_i32, %c0_i32_0 : i32, i32
  }
  func.func @transform_11(%arg0: i32, %arg1: i32) -> (i32, i32) {
    %c0_i32 = arith.constant 0 : i32
    %c0_i32_0 = arith.constant 0 : i32
    %c0_i32_1 = arith.constant 0 : i32
    return %c0_i32, %c0_i32_0 : i32, i32
  }
  func.func @transform_12(%arg0: i32, %arg1: i32) -> (i32, i32) {
    %c0_i32 = arith.constant 0 : i32
    %c0_i32_0 = arith.constant 0 : i32
    %c0_i32_1 = arith.constant 0 : i32
    return %c0_i32, %c0_i32_0 : i32, i32
  }
  func.func @transform_13(%arg0: i32, %arg1: i32) -> (i32, i32) {
    %c0_i32 = arith.constant 0 : i32
    %c0_i32_0 = arith.constant 0 : i32
    %c0_i32_1 = arith.constant 0 : i32
    return %c0_i32, %c0_i32_0 : i32, i32
  }
  func.func @transform_14(%arg0: i32, %arg1: i32) -> (i32, i32) {
    %c0_i32 = arith.constant 0 : i32
    %c0_i32_0 = arith.constant 0 : i32
    %c0_i32_1 = arith.constant 0 : i32
    return %c0_i32, %c0_i32_0 : i32, i32
  }
  func.func @transform_15(%arg0: i32, %arg1: i32) -> (i32, i32) {
    %c0_i32 = arith.constant 0 : i32
    %c0_i32_0 = arith.constant 0 : i32
    %c0_i32_1 = arith.constant 0 : i32
    return %c0_i32, %c0_i32_0 : i32, i32
  }
  func.func @transform_16(%arg0: i32, %arg1: i32) -> (i32, i32) {
    %c0_i32 = arith.constant 0 : i32
    %c0_i32_0 = arith.constant 0 : i32
    %c0_i32_1 = arith.constant 0 : i32
    return %c0_i32, %c0_i32_0 : i32, i32
  }
  func.func @transform_17(%arg0: i32, %arg1: i32) -> (i32, i32) {
    %c0_i32 = arith.constant 0 : i32
    %c0_i32_0 = arith.constant 0 : i32
    %c0_i32_1 = arith.constant 0 : i32
    return %c0_i32, %c0_i32_0 : i32, i32
  }
  func.func @transform_18(%arg0: i32, %arg1: i32) -> (i32, i32) {
    %mul3A = arith.constant 8 : i32
    %mul3A_0 = arith.muli %arg0, %mul3A : i32
    %add3A = arith.addi %mul3A_0, %arg1 : i32
    %c0_i32 = arith.constant 0 : i32
    %c0_i32_1 = arith.constant 0 : i32
    return %add3A, %c0_i32 : i32, i32
  }
  func.func @transform_19(%arg0: i32, %arg1: i32) -> (i32, i32, i32) {
    %c0_i32 = arith.constant 0 : i32
    %c0_i32_0 = arith.constant 0 : i32
    %c0_i32_1 = arith.constant 0 : i32
    return %arg0, %c0_i32, %c0_i32_0 : i32, i32, i32
  }
  func.func @transform_20(%arg0: i32, %arg1: i32) -> (i32, i32) {
    %mul3A = arith.constant 8 : i32
    %mul3A_0 = arith.muli %arg0, %mul3A : i32
    %add3A = arith.addi %mul3A_0, %arg1 : i32
    %c0_i32 = arith.constant 0 : i32
    %c0_i32_1 = arith.constant 0 : i32
    return %add3A, %c0_i32 : i32, i32
  }
}

module attributes {stable_mosaic.version = 14 : i64} {
  func.func @_layer_body(%arg0: i32, %arg1: i32, %arg2: memref<512x32xf32, #tpu.memory_space<vmem>>, %arg3: memref<512x80xf32, #tpu.memory_space<vmem>>, %arg4: memref<8192x128xf32, #tpu.memory_space<vmem>>, %arg5: memref<512x1xf32, #tpu.memory_space<vmem>>, %arg6: memref<3x64xf32, #tpu.memory_space<vmem>>, %arg7: memref<1x64xf32, #tpu.memory_space<vmem>>, %arg8: memref<64x64xf32, #tpu.memory_space<vmem>>, %arg9: memref<1x64xf32, #tpu.memory_space<vmem>>, %arg10: memref<64x4xf32, #tpu.memory_space<vmem>>, %arg11: memref<4x64xf32, #tpu.memory_space<vmem>>, %arg12: memref<64x64xf32, #tpu.memory_space<vmem>>, %arg13: memref<1x64xf32, #tpu.memory_space<vmem>>, %arg14: memref<32x64xf32, #tpu.memory_space<vmem>>, %arg15: memref<1x64xf32, #tpu.memory_space<vmem>>, %arg16: memref<512x64xf32, #tpu.memory_space<vmem>>, %arg17: memref<1x1x64xf32, #tpu.memory_space<vmem>>) attributes {dimension_semantics = [#tpu.dimension_semantics<arbitrary>, #tpu.dimension_semantics<arbitrary>], iteration_bounds = array<i64: 2, 8>, scalar_prefetch = 0 : i64, scratch_operands = 0 : i64, tpu.core_type = #tpu.core_type<tc>, window_params = [{transform_indices = @transform_0, window_bounds = array<i64: 512, 32>}, {transform_indices = @transform_1, window_bounds = array<i64: 512, 80>}, {transform_indices = @transform_2, window_bounds = array<i64: 8192, 128>}, {transform_indices = @transform_3, window_bounds = array<i64: 512, 1>}, {pipeline_mode = #tpu.pipeline_mode<synchronous>, transform_indices = @transform_4, window_bounds = array<i64: 3, 64>}, {pipeline_mode = #tpu.pipeline_mode<synchronous>, transform_indices = @transform_5, window_bounds = array<i64: 1, 64>}, {pipeline_mode = #tpu.pipeline_mode<synchronous>, transform_indices = @transform_6, window_bounds = array<i64: 64, 64>}, {pipeline_mode = #tpu.pipeline_mode<synchronous>, transform_indices = @transform_7, window_bounds = array<i64: 1, 64>}, {pipeline_mode = #tpu.pipeline_mode<synchronous>, transform_indices = @transform_8, window_bounds = array<i64: 64, 4>}, {pipeline_mode = #tpu.pipeline_mode<synchronous>, transform_indices = @transform_9, window_bounds = array<i64: 4, 64>}, {pipeline_mode = #tpu.pipeline_mode<synchronous>, transform_indices = @transform_10, window_bounds = array<i64: 64, 64>}, {pipeline_mode = #tpu.pipeline_mode<synchronous>, transform_indices = @transform_11, window_bounds = array<i64: 1, 64>}, {pipeline_mode = #tpu.pipeline_mode<synchronous>, transform_indices = @transform_12, window_bounds = array<i64: 32, 64>}, {pipeline_mode = #tpu.pipeline_mode<synchronous>, transform_indices = @transform_13, window_bounds = array<i64: 1, 64>}, {transform_indices = @transform_14, window_bounds = array<i64: 512, 64>}, {transform_indices = @transform_15, window_bounds = array<i64: 1, 1, 64>}]} {
    %get3A = arith.constant 0 : index
    %get3A_0 = arith.constant 0 : index
    %get3A_1 = vector.load %arg2[%get3A, %get3A_0] : memref<512x32xf32, #tpu.memory_space<vmem>>, vector<512x32xf32>
    %get3A_2 = arith.constant 0 : index
    %get3A_3 = arith.constant 0 : index
    %get3A_4 = vector.load %arg4[%get3A_2, %get3A_3] : memref<8192x128xf32, #tpu.memory_space<vmem>>, vector<8192x80xf32>
    %get3A_5 = arith.constant 0 : index
    %get3A_6 = arith.constant 0 : index
    %get3A_7 = vector.load %arg3[%get3A_5, %get3A_6] : memref<512x80xf32, #tpu.memory_space<vmem>>, vector<512x3xf32>
    %reshape3A = vector.shape_cast %get3A_4 : vector<8192x80xf32> to vector<512x16x80xf32>
    %get3A_8 = arith.constant 0 : index
    %get3A_9 = arith.constant 0 : index
    %get3A_10 = vector.load %arg6[%get3A_8, %get3A_9] : memref<3x64xf32, #tpu.memory_space<vmem>>, vector<3x64xf32>
    %dot_general3A = arith.constant dense<0.000000e+00> : vector<512x64xf32>
    %dot_general3A_11 = tpu.matmul %get3A_7, %get3A_10, %dot_general3A {dimension_numbers = #tpu.dot_dimension_numbers<[1], [0], [0], [1], [0, 0, 1, 1], [], []>, transpose_lhs_hint = false} : vector<512x3xf32>, vector<3x64xf32>, vector<512x64xf32> -> vector<512x64xf32>
    %get3A_12 = arith.constant 0 : index
    %get3A_13 = arith.constant 0 : index
    %get3A_14 = vector.load %arg7[%get3A_12, %get3A_13] : memref<1x64xf32, #tpu.memory_space<vmem>>, vector<1x64xf32>
    %add3A = vector.broadcast %get3A_14 : vector<1x64xf32> to vector<512x64xf32>
    %add3A_15 = arith.addf %dot_general3A_11, %add3A : vector<512x64xf32>
    %slice3A = vector.extract_strided_slice %get3A_4 {offsets = [0, 0], sizes = [8192, 3], strides = [1, 1]} : vector<8192x80xf32> to vector<8192x3xf32>
    %get3A_16 = arith.constant 0 : index
    %get3A_17 = arith.constant 0 : index
    %get3A_18 = vector.load %arg6[%get3A_16, %get3A_17] : memref<3x64xf32, #tpu.memory_space<vmem>>, vector<3x64xf32>
    %dot_general3A_19 = arith.constant dense<0.000000e+00> : vector<8192x64xf32>
    %dot_general3A_20 = tpu.matmul %slice3A, %get3A_18, %dot_general3A_19 {dimension_numbers = #tpu.dot_dimension_numbers<[1], [0], [0], [1], [0, 0, 1, 1], [], []>, transpose_lhs_hint = false} : vector<8192x3xf32>, vector<3x64xf32>, vector<8192x64xf32> -> vector<8192x64xf32>
    %reshape3A_21 = vector.shape_cast %add3A_15 : vector<512x64xf32> to vector<512x1x64xf32>
    %reshape3A_22 = vector.shape_cast %dot_general3A_20 : vector<8192x64xf32> to vector<512x16x64xf32>
    %sub3A = vector.broadcast %reshape3A_21 : vector<512x1x64xf32> to vector<512x16x64xf32>
    %sub3A_23 = arith.subf %sub3A, %reshape3A_22 : vector<512x16x64xf32>
    %reshape3A_24 = vector.shape_cast %sub3A_23 : vector<512x16x64xf32> to vector<8192x64xf32>
    %max3A = arith.constant 0.000000e+00 : f32
    %max3A_25 = vector.broadcast %max3A : f32 to vector<8192x64xf32>
    %max3A_26 = arith.maximumf %reshape3A_24, %max3A_25 : vector<8192x64xf32>
    %get3A_27 = arith.constant 0 : index
    %get3A_28 = arith.constant 0 : index
    %get3A_29 = vector.load %arg8[%get3A_27, %get3A_28] : memref<64x64xf32, #tpu.memory_space<vmem>>, vector<64x64xf32>
    %dot_general3A_30 = arith.constant dense<0.000000e+00> : vector<8192x64xf32>
    %dot_general3A_31 = tpu.matmul %max3A_26, %get3A_29, %dot_general3A_30 {dimension_numbers = #tpu.dot_dimension_numbers<[1], [0], [0], [1], [0, 0, 1, 1], [], []>, transpose_lhs_hint = false} : vector<8192x64xf32>, vector<64x64xf32>, vector<8192x64xf32> -> vector<8192x64xf32>
    %get3A_32 = arith.constant 0 : index
    %get3A_33 = arith.constant 0 : index
    %get3A_34 = vector.load %arg9[%get3A_32, %get3A_33] : memref<1x64xf32, #tpu.memory_space<vmem>>, vector<1x64xf32>
    %add3A_35 = vector.broadcast %get3A_34 : vector<1x64xf32> to vector<8192x64xf32>
    %add3A_36 = arith.addf %dot_general3A_31, %add3A_35 : vector<8192x64xf32>
    %get3A_37 = arith.constant 0 : index
    %get3A_38 = arith.constant 0 : index
    %get3A_39 = vector.load %arg10[%get3A_37, %get3A_38] : memref<64x4xf32, #tpu.memory_space<vmem>>, vector<64x4xf32>
    %dot_general3A_40 = arith.constant dense<0.000000e+00> : vector<8192x4xf32>
    %dot_general3A_41 = tpu.matmul %add3A_36, %get3A_39, %dot_general3A_40 {dimension_numbers = #tpu.dot_dimension_numbers<[1], [0], [0], [1], [0, 0, 1, 1], [], []>, transpose_lhs_hint = false} : vector<8192x64xf32>, vector<64x4xf32>, vector<8192x4xf32> -> vector<8192x4xf32>
    %reshape3A_42 = vector.shape_cast %dot_general3A_41 : vector<8192x4xf32> to vector<512x16x4xf32>
    %slice3A_43 = vector.extract_strided_slice %reshape3A {offsets = [0, 0, 4], sizes = [512, 16, 4], strides = [1, 1, 1]} : vector<512x16x80xf32> to vector<512x16x4xf32>
    %sub3A_44 = arith.subf %reshape3A_42, %slice3A_43 : vector<512x16x4xf32>
    %exp3A = math.exp %sub3A_44 : vector<512x16x4xf32>
    %reduce_sum3A = arith.constant dense<0.000000e+00> : vector<512x4xf32>
    %reduce_sum3A_45 = vector.multi_reduction <add>, %exp3A, %reduce_sum3A [1] : vector<512x16x4xf32> to vector<512x4xf32>
    %broadcast_in_dim3A = vector.shape_cast %reduce_sum3A_45 : vector<512x4xf32> to vector<512x1x4xf32>
    %div3A = arith.constant 1.000000e+00 : f32
    %div3A_46 = vector.broadcast %div3A : f32 to vector<512x1x4xf32>
    %div3A_47 = arith.divf %div3A_46, %broadcast_in_dim3A : vector<512x1x4xf32>
    %mul3A = vector.broadcast %div3A_47 : vector<512x1x4xf32> to vector<512x16x4xf32>
    %mul3A_48 = arith.mulf %exp3A, %mul3A : vector<512x16x4xf32>
    %reshape3A_49 = vector.shape_cast %mul3A_48 : vector<512x16x4xf32> to vector<8192x4xf32>
    %get3A_50 = arith.constant 0 : index
    %get3A_51 = arith.constant 0 : index
    %get3A_52 = vector.load %arg11[%get3A_50, %get3A_51] : memref<4x64xf32, #tpu.memory_space<vmem>>, vector<4x64xf32>
    %dot_general3A_53 = arith.constant dense<0.000000e+00> : vector<8192x64xf32>
    %dot_general3A_54 = tpu.matmul %reshape3A_49, %get3A_52, %dot_general3A_53 {dimension_numbers = #tpu.dot_dimension_numbers<[1], [0], [0], [1], [0, 0, 1, 1], [], []>, transpose_lhs_hint = false} : vector<8192x4xf32>, vector<4x64xf32>, vector<8192x64xf32> -> vector<8192x64xf32>
    %slice3A_55 = vector.extract_strided_slice %get3A_4 {offsets = [0, 16], sizes = [8192, 64], strides = [1, 1]} : vector<8192x80xf32> to vector<8192x64xf32>
    %add3A_56 = arith.addf %slice3A_55, %add3A_36 : vector<8192x64xf32>
    %mul3A_57 = arith.mulf %dot_general3A_54, %add3A_56 : vector<8192x64xf32>
    %reshape3A_58 = vector.shape_cast %mul3A_57 : vector<8192x64xf32> to vector<512x16x64xf32>
    %reduce_sum3A_59 = arith.constant dense<0.000000e+00> : vector<512x64xf32>
    %reduce_sum3A_60 = vector.multi_reduction <add>, %reshape3A_58, %reduce_sum3A_59 [1] : vector<512x16x64xf32> to vector<512x64xf32>
    %get3A_61 = arith.constant 0 : index
    %get3A_62 = arith.constant 0 : index
    %get3A_63 = vector.load %arg12[%get3A_61, %get3A_62] : memref<64x64xf32, #tpu.memory_space<vmem>>, vector<64x64xf32>
    %dot_general3A_64 = arith.constant dense<0.000000e+00> : vector<512x64xf32>
    %dot_general3A_65 = tpu.matmul %reduce_sum3A_60, %get3A_63, %dot_general3A_64 {dimension_numbers = #tpu.dot_dimension_numbers<[1], [0], [0], [1], [0, 0, 1, 1], [], []>, transpose_lhs_hint = false} : vector<512x64xf32>, vector<64x64xf32>, vector<512x64xf32> -> vector<512x64xf32>
    %get3A_66 = arith.constant 0 : index
    %get3A_67 = arith.constant 0 : index
    %get3A_68 = vector.load %arg13[%get3A_66, %get3A_67] : memref<1x64xf32, #tpu.memory_space<vmem>>, vector<1x64xf32>
    %add3A_69 = vector.broadcast %get3A_68 : vector<1x64xf32> to vector<512x64xf32>
    %add3A_70 = arith.addf %dot_general3A_65, %add3A_69 : vector<512x64xf32>
    %get3A_71 = arith.constant 0 : index
    %get3A_72 = arith.constant 0 : index
    %get3A_73 = vector.load %arg14[%get3A_71, %get3A_72] : memref<32x64xf32, #tpu.memory_space<vmem>>, vector<32x64xf32>
    %dot_general3A_74 = arith.constant dense<0.000000e+00> : vector<512x64xf32>
    %dot_general3A_75 = tpu.matmul %get3A_1, %get3A_73, %dot_general3A_74 {dimension_numbers = #tpu.dot_dimension_numbers<[1], [0], [0], [1], [0, 0, 1, 1], [], []>, transpose_lhs_hint = false} : vector<512x32xf32>, vector<32x64xf32>, vector<512x64xf32> -> vector<512x64xf32>
    %get3A_76 = arith.constant 0 : index
    %get3A_77 = arith.constant 0 : index
    %get3A_78 = vector.load %arg15[%get3A_76, %get3A_77] : memref<1x64xf32, #tpu.memory_space<vmem>>, vector<1x64xf32>
    %add3A_79 = vector.broadcast %get3A_78 : vector<1x64xf32> to vector<512x64xf32>
    %add3A_80 = arith.addf %dot_general3A_75, %add3A_79 : vector<512x64xf32>
    %add3A_81 = arith.addf %add3A_80, %add3A_70 : vector<512x64xf32>
    %max3A_82 = arith.constant 0.000000e+00 : f32
    %max3A_83 = vector.broadcast %max3A_82 : f32 to vector<512x64xf32>
    %max3A_84 = arith.maximumf %add3A_81, %max3A_83 : vector<512x64xf32>
    %swap3A = arith.constant 0 : index
    %swap3A_85 = arith.constant 0 : index
    %swap3A_86 = vector.load %arg16[%swap3A, %swap3A_85] : memref<512x64xf32, #tpu.memory_space<vmem>>, vector<512x64xf32>
    tpu.vector_store %arg16[%swap3A, %swap3A_85], %max3A_84 {strides = array<i32>} : memref<512x64xf32, #tpu.memory_space<vmem>>, vector<512x64xf32>,
    %get3A_87 = arith.constant 0 : index
    %get3A_88 = arith.constant 0 : index
    %get3A_89 = vector.load %arg5[%get3A_87, %get3A_88] : memref<512x1xf32, #tpu.memory_space<vmem>>, vector<512x1xf32>
    %gt3A = arith.constant 0.000000e+00 : f32
    %gt3A_90 = vector.broadcast %gt3A : f32 to vector<512x1xf32>
    %gt3A_91 = arith.cmpf ogt, %get3A_89, %gt3A_90 : vector<512x1xf32>
    %jit3A = arith.constant 0xFF800000 : f32
    %broadcast_in_dim3A_92 = vector.shape_cast %gt3A_91 : vector<512x1xi1> to vector<512x1xi1>
    %broadcast_in_dim3A_93 = vector.broadcast %broadcast_in_dim3A_92 : vector<512x1xi1> to vector<512x64xi1>
    %broadcast_in_dim3A_94 = vector.broadcast %jit3A : f32 to vector<512x64xf32>
    %select_n3A = arith.select %broadcast_in_dim3A_93, %max3A_84, %broadcast_in_dim3A_94 : vector<512x64xi1>, vector<512x64xf32>
    %reduce_max3A = arith.constant dense<0xFF800000> : vector<64xf32>
    %reduce_max3A_95 = vector.multi_reduction <maximumf>, %select_n3A, %reduce_max3A [0] : vector<512x64xf32> to vector<64xf32>
    %broadcast_in_dim3A_96 = vector.shape_cast %reduce_max3A_95 : vector<64xf32> to vector<1x64xf32>
    %eq3A = arith.constant 0 : i32
    %eq3A_97 = arith.cmpi eq, %arg1, %eq3A : i32
    %convert_element_type3A = arith.extui %eq3A_97 : i1 to i32
    %cond3A = arith.constant 0 : i32
    %cond3A_98 = arith.cmpi ne, %convert_element_type3A, %cond3A : i32
    scf.if %cond3A_98 {
      %swap3A_103 = arith.constant 0 : index
      %swap3A_104 = arith.constant 0 : index
      %swap3A_105 = arith.constant 0 : index
      %swap3A_106 = vector.load %arg17[%swap3A_103, %swap3A_104, %swap3A_105] : memref<1x1x64xf32, #tpu.memory_space<vmem>>, vector<1x1x64xf32>
      %swap3A_107 = vector.shape_cast %swap3A_106 : vector<1x1x64xf32> to vector<1x64xf32>
      %swap3A_108 = vector.shape_cast %broadcast_in_dim3A_96 : vector<1x64xf32> to vector<1x1x64xf32>
      tpu.vector_store %arg17[%swap3A_103, %swap3A_104, %swap3A_105], %swap3A_108 {strides = array<i32>} : memref<1x1x64xf32, #tpu.memory_space<vmem>>, vector<1x1x64xf32>,
    } else {
    }
    %ne3A = arith.constant 0 : i32
    %ne3A_99 = arith.cmpi ne, %arg1, %ne3A : i32
    %convert_element_type3A_100 = arith.extui %ne3A_99 : i1 to i32
    %cond3A_101 = arith.constant 0 : i32
    %cond3A_102 = arith.cmpi ne, %convert_element_type3A_100, %cond3A_101 : i32
    scf.if %cond3A_102 {
      %get3A_103 = arith.constant 0 : index
      %get3A_104 = arith.constant 0 : index
      %get3A_105 = arith.constant 0 : index
      %get3A_106 = vector.load %arg17[%get3A_103, %get3A_104, %get3A_105] : memref<1x1x64xf32, #tpu.memory_space<vmem>>, vector<1x1x64xf32>
      %get3A_107 = vector.shape_cast %get3A_106 : vector<1x1x64xf32> to vector<1x64xf32>
      %max3A_108 = arith.maximumf %get3A_107, %broadcast_in_dim3A_96 : vector<1x64xf32>
      %swap3A_109 = arith.constant 0 : index
      %swap3A_110 = arith.constant 0 : index
      %swap3A_111 = arith.constant 0 : index
      %swap3A_112 = vector.load %arg17[%swap3A_109, %swap3A_110, %swap3A_111] : memref<1x1x64xf32, #tpu.memory_space<vmem>>, vector<1x1x64xf32>
      %swap3A_113 = vector.shape_cast %swap3A_112 : vector<1x1x64xf32> to vector<1x64xf32>
      %swap3A_114 = vector.shape_cast %max3A_108 : vector<1x64xf32> to vector<1x1x64xf32>
      tpu.vector_store %arg17[%swap3A_109, %swap3A_110, %swap3A_111], %swap3A_114 {strides = array<i32>} : memref<1x1x64xf32, #tpu.memory_space<vmem>>, vector<1x1x64xf32>,
    } else {
    }
    return
  }
  func.func @transform_0(%arg0: i32, %arg1: i32) -> (i32, i32) {
    %mul3A = arith.constant 8 : i32
    %mul3A_0 = arith.muli %arg0, %mul3A : i32
    %add3A = arith.addi %mul3A_0, %arg1 : i32
    %c0_i32 = arith.constant 0 : i32
    %c0_i32_1 = arith.constant 0 : i32
    return %add3A, %c0_i32 : i32, i32
  }
  func.func @transform_1(%arg0: i32, %arg1: i32) -> (i32, i32) {
    %mul3A = arith.constant 8 : i32
    %mul3A_0 = arith.muli %arg0, %mul3A : i32
    %add3A = arith.addi %mul3A_0, %arg1 : i32
    %c0_i32 = arith.constant 0 : i32
    %c0_i32_1 = arith.constant 0 : i32
    return %add3A, %c0_i32 : i32, i32
  }
  func.func @transform_2(%arg0: i32, %arg1: i32) -> (i32, i32) {
    %mul3A = arith.constant 8 : i32
    %mul3A_0 = arith.muli %arg0, %mul3A : i32
    %add3A = arith.addi %mul3A_0, %arg1 : i32
    %c0_i32 = arith.constant 0 : i32
    %c0_i32_1 = arith.constant 0 : i32
    return %add3A, %c0_i32 : i32, i32
  }
  func.func @transform_3(%arg0: i32, %arg1: i32) -> (i32, i32) {
    %mul3A = arith.constant 8 : i32
    %mul3A_0 = arith.muli %arg0, %mul3A : i32
    %add3A = arith.addi %mul3A_0, %arg1 : i32
    %c0_i32 = arith.constant 0 : i32
    %c0_i32_1 = arith.constant 0 : i32
    return %add3A, %c0_i32 : i32, i32
  }
  func.func @transform_4(%arg0: i32, %arg1: i32) -> (i32, i32) {
    %c0_i32 = arith.constant 0 : i32
    %c0_i32_0 = arith.constant 0 : i32
    %c0_i32_1 = arith.constant 0 : i32
    return %c0_i32, %c0_i32_0 : i32, i32
  }
  func.func @transform_5(%arg0: i32, %arg1: i32) -> (i32, i32) {
    %c0_i32 = arith.constant 0 : i32
    %c0_i32_0 = arith.constant 0 : i32
    %c0_i32_1 = arith.constant 0 : i32
    return %c0_i32, %c0_i32_0 : i32, i32
  }
  func.func @transform_6(%arg0: i32, %arg1: i32) -> (i32, i32) {
    %c0_i32 = arith.constant 0 : i32
    %c0_i32_0 = arith.constant 0 : i32
    %c0_i32_1 = arith.constant 0 : i32
    return %c0_i32, %c0_i32_0 : i32, i32
  }
  func.func @transform_7(%arg0: i32, %arg1: i32) -> (i32, i32) {
    %c0_i32 = arith.constant 0 : i32
    %c0_i32_0 = arith.constant 0 : i32
    %c0_i32_1 = arith.constant 0 : i32
    return %c0_i32, %c0_i32_0 : i32, i32
  }
  func.func @transform_8(%arg0: i32, %arg1: i32) -> (i32, i32) {
    %c0_i32 = arith.constant 0 : i32
    %c0_i32_0 = arith.constant 0 : i32
    %c0_i32_1 = arith.constant 0 : i32
    return %c0_i32, %c0_i32_0 : i32, i32
  }
  func.func @transform_9(%arg0: i32, %arg1: i32) -> (i32, i32) {
    %c0_i32 = arith.constant 0 : i32
    %c0_i32_0 = arith.constant 0 : i32
    %c0_i32_1 = arith.constant 0 : i32
    return %c0_i32, %c0_i32_0 : i32, i32
  }
  func.func @transform_10(%arg0: i32, %arg1: i32) -> (i32, i32) {
    %c0_i32 = arith.constant 0 : i32
    %c0_i32_0 = arith.constant 0 : i32
    %c0_i32_1 = arith.constant 0 : i32
    return %c0_i32, %c0_i32_0 : i32, i32
  }
  func.func @transform_11(%arg0: i32, %arg1: i32) -> (i32, i32) {
    %c0_i32 = arith.constant 0 : i32
    %c0_i32_0 = arith.constant 0 : i32
    %c0_i32_1 = arith.constant 0 : i32
    return %c0_i32, %c0_i32_0 : i32, i32
  }
  func.func @transform_12(%arg0: i32, %arg1: i32) -> (i32, i32) {
    %c0_i32 = arith.constant 0 : i32
    %c0_i32_0 = arith.constant 0 : i32
    %c0_i32_1 = arith.constant 0 : i32
    return %c0_i32, %c0_i32_0 : i32, i32
  }
  func.func @transform_13(%arg0: i32, %arg1: i32) -> (i32, i32) {
    %c0_i32 = arith.constant 0 : i32
    %c0_i32_0 = arith.constant 0 : i32
    %c0_i32_1 = arith.constant 0 : i32
    return %c0_i32, %c0_i32_0 : i32, i32
  }
  func.func @transform_14(%arg0: i32, %arg1: i32) -> (i32, i32) {
    %mul3A = arith.constant 8 : i32
    %mul3A_0 = arith.muli %arg0, %mul3A : i32
    %add3A = arith.addi %mul3A_0, %arg1 : i32
    %c0_i32 = arith.constant 0 : i32
    %c0_i32_1 = arith.constant 0 : i32
    return %add3A, %c0_i32 : i32, i32
  }
  func.func @transform_15(%arg0: i32, %arg1: i32) -> (i32, i32, i32) {
    %c0_i32 = arith.constant 0 : i32
    %c0_i32_0 = arith.constant 0 : i32
    %c0_i32_1 = arith.constant 0 : i32
    return %arg0, %c0_i32, %c0_i32_0 : i32, i32, i32
  }
}

</mosaic_0001>

<sc_bundles>
// kernel: kernel.22.cloned.1.call-start
scs
__scs_entry_jumppad:
0x0: {  	(pc) =	sbr.rel $0x88, $3  }
0x1: {  	(tag) =	ssettag $0x0;
	lr =	simm.s32 $0x1  }
0x2: {  	[smem:$0x3F72] =	sst lr;
	_ =	strace $0xD0000000  }
0x3: {  	_ = 	snop  }
0x4: {  	_ = 	snop  }
0x5: {  	_ = 	snop  }
0x6: {  	_ = 	snop  }
0x7: {  	_ = 	snop  }
__scs_overlays_trampoline_lowered:
0x8: {  	[smem:$0x3F81] =	sst s0  }
0x9: {  	[smem:$0x3F82] =	sst s1  }
0xa: {  	[smem:$0x3F83] =	sst s2  }
0xb: {  	[smem:$0x3F84] =	sst s3  }
0xc: {  	[smem:$0x3F85] =	sst s4  }
0xd: {  	[smem:$0x3F86] =	sst s5  }
0xe: {  	[smem:$0x3F87] =	sst s6  }
0xf: {  	[smem:$0x3F88] =	sst s7  }
0x10: {  	[smem:$0x3F89] =	sst s8  }
0x11: {  	[smem:$0x3F8A] =	sst s9;
	s0 =	simm.s32 @!p0 $0x0  }
0x12: {  	s1 =	sld [smem:$0x3F70];
	s0 =	simm.s32 @p0 $0x1  }
0x13: {  	[smem:$0x3F8B] =	sst s0;
	s0 =	simm.s32 @!p1 $0x0  }
0x14: {  	s2 =	sld [smem:$0x3F6F];
	s0 =	simm.s32 @p1 $0x1  }
0x15: {  	[smem:$0x3F8C] =	sst s0;
	s0 =	simm.s32 @!p2 $0x0  }
0x16: {  	s3 =	sld [smem:$0x3FDB];
	s0 =	simm.s32 @p2 $0x1  }
0x17: {  	s4 =	simm.s32 $0x1BF5;
	[smem:$0x3F8E] =	sst s0  }
0x18: {  	s0 =	sld [smem:$0x3F71];
	_ =	swait.ge [sflag:s4], $0x0  }
0x19: {  	s7 =	sld [smem:$0x3F72]  }
0x1a: {  	s8 =	sadd.s32 $0xFFFFE003, lr  }
0x1b: {  	s9 =	sadd.s32 $0xFFFFFEF7, lr;
	s5 =	simm.s32 $0xFFFFFFFF;
	p2 =	slt.u32 s8, $0xFFFFF086  }
0x1c: {  	p1 =	slt.u32 s9, $0xF7A;
	s5 =	simm.s32 @!p2 $0x0  }
0x1d: {  	s5 =	simm.s32 @p1 $0x1;
	p0 =	seq.s32 s7, s2  }
0x1e: {  	s7 =	smul.u32 @!p0 $0xF7A, s2;
	p2 =	seq.s32 @!p0 s5, $0x0  }
0x1f: {  	s9 =	smul.u32 $0xF7A, s1;
	s8 =	simm.s32 @!p0 $0x1BF5;
	p2 =	por !p2, p0  }
0x20: {  	[sflag:s8] =	ssyncset.s32 @!p0 $0xFFFFF086;
	s6 =	sadd.s32 @!p0 s3, s7;
	s7 =	simm.s32 @!p0 $0x108  }
0x21: {  	s3 =	sadd.s32 s3, s9;
	s6 =	sadd.s32 @!p0 $0x88, s6;
	s7 =	simm.s32 @p2 $0x1082  }
0x22: {  	[simem:s7], [sflag:s8] =	dma.local @!p0 [hbm:s6], $0xF7A  }
0x23: {  	s9 =	sor.u32 $0xD0000000, s2;
	s6 =	simm.s32 $0x108;
	_ =	swait.ge @!p0 [sflag:s8], $0x0  }
0x24: {  	s3 =	sadd.s32 $0x88, s3;
	s6 =	simm.s32 @!p1 $0x1082;
	[sflag:s4] =	ssyncset.s32 $0xFFFFF086  }
0x25: {  	[simem:s6], [sflag:s4] =	dma.local [hbm:s3], $0xF7A  }
0x26: {  	[smem:$0x3F72] =	sst s1;
	(tag) =	ssettag s2;
	_ =	strace s9  }
0x27: {  	s1 =	sld [smem:$0x3F82]  }
0x28: {  	s2 =	sld [smem:$0x3F83]  }
0x29: {  	s4 =	sld [smem:$0x3F85]  }
0x2a: {  	p0 =	seq.s32 s5, $0x0;
	s5 =	sld [smem:$0x3F86]  }
0x2b: {  	s6 =	sld [smem:$0x3F87]  }
0x2c: {  	s7 =	sld [smem:$0x3F88]  }
0x2d: {  	s3 =	simm.s32 $0x108;
	s8 =	sld [smem:$0x3F89]  }
0x2e: {  	s3 =	simm.s32 @!p0 $0x1082;
	s9 =	sld [smem:$0x3F8A]  }
0x2f: {  	lr =	sadd.s32 s0, s3;
	s0 =	sld [smem:$0x3F81]  }
0x30: {  	s3 =	sld [smem:$0x3F84]  }
0x31: {  	[smem:$0x3F8D] =	sst s10  }
0x32: {  	s10 =	sld [smem:$0x3F8B];
	_ =	sdelay $0x3  }
0x33: {  	p0 =	seq.s32 s10, $0x1;
	s10 =	sld [smem:$0x3F8D];
	_ =	sdelay $0x3  }
0x34: {  	[smem:$0x3F8D] =	sst s10  }
0x35: {  	s10 =	sld [smem:$0x3F8C];
	_ =	sdelay $0x3  }
0x36: {  	p1 =	seq.s32 s10, $0x1;
	s10 =	sld [smem:$0x3F8D];
	_ =	sdelay $0x3  }
0x37: {  	[smem:$0x3F8D] =	sst s10  }
0x38: {  	s10 =	sld [smem:$0x3F8E]  }
0x39: {  	_ = 	snop;
	(pc) =	sbr.ind lr, $3  }
0x3a: {  	_ = 	snop  }
0x3b: {  	_ = 	snop  }
0x3c: {  	p2 =	seq.s32 s10, $0x1;
	s10 =	sld [smem:$0x3F8D]  }
0x3d: {  	_ =	shalt  }
0x3e: {  	_ =	shalt  }
0x3f: {  	_ =	shalt  }
0x40: {  	_ =	shalt  }
0x41: {  	_ =	shalt  }
0x42: {  	_ =	shalt  }
0x43: {  	_ =	shalt  }
0x44: {  	_ =	shalt  }
0x45: {  	_ =	shalt  }
0x46: {  	_ =	shalt  }
0x47: {  	_ =	shalt  }
0x48: {  	_ =	shalt  }
0x49: {  	_ =	shalt  }
0x4a: {  	_ =	shalt  }
0x4b: {  	_ =	shalt  }
0x4c: {  	_ =	shalt  }
0x4d: {  	_ =	shalt  }
0x4e: {  	_ =	shalt  }
0x4f: {  	_ =	shalt  }
0x50: {  	_ =	shalt  }
0x51: {  	_ =	shalt  }
0x52: {  	_ =	shalt  }
0x53: {  	_ =	shalt  }
0x54: {  	_ =	shalt  }
0x55: {  	_ =	shalt  }
0x56: {  	_ =	shalt  }
0x57: {  	_ =	shalt  }
0x58: {  	_ =	shalt  }
0x59: {  	_ =	shalt  }
0x5a: {  	_ =	shalt  }
0x5b: {  	_ =	shalt  }
0x5c: {  	_ =	shalt  }
0x5d: {  	_ =	shalt  }
0x5e: {  	_ =	shalt  }
0x5f: {  	_ =	shalt  }
0x60: {  	_ =	shalt  }
0x61: {  	_ =	shalt  }
0x62: {  	_ =	shalt  }
0x63: {  	_ =	shalt  }
0x64: {  	_ =	shalt  }
0x65: {  	_ =	shalt  }
0x66: {  	_ =	shalt  }
0x67: {  	_ =	shalt  }
0x68: {  	_ =	shalt  }
0x69: {  	_ =	shalt  }
0x6a: {  	_ =	shalt  }
0x6b: {  	_ =	shalt  }
0x6c: {  	_ =	shalt  }
0x6d: {  	_ =	shalt  }
0x6e: {  	_ =	shalt  }
0x6f: {  	_ =	shalt  }
0x70: {  	_ =	shalt  }
0x71: {  	_ =	shalt  }
0x72: {  	_ =	shalt  }
0x73: {  	_ =	shalt  }
0x74: {  	_ =	shalt  }
0x75: {  	_ =	shalt  }
0x76: {  	_ =	shalt  }
0x77: {  	_ =	shalt  }
0x78: {  	_ =	shalt  }
0x79: {  	_ =	shalt  }
0x7a: {  	_ =	shalt  }
0x7b: {  	_ =	shalt  }
0x7c: {  	_ =	shalt  }
0x7d: {  	_ =	shalt  }
0x7e: {  	_ =	shalt  }
0x7f: {  	_ =	shalt  }
0x80: {  	_ =	shalt  }
0x81: {  	_ =	shalt  }
0x82: {  	_ =	shalt  }
0x83: {  	_ =	shalt  }
0x84: {  	_ =	shalt  }
0x85: {  	_ =	shalt  }
0x86: {  	_ =	shalt  }
0x87: {  	_ =	shalt  }
.Lfunc_end0:
.L_simem_size_0:
called_computation_lowered:
.L_overlay_start_0:
0x88: {  	s2 =	sld [smem:$0x3FD9]  }
0x89: {  	s3 =	sld [smem:$0x3FFE];
	_ =	sdelay $0x1  }
0x8a: {  	s1 =	srdreg.scid  }
0x8b: {  	s0 =	sand.u32 $0x1, s1  }
0x8c: {  	s16 =	sshll.u32 s0, $0xA;
	s2 =	sadd.s32 s3, s2  }
0x8d: {  	s2 =	sadd.s32 s2, s16  }
0x8e: {  	[smem:$0x3F99] =	sst s2  }
0x8f: {  	_ = 	snop  }
0x90: {  	(tm) =	ssettm $0x1  }
0x91: {  	s17 =	sld [smem:$0x3FFB];
	_ =	sdelay $0x3  }
0x92: {  	_ =	strace s17  }
0x93: {  	s2 =	sld [smem:$0x3FFC];
	_ =	sdelay $0x3  }
0x94: {  	_ =	strace s2  }
0x95: {  	s2 =	sld [smem:$0x3FFD];
	_ =	sdelay $0x3  }
0x96: {  	_ =	strace s2  }
0x97: {  	_ =	strace $0x8FFFFFFF  }
0x98: {  	s18 =	sld [smem:$0x3FDB];
	_ =	sdelay $0x1  }
0x99: {  	s19 =	simm.s32 $_scs_section_size  }
0x9a: {  	s4 =	simm.s32 $_size__tile_overlayer_lowered;
	s5 =	simm.s32 $_tile_overlayer_lowered  }
0x9b: {  	s22 =	simm.s32 $0x1BFF;
	s21 =	sshll.u32 s5, $0x1;
	s2 =	sadd.s32 s19, s18  }
0x9c: {  	s6 =	simm.s32 $0x0;
	s20 =	sshll.u32 s4, $0x1;
	s4 =	sadd.s32 s21, s2  }
0x9d: {  	[timem:s6], [sflag:s22] =	dma.local [hbm:s4], s20  }
0x9e: {  	_ =	swait.ge [sflag:s22], s20  }
0x9f: {  	s3 =	ssub.s32 $0x0, s20;
	[sflag:s22] =	ssyncset.done $0x0  }
0xa0: {  	[sflag:s22] =	ssyncadd.s32 s3;
	_ =	sdelay $0x1  }
0xa1: {  	s23 =	simm.s32 $0x1B8B  }
0xa2: {  	_ =	swait.ge [sflag:s23], $0x1  }
0xa3: {  	[sflag:s23] =	ssyncset.done $0x0  }
0xa4: {  	s25 =	simm.s32 $0x1B8E;
	s24 =	sld [smem:$0x3FFE];
	[sflag:s23] =	ssyncadd.s32 $0xFFFFFFFF  }
0xa5: {  	s26 =	simm.s32 $execute0_lowered;
	[smem:$0x3FD2] =	sst s25  }
0xa6: {  	s4 =	sshll.u32 s26, $0x1;
	_ =	strace $0x80000046;
	[dreg:$0x1] =	wrdreg $0xFFFFFFFF  }
0xa7: {  	s28 =	simm.s32 $_size_execute0_lowered;
	s2 =	sadd.s32 s2, s4;
	[dreg:$0x0] =	wrdreg $0x0  }
0xa8: {  	s4 =	sshll.u32 s28, $0x1;
	[dreg:$0x2] =	wrdreg s2  }
0xa9: {  	[dreg:$0x3] =	wrdreg s4  }
0xaa: {  	[dreg:$0x4] =	wrdreg $0xC0  }
0xab: {  	_ =	task [dreg:s6], $0x5FFFF  }
0xac: {  	[dreg:$0x1] =	wrdreg $0xFFFFFFFF  }
0xad: {  	[dreg:$0x0] =	wrdreg $0x60  }
0xae: {  	[dreg:$0x2] =	wrdreg s24  }
0xaf: {  	[dreg:$0x3] =	wrdreg $0x9  }
0xb0: {  	_ =	task.clear_ibuf [dreg:s6], $0x4FFFF;
	_ =	strace $0x90000046  }
0xb1: {  	s29 =	simm.s32 $0x9;
	_ =	strace $0x80000048  }
0xb2: {  	_ =	swait.ge [sflag:s29], $0x1  }
0xb3: {  	[sflag:s29] =	ssyncadd.s32 $0xFFFFFFFF  }
0xb4: {  	_ =	strace $0x90000048  }
0xb5: {  	_ =	sfence  }
0xb6: {  	s30 =	sld [smem:$0x0];
	_ =	sdelay $0x2  }
0xb7: {  	s31 =	sshll.u32 s1, $0xD;
	s1 =	sshrl.u32 s1, $0x2  }
0xb8: {  	s3 =	sand.u32 $0x4000, s31;
	s1 =	sadd.s32 s1, s30  }
0xb9: {  	s0 =	sor.u32 s3, s0;
	s1 =	sshll.u32 s1, $0x11  }
0xba: {  	s0 =	sor.u32 s1, s0  }
0xbb: {  	s0 =	sadd.s32 $0x8F2B, s0  }
0xbc: {  	[sflag:s0] =	ssyncadd.remote.s32 $0x1  }
0xbd: {  	_ =	sfence.sel $0xFFFF  }
0xbe: {  	[dreg:$0x0] =	wrdreg $0xFFFFFFFF;
	(pc) =	sbr.abs _section_cstart, $3  }
0xbf: {  	[dreg:$0x1] =	wrdreg $0xFFFFFFFF  }
0xc0: {  	_ =	task.clear_ibuf [dreg:s6], $0x2FFFF;
	_ =	strace $0x9FFFFFFF  }
0xc1: {  	(tm) =	ssettm $0x7FFFFFFF  }
tec
execute0_lowered:
.L_overlay_start_1:
0x0: {  	(tag) =	ssettag $0x1  }
0x1: {  	s1 =	srdreg.scid  }
0x2: {  	s0 =	stileid.u32;
	s16 =	sand.u32 $0x1, s1  }
0x3: {  	s8 =	rddreg [dreg:$0x0];
	s3 =	sshll.u32 s0, $0xD;
	s4 =	sshll.u32 s16, $0xC  }
0x4: {  	s2 =	simm.s32 $0x0;
	s1 =	rddreg [dreg:$0x1];
	s15 =	sor.u32 s4, s3  }
0x5: {  	[smem:$0x7FF] =	sst s2;
	s17 =	sadd.s32 $0x75000, s8;
	s3 =	sshrl.u32 s15, $0x3  }
0x6: {  	_ =	strace $0x80000047;
	s4 =	sadd.s32 s17, s3;
	s3 =	simm.s32 $0x2  }
0x7: {  	[tilespmem:s2], [sflag:$0x2] =	stream.linear.gather [hbm4b:s4+s2], $0x400, $0x38;
	[tilespmem:$0x8400] =	vst v63  }
0x8: {  	_ =	swait.ge [sflag:s3], $0x400  }
0x9: {  	s6 =	simm.s32 $0x400;
	[sflag:s3] =	ssyncset.done $0x0  }
0xa: {  	s7 =	simm.s32 $0x1;
	s5 =	sadd.s32 $0x6D000, s8;
	[sflag:s3] =	ssyncadd.s32 $0xFFFFFC00  }
0xb: {  	[tilespmem:s6], [sflag:$0x1] =	stream.indirect.gather [hbm4b:s5+s6], $0x20, s2, s6, $0xb8;
	[tilespmem:$0x8400] =	vst v63  }
0xc: {  	s9 =	simm.s32 $0x20;
	_ =	swait.ge [sflag:s7], $0x8000  }
0xd: {  	s18 =	sadd.s32 $0x79000, s8;
	s29 =	sshll.u32 s15, $0x4;
	[sflag:s7] =	ssyncset.done $0x0  }
0xe: {  	s10 =	simm.s32 $0x80;
	s8 =	sadd.s32 s18, s29;
	[sflag:s7] =	ssyncadd.s32 $0xFFFF8000  }
0xf: {  	[hbm4b:s8+s9] =	stream.strided.scatter [tilespmem:s6], [sflag:$0x2], $0x8000, s10, s9, $0x38;
	[tilespmem:$0x8400] =	vst v63  }
0x10: {  	s12 =	sor.u32 $0x400, s15;
	_ =	swait.ge [sflag:s3], $0x8000  }
0x11: {  	s11 =	sshrl.u32 s12, $0x3;
	[sflag:s3] =	ssyncset.done $0x0  }
0x12: {  	s11 =	sadd.s32 s17, s11;
	[sflag:s3] =	ssyncadd.s32 $0xFFFF8000  }
0x13: {  	[tilespmem:s2], [sflag:$0x2] =	stream.linear.gather [hbm4b:s11+s2], $0x400, $0x38;
	[tilespmem:$0x8400] =	vst v63  }
0x14: {  	_ =	swait.ge [sflag:s3], $0x400  }
0x15: {  	[sflag:s3] =	ssyncset.done $0x0  }
0x16: {  	[sflag:s3] =	ssyncadd.s32 $0xFFFFFC00  }
0x17: {  	[tilespmem:s6], [sflag:$0x1] =	stream.indirect.gather [hbm4b:s5+s6], $0x20, s2, s6, $0xb8;
	[tilespmem:$0x8400] =	vst v63  }
0x18: {  	_ =	swait.ge [sflag:s7], $0x8000  }
0x19: {  	s12 =	sshll.u32 s12, $0x4;
	[sflag:s7] =	ssyncset.done $0x0  }
0x1a: {  	s12 =	sadd.s32 s18, s12;
	[sflag:s7] =	ssyncadd.s32 $0xFFFF8000  }
0x1b: {  	[hbm4b:s12+s9] =	stream.strided.scatter [tilespmem:s6], [sflag:$0x2], $0x8000, s10, s9, $0x38;
	[tilespmem:$0x8400] =	vst v63  }
0x1c: {  	s14 =	sor.u32 $0x800, s15;
	_ =	swait.ge [sflag:s3], $0x8000  }
0x1d: {  	s13 =	sshrl.u32 s14, $0x3;
	[sflag:s3] =	ssyncset.done $0x0  }
0x1e: {  	s13 =	sadd.s32 s17, s13;
	[sflag:s3] =	ssyncadd.s32 $0xFFFF8000  }
0x1f: {  	[tilespmem:s2], [sflag:$0x2] =	stream.linear.gather [hbm4b:s13+s2], $0x400, $0x38;
	[tilespmem:$0x8400] =	vst v63  }
0x20: {  	_ =	swait.ge [sflag:s3], $0x400  }
0x21: {  	[sflag:s3] =	ssyncset.done $0x0  }
0x22: {  	[sflag:s3] =	ssyncadd.s32 $0xFFFFFC00  }
0x23: {  	[tilespmem:s6], [sflag:$0x1] =	stream.indirect.gather [hbm4b:s5+s6], $0x20, s2, s6, $0xb8;
	[tilespmem:$0x8400] =	vst v63  }
0x24: {  	_ =	swait.ge [sflag:s7], $0x8000  }
0x25: {  	s14 =	sshll.u32 s14, $0x4;
	[sflag:s7] =	ssyncset.done $0x0  }
0x26: {  	s14 =	sadd.s32 s18, s14;
	[sflag:s7] =	ssyncadd.s32 $0xFFFF8000  }
0x27: {  	[hbm4b:s14+s9] =	stream.strided.scatter [tilespmem:s6], [sflag:$0x2], $0x8000, s10, s9, $0x38;
	[tilespmem:$0x8400] =	vst v63  }
0x28: {  	s19 =	sor.u32 $0xC00, s15;
	_ =	swait.ge [sflag:s3], $0x8000  }
0x29: {  	s15 =	sshrl.u32 s19, $0x3;
	[sflag:s3] =	ssyncset.done $0x0  }
0x2a: {  	s16 =	ssub.s32 $0x2, s16;
	s15 =	sadd.s32 s17, s15;
	[sflag:s3] =	ssyncadd.s32 $0xFFFF8000  }
0x2b: {  	[tilespmem:s2], [sflag:$0x2] =	stream.linear.gather [hbm4b:s15+s2], $0x400, $0x38;
	[tilespmem:$0x8400] =	vst v63  }
0x2c: {  	s30 =	sshrl.u32 s16, $0x1;
	_ =	swait.ge [sflag:s3], $0x400  }
0x2d: {  	s17 =	ssub.s32 s16, s30;
	[sflag:s3] =	ssyncset.done $0x0  }
0x2e: {  	s17 =	smax.u32 s17, $0x1;
	[sflag:s3] =	ssyncadd.s32 $0xFFFFFC00  }
0x2f: {  	[tilespmem:s6], [sflag:$0x1] =	stream.indirect.gather [hbm4b:s5+s6], $0x20, s2, s6, $0xb8;
	[tilespmem:$0x8400] =	vst v63  }
0x30: {  	p0 =	sne.s32 s17, $0x1;
	_ =	swait.ge [sflag:s7], $0x8000  }
.Ltmp0:
0x31: {  	s31 =	sshll.u32 s19, $0x4;
	[sflag:s7] =	ssyncset.done $0x0;
	(pc) =	sbr.rel @!p0 .LBB2_2-.Ltmp0, $4  }
0x32: {  	s16 =	sadd.s32 s18, s31;
	[sflag:s7] =	ssyncadd.s32 $0xFFFF8000  }
0x33: {  	[hbm4b:s16+s9] =	stream.strided.scatter [tilespmem:s6], [sflag:$0x2], $0x8000, s10, s9, $0x38;
	[tilespmem:$0x8400] =	vst v63  }
0x34: {  	_ =	swait.ge [sflag:s3], $0x8000  }
0x35: {  	s17 =	sadd.s32 $0xFFFFFFFF, s17;
	[sflag:s3] =	ssyncset.done $0x0  }
.LBB2_1:
0x36: {  	p0 =	sne.s32 s17, $0x1;
	s17 =	sadd.s32 $0xFFFFFFFF, s17;
	[sflag:s3] =	ssyncadd.s32 $0xFFFF8000  }
0x37: {  	[tilespmem:s2], [sflag:$0x2] =	stream.linear.gather [hbm4b:s4+s2], $0x400, $0x38;
	[tilespmem:$0x8400] =	vst v63  }
0x38: {  	_ =	swait.ge [sflag:s3], $0x400  }
0x39: {  	[sflag:s3] =	ssyncset.done $0x0  }
0x3a: {  	[sflag:s3] =	ssyncadd.s32 $0xFFFFFC00  }
0x3b: {  	[tilespmem:s6], [sflag:$0x1] =	stream.indirect.gather [hbm4b:s5+s6], $0x20, s2, s6, $0xb8;
	[tilespmem:$0x8400] =	vst v63  }
0x3c: {  	_ =	swait.ge [sflag:s7], $0x8000  }
0x3d: {  	[sflag:s7] =	ssyncset.done $0x0  }
0x3e: {  	[sflag:s7] =	ssyncadd.s32 $0xFFFF8000  }
0x3f: {  	[hbm4b:s8+s9] =	stream.strided.scatter [tilespmem:s6], [sflag:$0x2], $0x8000, s10, s9, $0x38;
	[tilespmem:$0x8400] =	vst v63  }
0x40: {  	_ =	swait.ge [sflag:s3], $0x8000  }
0x41: {  	[sflag:s3] =	ssyncset.done $0x0  }
0x42: {  	[sflag:s3] =	ssyncadd.s32 $0xFFFF8000  }
0x43: {  	[tilespmem:s2], [sflag:$0x2] =	stream.linear.gather [hbm4b:s11+s2], $0x400, $0x38;
	[tilespmem:$0x8400] =	vst v63  }
0x44: {  	_ =	swait.ge [sflag:s3], $0x400  }
0x45: {  	[sflag:s3] =	ssyncset.done $0x0  }
0x46: {  	[sflag:s3] =	ssyncadd.s32 $0xFFFFFC00  }
0x47: {  	[tilespmem:s6], [sflag:$0x1] =	stream.indirect.gather [hbm4b:s5+s6], $0x20, s2, s6, $0xb8;
	[tilespmem:$0x8400] =	vst v63  }
0x48: {  	_ =	swait.ge [sflag:s7], $0x8000  }
0x49: {  	[sflag:s7] =	ssyncset.done $0x0  }
0x4a: {  	[sflag:s7] =	ssyncadd.s32 $0xFFFF8000  }
0x4b: {  	[hbm4b:s12+s9] =	stream.strided.scatter [tilespmem:s6], [sflag:$0x2], $0x8000, s10, s9, $0x38;
	[tilespmem:$0x8400] =	vst v63  }
0x4c: {  	_ =	swait.ge [sflag:s3], $0x8000  }
0x4d: {  	[sflag:s3] =	ssyncset.done $0x0  }
0x4e: {  	[sflag:s3] =	ssyncadd.s32 $0xFFFF8000  }
0x4f: {  	[tilespmem:s2], [sflag:$0x2] =	stream.linear.gather [hbm4b:s13+s2], $0x400, $0x38;
	[tilespmem:$0x8400] =	vst v63  }
0x50: {  	_ =	swait.ge [sflag:s3], $0x400  }
0x51: {  	[sflag:s3] =	ssyncset.done $0x0  }
0x52: {  	[sflag:s3] =	ssyncadd.s32 $0xFFFFFC00  }
0x53: {  	[tilespmem:s6], [sflag:$0x1] =	stream.indirect.gather [hbm4b:s5+s6], $0x20, s2, s6, $0xb8;
	[tilespmem:$0x8400] =	vst v63  }
0x54: {  	_ =	swait.ge [sflag:s7], $0x8000  }
0x55: {  	[sflag:s7] =	ssyncset.done $0x0  }
0x56: {  	[sflag:s7] =	ssyncadd.s32 $0xFFFF8000  }
0x57: {  	[hbm4b:s14+s9] =	stream.strided.scatter [tilespmem:s6], [sflag:$0x2], $0x8000, s10, s9, $0x38;
	[tilespmem:$0x8400] =	vst v63  }
0x58: {  	_ =	swait.ge [sflag:s3], $0x8000  }
0x59: {  	[sflag:s3] =	ssyncset.done $0x0  }
0x5a: {  	[sflag:s3] =	ssyncadd.s32 $0xFFFF8000  }
0x5b: {  	[tilespmem:s2], [sflag:$0x2] =	stream.linear.gather [hbm4b:s15+s2], $0x400, $0x38;
	[tilespmem:$0x8400] =	vst v63  }
0x5c: {  	_ =	swait.ge [sflag:s3], $0x400  }
0x5d: {  	[sflag:s3] =	ssyncset.done $0x0  }
0x5e: {  	[sflag:s3] =	ssyncadd.s32 $0xFFFFFC00  }
0x5f: {  	[tilespmem:s6], [sflag:$0x1] =	stream.indirect.gather [hbm4b:s5+s6], $0x20, s2, s6, $0xb8;
	[tilespmem:$0x8400] =	vst v63  }
0x60: {  	_ =	swait.ge [sflag:s7], $0x8000  }
.Ltmp1:
0x61: {  	[sflag:s7] =	ssyncset.done $0x0;
	(pc) =	sbr.rel @p0 .LBB2_1-.Ltmp1, $4  }
0x62: {  	[sflag:s7] =	ssyncadd.s32 $0xFFFF8000  }
0x63: {  	[hbm4b:s16+s9] =	stream.strided.scatter [tilespmem:s6], [sflag:$0x2], $0x8000, s10, s9, $0x38;
	[tilespmem:$0x8400] =	vst v63  }
0x64: {  	_ =	swait.ge [sflag:s3], $0x8000  }
0x65: {  	[sflag:s3] =	ssyncset.done $0x0  }
.LBB2_2:
0x66: {  	[sflag:s3] =	ssyncadd.s32 $0xFFFF8000  }
0x67: {  	_ =	sfence.sel $0x180000  }
0x68: {  	[bflag:$0x0] =	sbarrier.arrive $0xFFFF  }
0x69: {  	p0 =	sne.s32 s0, $0x0;
	_ =	strace $0x90000047  }
0x6a: {  	s0 =	sadd.s32 @!p0 $0x100000, s1;
	[bflag:$0x2] =	sbarrier.arrive $0xFFFF  }
0x6b: {  	[sflag:s0] =	ssyncadd.tile.s32 @!p0 $0x1;
	_ =	shalt  }
.Lfunc_end2:
_tile_overlayer_lowered:
.L_overlay_start_2:
0x6c: {  	(tag) =	ssettag $0x2  }
0x6d: {  	s0 =	rddreg [dreg:$0x0];
	s2 =	stileid.u32  }
0x6e: {  	s1 =	rddreg [dreg:$0x1];
	p0 =	sne.s32 s2, $0x0  }
0x6f: {  	s3 =	rddreg [dreg:$0x2];
	[bflag:$0x3] =	sbarrier.arrive $0xFFFF;
	s2 =	simm.s32 @!p0 $0x1C02  }
0x70: {  	[timem:s3], [sflag:s2] =	dma.local @!p0 [hbm:s0], s1  }
0x71: {  	s0 =	simm.s32 @!p0 $0x2  }
0x72: {  	_ =	swait.ge @!p0 [sflag:s0], s1  }
0x73: {  	s1 =	ssub.s32 @!p0 $0x0, s1;
	[sflag:s0] =	ssyncset.done @!p0 $0x0  }
0x74: {  	[sflag:s0] =	ssyncadd.s32 @!p0 s1  }
0x75: {  	[bflag:$0x3] =	sbarrier.arrive $0xFFFF  }
0x76: {  	_ =	shalt  }

// kernel: kernel.25.cloned.1.call-start
scs
__scs_entry_jumppad:
0x0: {  	(pc) =	sbr.rel $0x88, $3  }
0x1: {  	(tag) =	ssettag $0x0;
	lr =	simm.s32 $0x1  }
0x2: {  	[smem:$0x3F72] =	sst lr;
	_ =	strace $0xD0000000  }
0x3: {  	_ = 	snop  }
0x4: {  	_ = 	snop  }
0x5: {  	_ = 	snop  }
0x6: {  	_ = 	snop  }
0x7: {  	_ = 	snop  }
__scs_overlays_trampoline_lowered:
0x8: {  	[smem:$0x3F81] =	sst s0  }
0x9: {  	[smem:$0x3F82] =	sst s1  }
0xa: {  	[smem:$0x3F83] =	sst s2  }
0xb: {  	[smem:$0x3F84] =	sst s3  }
0xc: {  	[smem:$0x3F85] =	sst s4  }
0xd: {  	[smem:$0x3F86] =	sst s5  }
0xe: {  	[smem:$0x3F87] =	sst s6  }
0xf: {  	[smem:$0x3F88] =	sst s7  }
0x10: {  	[smem:$0x3F89] =	sst s8  }
0x11: {  	[smem:$0x3F8A] =	sst s9;
	s0 =	simm.s32 @!p0 $0x0  }
0x12: {  	s1 =	sld [smem:$0x3F70];
	s0 =	simm.s32 @p0 $0x1  }
0x13: {  	[smem:$0x3F8B] =	sst s0;
	s0 =	simm.s32 @!p1 $0x0  }
0x14: {  	s2 =	sld [smem:$0x3F6F];
	s0 =	simm.s32 @p1 $0x1  }
0x15: {  	[smem:$0x3F8C] =	sst s0;
	s0 =	simm.s32 @!p2 $0x0  }
0x16: {  	s3 =	sld [smem:$0x3FDB];
	s0 =	simm.s32 @p2 $0x1  }
0x17: {  	s4 =	simm.s32 $0x1BF5;
	[smem:$0x3F8E] =	sst s0  }
0x18: {  	s0 =	sld [smem:$0x3F71];
	_ =	swait.ge [sflag:s4], $0x0  }
0x19: {  	s7 =	sld [smem:$0x3F72]  }
0x1a: {  	s8 =	sadd.s32 $0xFFFFE003, lr  }
0x1b: {  	s9 =	sadd.s32 $0xFFFFFEF7, lr;
	s5 =	simm.s32 $0xFFFFFFFF;
	p2 =	slt.u32 s8, $0xFFFFF086  }
0x1c: {  	p1 =	slt.u32 s9, $0xF7A;
	s5 =	simm.s32 @!p2 $0x0  }
0x1d: {  	s5 =	simm.s32 @p1 $0x1;
	p0 =	seq.s32 s7, s2  }
0x1e: {  	s7 =	smul.u32 @!p0 $0xF7A, s2;
	p2 =	seq.s32 @!p0 s5, $0x0  }
0x1f: {  	s9 =	smul.u32 $0xF7A, s1;
	s8 =	simm.s32 @!p0 $0x1BF5;
	p2 =	por !p2, p0  }
0x20: {  	[sflag:s8] =	ssyncset.s32 @!p0 $0xFFFFF086;
	s6 =	sadd.s32 @!p0 s3, s7;
	s7 =	simm.s32 @!p0 $0x108  }
0x21: {  	s3 =	sadd.s32 s3, s9;
	s6 =	sadd.s32 @!p0 $0x88, s6;
	s7 =	simm.s32 @p2 $0x1082  }
0x22: {  	[simem:s7], [sflag:s8] =	dma.local @!p0 [hbm:s6], $0xF7A  }
0x23: {  	s9 =	sor.u32 $0xD0000000, s2;
	s6 =	simm.s32 $0x108;
	_ =	swait.ge @!p0 [sflag:s8], $0x0  }
0x24: {  	s3 =	sadd.s32 $0x88, s3;
	s6 =	simm.s32 @!p1 $0x1082;
	[sflag:s4] =	ssyncset.s32 $0xFFFFF086  }
0x25: {  	[simem:s6], [sflag:s4] =	dma.local [hbm:s3], $0xF7A  }
0x26: {  	[smem:$0x3F72] =	sst s1;
	(tag) =	ssettag s2;
	_ =	strace s9  }
0x27: {  	s1 =	sld [smem:$0x3F82]  }
0x28: {  	s2 =	sld [smem:$0x3F83]  }
0x29: {  	s4 =	sld [smem:$0x3F85]  }
0x2a: {  	p0 =	seq.s32 s5, $0x0;
	s5 =	sld [smem:$0x3F86]  }
0x2b: {  	s6 =	sld [smem:$0x3F87]  }
0x2c: {  	s7 =	sld [smem:$0x3F88]  }
0x2d: {  	s3 =	simm.s32 $0x108;
	s8 =	sld [smem:$0x3F89]  }
0x2e: {  	s3 =	simm.s32 @!p0 $0x1082;
	s9 =	sld [smem:$0x3F8A]  }
0x2f: {  	lr =	sadd.s32 s0, s3;
	s0 =	sld [smem:$0x3F81]  }
0x30: {  	s3 =	sld [smem:$0x3F84]  }
0x31: {  	[smem:$0x3F8D] =	sst s10  }
0x32: {  	s10 =	sld [smem:$0x3F8B];
	_ =	sdelay $0x3  }
0x33: {  	p0 =	seq.s32 s10, $0x1;
	s10 =	sld [smem:$0x3F8D];
	_ =	sdelay $0x3  }
0x34: {  	[smem:$0x3F8D] =	sst s10  }
0x35: {  	s10 =	sld [smem:$0x3F8C];
	_ =	sdelay $0x3  }
0x36: {  	p1 =	seq.s32 s10, $0x1;
	s10 =	sld [smem:$0x3F8D];
	_ =	sdelay $0x3  }
0x37: {  	[smem:$0x3F8D] =	sst s10  }
0x38: {  	s10 =	sld [smem:$0x3F8E]  }
0x39: {  	_ = 	snop;
	(pc) =	sbr.ind lr, $3  }
0x3a: {  	_ = 	snop  }
0x3b: {  	_ = 	snop  }
0x3c: {  	p2 =	seq.s32 s10, $0x1;
	s10 =	sld [smem:$0x3F8D]  }
0x3d: {  	_ =	shalt  }
0x3e: {  	_ =	shalt  }
0x3f: {  	_ =	shalt  }
0x40: {  	_ =	shalt  }
0x41: {  	_ =	shalt  }
0x42: {  	_ =	shalt  }
0x43: {  	_ =	shalt  }
0x44: {  	_ =	shalt  }
0x45: {  	_ =	shalt  }
0x46: {  	_ =	shalt  }
0x47: {  	_ =	shalt  }
0x48: {  	_ =	shalt  }
0x49: {  	_ =	shalt  }
0x4a: {  	_ =	shalt  }
0x4b: {  	_ =	shalt  }
0x4c: {  	_ =	shalt  }
0x4d: {  	_ =	shalt  }
0x4e: {  	_ =	shalt  }
0x4f: {  	_ =	shalt  }
0x50: {  	_ =	shalt  }
0x51: {  	_ =	shalt  }
0x52: {  	_ =	shalt  }
0x53: {  	_ =	shalt  }
0x54: {  	_ =	shalt  }
0x55: {  	_ =	shalt  }
0x56: {  	_ =	shalt  }
0x57: {  	_ =	shalt  }
0x58: {  	_ =	shalt  }
0x59: {  	_ =	shalt  }
0x5a: {  	_ =	shalt  }
0x5b: {  	_ =	shalt  }
0x5c: {  	_ =	shalt  }
0x5d: {  	_ =	shalt  }
0x5e: {  	_ =	shalt  }
0x5f: {  	_ =	shalt  }
0x60: {  	_ =	shalt  }
0x61: {  	_ =	shalt  }
0x62: {  	_ =	shalt  }
0x63: {  	_ =	shalt  }
0x64: {  	_ =	shalt  }
0x65: {  	_ =	shalt  }
0x66: {  	_ =	shalt  }
0x67: {  	_ =	shalt  }
0x68: {  	_ =	shalt  }
0x69: {  	_ =	shalt  }
0x6a: {  	_ =	shalt  }
0x6b: {  	_ =	shalt  }
0x6c: {  	_ =	shalt  }
0x6d: {  	_ =	shalt  }
0x6e: {  	_ =	shalt  }
0x6f: {  	_ =	shalt  }
0x70: {  	_ =	shalt  }
0x71: {  	_ =	shalt  }
0x72: {  	_ =	shalt  }
0x73: {  	_ =	shalt  }
0x74: {  	_ =	shalt  }
0x75: {  	_ =	shalt  }
0x76: {  	_ =	shalt  }
0x77: {  	_ =	shalt  }
0x78: {  	_ =	shalt  }
0x79: {  	_ =	shalt  }
0x7a: {  	_ =	shalt  }
0x7b: {  	_ =	shalt  }
0x7c: {  	_ =	shalt  }
0x7d: {  	_ =	shalt  }
0x7e: {  	_ =	shalt  }
0x7f: {  	_ =	shalt  }
0x80: {  	_ =	shalt  }
0x81: {  	_ =	shalt  }
0x82: {  	_ =	shalt  }
0x83: {  	_ =	shalt  }
0x84: {  	_ =	shalt  }
0x85: {  	_ =	shalt  }
0x86: {  	_ =	shalt  }
0x87: {  	_ =	shalt  }
.Lfunc_end0:
.L_simem_size_0:
called_computation.1_lowered:
.L_overlay_start_0:
0x88: {  	s2 =	sld [smem:$0x3FD9]  }
0x89: {  	s3 =	sld [smem:$0x3FFE];
	_ =	sdelay $0x1  }
0x8a: {  	s1 =	srdreg.scid  }
0x8b: {  	s0 =	sand.u32 $0x1, s1  }
0x8c: {  	s17 =	sshll.u32 s0, $0xA;
	s2 =	sadd.s32 s3, s2  }
0x8d: {  	s2 =	sadd.s32 s2, s17  }
0x8e: {  	[smem:$0x3F99] =	sst s2  }
0x8f: {  	_ = 	snop  }
0x90: {  	(tm) =	ssettm $0x1  }
0x91: {  	s18 =	sld [smem:$0x3FFB];
	_ =	sdelay $0x3  }
0x92: {  	_ =	strace s18  }
0x93: {  	s2 =	sld [smem:$0x3FFC];
	_ =	sdelay $0x3  }
0x94: {  	_ =	strace s2  }
0x95: {  	s2 =	sld [smem:$0x3FFD];
	_ =	sdelay $0x3  }
0x96: {  	_ =	strace s2  }
0x97: {  	_ =	strace $0x8FFFFFFF  }
0x98: {  	s19 =	sld [smem:$0x3FDB];
	_ =	sdelay $0x1  }
0x99: {  	s20 =	simm.s32 $_scs_section_size  }
0x9a: {  	s4 =	simm.s32 $_size__tile_overlayer_lowered;
	s5 =	simm.s32 $_tile_overlayer_lowered  }
0x9b: {  	s6 =	simm.s32 $0x1BFF;
	s21 =	sshll.u32 s5, $0x1;
	s3 =	sadd.s32 s20, s19  }
0x9c: {  	s22 =	simm.s32 $0x0;
	s4 =	sshll.u32 s4, $0x1;
	s5 =	sadd.s32 s21, s3  }
0x9d: {  	[timem:s22], [sflag:s6] =	dma.local [hbm:s5], s4  }
0x9e: {  	_ =	swait.ge [sflag:s6], s4  }
0x9f: {  	s4 =	ssub.s32 $0x0, s4;
	[sflag:s6] =	ssyncset.done $0x0  }
0xa0: {  	[sflag:s6] =	ssyncadd.s32 s4;
	_ =	sdelay $0x1  }
0xa1: {  	s23 =	simm.s32 $0x1B8B  }
0xa2: {  	_ =	swait.ge [sflag:s23], $0x1  }
0xa3: {  	[sflag:s23] =	ssyncset.done $0x0  }
0xa4: {  	[sflag:s23] =	ssyncadd.s32 $0xFFFFFFFF  }
0xa5: {  	s4 =	sld [smem:$0x0]  }
0xa6: {  	s5 =	sand.u32 $0xFFFFFFFE, s1  }
0xa7: {  	p0 =	sne.s32 s1, s5  }
0xa8: {  	s5 =	sshll.u32 @p0 s5, $0xE  }
0xa9: {  	s5 =	sadd.s32 @p0 $0x11B8D, s5;
	s6 =	sshll.u32 @p0 s4, $0x11  }
0xaa: {  	s5 =	sor.u32 @p0 s6, s5  }
0xab: {  	[sflag:s5] =	ssyncadd.remote.s32 @p0 $0x1;
	_ =	sdelay $0x1  }
0xac: {  	s5 =	simm.s32 @p0 $0x1B8D  }
0xad: {  	_ =	swait.eq @p0 [sflag:s5], $0x1  }
0xae: {  	[sflag:s5] =	ssyncadd.s32 @p0 $0xFFFFFFFF  }
0xaf: {  	s6 =	sshll.u32 @!p0 s1, $0xE  }
0xb0: {  	s6 =	sor.u32 @!p0 $0x4000, s6;
	s5 =	simm.s32 @!p0 $0x1B8D  }
0xb1: {  	s4 =	sshll.u32 @!p0 s4, $0x11;
	s6 =	sadd.s32 @!p0 $0x11B8D, s6;
	_ =	swait.eq @!p0 [sflag:s5], $0x1  }
0xb2: {  	s4 =	sor.u32 @!p0 s4, s6;
	[sflag:s5] =	ssyncadd.s32 @!p0 $0xFFFFFFFF  }
0xb3: {  	s25 =	simm.s32 $0x1B8E;
	s24 =	sld [smem:$0x3FFE];
	[sflag:s4] =	ssyncadd.remote.s32 @!p0 $0x1  }
0xb4: {  	s26 =	simm.s32 $execute0_lowered;
	[smem:$0x3FD2] =	sst s25  }
0xb5: {  	s5 =	sshll.u32 s26, $0x1;
	_ =	strace $0x8000004C;
	[dreg:$0x1] =	wrdreg $0xFFFFFFFF  }
0xb6: {  	s28 =	simm.s32 $_size_execute0_lowered;
	s3 =	sadd.s32 s3, s5;
	[dreg:$0x0] =	wrdreg $0x0  }
0xb7: {  	s5 =	sshll.u32 s28, $0x1;
	[dreg:$0x2] =	wrdreg s3  }
0xb8: {  	[dreg:$0x3] =	wrdreg s5  }
0xb9: {  	[dreg:$0x4] =	wrdreg $0xC0  }
0xba: {  	_ =	task [dreg:s22], $0x5FFFF  }
0xbb: {  	[dreg:$0x1] =	wrdreg $0xFFFFFFFF  }
0xbc: {  	[dreg:$0x0] =	wrdreg $0x60  }
0xbd: {  	[dreg:$0x2] =	wrdreg s24  }
0xbe: {  	[dreg:$0x3] =	wrdreg $0x9  }
0xbf: {  	_ =	task.clear_ibuf [dreg:s22], $0x4FFFF;
	_ =	strace $0x9000004C  }
0xc0: {  	s29 =	simm.s32 $0x9;
	_ =	strace $0x8000004E  }
0xc1: {  	_ =	swait.ge [sflag:s29], $0x1  }
0xc2: {  	[sflag:s29] =	ssyncadd.s32 $0xFFFFFFFF  }
0xc3: {  	_ =	strace $0x9000004E  }
0xc4: {  	_ =	sfence  }
0xc5: {  	s30 =	sld [smem:$0x0];
	_ =	sdelay $0x2  }
0xc6: {  	s31 =	sshll.u32 s1, $0xD;
	s1 =	sshrl.u32 s1, $0x2  }
0xc7: {  	s4 =	sand.u32 $0x4000, s31;
	s1 =	sadd.s32 s1, s30  }
0xc8: {  	s0 =	sor.u32 s4, s0;
	s1 =	sshll.u32 s1, $0x11  }
0xc9: {  	s0 =	sor.u32 s1, s0  }
0xca: {  	s0 =	sadd.s32 $0x8F2B, s0  }
0xcb: {  	[sflag:s0] =	ssyncadd.remote.s32 $0x1  }
0xcc: {  	_ =	sfence.sel $0xFFFF  }
0xcd: {  	[dreg:$0x0] =	wrdreg $0xFFFFFFFF;
	(pc) =	sbr.abs _section_cstart, $3  }
0xce: {  	[dreg:$0x1] =	wrdreg $0xFFFFFFFF  }
0xcf: {  	_ =	task.clear_ibuf [dreg:s22], $0x2FFFF;
	_ =	strace $0x9FFFFFFF  }
0xd0: {  	(tm) =	ssettm $0x7FFFFFFF  }
0xd1: {  	_ =	shalt  }
tec
execute0_lowered:
.L_overlay_start_1:
0x0: {  	(tag) =	ssettag $0x1  }
0x1: {  	s1 =	srdreg.scid  }
0x2: {  	s0 =	stileid.u32;
	s16 =	sand.u32 $0x1, s1  }
0x3: {  	s8 =	rddreg [dreg:$0x0];
	s3 =	sshll.u32 s0, $0xD;
	s4 =	sshll.u32 s16, $0xC  }
0x4: {  	s2 =	simm.s32 $0x0;
	s1 =	rddreg [dreg:$0x1];
	s15 =	sor.u32 s4, s3  }
0x5: {  	[smem:$0x7FF] =	sst s2;
	s17 =	sadd.s32 $0x75000, s8;
	s3 =	sshrl.u32 s15, $0x3  }
0x6: {  	_ =	strace $0x8000004D;
	s4 =	sadd.s32 s17, s3;
	s3 =	simm.s32 $0x2  }
0x7: {  	[tilespmem:s2], [sflag:$0x2] =	stream.linear.gather [hbm4b:s4+s2], $0x400, $0x38;
	[tilespmem:$0x8400] =	vst v63  }
0x8: {  	_ =	swait.ge [sflag:s3], $0x400  }
0x9: {  	s6 =	simm.s32 $0x400;
	[sflag:s3] =	ssyncset.done $0x0  }
0xa: {  	s7 =	simm.s32 $0x1;
	s5 =	sadd.s32 $0x79000, s8;
	[sflag:s3] =	ssyncadd.s32 $0xFFFFFC00  }
0xb: {  	[tilespmem:s6], [sflag:$0x1] =	stream.indirect.gather [hbm4b:s5+s6], $0x20, s2, s6, $0xb8;
	[tilespmem:$0x8400] =	vst v63  }
0xc: {  	s9 =	simm.s32 $0x20;
	_ =	swait.ge [sflag:s7], $0x8000  }
0xd: {  	s18 =	sadd.s32 $0x4E5000, s8;
	s29 =	sshll.u32 s15, $0x4;
	[sflag:s7] =	ssyncset.done $0x0  }
0xe: {  	s10 =	simm.s32 $0x80;
	s8 =	sadd.s32 s18, s29;
	[sflag:s7] =	ssyncadd.s32 $0xFFFF8000  }
0xf: {  	[hbm4b:s8+s9] =	stream.strided.scatter [tilespmem:s6], [sflag:$0x2], $0x8000, s10, s9, $0x38;
	[tilespmem:$0x8400] =	vst v63  }
0x10: {  	s12 =	sor.u32 $0x400, s15;
	_ =	swait.ge [sflag:s3], $0x8000  }
0x11: {  	s11 =	sshrl.u32 s12, $0x3;
	[sflag:s3] =	ssyncset.done $0x0  }
0x12: {  	s11 =	sadd.s32 s17, s11;
	[sflag:s3] =	ssyncadd.s32 $0xFFFF8000  }
0x13: {  	[tilespmem:s2], [sflag:$0x2] =	stream.linear.gather [hbm4b:s11+s2], $0x400, $0x38;
	[tilespmem:$0x8400] =	vst v63  }
0x14: {  	_ =	swait.ge [sflag:s3], $0x400  }
0x15: {  	[sflag:s3] =	ssyncset.done $0x0  }
0x16: {  	[sflag:s3] =	ssyncadd.s32 $0xFFFFFC00  }
0x17: {  	[tilespmem:s6], [sflag:$0x1] =	stream.indirect.gather [hbm4b:s5+s6], $0x20, s2, s6, $0xb8;
	[tilespmem:$0x8400] =	vst v63  }
0x18: {  	_ =	swait.ge [sflag:s7], $0x8000  }
0x19: {  	s12 =	sshll.u32 s12, $0x4;
	[sflag:s7] =	ssyncset.done $0x0  }
0x1a: {  	s12 =	sadd.s32 s18, s12;
	[sflag:s7] =	ssyncadd.s32 $0xFFFF8000  }
0x1b: {  	[hbm4b:s12+s9] =	stream.strided.scatter [tilespmem:s6], [sflag:$0x2], $0x8000, s10, s9, $0x38;
	[tilespmem:$0x8400] =	vst v63  }
0x1c: {  	s14 =	sor.u32 $0x800, s15;
	_ =	swait.ge [sflag:s3], $0x8000  }
0x1d: {  	s13 =	sshrl.u32 s14, $0x3;
	[sflag:s3] =	ssyncset.done $0x0  }
0x1e: {  	s13 =	sadd.s32 s17, s13;
	[sflag:s3] =	ssyncadd.s32 $0xFFFF8000  }
0x1f: {  	[tilespmem:s2], [sflag:$0x2] =	stream.linear.gather [hbm4b:s13+s2], $0x400, $0x38;
	[tilespmem:$0x8400] =	vst v63  }
0x20: {  	_ =	swait.ge [sflag:s3], $0x400  }
0x21: {  	[sflag:s3] =	ssyncset.done $0x0  }
0x22: {  	[sflag:s3] =	ssyncadd.s32 $0xFFFFFC00  }
0x23: {  	[tilespmem:s6], [sflag:$0x1] =	stream.indirect.gather [hbm4b:s5+s6], $0x20, s2, s6, $0xb8;
	[tilespmem:$0x8400] =	vst v63  }
0x24: {  	_ =	swait.ge [sflag:s7], $0x8000  }
0x25: {  	s14 =	sshll.u32 s14, $0x4;
	[sflag:s7] =	ssyncset.done $0x0  }
0x26: {  	s14 =	sadd.s32 s18, s14;
	[sflag:s7] =	ssyncadd.s32 $0xFFFF8000  }
0x27: {  	[hbm4b:s14+s9] =	stream.strided.scatter [tilespmem:s6], [sflag:$0x2], $0x8000, s10, s9, $0x38;
	[tilespmem:$0x8400] =	vst v63  }
0x28: {  	s19 =	sor.u32 $0xC00, s15;
	_ =	swait.ge [sflag:s3], $0x8000  }
0x29: {  	s15 =	sshrl.u32 s19, $0x3;
	[sflag:s3] =	ssyncset.done $0x0  }
0x2a: {  	s16 =	ssub.s32 $0x2, s16;
	s15 =	sadd.s32 s17, s15;
	[sflag:s3] =	ssyncadd.s32 $0xFFFF8000  }
0x2b: {  	[tilespmem:s2], [sflag:$0x2] =	stream.linear.gather [hbm4b:s15+s2], $0x400, $0x38;
	[tilespmem:$0x8400] =	vst v63  }
0x2c: {  	s30 =	sshrl.u32 s16, $0x1;
	_ =	swait.ge [sflag:s3], $0x400  }
0x2d: {  	s17 =	ssub.s32 s16, s30;
	[sflag:s3] =	ssyncset.done $0x0  }
0x2e: {  	s17 =	smax.u32 s17, $0x1;
	[sflag:s3] =	ssyncadd.s32 $0xFFFFFC00  }
0x2f: {  	[tilespmem:s6], [sflag:$0x1] =	stream.indirect.gather [hbm4b:s5+s6], $0x20, s2, s6, $0xb8;
	[tilespmem:$0x8400] =	vst v63  }
0x30: {  	p0 =	sne.s32 s17, $0x1;
	_ =	swait.ge [sflag:s7], $0x8000  }
.Ltmp0:
0x31: {  	s31 =	sshll.u32 s19, $0x4;
	[sflag:s7] =	ssyncset.done $0x0;
	(pc) =	sbr.rel @!p0 .LBB2_2-.Ltmp0, $4  }
0x32: {  	s16 =	sadd.s32 s18, s31;
	[sflag:s7] =	ssyncadd.s32 $0xFFFF8000  }
0x33: {  	[hbm4b:s16+s9] =	stream.strided.scatter [tilespmem:s6], [sflag:$0x2], $0x8000, s10, s9, $0x38;
	[tilespmem:$0x8400] =	vst v63  }
0x34: {  	_ =	swait.ge [sflag:s3], $0x8000  }
0x35: {  	s17 =	sadd.s32 $0xFFFFFFFF, s17;
	[sflag:s3] =	ssyncset.done $0x0  }
.LBB2_1:
0x36: {  	p0 =	sne.s32 s17, $0x1;
	s17 =	sadd.s32 $0xFFFFFFFF, s17;
	[sflag:s3] =	ssyncadd.s32 $0xFFFF8000  }
0x37: {  	[tilespmem:s2], [sflag:$0x2] =	stream.linear.gather [hbm4b:s4+s2], $0x400, $0x38;
	[tilespmem:$0x8400] =	vst v63  }
0x38: {  	_ =	swait.ge [sflag:s3], $0x400  }
0x39: {  	[sflag:s3] =	ssyncset.done $0x0  }
0x3a: {  	[sflag:s3] =	ssyncadd.s32 $0xFFFFFC00  }
0x3b: {  	[tilespmem:s6], [sflag:$0x1] =	stream.indirect.gather [hbm4b:s5+s6], $0x20, s2, s6, $0xb8;
	[tilespmem:$0x8400] =	vst v63  }
0x3c: {  	_ =	swait.ge [sflag:s7], $0x8000  }
0x3d: {  	[sflag:s7] =	ssyncset.done $0x0  }
0x3e: {  	[sflag:s7] =	ssyncadd.s32 $0xFFFF8000  }
0x3f: {  	[hbm4b:s8+s9] =	stream.strided.scatter [tilespmem:s6], [sflag:$0x2], $0x8000, s10, s9, $0x38;
	[tilespmem:$0x8400] =	vst v63  }
0x40: {  	_ =	swait.ge [sflag:s3], $0x8000  }
0x41: {  	[sflag:s3] =	ssyncset.done $0x0  }
0x42: {  	[sflag:s3] =	ssyncadd.s32 $0xFFFF8000  }
0x43: {  	[tilespmem:s2], [sflag:$0x2] =	stream.linear.gather [hbm4b:s11+s2], $0x400, $0x38;
	[tilespmem:$0x8400] =	vst v63  }
0x44: {  	_ =	swait.ge [sflag:s3], $0x400  }
0x45: {  	[sflag:s3] =	ssyncset.done $0x0  }
0x46: {  	[sflag:s3] =	ssyncadd.s32 $0xFFFFFC00  }
0x47: {  	[tilespmem:s6], [sflag:$0x1] =	stream.indirect.gather [hbm4b:s5+s6], $0x20, s2, s6, $0xb8;
	[tilespmem:$0x8400] =	vst v63  }
0x48: {  	_ =	swait.ge [sflag:s7], $0x8000  }
0x49: {  	[sflag:s7] =	ssyncset.done $0x0  }
0x4a: {  	[sflag:s7] =	ssyncadd.s32 $0xFFFF8000  }
0x4b: {  	[hbm4b:s12+s9] =	stream.strided.scatter [tilespmem:s6], [sflag:$0x2], $0x8000, s10, s9, $0x38;
	[tilespmem:$0x8400] =	vst v63  }
0x4c: {  	_ =	swait.ge [sflag:s3], $0x8000  }
0x4d: {  	[sflag:s3] =	ssyncset.done $0x0  }
0x4e: {  	[sflag:s3] =	ssyncadd.s32 $0xFFFF8000  }
0x4f: {  	[tilespmem:s2], [sflag:$0x2] =	stream.linear.gather [hbm4b:s13+s2], $0x400, $0x38;
	[tilespmem:$0x8400] =	vst v63  }
0x50: {  	_ =	swait.ge [sflag:s3], $0x400  }
0x51: {  	[sflag:s3] =	ssyncset.done $0x0  }
0x52: {  	[sflag:s3] =	ssyncadd.s32 $0xFFFFFC00  }
0x53: {  	[tilespmem:s6], [sflag:$0x1] =	stream.indirect.gather [hbm4b:s5+s6], $0x20, s2, s6, $0xb8;
	[tilespmem:$0x8400] =	vst v63  }
0x54: {  	_ =	swait.ge [sflag:s7], $0x8000  }
0x55: {  	[sflag:s7] =	ssyncset.done $0x0  }
0x56: {  	[sflag:s7] =	ssyncadd.s32 $0xFFFF8000  }
0x57: {  	[hbm4b:s14+s9] =	stream.strided.scatter [tilespmem:s6], [sflag:$0x2], $0x8000, s10, s9, $0x38;
	[tilespmem:$0x8400] =	vst v63  }
0x58: {  	_ =	swait.ge [sflag:s3], $0x8000  }
0x59: {  	[sflag:s3] =	ssyncset.done $0x0  }
0x5a: {  	[sflag:s3] =	ssyncadd.s32 $0xFFFF8000  }
0x5b: {  	[tilespmem:s2], [sflag:$0x2] =	stream.linear.gather [hbm4b:s15+s2], $0x400, $0x38;
	[tilespmem:$0x8400] =	vst v63  }
0x5c: {  	_ =	swait.ge [sflag:s3], $0x400  }
0x5d: {  	[sflag:s3] =	ssyncset.done $0x0  }
0x5e: {  	[sflag:s3] =	ssyncadd.s32 $0xFFFFFC00  }
0x5f: {  	[tilespmem:s6], [sflag:$0x1] =	stream.indirect.gather [hbm4b:s5+s6], $0x20, s2, s6, $0xb8;
	[tilespmem:$0x8400] =	vst v63  }
0x60: {  	_ =	swait.ge [sflag:s7], $0x8000  }
.Ltmp1:
0x61: {  	[sflag:s7] =	ssyncset.done $0x0;
	(pc) =	sbr.rel @p0 .LBB2_1-.Ltmp1, $4  }
0x62: {  	[sflag:s7] =	ssyncadd.s32 $0xFFFF8000  }
0x63: {  	[hbm4b:s16+s9] =	stream.strided.scatter [tilespmem:s6], [sflag:$0x2], $0x8000, s10, s9, $0x38;
	[tilespmem:$0x8400] =	vst v63  }
0x64: {  	_ =	swait.ge [sflag:s3], $0x8000  }
0x65: {  	[sflag:s3] =	ssyncset.done $0x0  }
.LBB2_2:
0x66: {  	[sflag:s3] =	ssyncadd.s32 $0xFFFF8000  }
0x67: {  	_ =	sfence.sel $0x180000  }
0x68: {  	[bflag:$0x0] =	sbarrier.arrive $0xFFFF  }
0x69: {  	p0 =	sne.s32 s0, $0x0;
	_ =	strace $0x9000004D  }
0x6a: {  	s0 =	sadd.s32 @!p0 $0x100000, s1;
	[bflag:$0x2] =	sbarrier.arrive $0xFFFF  }
0x6b: {  	[sflag:s0] =	ssyncadd.tile.s32 @!p0 $0x1;
	_ =	shalt  }
.Lfunc_end2:
_tile_overlayer_lowered:
.L_overlay_start_2:
0x6c: {  	(tag) =	ssettag $0x2  }
0x6d: {  	s0 =	rddreg [dreg:$0x0];
	s2 =	stileid.u32  }
0x6e: {  	s1 =	rddreg [dreg:$0x1];
	p0 =	sne.s32 s2, $0x0  }
0x6f: {  	s3 =	rddreg [dreg:$0x2];
	[bflag:$0x3] =	sbarrier.arrive $0xFFFF;
	s2 =	simm.s32 @!p0 $0x1C02  }
0x70: {  	[timem:s3], [sflag:s2] =	dma.local @!p0 [hbm:s0], s1  }
0x71: {  	s0 =	simm.s32 @!p0 $0x2  }
0x72: {  	_ =	swait.ge @!p0 [sflag:s0], s1  }
0x73: {  	s1 =	ssub.s32 @!p0 $0x0, s1;
	[sflag:s0] =	ssyncset.done @!p0 $0x0  }
0x74: {  	[sflag:s0] =	ssyncadd.s32 @!p0 s1  }
0x75: {  	[bflag:$0x3] =	sbarrier.arrive $0xFFFF  }
0x76: {  	_ =	shalt  }

// kernel: kernel.28.cloned.1.call-start
scs
__scs_entry_jumppad:
0x0: {  	(pc) =	sbr.rel $0x88, $3  }
0x1: {  	(tag) =	ssettag $0x0;
	lr =	simm.s32 $0x1  }
0x2: {  	[smem:$0x3F72] =	sst lr;
	_ =	strace $0xD0000000  }
0x3: {  	_ = 	snop  }
0x4: {  	_ = 	snop  }
0x5: {  	_ = 	snop  }
0x6: {  	_ = 	snop  }
0x7: {  	_ = 	snop  }
__scs_overlays_trampoline_lowered:
0x8: {  	[smem:$0x3F81] =	sst s0  }
0x9: {  	[smem:$0x3F82] =	sst s1  }
0xa: {  	[smem:$0x3F83] =	sst s2  }
0xb: {  	[smem:$0x3F84] =	sst s3  }
0xc: {  	[smem:$0x3F85] =	sst s4  }
0xd: {  	[smem:$0x3F86] =	sst s5  }
0xe: {  	[smem:$0x3F87] =	sst s6  }
0xf: {  	[smem:$0x3F88] =	sst s7  }
0x10: {  	[smem:$0x3F89] =	sst s8  }
0x11: {  	[smem:$0x3F8A] =	sst s9;
	s0 =	simm.s32 @!p0 $0x0  }
0x12: {  	s1 =	sld [smem:$0x3F70];
	s0 =	simm.s32 @p0 $0x1  }
0x13: {  	[smem:$0x3F8B] =	sst s0;
	s0 =	simm.s32 @!p1 $0x0  }
0x14: {  	s2 =	sld [smem:$0x3F6F];
	s0 =	simm.s32 @p1 $0x1  }
0x15: {  	[smem:$0x3F8C] =	sst s0;
	s0 =	simm.s32 @!p2 $0x0  }
0x16: {  	s3 =	sld [smem:$0x3FDB];
	s0 =	simm.s32 @p2 $0x1  }
0x17: {  	s4 =	simm.s32 $0x1BF5;
	[smem:$0x3F8E] =	sst s0  }
0x18: {  	s0 =	sld [smem:$0x3F71];
	_ =	swait.ge [sflag:s4], $0x0  }
0x19: {  	s7 =	sld [smem:$0x3F72]  }
0x1a: {  	s8 =	sadd.s32 $0xFFFFE003, lr  }
0x1b: {  	s9 =	sadd.s32 $0xFFFFFEF7, lr;
	s5 =	simm.s32 $0xFFFFFFFF;
	p2 =	slt.u32 s8, $0xFFFFF086  }
0x1c: {  	p1 =	slt.u32 s9, $0xF7A;
	s5 =	simm.s32 @!p2 $0x0  }
0x1d: {  	s5 =	simm.s32 @p1 $0x1;
	p0 =	seq.s32 s7, s2  }
0x1e: {  	s7 =	smul.u32 @!p0 $0xF7A, s2;
	p2 =	seq.s32 @!p0 s5, $0x0  }
0x1f: {  	s9 =	smul.u32 $0xF7A, s1;
	s8 =	simm.s32 @!p0 $0x1BF5;
	p2 =	por !p2, p0  }
0x20: {  	[sflag:s8] =	ssyncset.s32 @!p0 $0xFFFFF086;
	s6 =	sadd.s32 @!p0 s3, s7;
	s7 =	simm.s32 @!p0 $0x108  }
0x21: {  	s3 =	sadd.s32 s3, s9;
	s6 =	sadd.s32 @!p0 $0x88, s6;
	s7 =	simm.s32 @p2 $0x1082  }
0x22: {  	[simem:s7], [sflag:s8] =	dma.local @!p0 [hbm:s6], $0xF7A  }
0x23: {  	s9 =	sor.u32 $0xD0000000, s2;
	s6 =	simm.s32 $0x108;
	_ =	swait.ge @!p0 [sflag:s8], $0x0  }
0x24: {  	s3 =	sadd.s32 $0x88, s3;
	s6 =	simm.s32 @!p1 $0x1082;
	[sflag:s4] =	ssyncset.s32 $0xFFFFF086  }
0x25: {  	[simem:s6], [sflag:s4] =	dma.local [hbm:s3], $0xF7A  }
0x26: {  	[smem:$0x3F72] =	sst s1;
	(tag) =	ssettag s2;
	_ =	strace s9  }
0x27: {  	s1 =	sld [smem:$0x3F82]  }
0x28: {  	s2 =	sld [smem:$0x3F83]  }
0x29: {  	s4 =	sld [smem:$0x3F85]  }
0x2a: {  	p0 =	seq.s32 s5, $0x0;
	s5 =	sld [smem:$0x3F86]  }
0x2b: {  	s6 =	sld [smem:$0x3F87]  }
0x2c: {  	s7 =	sld [smem:$0x3F88]  }
0x2d: {  	s3 =	simm.s32 $0x108;
	s8 =	sld [smem:$0x3F89]  }
0x2e: {  	s3 =	simm.s32 @!p0 $0x1082;
	s9 =	sld [smem:$0x3F8A]  }
0x2f: {  	lr =	sadd.s32 s0, s3;
	s0 =	sld [smem:$0x3F81]  }
0x30: {  	s3 =	sld [smem:$0x3F84]  }
0x31: {  	[smem:$0x3F8D] =	sst s10  }
0x32: {  	s10 =	sld [smem:$0x3F8B];
	_ =	sdelay $0x3  }
0x33: {  	p0 =	seq.s32 s10, $0x1;
	s10 =	sld [smem:$0x3F8D];
	_ =	sdelay $0x3  }
0x34: {  	[smem:$0x3F8D] =	sst s10  }
0x35: {  	s10 =	sld [smem:$0x3F8C];
	_ =	sdelay $0x3  }
0x36: {  	p1 =	seq.s32 s10, $0x1;
	s10 =	sld [smem:$0x3F8D];
	_ =	sdelay $0x3  }
0x37: {  	[smem:$0x3F8D] =	sst s10  }
0x38: {  	s10 =	sld [smem:$0x3F8E]  }
0x39: {  	_ = 	snop;
	(pc) =	sbr.ind lr, $3  }
0x3a: {  	_ = 	snop  }
0x3b: {  	_ = 	snop  }
0x3c: {  	p2 =	seq.s32 s10, $0x1;
	s10 =	sld [smem:$0x3F8D]  }
0x3d: {  	_ =	shalt  }
0x3e: {  	_ =	shalt  }
0x3f: {  	_ =	shalt  }
0x40: {  	_ =	shalt  }
0x41: {  	_ =	shalt  }
0x42: {  	_ =	shalt  }
0x43: {  	_ =	shalt  }
0x44: {  	_ =	shalt  }
0x45: {  	_ =	shalt  }
0x46: {  	_ =	shalt  }
0x47: {  	_ =	shalt  }
0x48: {  	_ =	shalt  }
0x49: {  	_ =	shalt  }
0x4a: {  	_ =	shalt  }
0x4b: {  	_ =	shalt  }
0x4c: {  	_ =	shalt  }
0x4d: {  	_ =	shalt  }
0x4e: {  	_ =	shalt  }
0x4f: {  	_ =	shalt  }
0x50: {  	_ =	shalt  }
0x51: {  	_ =	shalt  }
0x52: {  	_ =	shalt  }
0x53: {  	_ =	shalt  }
0x54: {  	_ =	shalt  }
0x55: {  	_ =	shalt  }
0x56: {  	_ =	shalt  }
0x57: {  	_ =	shalt  }
0x58: {  	_ =	shalt  }
0x59: {  	_ =	shalt  }
0x5a: {  	_ =	shalt  }
0x5b: {  	_ =	shalt  }
0x5c: {  	_ =	shalt  }
0x5d: {  	_ =	shalt  }
0x5e: {  	_ =	shalt  }
0x5f: {  	_ =	shalt  }
0x60: {  	_ =	shalt  }
0x61: {  	_ =	shalt  }
0x62: {  	_ =	shalt  }
0x63: {  	_ =	shalt  }
0x64: {  	_ =	shalt  }
0x65: {  	_ =	shalt  }
0x66: {  	_ =	shalt  }
0x67: {  	_ =	shalt  }
0x68: {  	_ =	shalt  }
0x69: {  	_ =	shalt  }
0x6a: {  	_ =	shalt  }
0x6b: {  	_ =	shalt  }
0x6c: {  	_ =	shalt  }
0x6d: {  	_ =	shalt  }
0x6e: {  	_ =	shalt  }
0x6f: {  	_ =	shalt  }
0x70: {  	_ =	shalt  }
0x71: {  	_ =	shalt  }
0x72: {  	_ =	shalt  }
0x73: {  	_ =	shalt  }
0x74: {  	_ =	shalt  }
0x75: {  	_ =	shalt  }
0x76: {  	_ =	shalt  }
0x77: {  	_ =	shalt  }
0x78: {  	_ =	shalt  }
0x79: {  	_ =	shalt  }
0x7a: {  	_ =	shalt  }
0x7b: {  	_ =	shalt  }
0x7c: {  	_ =	shalt  }
0x7d: {  	_ =	shalt  }
0x7e: {  	_ =	shalt  }
0x7f: {  	_ =	shalt  }
0x80: {  	_ =	shalt  }
0x81: {  	_ =	shalt  }
0x82: {  	_ =	shalt  }
0x83: {  	_ =	shalt  }
0x84: {  	_ =	shalt  }
0x85: {  	_ =	shalt  }
0x86: {  	_ =	shalt  }
0x87: {  	_ =	shalt  }
.Lfunc_end0:
.L_simem_size_0:
called_computation.2_lowered:
.L_overlay_start_0:
0x88: {  	s2 =	sld [smem:$0x3FD9]  }
0x89: {  	s3 =	sld [smem:$0x3FFE];
	_ =	sdelay $0x1  }
0x8a: {  	s1 =	srdreg.scid  }
0x8b: {  	s0 =	sand.u32 $0x1, s1  }
0x8c: {  	s17 =	sshll.u32 s0, $0xA;
	s2 =	sadd.s32 s3, s2  }
0x8d: {  	s2 =	sadd.s32 s2, s17  }
0x8e: {  	[smem:$0x3F99] =	sst s2  }
0x8f: {  	_ = 	snop  }
0x90: {  	(tm) =	ssettm $0x1  }
0x91: {  	s18 =	sld [smem:$0x3FFB];
	_ =	sdelay $0x3  }
0x92: {  	_ =	strace s18  }
0x93: {  	s2 =	sld [smem:$0x3FFC];
	_ =	sdelay $0x3  }
0x94: {  	_ =	strace s2  }
0x95: {  	s2 =	sld [smem:$0x3FFD];
	_ =	sdelay $0x3  }
0x96: {  	_ =	strace s2  }
0x97: {  	_ =	strace $0x8FFFFFFF  }
0x98: {  	s19 =	sld [smem:$0x3FDB];
	_ =	sdelay $0x1  }
0x99: {  	s20 =	simm.s32 $_scs_section_size  }
0x9a: {  	s4 =	simm.s32 $_size__tile_overlayer_lowered;
	s5 =	simm.s32 $_tile_overlayer_lowered  }
0x9b: {  	s6 =	simm.s32 $0x1BFF;
	s21 =	sshll.u32 s5, $0x1;
	s3 =	sadd.s32 s20, s19  }
0x9c: {  	s22 =	simm.s32 $0x0;
	s4 =	sshll.u32 s4, $0x1;
	s5 =	sadd.s32 s21, s3  }
0x9d: {  	[timem:s22], [sflag:s6] =	dma.local [hbm:s5], s4  }
0x9e: {  	_ =	swait.ge [sflag:s6], s4  }
0x9f: {  	s4 =	ssub.s32 $0x0, s4;
	[sflag:s6] =	ssyncset.done $0x0  }
0xa0: {  	[sflag:s6] =	ssyncadd.s32 s4;
	_ =	sdelay $0x1  }
0xa1: {  	s23 =	simm.s32 $0x1B8B  }
0xa2: {  	_ =	swait.ge [sflag:s23], $0x1  }
0xa3: {  	[sflag:s23] =	ssyncset.done $0x0  }
0xa4: {  	[sflag:s23] =	ssyncadd.s32 $0xFFFFFFFF  }
0xa5: {  	s4 =	sld [smem:$0x0]  }
0xa6: {  	s5 =	sand.u32 $0xFFFFFFFE, s1  }
0xa7: {  	p0 =	sne.s32 s1, s5  }
0xa8: {  	s5 =	sshll.u32 @p0 s5, $0xE  }
0xa9: {  	s5 =	sadd.s32 @p0 $0x11B8D, s5;
	s6 =	sshll.u32 @p0 s4, $0x11  }
0xaa: {  	s5 =	sor.u32 @p0 s6, s5  }
0xab: {  	[sflag:s5] =	ssyncadd.remote.s32 @p0 $0x1;
	_ =	sdelay $0x1  }
0xac: {  	s5 =	simm.s32 @p0 $0x1B8D  }
0xad: {  	_ =	swait.eq @p0 [sflag:s5], $0x1  }
0xae: {  	[sflag:s5] =	ssyncadd.s32 @p0 $0xFFFFFFFF  }
0xaf: {  	s6 =	sshll.u32 @!p0 s1, $0xE  }
0xb0: {  	s6 =	sor.u32 @!p0 $0x4000, s6;
	s5 =	simm.s32 @!p0 $0x1B8D  }
0xb1: {  	s4 =	sshll.u32 @!p0 s4, $0x11;
	s6 =	sadd.s32 @!p0 $0x11B8D, s6;
	_ =	swait.eq @!p0 [sflag:s5], $0x1  }
0xb2: {  	s4 =	sor.u32 @!p0 s4, s6;
	[sflag:s5] =	ssyncadd.s32 @!p0 $0xFFFFFFFF  }
0xb3: {  	s25 =	simm.s32 $0x1B8E;
	s24 =	sld [smem:$0x3FFE];
	[sflag:s4] =	ssyncadd.remote.s32 @!p0 $0x1  }
0xb4: {  	s26 =	simm.s32 $execute0_lowered;
	[smem:$0x3FD2] =	sst s25  }
0xb5: {  	s5 =	sshll.u32 s26, $0x1;
	_ =	strace $0x80000052;
	[dreg:$0x1] =	wrdreg $0xFFFFFFFF  }
0xb6: {  	s28 =	simm.s32 $_size_execute0_lowered;
	s3 =	sadd.s32 s3, s5;
	[dreg:$0x0] =	wrdreg $0x0  }
0xb7: {  	s5 =	sshll.u32 s28, $0x1;
	[dreg:$0x2] =	wrdreg s3  }
0xb8: {  	[dreg:$0x3] =	wrdreg s5  }
0xb9: {  	[dreg:$0x4] =	wrdreg $0xC0  }
0xba: {  	_ =	task [dreg:s22], $0x5FFFF  }
0xbb: {  	[dreg:$0x1] =	wrdreg $0xFFFFFFFF  }
0xbc: {  	[dreg:$0x0] =	wrdreg $0x60  }
0xbd: {  	[dreg:$0x2] =	wrdreg s24  }
0xbe: {  	[dreg:$0x3] =	wrdreg $0x9  }
0xbf: {  	_ =	task.clear_ibuf [dreg:s22], $0x4FFFF;
	_ =	strace $0x90000052  }
0xc0: {  	s29 =	simm.s32 $0x9;
	_ =	strace $0x80000054  }
0xc1: {  	_ =	swait.ge [sflag:s29], $0x1  }
0xc2: {  	[sflag:s29] =	ssyncadd.s32 $0xFFFFFFFF  }
0xc3: {  	_ =	strace $0x90000054  }
0xc4: {  	_ =	sfence  }
0xc5: {  	s30 =	sld [smem:$0x0];
	_ =	sdelay $0x2  }
0xc6: {  	s31 =	sshll.u32 s1, $0xD;
	s1 =	sshrl.u32 s1, $0x2  }
0xc7: {  	s4 =	sand.u32 $0x4000, s31;
	s1 =	sadd.s32 s1, s30  }
0xc8: {  	s0 =	sor.u32 s4, s0;
	s1 =	sshll.u32 s1, $0x11  }
0xc9: {  	s0 =	sor.u32 s1, s0  }
0xca: {  	s0 =	sadd.s32 $0x8F2B, s0  }
0xcb: {  	[sflag:s0] =	ssyncadd.remote.s32 $0x1  }
0xcc: {  	_ =	sfence.sel $0xFFFF  }
0xcd: {  	[dreg:$0x0] =	wrdreg $0xFFFFFFFF;
	(pc) =	sbr.abs _section_cstart, $3  }
0xce: {  	[dreg:$0x1] =	wrdreg $0xFFFFFFFF  }
0xcf: {  	_ =	task.clear_ibuf [dreg:s22], $0x2FFFF;
	_ =	strace $0x9FFFFFFF  }
0xd0: {  	(tm) =	ssettm $0x7FFFFFFF  }
0xd1: {  	_ =	shalt  }
tec
execute0_lowered:
.L_overlay_start_1:
0x0: {  	(tag) =	ssettag $0x1  }
0x1: {  	s1 =	srdreg.scid  }
0x2: {  	s0 =	stileid.u32;
	s16 =	sand.u32 $0x1, s1  }
0x3: {  	s8 =	rddreg [dreg:$0x0];
	s3 =	sshll.u32 s0, $0xD;
	s4 =	sshll.u32 s16, $0xC  }
0x4: {  	s2 =	simm.s32 $0x0;
	s1 =	rddreg [dreg:$0x1];
	s15 =	sor.u32 s4, s3  }
0x5: {  	[smem:$0x7FF] =	sst s2;
	s17 =	sadd.s32 $0x75000, s8;
	s3 =	sshrl.u32 s15, $0x3  }
0x6: {  	_ =	strace $0x80000053;
	s4 =	sadd.s32 s17, s3;
	s3 =	simm.s32 $0x2  }
0x7: {  	[tilespmem:s2], [sflag:$0x2] =	stream.linear.gather [hbm4b:s4+s2], $0x400, $0x38;
	[tilespmem:$0xC400] =	vst v63  }
0x8: {  	_ =	swait.ge [sflag:s3], $0x400  }
0x9: {  	s6 =	simm.s32 $0x400;
	[sflag:s3] =	ssyncset.done $0x0  }
0xa: {  	s7 =	simm.s32 $0x1;
	s5 =	sadd.s32 $0x281000, s8;
	[sflag:s3] =	ssyncadd.s32 $0xFFFFFC00  }
0xb: {  	[tilespmem:s6], [sflag:$0x1] =	stream.indirect.gather [hbm4b:s5+s6], $0x30, s2, s6, $0xb8;
	[tilespmem:$0xC400] =	vst v63  }
0xc: {  	s9 =	simm.s32 $0x30;
	_ =	swait.ge [sflag:s7], $0xC000  }
0xd: {  	s18 =	sadd.s32 $0x305000, s8;
	s29 =	sshll.u32 s15, $0x4;
	[sflag:s7] =	ssyncset.done $0x0  }
0xe: {  	s10 =	simm.s32 $0x80;
	s8 =	sadd.s32 s18, s29;
	[sflag:s7] =	ssyncadd.s32 $0xFFFF4000  }
0xf: {  	[hbm4b:s8+s9] =	stream.strided.scatter [tilespmem:s6], [sflag:$0x2], $0xC000, s10, s9, $0x38;
	[tilespmem:$0xC400] =	vst v63  }
0x10: {  	s12 =	sor.u32 $0x400, s15;
	_ =	swait.ge [sflag:s3], $0xC000  }
0x11: {  	s11 =	sshrl.u32 s12, $0x3;
	[sflag:s3] =	ssyncset.done $0x0  }
0x12: {  	s11 =	sadd.s32 s17, s11;
	[sflag:s3] =	ssyncadd.s32 $0xFFFF4000  }
0x13: {  	[tilespmem:s2], [sflag:$0x2] =	stream.linear.gather [hbm4b:s11+s2], $0x400, $0x38;
	[tilespmem:$0xC400] =	vst v63  }
0x14: {  	_ =	swait.ge [sflag:s3], $0x400  }
0x15: {  	[sflag:s3] =	ssyncset.done $0x0  }
0x16: {  	[sflag:s3] =	ssyncadd.s32 $0xFFFFFC00  }
0x17: {  	[tilespmem:s6], [sflag:$0x1] =	stream.indirect.gather [hbm4b:s5+s6], $0x30, s2, s6, $0xb8;
	[tilespmem:$0xC400] =	vst v63  }
0x18: {  	_ =	swait.ge [sflag:s7], $0xC000  }
0x19: {  	s12 =	sshll.u32 s12, $0x4;
	[sflag:s7] =	ssyncset.done $0x0  }
0x1a: {  	s12 =	sadd.s32 s18, s12;
	[sflag:s7] =	ssyncadd.s32 $0xFFFF4000  }
0x1b: {  	[hbm4b:s12+s9] =	stream.strided.scatter [tilespmem:s6], [sflag:$0x2], $0xC000, s10, s9, $0x38;
	[tilespmem:$0xC400] =	vst v63  }
0x1c: {  	s14 =	sor.u32 $0x800, s15;
	_ =	swait.ge [sflag:s3], $0xC000  }
0x1d: {  	s13 =	sshrl.u32 s14, $0x3;
	[sflag:s3] =	ssyncset.done $0x0  }
0x1e: {  	s13 =	sadd.s32 s17, s13;
	[sflag:s3] =	ssyncadd.s32 $0xFFFF4000  }
0x1f: {  	[tilespmem:s2], [sflag:$0x2] =	stream.linear.gather [hbm4b:s13+s2], $0x400, $0x38;
	[tilespmem:$0xC400] =	vst v63  }
0x20: {  	_ =	swait.ge [sflag:s3], $0x400  }
0x21: {  	[sflag:s3] =	ssyncset.done $0x0  }
0x22: {  	[sflag:s3] =	ssyncadd.s32 $0xFFFFFC00  }
0x23: {  	[tilespmem:s6], [sflag:$0x1] =	stream.indirect.gather [hbm4b:s5+s6], $0x30, s2, s6, $0xb8;
	[tilespmem:$0xC400] =	vst v63  }
0x24: {  	_ =	swait.ge [sflag:s7], $0xC000  }
0x25: {  	s14 =	sshll.u32 s14, $0x4;
	[sflag:s7] =	ssyncset.done $0x0  }
0x26: {  	s14 =	sadd.s32 s18, s14;
	[sflag:s7] =	ssyncadd.s32 $0xFFFF4000  }
0x27: {  	[hbm4b:s14+s9] =	stream.strided.scatter [tilespmem:s6], [sflag:$0x2], $0xC000, s10, s9, $0x38;
	[tilespmem:$0xC400] =	vst v63  }
0x28: {  	s19 =	sor.u32 $0xC00, s15;
	_ =	swait.ge [sflag:s3], $0xC000  }
0x29: {  	s15 =	sshrl.u32 s19, $0x3;
	[sflag:s3] =	ssyncset.done $0x0  }
0x2a: {  	s16 =	ssub.s32 $0x2, s16;
	s15 =	sadd.s32 s17, s15;
	[sflag:s3] =	ssyncadd.s32 $0xFFFF4000  }
0x2b: {  	[tilespmem:s2], [sflag:$0x2] =	stream.linear.gather [hbm4b:s15+s2], $0x400, $0x38;
	[tilespmem:$0xC400] =	vst v63  }
0x2c: {  	s30 =	sshrl.u32 s16, $0x1;
	_ =	swait.ge [sflag:s3], $0x400  }
0x2d: {  	s17 =	ssub.s32 s16, s30;
	[sflag:s3] =	ssyncset.done $0x0  }
0x2e: {  	s17 =	smax.u32 s17, $0x1;
	[sflag:s3] =	ssyncadd.s32 $0xFFFFFC00  }
0x2f: {  	[tilespmem:s6], [sflag:$0x1] =	stream.indirect.gather [hbm4b:s5+s6], $0x30, s2, s6, $0xb8;
	[tilespmem:$0xC400] =	vst v63  }
0x30: {  	p0 =	sne.s32 s17, $0x1;
	_ =	swait.ge [sflag:s7], $0xC000  }
.Ltmp0:
0x31: {  	s31 =	sshll.u32 s19, $0x4;
	[sflag:s7] =	ssyncset.done $0x0;
	(pc) =	sbr.rel @!p0 .LBB2_2-.Ltmp0, $4  }
0x32: {  	s16 =	sadd.s32 s18, s31;
	[sflag:s7] =	ssyncadd.s32 $0xFFFF4000  }
0x33: {  	[hbm4b:s16+s9] =	stream.strided.scatter [tilespmem:s6], [sflag:$0x2], $0xC000, s10, s9, $0x38;
	[tilespmem:$0xC400] =	vst v63  }
0x34: {  	_ =	swait.ge [sflag:s3], $0xC000  }
0x35: {  	s17 =	sadd.s32 $0xFFFFFFFF, s17;
	[sflag:s3] =	ssyncset.done $0x0  }
.LBB2_1:
0x36: {  	p0 =	sne.s32 s17, $0x1;
	s17 =	sadd.s32 $0xFFFFFFFF, s17;
	[sflag:s3] =	ssyncadd.s32 $0xFFFF4000  }
0x37: {  	[tilespmem:s2], [sflag:$0x2] =	stream.linear.gather [hbm4b:s4+s2], $0x400, $0x38;
	[tilespmem:$0xC400] =	vst v63  }
0x38: {  	_ =	swait.ge [sflag:s3], $0x400  }
0x39: {  	[sflag:s3] =	ssyncset.done $0x0  }
0x3a: {  	[sflag:s3] =	ssyncadd.s32 $0xFFFFFC00  }
0x3b: {  	[tilespmem:s6], [sflag:$0x1] =	stream.indirect.gather [hbm4b:s5+s6], $0x30, s2, s6, $0xb8;
	[tilespmem:$0xC400] =	vst v63  }
0x3c: {  	_ =	swait.ge [sflag:s7], $0xC000  }
0x3d: {  	[sflag:s7] =	ssyncset.done $0x0  }
0x3e: {  	[sflag:s7] =	ssyncadd.s32 $0xFFFF4000  }
0x3f: {  	[hbm4b:s8+s9] =	stream.strided.scatter [tilespmem:s6], [sflag:$0x2], $0xC000, s10, s9, $0x38;
	[tilespmem:$0xC400] =	vst v63  }
0x40: {  	_ =	swait.ge [sflag:s3], $0xC000  }
0x41: {  	[sflag:s3] =	ssyncset.done $0x0  }
0x42: {  	[sflag:s3] =	ssyncadd.s32 $0xFFFF4000  }
0x43: {  	[tilespmem:s2], [sflag:$0x2] =	stream.linear.gather [hbm4b:s11+s2], $0x400, $0x38;
	[tilespmem:$0xC400] =	vst v63  }
0x44: {  	_ =	swait.ge [sflag:s3], $0x400  }
0x45: {  	[sflag:s3] =	ssyncset.done $0x0  }
0x46: {  	[sflag:s3] =	ssyncadd.s32 $0xFFFFFC00  }
0x47: {  	[tilespmem:s6], [sflag:$0x1] =	stream.indirect.gather [hbm4b:s5+s6], $0x30, s2, s6, $0xb8;
	[tilespmem:$0xC400] =	vst v63  }
0x48: {  	_ =	swait.ge [sflag:s7], $0xC000  }
0x49: {  	[sflag:s7] =	ssyncset.done $0x0  }
0x4a: {  	[sflag:s7] =	ssyncadd.s32 $0xFFFF4000  }
0x4b: {  	[hbm4b:s12+s9] =	stream.strided.scatter [tilespmem:s6], [sflag:$0x2], $0xC000, s10, s9, $0x38;
	[tilespmem:$0xC400] =	vst v63  }
0x4c: {  	_ =	swait.ge [sflag:s3], $0xC000  }
0x4d: {  	[sflag:s3] =	ssyncset.done $0x0  }
0x4e: {  	[sflag:s3] =	ssyncadd.s32 $0xFFFF4000  }
0x4f: {  	[tilespmem:s2], [sflag:$0x2] =	stream.linear.gather [hbm4b:s13+s2], $0x400, $0x38;
	[tilespmem:$0xC400] =	vst v63  }
0x50: {  	_ =	swait.ge [sflag:s3], $0x400  }
0x51: {  	[sflag:s3] =	ssyncset.done $0x0  }
0x52: {  	[sflag:s3] =	ssyncadd.s32 $0xFFFFFC00  }
0x53: {  	[tilespmem:s6], [sflag:$0x1] =	stream.indirect.gather [hbm4b:s5+s6], $0x30, s2, s6, $0xb8;
	[tilespmem:$0xC400] =	vst v63  }
0x54: {  	_ =	swait.ge [sflag:s7], $0xC000  }
0x55: {  	[sflag:s7] =	ssyncset.done $0x0  }
0x56: {  	[sflag:s7] =	ssyncadd.s32 $0xFFFF4000  }
0x57: {  	[hbm4b:s14+s9] =	stream.strided.scatter [tilespmem:s6], [sflag:$0x2], $0xC000, s10, s9, $0x38;
	[tilespmem:$0xC400] =	vst v63  }
0x58: {  	_ =	swait.ge [sflag:s3], $0xC000  }
0x59: {  	[sflag:s3] =	ssyncset.done $0x0  }
0x5a: {  	[sflag:s3] =	ssyncadd.s32 $0xFFFF4000  }
0x5b: {  	[tilespmem:s2], [sflag:$0x2] =	stream.linear.gather [hbm4b:s15+s2], $0x400, $0x38;
	[tilespmem:$0xC400] =	vst v63  }
0x5c: {  	_ =	swait.ge [sflag:s3], $0x400  }
0x5d: {  	[sflag:s3] =	ssyncset.done $0x0  }
0x5e: {  	[sflag:s3] =	ssyncadd.s32 $0xFFFFFC00  }
0x5f: {  	[tilespmem:s6], [sflag:$0x1] =	stream.indirect.gather [hbm4b:s5+s6], $0x30, s2, s6, $0xb8;
	[tilespmem:$0xC400] =	vst v63  }
0x60: {  	_ =	swait.ge [sflag:s7], $0xC000  }
.Ltmp1:
0x61: {  	[sflag:s7] =	ssyncset.done $0x0;
	(pc) =	sbr.rel @p0 .LBB2_1-.Ltmp1, $4  }
0x62: {  	[sflag:s7] =	ssyncadd.s32 $0xFFFF4000  }
0x63: {  	[hbm4b:s16+s9] =	stream.strided.scatter [tilespmem:s6], [sflag:$0x2], $0xC000, s10, s9, $0x38;
	[tilespmem:$0xC400] =	vst v63  }
0x64: {  	_ =	swait.ge [sflag:s3], $0xC000  }
0x65: {  	[sflag:s3] =	ssyncset.done $0x0  }
.LBB2_2:
0x66: {  	[sflag:s3] =	ssyncadd.s32 $0xFFFF4000  }
0x67: {  	_ =	sfence.sel $0x180000  }
0x68: {  	[bflag:$0x0] =	sbarrier.arrive $0xFFFF  }
0x69: {  	p0 =	sne.s32 s0, $0x0;
	_ =	strace $0x90000053  }
0x6a: {  	s0 =	sadd.s32 @!p0 $0x100000, s1;
	[bflag:$0x2] =	sbarrier.arrive $0xFFFF  }
0x6b: {  	[sflag:s0] =	ssyncadd.tile.s32 @!p0 $0x1;
	_ =	shalt  }
.Lfunc_end2:
_tile_overlayer_lowered:
.L_overlay_start_2:
0x6c: {  	(tag) =	ssettag $0x2  }
0x6d: {  	s0 =	rddreg [dreg:$0x0];
	s2 =	stileid.u32  }
0x6e: {  	s1 =	rddreg [dreg:$0x1];
	p0 =	sne.s32 s2, $0x0  }
0x6f: {  	s3 =	rddreg [dreg:$0x2];
	[bflag:$0x3] =	sbarrier.arrive $0xFFFF;
	s2 =	simm.s32 @!p0 $0x1C02  }
0x70: {  	[timem:s3], [sflag:s2] =	dma.local @!p0 [hbm:s0], s1  }
0x71: {  	s0 =	simm.s32 @!p0 $0x2  }
0x72: {  	_ =	swait.ge @!p0 [sflag:s0], s1  }
0x73: {  	s1 =	ssub.s32 @!p0 $0x0, s1;
	[sflag:s0] =	ssyncset.done @!p0 $0x0  }
0x74: {  	[sflag:s0] =	ssyncadd.s32 @!p0 s1  }
0x75: {  	[bflag:$0x3] =	sbarrier.arrive $0xFFFF  }
0x76: {  	_ =	shalt  }

// kernel: kernel.31.cloned.1.call-start
scs
__scs_entry_jumppad:
0x0: {  	(pc) =	sbr.rel $0x88, $3  }
0x1: {  	(tag) =	ssettag $0x0;
	lr =	simm.s32 $0x1  }
0x2: {  	[smem:$0x3F72] =	sst lr;
	_ =	strace $0xD0000000  }
0x3: {  	_ = 	snop  }
0x4: {  	_ = 	snop  }
0x5: {  	_ = 	snop  }
0x6: {  	_ = 	snop  }
0x7: {  	_ = 	snop  }
__scs_overlays_trampoline_lowered:
0x8: {  	[smem:$0x3F81] =	sst s0  }
0x9: {  	[smem:$0x3F82] =	sst s1  }
0xa: {  	[smem:$0x3F83] =	sst s2  }
0xb: {  	[smem:$0x3F84] =	sst s3  }
0xc: {  	[smem:$0x3F85] =	sst s4  }
0xd: {  	[smem:$0x3F86] =	sst s5  }
0xe: {  	[smem:$0x3F87] =	sst s6  }
0xf: {  	[smem:$0x3F88] =	sst s7  }
0x10: {  	[smem:$0x3F89] =	sst s8  }
0x11: {  	[smem:$0x3F8A] =	sst s9;
	s0 =	simm.s32 @!p0 $0x0  }
0x12: {  	s1 =	sld [smem:$0x3F70];
	s0 =	simm.s32 @p0 $0x1  }
0x13: {  	[smem:$0x3F8B] =	sst s0;
	s0 =	simm.s32 @!p1 $0x0  }
0x14: {  	s2 =	sld [smem:$0x3F6F];
	s0 =	simm.s32 @p1 $0x1  }
0x15: {  	[smem:$0x3F8C] =	sst s0;
	s0 =	simm.s32 @!p2 $0x0  }
0x16: {  	s3 =	sld [smem:$0x3FDB];
	s0 =	simm.s32 @p2 $0x1  }
0x17: {  	s4 =	simm.s32 $0x1BF5;
	[smem:$0x3F8E] =	sst s0  }
0x18: {  	s0 =	sld [smem:$0x3F71];
	_ =	swait.ge [sflag:s4], $0x0  }
0x19: {  	s7 =	sld [smem:$0x3F72]  }
0x1a: {  	s8 =	sadd.s32 $0xFFFFE003, lr  }
0x1b: {  	s9 =	sadd.s32 $0xFFFFFEF7, lr;
	s5 =	simm.s32 $0xFFFFFFFF;
	p2 =	slt.u32 s8, $0xFFFFF086  }
0x1c: {  	p1 =	slt.u32 s9, $0xF7A;
	s5 =	simm.s32 @!p2 $0x0  }
0x1d: {  	s5 =	simm.s32 @p1 $0x1;
	p0 =	seq.s32 s7, s2  }
0x1e: {  	s7 =	smul.u32 @!p0 $0xF7A, s2;
	p2 =	seq.s32 @!p0 s5, $0x0  }
0x1f: {  	s9 =	smul.u32 $0xF7A, s1;
	s8 =	simm.s32 @!p0 $0x1BF5;
	p2 =	por !p2, p0  }
0x20: {  	[sflag:s8] =	ssyncset.s32 @!p0 $0xFFFFF086;
	s6 =	sadd.s32 @!p0 s3, s7;
	s7 =	simm.s32 @!p0 $0x108  }
0x21: {  	s3 =	sadd.s32 s3, s9;
	s6 =	sadd.s32 @!p0 $0x88, s6;
	s7 =	simm.s32 @p2 $0x1082  }
0x22: {  	[simem:s7], [sflag:s8] =	dma.local @!p0 [hbm:s6], $0xF7A  }
0x23: {  	s9 =	sor.u32 $0xD0000000, s2;
	s6 =	simm.s32 $0x108;
	_ =	swait.ge @!p0 [sflag:s8], $0x0  }
0x24: {  	s3 =	sadd.s32 $0x88, s3;
	s6 =	simm.s32 @!p1 $0x1082;
	[sflag:s4] =	ssyncset.s32 $0xFFFFF086  }
0x25: {  	[simem:s6], [sflag:s4] =	dma.local [hbm:s3], $0xF7A  }
0x26: {  	[smem:$0x3F72] =	sst s1;
	(tag) =	ssettag s2;
	_ =	strace s9  }
0x27: {  	s1 =	sld [smem:$0x3F82]  }
0x28: {  	s2 =	sld [smem:$0x3F83]  }
0x29: {  	s4 =	sld [smem:$0x3F85]  }
0x2a: {  	p0 =	seq.s32 s5, $0x0;
	s5 =	sld [smem:$0x3F86]  }
0x2b: {  	s6 =	sld [smem:$0x3F87]  }
0x2c: {  	s7 =	sld [smem:$0x3F88]  }
0x2d: {  	s3 =	simm.s32 $0x108;
	s8 =	sld [smem:$0x3F89]  }
0x2e: {  	s3 =	simm.s32 @!p0 $0x1082;
	s9 =	sld [smem:$0x3F8A]  }
0x2f: {  	lr =	sadd.s32 s0, s3;
	s0 =	sld [smem:$0x3F81]  }
0x30: {  	s3 =	sld [smem:$0x3F84]  }
0x31: {  	[smem:$0x3F8D] =	sst s10  }
0x32: {  	s10 =	sld [smem:$0x3F8B];
	_ =	sdelay $0x3  }
0x33: {  	p0 =	seq.s32 s10, $0x1;
	s10 =	sld [smem:$0x3F8D];
	_ =	sdelay $0x3  }
0x34: {  	[smem:$0x3F8D] =	sst s10  }
0x35: {  	s10 =	sld [smem:$0x3F8C];
	_ =	sdelay $0x3  }
0x36: {  	p1 =	seq.s32 s10, $0x1;
	s10 =	sld [smem:$0x3F8D];
	_ =	sdelay $0x3  }
0x37: {  	[smem:$0x3F8D] =	sst s10  }
0x38: {  	s10 =	sld [smem:$0x3F8E]  }
0x39: {  	_ = 	snop;
	(pc) =	sbr.ind lr, $3  }
0x3a: {  	_ = 	snop  }
0x3b: {  	_ = 	snop  }
0x3c: {  	p2 =	seq.s32 s10, $0x1;
	s10 =	sld [smem:$0x3F8D]  }
0x3d: {  	_ =	shalt  }
0x3e: {  	_ =	shalt  }
0x3f: {  	_ =	shalt  }
0x40: {  	_ =	shalt  }
0x41: {  	_ =	shalt  }
0x42: {  	_ =	shalt  }
0x43: {  	_ =	shalt  }
0x44: {  	_ =	shalt  }
0x45: {  	_ =	shalt  }
0x46: {  	_ =	shalt  }
0x47: {  	_ =	shalt  }
0x48: {  	_ =	shalt  }
0x49: {  	_ =	shalt  }
0x4a: {  	_ =	shalt  }
0x4b: {  	_ =	shalt  }
0x4c: {  	_ =	shalt  }
0x4d: {  	_ =	shalt  }
0x4e: {  	_ =	shalt  }
0x4f: {  	_ =	shalt  }
0x50: {  	_ =	shalt  }
0x51: {  	_ =	shalt  }
0x52: {  	_ =	shalt  }
0x53: {  	_ =	shalt  }
0x54: {  	_ =	shalt  }
0x55: {  	_ =	shalt  }
0x56: {  	_ =	shalt  }
0x57: {  	_ =	shalt  }
0x58: {  	_ =	shalt  }
0x59: {  	_ =	shalt  }
0x5a: {  	_ =	shalt  }
0x5b: {  	_ =	shalt  }
0x5c: {  	_ =	shalt  }
0x5d: {  	_ =	shalt  }
0x5e: {  	_ =	shalt  }
0x5f: {  	_ =	shalt  }
0x60: {  	_ =	shalt  }
0x61: {  	_ =	shalt  }
0x62: {  	_ =	shalt  }
0x63: {  	_ =	shalt  }
0x64: {  	_ =	shalt  }
0x65: {  	_ =	shalt  }
0x66: {  	_ =	shalt  }
0x67: {  	_ =	shalt  }
0x68: {  	_ =	shalt  }
0x69: {  	_ =	shalt  }
0x6a: {  	_ =	shalt  }
0x6b: {  	_ =	shalt  }
0x6c: {  	_ =	shalt  }
0x6d: {  	_ =	shalt  }
0x6e: {  	_ =	shalt  }
0x6f: {  	_ =	shalt  }
0x70: {  	_ =	shalt  }
0x71: {  	_ =	shalt  }
0x72: {  	_ =	shalt  }
0x73: {  	_ =	shalt  }
0x74: {  	_ =	shalt  }
0x75: {  	_ =	shalt  }
0x76: {  	_ =	shalt  }
0x77: {  	_ =	shalt  }
0x78: {  	_ =	shalt  }
0x79: {  	_ =	shalt  }
0x7a: {  	_ =	shalt  }
0x7b: {  	_ =	shalt  }
0x7c: {  	_ =	shalt  }
0x7d: {  	_ =	shalt  }
0x7e: {  	_ =	shalt  }
0x7f: {  	_ =	shalt  }
0x80: {  	_ =	shalt  }
0x81: {  	_ =	shalt  }
0x82: {  	_ =	shalt  }
0x83: {  	_ =	shalt  }
0x84: {  	_ =	shalt  }
0x85: {  	_ =	shalt  }
0x86: {  	_ =	shalt  }
0x87: {  	_ =	shalt  }
.Lfunc_end0:
.L_simem_size_0:
called_computation.3_lowered:
.L_overlay_start_0:
0x88: {  	s2 =	sld [smem:$0x3FD9]  }
0x89: {  	s3 =	sld [smem:$0x3FFE];
	_ =	sdelay $0x1  }
0x8a: {  	s1 =	srdreg.scid  }
0x8b: {  	s0 =	sand.u32 $0x1, s1  }
0x8c: {  	s17 =	sshll.u32 s0, $0xA;
	s2 =	sadd.s32 s3, s2  }
0x8d: {  	s2 =	sadd.s32 s2, s17  }
0x8e: {  	[smem:$0x3F99] =	sst s2  }
0x8f: {  	_ = 	snop  }
0x90: {  	(tm) =	ssettm $0x1  }
0x91: {  	s18 =	sld [smem:$0x3FFB];
	_ =	sdelay $0x3  }
0x92: {  	_ =	strace s18  }
0x93: {  	s2 =	sld [smem:$0x3FFC];
	_ =	sdelay $0x3  }
0x94: {  	_ =	strace s2  }
0x95: {  	s2 =	sld [smem:$0x3FFD];
	_ =	sdelay $0x3  }
0x96: {  	_ =	strace s2  }
0x97: {  	_ =	strace $0x8FFFFFFF  }
0x98: {  	s19 =	sld [smem:$0x3FDB];
	_ =	sdelay $0x1  }
0x99: {  	s20 =	simm.s32 $_scs_section_size  }
0x9a: {  	s4 =	simm.s32 $_size__tile_overlayer_lowered;
	s5 =	simm.s32 $_tile_overlayer_lowered  }
0x9b: {  	s6 =	simm.s32 $0x1BFF;
	s21 =	sshll.u32 s5, $0x1;
	s3 =	sadd.s32 s20, s19  }
0x9c: {  	s22 =	simm.s32 $0x0;
	s4 =	sshll.u32 s4, $0x1;
	s5 =	sadd.s32 s21, s3  }
0x9d: {  	[timem:s22], [sflag:s6] =	dma.local [hbm:s5], s4  }
0x9e: {  	_ =	swait.ge [sflag:s6], s4  }
0x9f: {  	s4 =	ssub.s32 $0x0, s4;
	[sflag:s6] =	ssyncset.done $0x0  }
0xa0: {  	[sflag:s6] =	ssyncadd.s32 s4;
	_ =	sdelay $0x1  }
0xa1: {  	s23 =	simm.s32 $0x1B8B  }
0xa2: {  	_ =	swait.ge [sflag:s23], $0x1  }
0xa3: {  	[sflag:s23] =	ssyncset.done $0x0  }
0xa4: {  	[sflag:s23] =	ssyncadd.s32 $0xFFFFFFFF  }
0xa5: {  	s4 =	sld [smem:$0x0]  }
0xa6: {  	s5 =	sand.u32 $0xFFFFFFFE, s1  }
0xa7: {  	p0 =	sne.s32 s1, s5  }
0xa8: {  	s5 =	sshll.u32 @p0 s5, $0xE  }
0xa9: {  	s5 =	sadd.s32 @p0 $0x11B8D, s5;
	s6 =	sshll.u32 @p0 s4, $0x11  }
0xaa: {  	s5 =	sor.u32 @p0 s6, s5  }
0xab: {  	[sflag:s5] =	ssyncadd.remote.s32 @p0 $0x1;
	_ =	sdelay $0x1  }
0xac: {  	s5 =	simm.s32 @p0 $0x1B8D  }
0xad: {  	_ =	swait.eq @p0 [sflag:s5], $0x1  }
0xae: {  	[sflag:s5] =	ssyncadd.s32 @p0 $0xFFFFFFFF  }
0xaf: {  	s6 =	sshll.u32 @!p0 s1, $0xE  }
0xb0: {  	s6 =	sor.u32 @!p0 $0x4000, s6;
	s5 =	simm.s32 @!p0 $0x1B8D  }
0xb1: {  	s4 =	sshll.u32 @!p0 s4, $0x11;
	s6 =	sadd.s32 @!p0 $0x11B8D, s6;
	_ =	swait.eq @!p0 [sflag:s5], $0x1  }
0xb2: {  	s4 =	sor.u32 @!p0 s4, s6;
	[sflag:s5] =	ssyncadd.s32 @!p0 $0xFFFFFFFF  }
0xb3: {  	s25 =	simm.s32 $0x1B8E;
	s24 =	sld [smem:$0x3FFE];
	[sflag:s4] =	ssyncadd.remote.s32 @!p0 $0x1  }
0xb4: {  	s26 =	simm.s32 $execute0_lowered;
	[smem:$0x3FD2] =	sst s25  }
0xb5: {  	s5 =	sshll.u32 s26, $0x1;
	_ =	strace $0x80000058;
	[dreg:$0x1] =	wrdreg $0xFFFFFFFF  }
0xb6: {  	s28 =	simm.s32 $_size_execute0_lowered;
	s3 =	sadd.s32 s3, s5;
	[dreg:$0x0] =	wrdreg $0x0  }
0xb7: {  	s5 =	sshll.u32 s28, $0x1;
	[dreg:$0x2] =	wrdreg s3  }
0xb8: {  	[dreg:$0x3] =	wrdreg s5  }
0xb9: {  	[dreg:$0x4] =	wrdreg $0xC0  }
0xba: {  	_ =	task [dreg:s22], $0x5FFFF  }
0xbb: {  	[dreg:$0x1] =	wrdreg $0xFFFFFFFF  }
0xbc: {  	[dreg:$0x0] =	wrdreg $0x60  }
0xbd: {  	[dreg:$0x2] =	wrdreg s24  }
0xbe: {  	[dreg:$0x3] =	wrdreg $0x9  }
0xbf: {  	_ =	task.clear_ibuf [dreg:s22], $0x4FFFF;
	_ =	strace $0x90000058  }
0xc0: {  	s29 =	simm.s32 $0x9;
	_ =	strace $0x8000005A  }
0xc1: {  	_ =	swait.ge [sflag:s29], $0x1  }
0xc2: {  	[sflag:s29] =	ssyncadd.s32 $0xFFFFFFFF  }
0xc3: {  	_ =	strace $0x9000005A  }
0xc4: {  	_ =	sfence  }
0xc5: {  	s30 =	sld [smem:$0x0];
	_ =	sdelay $0x2  }
0xc6: {  	s31 =	sshll.u32 s1, $0xD;
	s1 =	sshrl.u32 s1, $0x2  }
0xc7: {  	s4 =	sand.u32 $0x4000, s31;
	s1 =	sadd.s32 s1, s30  }
0xc8: {  	s0 =	sor.u32 s4, s0;
	s1 =	sshll.u32 s1, $0x11  }
0xc9: {  	s0 =	sor.u32 s1, s0  }
0xca: {  	s0 =	sadd.s32 $0x8F2B, s0  }
0xcb: {  	[sflag:s0] =	ssyncadd.remote.s32 $0x1  }
0xcc: {  	_ =	sfence.sel $0xFFFF  }
0xcd: {  	[dreg:$0x0] =	wrdreg $0xFFFFFFFF;
	(pc) =	sbr.abs _section_cstart, $3  }
0xce: {  	[dreg:$0x1] =	wrdreg $0xFFFFFFFF  }
0xcf: {  	_ =	task.clear_ibuf [dreg:s22], $0x2FFFF;
	_ =	strace $0x9FFFFFFF  }
0xd0: {  	(tm) =	ssettm $0x7FFFFFFF  }
0xd1: {  	_ =	shalt  }
tec
execute0_lowered:
.L_overlay_start_1:
0x0: {  	(tag) =	ssettag $0x1  }
0x1: {  	s1 =	srdreg.scid  }
0x2: {  	s0 =	stileid.u32;
	s16 =	sand.u32 $0x1, s1  }
0x3: {  	s8 =	rddreg [dreg:$0x0];
	s3 =	sshll.u32 s0, $0xD;
	s4 =	sshll.u32 s16, $0xC  }
0x4: {  	s2 =	simm.s32 $0x0;
	s1 =	rddreg [dreg:$0x1];
	s15 =	sor.u32 s4, s3  }
0x5: {  	[smem:$0x7FF] =	sst s2;
	s17 =	sadd.s32 $0x75000, s8;
	s3 =	sshrl.u32 s15, $0x3  }
0x6: {  	_ =	strace $0x80000059;
	s4 =	sadd.s32 s17, s3;
	s3 =	simm.s32 $0x2  }
0x7: {  	[tilespmem:s2], [sflag:$0x2] =	stream.linear.gather [hbm4b:s4+s2], $0x400, $0x38;
	[tilespmem:$0x14400] =	vst v63  }
0x8: {  	_ =	swait.ge [sflag:s3], $0x400  }
0x9: {  	s6 =	simm.s32 $0x400;
	[sflag:s3] =	ssyncset.done $0x0  }
0xa: {  	s7 =	simm.s32 $0x1;
	s5 =	sadd.s32 $0x279000, s8;
	[sflag:s3] =	ssyncadd.s32 $0xFFFFFC00  }
0xb: {  	[tilespmem:s6], [sflag:$0x1] =	stream.indirect.gather [hbm4b:s5+s6], $0x50, s2, s6, $0xb8;
	[tilespmem:$0x14400] =	vst v63  }
0xc: {  	s9 =	simm.s32 $0x50;
	_ =	swait.ge [sflag:s7], $0x14000  }
0xd: {  	s18 =	sadd.s32 $0x305000, s8;
	s29 =	sshll.u32 s15, $0x4;
	[sflag:s7] =	ssyncset.done $0x0  }
0xe: {  	s10 =	simm.s32 $0x80;
	s8 =	sadd.s32 s18, s29;
	[sflag:s7] =	ssyncadd.s32 $0xFFFEC000  }
0xf: {  	[hbm4b:s8+s9] =	stream.strided.scatter [tilespmem:s6], [sflag:$0x2], $0x14000, s10, s9, $0x38;
	[tilespmem:$0x14400] =	vst v63  }
0x10: {  	s12 =	sor.u32 $0x400, s15;
	_ =	swait.ge [sflag:s3], $0x14000  }
0x11: {  	s11 =	sshrl.u32 s12, $0x3;
	[sflag:s3] =	ssyncset.done $0x0  }
0x12: {  	s11 =	sadd.s32 s17, s11;
	[sflag:s3] =	ssyncadd.s32 $0xFFFEC000  }
0x13: {  	[tilespmem:s2], [sflag:$0x2] =	stream.linear.gather [hbm4b:s11+s2], $0x400, $0x38;
	[tilespmem:$0x14400] =	vst v63  }
0x14: {  	_ =	swait.ge [sflag:s3], $0x400  }
0x15: {  	[sflag:s3] =	ssyncset.done $0x0  }
0x16: {  	[sflag:s3] =	ssyncadd.s32 $0xFFFFFC00  }
0x17: {  	[tilespmem:s6], [sflag:$0x1] =	stream.indirect.gather [hbm4b:s5+s6], $0x50, s2, s6, $0xb8;
	[tilespmem:$0x14400] =	vst v63  }
0x18: {  	_ =	swait.ge [sflag:s7], $0x14000  }
0x19: {  	s12 =	sshll.u32 s12, $0x4;
	[sflag:s7] =	ssyncset.done $0x0  }
0x1a: {  	s12 =	sadd.s32 s18, s12;
	[sflag:s7] =	ssyncadd.s32 $0xFFFEC000  }
0x1b: {  	[hbm4b:s12+s9] =	stream.strided.scatter [tilespmem:s6], [sflag:$0x2], $0x14000, s10, s9, $0x38;
	[tilespmem:$0x14400] =	vst v63  }
0x1c: {  	s14 =	sor.u32 $0x800, s15;
	_ =	swait.ge [sflag:s3], $0x14000  }
0x1d: {  	s13 =	sshrl.u32 s14, $0x3;
	[sflag:s3] =	ssyncset.done $0x0  }
0x1e: {  	s13 =	sadd.s32 s17, s13;
	[sflag:s3] =	ssyncadd.s32 $0xFFFEC000  }
0x1f: {  	[tilespmem:s2], [sflag:$0x2] =	stream.linear.gather [hbm4b:s13+s2], $0x400, $0x38;
	[tilespmem:$0x14400] =	vst v63  }
0x20: {  	_ =	swait.ge [sflag:s3], $0x400  }
0x21: {  	[sflag:s3] =	ssyncset.done $0x0  }
0x22: {  	[sflag:s3] =	ssyncadd.s32 $0xFFFFFC00  }
0x23: {  	[tilespmem:s6], [sflag:$0x1] =	stream.indirect.gather [hbm4b:s5+s6], $0x50, s2, s6, $0xb8;
	[tilespmem:$0x14400] =	vst v63  }
0x24: {  	_ =	swait.ge [sflag:s7], $0x14000  }
0x25: {  	s14 =	sshll.u32 s14, $0x4;
	[sflag:s7] =	ssyncset.done $0x0  }
0x26: {  	s14 =	sadd.s32 s18, s14;
	[sflag:s7] =	ssyncadd.s32 $0xFFFEC000  }
0x27: {  	[hbm4b:s14+s9] =	stream.strided.scatter [tilespmem:s6], [sflag:$0x2], $0x14000, s10, s9, $0x38;
	[tilespmem:$0x14400] =	vst v63  }
0x28: {  	s19 =	sor.u32 $0xC00, s15;
	_ =	swait.ge [sflag:s3], $0x14000  }
0x29: {  	s15 =	sshrl.u32 s19, $0x3;
	[sflag:s3] =	ssyncset.done $0x0  }
0x2a: {  	s16 =	ssub.s32 $0x2, s16;
	s15 =	sadd.s32 s17, s15;
	[sflag:s3] =	ssyncadd.s32 $0xFFFEC000  }
0x2b: {  	[tilespmem:s2], [sflag:$0x2] =	stream.linear.gather [hbm4b:s15+s2], $0x400, $0x38;
	[tilespmem:$0x14400] =	vst v63  }
0x2c: {  	s30 =	sshrl.u32 s16, $0x1;
	_ =	swait.ge [sflag:s3], $0x400  }
0x2d: {  	s17 =	ssub.s32 s16, s30;
	[sflag:s3] =	ssyncset.done $0x0  }
0x2e: {  	s17 =	smax.u32 s17, $0x1;
	[sflag:s3] =	ssyncadd.s32 $0xFFFFFC00  }
0x2f: {  	[tilespmem:s6], [sflag:$0x1] =	stream.indirect.gather [hbm4b:s5+s6], $0x50, s2, s6, $0xb8;
	[tilespmem:$0x14400] =	vst v63  }
0x30: {  	p0 =	sne.s32 s17, $0x1;
	_ =	swait.ge [sflag:s7], $0x14000  }
.Ltmp0:
0x31: {  	s31 =	sshll.u32 s19, $0x4;
	[sflag:s7] =	ssyncset.done $0x0;
	(pc) =	sbr.rel @!p0 .LBB2_2-.Ltmp0, $4  }
0x32: {  	s16 =	sadd.s32 s18, s31;
	[sflag:s7] =	ssyncadd.s32 $0xFFFEC000  }
0x33: {  	[hbm4b:s16+s9] =	stream.strided.scatter [tilespmem:s6], [sflag:$0x2], $0x14000, s10, s9, $0x38;
	[tilespmem:$0x14400] =	vst v63  }
0x34: {  	_ =	swait.ge [sflag:s3], $0x14000  }
0x35: {  	s17 =	sadd.s32 $0xFFFFFFFF, s17;
	[sflag:s3] =	ssyncset.done $0x0  }
.LBB2_1:
0x36: {  	p0 =	sne.s32 s17, $0x1;
	s17 =	sadd.s32 $0xFFFFFFFF, s17;
	[sflag:s3] =	ssyncadd.s32 $0xFFFEC000  }
0x37: {  	[tilespmem:s2], [sflag:$0x2] =	stream.linear.gather [hbm4b:s4+s2], $0x400, $0x38;
	[tilespmem:$0x14400] =	vst v63  }
0x38: {  	_ =	swait.ge [sflag:s3], $0x400  }
0x39: {  	[sflag:s3] =	ssyncset.done $0x0  }
0x3a: {  	[sflag:s3] =	ssyncadd.s32 $0xFFFFFC00  }
0x3b: {  	[tilespmem:s6], [sflag:$0x1] =	stream.indirect.gather [hbm4b:s5+s6], $0x50, s2, s6, $0xb8;
	[tilespmem:$0x14400] =	vst v63  }
0x3c: {  	_ =	swait.ge [sflag:s7], $0x14000  }
0x3d: {  	[sflag:s7] =	ssyncset.done $0x0  }
0x3e: {  	[sflag:s7] =	ssyncadd.s32 $0xFFFEC000  }
0x3f: {  	[hbm4b:s8+s9] =	stream.strided.scatter [tilespmem:s6], [sflag:$0x2], $0x14000, s10, s9, $0x38;
	[tilespmem:$0x14400] =	vst v63  }
0x40: {  	_ =	swait.ge [sflag:s3], $0x14000  }
0x41: {  	[sflag:s3] =	ssyncset.done $0x0  }
0x42: {  	[sflag:s3] =	ssyncadd.s32 $0xFFFEC000  }
0x43: {  	[tilespmem:s2], [sflag:$0x2] =	stream.linear.gather [hbm4b:s11+s2], $0x400, $0x38;
	[tilespmem:$0x14400] =	vst v63  }
0x44: {  	_ =	swait.ge [sflag:s3], $0x400  }
0x45: {  	[sflag:s3] =	ssyncset.done $0x0  }
0x46: {  	[sflag:s3] =	ssyncadd.s32 $0xFFFFFC00  }
0x47: {  	[tilespmem:s6], [sflag:$0x1] =	stream.indirect.gather [hbm4b:s5+s6], $0x50, s2, s6, $0xb8;
	[tilespmem:$0x14400] =	vst v63  }
0x48: {  	_ =	swait.ge [sflag:s7], $0x14000  }
0x49: {  	[sflag:s7] =	ssyncset.done $0x0  }
0x4a: {  	[sflag:s7] =	ssyncadd.s32 $0xFFFEC000  }
0x4b: {  	[hbm4b:s12+s9] =	stream.strided.scatter [tilespmem:s6], [sflag:$0x2], $0x14000, s10, s9, $0x38;
	[tilespmem:$0x14400] =	vst v63  }
0x4c: {  	_ =	swait.ge [sflag:s3], $0x14000  }
0x4d: {  	[sflag:s3] =	ssyncset.done $0x0  }
0x4e: {  	[sflag:s3] =	ssyncadd.s32 $0xFFFEC000  }
0x4f: {  	[tilespmem:s2], [sflag:$0x2] =	stream.linear.gather [hbm4b:s13+s2], $0x400, $0x38;
	[tilespmem:$0x14400] =	vst v63  }
0x50: {  	_ =	swait.ge [sflag:s3], $0x400  }
0x51: {  	[sflag:s3] =	ssyncset.done $0x0  }
0x52: {  	[sflag:s3] =	ssyncadd.s32 $0xFFFFFC00  }
0x53: {  	[tilespmem:s6], [sflag:$0x1] =	stream.indirect.gather [hbm4b:s5+s6], $0x50, s2, s6, $0xb8;
	[tilespmem:$0x14400] =	vst v63  }
0x54: {  	_ =	swait.ge [sflag:s7], $0x14000  }
0x55: {  	[sflag:s7] =	ssyncset.done $0x0  }
0x56: {  	[sflag:s7] =	ssyncadd.s32 $0xFFFEC000  }
0x57: {  	[hbm4b:s14+s9] =	stream.strided.scatter [tilespmem:s6], [sflag:$0x2], $0x14000, s10, s9, $0x38;
	[tilespmem:$0x14400] =	vst v63  }
0x58: {  	_ =	swait.ge [sflag:s3], $0x14000  }
0x59: {  	[sflag:s3] =	ssyncset.done $0x0  }
0x5a: {  	[sflag:s3] =	ssyncadd.s32 $0xFFFEC000  }
0x5b: {  	[tilespmem:s2], [sflag:$0x2] =	stream.linear.gather [hbm4b:s15+s2], $0x400, $0x38;
	[tilespmem:$0x14400] =	vst v63  }
0x5c: {  	_ =	swait.ge [sflag:s3], $0x400  }
0x5d: {  	[sflag:s3] =	ssyncset.done $0x0  }
0x5e: {  	[sflag:s3] =	ssyncadd.s32 $0xFFFFFC00  }
0x5f: {  	[tilespmem:s6], [sflag:$0x1] =	stream.indirect.gather [hbm4b:s5+s6], $0x50, s2, s6, $0xb8;
	[tilespmem:$0x14400] =	vst v63  }
0x60: {  	_ =	swait.ge [sflag:s7], $0x14000  }
.Ltmp1:
0x61: {  	[sflag:s7] =	ssyncset.done $0x0;
	(pc) =	sbr.rel @p0 .LBB2_1-.Ltmp1, $4  }
0x62: {  	[sflag:s7] =	ssyncadd.s32 $0xFFFEC000  }
0x63: {  	[hbm4b:s16+s9] =	stream.strided.scatter [tilespmem:s6], [sflag:$0x2], $0x14000, s10, s9, $0x38;
	[tilespmem:$0x14400] =	vst v63  }
0x64: {  	_ =	swait.ge [sflag:s3], $0x14000  }
0x65: {  	[sflag:s3] =	ssyncset.done $0x0  }
.LBB2_2:
0x66: {  	[sflag:s3] =	ssyncadd.s32 $0xFFFEC000  }
0x67: {  	_ =	sfence.sel $0x180000  }
0x68: {  	[bflag:$0x0] =	sbarrier.arrive $0xFFFF  }
0x69: {  	p0 =	sne.s32 s0, $0x0;
	_ =	strace $0x90000059  }
0x6a: {  	s0 =	sadd.s32 @!p0 $0x100000, s1;
	[bflag:$0x2] =	sbarrier.arrive $0xFFFF  }
0x6b: {  	[sflag:s0] =	ssyncadd.tile.s32 @!p0 $0x1;
	_ =	shalt  }
.Lfunc_end2:
_tile_overlayer_lowered:
.L_overlay_start_2:
0x6c: {  	(tag) =	ssettag $0x2  }
0x6d: {  	s0 =	rddreg [dreg:$0x0];
	s2 =	stileid.u32  }
0x6e: {  	s1 =	rddreg [dreg:$0x1];
	p0 =	sne.s32 s2, $0x0  }
0x6f: {  	s3 =	rddreg [dreg:$0x2];
	[bflag:$0x3] =	sbarrier.arrive $0xFFFF;
	s2 =	simm.s32 @!p0 $0x1C02  }
0x70: {  	[timem:s3], [sflag:s2] =	dma.local @!p0 [hbm:s0], s1  }
0x71: {  	s0 =	simm.s32 @!p0 $0x2  }
0x72: {  	_ =	swait.ge @!p0 [sflag:s0], s1  }
0x73: {  	s1 =	ssub.s32 @!p0 $0x0, s1;
	[sflag:s0] =	ssyncset.done @!p0 $0x0  }
0x74: {  	[sflag:s0] =	ssyncadd.s32 @!p0 s1  }
0x75: {  	[bflag:$0x3] =	sbarrier.arrive $0xFFFF  }
0x76: {  	_ =	shalt  }

// kernel: kernel.34.cloned.1.call-start
scs
__scs_entry_jumppad:
0x0: {  	(pc) =	sbr.rel $0x88, $3  }
0x1: {  	(tag) =	ssettag $0x0;
	lr =	simm.s32 $0x1  }
0x2: {  	[smem:$0x3F72] =	sst lr;
	_ =	strace $0xD0000000  }
0x3: {  	_ = 	snop  }
0x4: {  	_ = 	snop  }
0x5: {  	_ = 	snop  }
0x6: {  	_ = 	snop  }
0x7: {  	_ = 	snop  }
__scs_overlays_trampoline_lowered:
0x8: {  	[smem:$0x3F81] =	sst s0  }
0x9: {  	[smem:$0x3F82] =	sst s1  }
0xa: {  	[smem:$0x3F83] =	sst s2  }
0xb: {  	[smem:$0x3F84] =	sst s3  }
0xc: {  	[smem:$0x3F85] =	sst s4  }
0xd: {  	[smem:$0x3F86] =	sst s5  }
0xe: {  	[smem:$0x3F87] =	sst s6  }
0xf: {  	[smem:$0x3F88] =	sst s7  }
0x10: {  	[smem:$0x3F89] =	sst s8  }
0x11: {  	[smem:$0x3F8A] =	sst s9;
	s0 =	simm.s32 @!p0 $0x0  }
0x12: {  	s1 =	sld [smem:$0x3F70];
	s0 =	simm.s32 @p0 $0x1  }
0x13: {  	[smem:$0x3F8B] =	sst s0;
	s0 =	simm.s32 @!p1 $0x0  }
0x14: {  	s2 =	sld [smem:$0x3F6F];
	s0 =	simm.s32 @p1 $0x1  }
0x15: {  	[smem:$0x3F8C] =	sst s0;
	s0 =	simm.s32 @!p2 $0x0  }
0x16: {  	s3 =	sld [smem:$0x3FDB];
	s0 =	simm.s32 @p2 $0x1  }
0x17: {  	s4 =	simm.s32 $0x1BF5;
	[smem:$0x3F8E] =	sst s0  }
0x18: {  	s0 =	sld [smem:$0x3F71];
	_ =	swait.ge [sflag:s4], $0x0  }
0x19: {  	s7 =	sld [smem:$0x3F72]  }
0x1a: {  	s8 =	sadd.s32 $0xFFFFE003, lr  }
0x1b: {  	s9 =	sadd.s32 $0xFFFFFEF7, lr;
	s5 =	simm.s32 $0xFFFFFFFF;
	p2 =	slt.u32 s8, $0xFFFFF086  }
0x1c: {  	p1 =	slt.u32 s9, $0xF7A;
	s5 =	simm.s32 @!p2 $0x0  }
0x1d: {  	s5 =	simm.s32 @p1 $0x1;
	p0 =	seq.s32 s7, s2  }
0x1e: {  	s7 =	smul.u32 @!p0 $0xF7A, s2;
	p2 =	seq.s32 @!p0 s5, $0x0  }
0x1f: {  	s9 =	smul.u32 $0xF7A, s1;
	s8 =	simm.s32 @!p0 $0x1BF5;
	p2 =	por !p2, p0  }
0x20: {  	[sflag:s8] =	ssyncset.s32 @!p0 $0xFFFFF086;
	s6 =	sadd.s32 @!p0 s3, s7;
	s7 =	simm.s32 @!p0 $0x108  }
0x21: {  	s3 =	sadd.s32 s3, s9;
	s6 =	sadd.s32 @!p0 $0x88, s6;
	s7 =	simm.s32 @p2 $0x1082  }
0x22: {  	[simem:s7], [sflag:s8] =	dma.local @!p0 [hbm:s6], $0xF7A  }
0x23: {  	s9 =	sor.u32 $0xD0000000, s2;
	s6 =	simm.s32 $0x108;
	_ =	swait.ge @!p0 [sflag:s8], $0x0  }
0x24: {  	s3 =	sadd.s32 $0x88, s3;
	s6 =	simm.s32 @!p1 $0x1082;
	[sflag:s4] =	ssyncset.s32 $0xFFFFF086  }
0x25: {  	[simem:s6], [sflag:s4] =	dma.local [hbm:s3], $0xF7A  }
0x26: {  	[smem:$0x3F72] =	sst s1;
	(tag) =	ssettag s2;
	_ =	strace s9  }
0x27: {  	s1 =	sld [smem:$0x3F82]  }
0x28: {  	s2 =	sld [smem:$0x3F83]  }
0x29: {  	s4 =	sld [smem:$0x3F85]  }
0x2a: {  	p0 =	seq.s32 s5, $0x0;
	s5 =	sld [smem:$0x3F86]  }
0x2b: {  	s6 =	sld [smem:$0x3F87]  }
0x2c: {  	s7 =	sld [smem:$0x3F88]  }
0x2d: {  	s3 =	simm.s32 $0x108;
	s8 =	sld [smem:$0x3F89]  }
0x2e: {  	s3 =	simm.s32 @!p0 $0x1082;
	s9 =	sld [smem:$0x3F8A]  }
0x2f: {  	lr =	sadd.s32 s0, s3;
	s0 =	sld [smem:$0x3F81]  }
0x30: {  	s3 =	sld [smem:$0x3F84]  }
0x31: {  	[smem:$0x3F8D] =	sst s10  }
0x32: {  	s10 =	sld [smem:$0x3F8B];
	_ =	sdelay $0x3  }
0x33: {  	p0 =	seq.s32 s10, $0x1;
	s10 =	sld [smem:$0x3F8D];
	_ =	sdelay $0x3  }
0x34: {  	[smem:$0x3F8D] =	sst s10  }
0x35: {  	s10 =	sld [smem:$0x3F8C];
	_ =	sdelay $0x3  }
0x36: {  	p1 =	seq.s32 s10, $0x1;
	s10 =	sld [smem:$0x3F8D];
	_ =	sdelay $0x3  }
0x37: {  	[smem:$0x3F8D] =	sst s10  }
0x38: {  	s10 =	sld [smem:$0x3F8E]  }
0x39: {  	_ = 	snop;
	(pc) =	sbr.ind lr, $3  }
0x3a: {  	_ = 	snop  }
0x3b: {  	_ = 	snop  }
0x3c: {  	p2 =	seq.s32 s10, $0x1;
	s10 =	sld [smem:$0x3F8D]  }
0x3d: {  	_ =	shalt  }
0x3e: {  	_ =	shalt  }
0x3f: {  	_ =	shalt  }
0x40: {  	_ =	shalt  }
0x41: {  	_ =	shalt  }
0x42: {  	_ =	shalt  }
0x43: {  	_ =	shalt  }
0x44: {  	_ =	shalt  }
0x45: {  	_ =	shalt  }
0x46: {  	_ =	shalt  }
0x47: {  	_ =	shalt  }
0x48: {  	_ =	shalt  }
0x49: {  	_ =	shalt  }
0x4a: {  	_ =	shalt  }
0x4b: {  	_ =	shalt  }
0x4c: {  	_ =	shalt  }
0x4d: {  	_ =	shalt  }
0x4e: {  	_ =	shalt  }
0x4f: {  	_ =	shalt  }
0x50: {  	_ =	shalt  }
0x51: {  	_ =	shalt  }
0x52: {  	_ =	shalt  }
0x53: {  	_ =	shalt  }
0x54: {  	_ =	shalt  }
0x55: {  	_ =	shalt  }
0x56: {  	_ =	shalt  }
0x57: {  	_ =	shalt  }
0x58: {  	_ =	shalt  }
0x59: {  	_ =	shalt  }
0x5a: {  	_ =	shalt  }
0x5b: {  	_ =	shalt  }
0x5c: {  	_ =	shalt  }
0x5d: {  	_ =	shalt  }
0x5e: {  	_ =	shalt  }
0x5f: {  	_ =	shalt  }
0x60: {  	_ =	shalt  }
0x61: {  	_ =	shalt  }
0x62: {  	_ =	shalt  }
0x63: {  	_ =	shalt  }
0x64: {  	_ =	shalt  }
0x65: {  	_ =	shalt  }
0x66: {  	_ =	shalt  }
0x67: {  	_ =	shalt  }
0x68: {  	_ =	shalt  }
0x69: {  	_ =	shalt  }
0x6a: {  	_ =	shalt  }
0x6b: {  	_ =	shalt  }
0x6c: {  	_ =	shalt  }
0x6d: {  	_ =	shalt  }
0x6e: {  	_ =	shalt  }
0x6f: {  	_ =	shalt  }
0x70: {  	_ =	shalt  }
0x71: {  	_ =	shalt  }
0x72: {  	_ =	shalt  }
0x73: {  	_ =	shalt  }
0x74: {  	_ =	shalt  }
0x75: {  	_ =	shalt  }
0x76: {  	_ =	shalt  }
0x77: {  	_ =	shalt  }
0x78: {  	_ =	shalt  }
0x79: {  	_ =	shalt  }
0x7a: {  	_ =	shalt  }
0x7b: {  	_ =	shalt  }
0x7c: {  	_ =	shalt  }
0x7d: {  	_ =	shalt  }
0x7e: {  	_ =	shalt  }
0x7f: {  	_ =	shalt  }
0x80: {  	_ =	shalt  }
0x81: {  	_ =	shalt  }
0x82: {  	_ =	shalt  }
0x83: {  	_ =	shalt  }
0x84: {  	_ =	shalt  }
0x85: {  	_ =	shalt  }
0x86: {  	_ =	shalt  }
0x87: {  	_ =	shalt  }
.Lfunc_end0:
.L_simem_size_0:
called_computation.4_lowered:
.L_overlay_start_0:
0x88: {  	s2 =	sld [smem:$0x3FD9]  }
0x89: {  	s3 =	sld [smem:$0x3FFE];
	_ =	sdelay $0x1  }
0x8a: {  	s1 =	srdreg.scid  }
0x8b: {  	s0 =	sand.u32 $0x1, s1  }
0x8c: {  	s17 =	sshll.u32 s0, $0xA;
	s2 =	sadd.s32 s3, s2  }
0x8d: {  	s2 =	sadd.s32 s2, s17  }
0x8e: {  	[smem:$0x3F99] =	sst s2  }
0x8f: {  	_ = 	snop  }
0x90: {  	(tm) =	ssettm $0x1  }
0x91: {  	s18 =	sld [smem:$0x3FFB];
	_ =	sdelay $0x3  }
0x92: {  	_ =	strace s18  }
0x93: {  	s2 =	sld [smem:$0x3FFC];
	_ =	sdelay $0x3  }
0x94: {  	_ =	strace s2  }
0x95: {  	s2 =	sld [smem:$0x3FFD];
	_ =	sdelay $0x3  }
0x96: {  	_ =	strace s2  }
0x97: {  	_ =	strace $0x8FFFFFFF  }
0x98: {  	s19 =	sld [smem:$0x3FDB];
	_ =	sdelay $0x1  }
0x99: {  	s20 =	simm.s32 $_scs_section_size  }
0x9a: {  	s4 =	simm.s32 $_size__tile_overlayer_lowered;
	s5 =	simm.s32 $_tile_overlayer_lowered  }
0x9b: {  	s6 =	simm.s32 $0x1BFF;
	s21 =	sshll.u32 s5, $0x1;
	s3 =	sadd.s32 s20, s19  }
0x9c: {  	s22 =	simm.s32 $0x0;
	s4 =	sshll.u32 s4, $0x1;
	s5 =	sadd.s32 s21, s3  }
0x9d: {  	[timem:s22], [sflag:s6] =	dma.local [hbm:s5], s4  }
0x9e: {  	_ =	swait.ge [sflag:s6], s4  }
0x9f: {  	s4 =	ssub.s32 $0x0, s4;
	[sflag:s6] =	ssyncset.done $0x0  }
0xa0: {  	[sflag:s6] =	ssyncadd.s32 s4;
	_ =	sdelay $0x1  }
0xa1: {  	s23 =	simm.s32 $0x1B8B  }
0xa2: {  	_ =	swait.ge [sflag:s23], $0x1  }
0xa3: {  	[sflag:s23] =	ssyncset.done $0x0  }
0xa4: {  	[sflag:s23] =	ssyncadd.s32 $0xFFFFFFFF  }
0xa5: {  	s4 =	sld [smem:$0x0]  }
0xa6: {  	s5 =	sand.u32 $0xFFFFFFFE, s1  }
0xa7: {  	p0 =	sne.s32 s1, s5  }
0xa8: {  	s5 =	sshll.u32 @p0 s5, $0xE  }
0xa9: {  	s5 =	sadd.s32 @p0 $0x11B8D, s5;
	s6 =	sshll.u32 @p0 s4, $0x11  }
0xaa: {  	s5 =	sor.u32 @p0 s6, s5  }
0xab: {  	[sflag:s5] =	ssyncadd.remote.s32 @p0 $0x1;
	_ =	sdelay $0x1  }
0xac: {  	s5 =	simm.s32 @p0 $0x1B8D  }
0xad: {  	_ =	swait.eq @p0 [sflag:s5], $0x1  }
0xae: {  	[sflag:s5] =	ssyncadd.s32 @p0 $0xFFFFFFFF  }
0xaf: {  	s6 =	sshll.u32 @!p0 s1, $0xE  }
0xb0: {  	s6 =	sor.u32 @!p0 $0x4000, s6;
	s5 =	simm.s32 @!p0 $0x1B8D  }
0xb1: {  	s4 =	sshll.u32 @!p0 s4, $0x11;
	s6 =	sadd.s32 @!p0 $0x11B8D, s6;
	_ =	swait.eq @!p0 [sflag:s5], $0x1  }
0xb2: {  	s4 =	sor.u32 @!p0 s4, s6;
	[sflag:s5] =	ssyncadd.s32 @!p0 $0xFFFFFFFF  }
0xb3: {  	s25 =	simm.s32 $0x1B8E;
	s24 =	sld [smem:$0x3FFE];
	[sflag:s4] =	ssyncadd.remote.s32 @!p0 $0x1  }
0xb4: {  	s26 =	simm.s32 $execute0_lowered;
	[smem:$0x3FD2] =	sst s25  }
0xb5: {  	s5 =	sshll.u32 s26, $0x1;
	_ =	strace $0x80000049;
	[dreg:$0x1] =	wrdreg $0xFFFFFFFF  }
0xb6: {  	s28 =	simm.s32 $_size_execute0_lowered;
	s3 =	sadd.s32 s3, s5;
	[dreg:$0x0] =	wrdreg $0x0  }
0xb7: {  	s5 =	sshll.u32 s28, $0x1;
	[dreg:$0x2] =	wrdreg s3  }
0xb8: {  	[dreg:$0x3] =	wrdreg s5  }
0xb9: {  	[dreg:$0x4] =	wrdreg $0xC0  }
0xba: {  	_ =	task [dreg:s22], $0x5FFFF  }
0xbb: {  	[dreg:$0x1] =	wrdreg $0xFFFFFFFF  }
0xbc: {  	[dreg:$0x0] =	wrdreg $0x60  }
0xbd: {  	[dreg:$0x2] =	wrdreg s24  }
0xbe: {  	[dreg:$0x3] =	wrdreg $0xA  }
0xbf: {  	_ =	task.clear_ibuf [dreg:s22], $0x4FFFF;
	_ =	strace $0x90000049  }
0xc0: {  	s29 =	simm.s32 $0xA;
	_ =	strace $0x8000004B  }
0xc1: {  	_ =	swait.ge [sflag:s29], $0x1  }
0xc2: {  	[sflag:s29] =	ssyncadd.s32 $0xFFFFFFFF  }
0xc3: {  	_ =	strace $0x9000004B  }
0xc4: {  	_ =	sfence  }
0xc5: {  	s30 =	sld [smem:$0x0];
	_ =	sdelay $0x2  }
0xc6: {  	s31 =	sshll.u32 s1, $0xD;
	s1 =	sshrl.u32 s1, $0x2  }
0xc7: {  	s4 =	sand.u32 $0x4000, s31;
	s1 =	sadd.s32 s1, s30  }
0xc8: {  	s0 =	sor.u32 s4, s0;
	s1 =	sshll.u32 s1, $0x11  }
0xc9: {  	s0 =	sor.u32 s1, s0  }
0xca: {  	s0 =	sadd.s32 $0x8F2B, s0  }
0xcb: {  	[sflag:s0] =	ssyncadd.remote.s32 $0x1  }
0xcc: {  	_ =	sfence.sel $0xFFFF  }
0xcd: {  	[dreg:$0x0] =	wrdreg $0xFFFFFFFF;
	(pc) =	sbr.abs _section_cstart, $3  }
0xce: {  	[dreg:$0x1] =	wrdreg $0xFFFFFFFF  }
0xcf: {  	_ =	task.clear_ibuf [dreg:s22], $0x2FFFF;
	_ =	strace $0x9FFFFFFF  }
0xd0: {  	(tm) =	ssettm $0x7FFFFFFF  }
0xd1: {  	_ =	shalt  }
tec
execute0_lowered:
.L_overlay_start_1:
0x0: {  	(tag) =	ssettag $0x1  }
0x1: {  	s1 =	srdreg.scid  }
0x2: {  	s0 =	stileid.u32;
	s16 =	sand.u32 $0x1, s1  }
0x3: {  	s8 =	rddreg [dreg:$0x0];
	s3 =	sshll.u32 s0, $0xD;
	s4 =	sshll.u32 s16, $0xC  }
0x4: {  	s2 =	simm.s32 $0x0;
	s1 =	rddreg [dreg:$0x1];
	s15 =	sor.u32 s4, s3  }
0x5: {  	[smem:$0x7FF] =	sst s2;
	s17 =	sadd.s32 $0x2E1000, s8;
	s3 =	sshrl.u32 s15, $0x3  }
0x6: {  	_ =	strace $0x8000004A;
	s4 =	sadd.s32 s17, s3;
	s3 =	simm.s32 $0x2  }
0x7: {  	[tilespmem:s2], [sflag:$0x2] =	stream.linear.gather [hbm4b:s4+s2], $0x400, $0x38;
	[tilespmem:$0x8400] =	vst v63  }
0x8: {  	_ =	swait.ge [sflag:s3], $0x400  }
0x9: {  	s6 =	simm.s32 $0x400;
	[sflag:s3] =	ssyncset.done $0x0  }
0xa: {  	s7 =	simm.s32 $0x1;
	s5 =	sadd.s32 $0x2D9000, s8;
	[sflag:s3] =	ssyncadd.s32 $0xFFFFFC00  }
0xb: {  	[tilespmem:s6], [sflag:$0x1] =	stream.indirect.gather [hbm4b:s5+s6], $0x20, s2, s6, $0xb8;
	[tilespmem:$0x8400] =	vst v63  }
0xc: {  	s9 =	simm.s32 $0x20;
	_ =	swait.ge [sflag:s7], $0x8000  }
0xd: {  	s18 =	sadd.s32 $0x2E5000, s8;
	s29 =	sshll.u32 s15, $0x4;
	[sflag:s7] =	ssyncset.done $0x0  }
0xe: {  	s10 =	simm.s32 $0x80;
	s8 =	sadd.s32 s18, s29;
	[sflag:s7] =	ssyncadd.s32 $0xFFFF8000  }
0xf: {  	[hbm4b:s8+s9] =	stream.strided.scatter [tilespmem:s6], [sflag:$0x2], $0x8000, s10, s9, $0x38;
	[tilespmem:$0x8400] =	vst v63  }
0x10: {  	s12 =	sor.u32 $0x400, s15;
	_ =	swait.ge [sflag:s3], $0x8000  }
0x11: {  	s11 =	sshrl.u32 s12, $0x3;
	[sflag:s3] =	ssyncset.done $0x0  }
0x12: {  	s11 =	sadd.s32 s17, s11;
	[sflag:s3] =	ssyncadd.s32 $0xFFFF8000  }
0x13: {  	[tilespmem:s2], [sflag:$0x2] =	stream.linear.gather [hbm4b:s11+s2], $0x400, $0x38;
	[tilespmem:$0x8400] =	vst v63  }
0x14: {  	_ =	swait.ge [sflag:s3], $0x400  }
0x15: {  	[sflag:s3] =	ssyncset.done $0x0  }
0x16: {  	[sflag:s3] =	ssyncadd.s32 $0xFFFFFC00  }
0x17: {  	[tilespmem:s6], [sflag:$0x1] =	stream.indirect.gather [hbm4b:s5+s6], $0x20, s2, s6, $0xb8;
	[tilespmem:$0x8400] =	vst v63  }
0x18: {  	_ =	swait.ge [sflag:s7], $0x8000  }
0x19: {  	s12 =	sshll.u32 s12, $0x4;
	[sflag:s7] =	ssyncset.done $0x0  }
0x1a: {  	s12 =	sadd.s32 s18, s12;
	[sflag:s7] =	ssyncadd.s32 $0xFFFF8000  }
0x1b: {  	[hbm4b:s12+s9] =	stream.strided.scatter [tilespmem:s6], [sflag:$0x2], $0x8000, s10, s9, $0x38;
	[tilespmem:$0x8400] =	vst v63  }
0x1c: {  	s14 =	sor.u32 $0x800, s15;
	_ =	swait.ge [sflag:s3], $0x8000  }
0x1d: {  	s13 =	sshrl.u32 s14, $0x3;
	[sflag:s3] =	ssyncset.done $0x0  }
0x1e: {  	s13 =	sadd.s32 s17, s13;
	[sflag:s3] =	ssyncadd.s32 $0xFFFF8000  }
0x1f: {  	[tilespmem:s2], [sflag:$0x2] =	stream.linear.gather [hbm4b:s13+s2], $0x400, $0x38;
	[tilespmem:$0x8400] =	vst v63  }
0x20: {  	_ =	swait.ge [sflag:s3], $0x400  }
0x21: {  	[sflag:s3] =	ssyncset.done $0x0  }
0x22: {  	[sflag:s3] =	ssyncadd.s32 $0xFFFFFC00  }
0x23: {  	[tilespmem:s6], [sflag:$0x1] =	stream.indirect.gather [hbm4b:s5+s6], $0x20, s2, s6, $0xb8;
	[tilespmem:$0x8400] =	vst v63  }
0x24: {  	_ =	swait.ge [sflag:s7], $0x8000  }
0x25: {  	s14 =	sshll.u32 s14, $0x4;
	[sflag:s7] =	ssyncset.done $0x0  }
0x26: {  	s14 =	sadd.s32 s18, s14;
	[sflag:s7] =	ssyncadd.s32 $0xFFFF8000  }
0x27: {  	[hbm4b:s14+s9] =	stream.strided.scatter [tilespmem:s6], [sflag:$0x2], $0x8000, s10, s9, $0x38;
	[tilespmem:$0x8400] =	vst v63  }
0x28: {  	s19 =	sor.u32 $0xC00, s15;
	_ =	swait.ge [sflag:s3], $0x8000  }
0x29: {  	s15 =	sshrl.u32 s19, $0x3;
	[sflag:s3] =	ssyncset.done $0x0  }
0x2a: {  	s16 =	ssub.s32 $0x2, s16;
	s15 =	sadd.s32 s17, s15;
	[sflag:s3] =	ssyncadd.s32 $0xFFFF8000  }
0x2b: {  	[tilespmem:s2], [sflag:$0x2] =	stream.linear.gather [hbm4b:s15+s2], $0x400, $0x38;
	[tilespmem:$0x8400] =	vst v63  }
0x2c: {  	s30 =	sshrl.u32 s16, $0x1;
	_ =	swait.ge [sflag:s3], $0x400  }
0x2d: {  	s17 =	ssub.s32 s16, s30;
	[sflag:s3] =	ssyncset.done $0x0  }
0x2e: {  	s17 =	smax.u32 s17, $0x1;
	[sflag:s3] =	ssyncadd.s32 $0xFFFFFC00  }
0x2f: {  	[tilespmem:s6], [sflag:$0x1] =	stream.indirect.gather [hbm4b:s5+s6], $0x20, s2, s6, $0xb8;
	[tilespmem:$0x8400] =	vst v63  }
0x30: {  	p0 =	sne.s32 s17, $0x1;
	_ =	swait.ge [sflag:s7], $0x8000  }
.Ltmp0:
0x31: {  	s31 =	sshll.u32 s19, $0x4;
	[sflag:s7] =	ssyncset.done $0x0;
	(pc) =	sbr.rel @!p0 .LBB2_2-.Ltmp0, $4  }
0x32: {  	s16 =	sadd.s32 s18, s31;
	[sflag:s7] =	ssyncadd.s32 $0xFFFF8000  }
0x33: {  	[hbm4b:s16+s9] =	stream.strided.scatter [tilespmem:s6], [sflag:$0x2], $0x8000, s10, s9, $0x38;
	[tilespmem:$0x8400] =	vst v63  }
0x34: {  	_ =	swait.ge [sflag:s3], $0x8000  }
0x35: {  	s17 =	sadd.s32 $0xFFFFFFFF, s17;
	[sflag:s3] =	ssyncset.done $0x0  }
.LBB2_1:
0x36: {  	p0 =	sne.s32 s17, $0x1;
	s17 =	sadd.s32 $0xFFFFFFFF, s17;
	[sflag:s3] =	ssyncadd.s32 $0xFFFF8000  }
0x37: {  	[tilespmem:s2], [sflag:$0x2] =	stream.linear.gather [hbm4b:s4+s2], $0x400, $0x38;
	[tilespmem:$0x8400] =	vst v63  }
0x38: {  	_ =	swait.ge [sflag:s3], $0x400  }
0x39: {  	[sflag:s3] =	ssyncset.done $0x0  }
0x3a: {  	[sflag:s3] =	ssyncadd.s32 $0xFFFFFC00  }
0x3b: {  	[tilespmem:s6], [sflag:$0x1] =	stream.indirect.gather [hbm4b:s5+s6], $0x20, s2, s6, $0xb8;
	[tilespmem:$0x8400] =	vst v63  }
0x3c: {  	_ =	swait.ge [sflag:s7], $0x8000  }
0x3d: {  	[sflag:s7] =	ssyncset.done $0x0  }
0x3e: {  	[sflag:s7] =	ssyncadd.s32 $0xFFFF8000  }
0x3f: {  	[hbm4b:s8+s9] =	stream.strided.scatter [tilespmem:s6], [sflag:$0x2], $0x8000, s10, s9, $0x38;
	[tilespmem:$0x8400] =	vst v63  }
0x40: {  	_ =	swait.ge [sflag:s3], $0x8000  }
0x41: {  	[sflag:s3] =	ssyncset.done $0x0  }
0x42: {  	[sflag:s3] =	ssyncadd.s32 $0xFFFF8000  }
0x43: {  	[tilespmem:s2], [sflag:$0x2] =	stream.linear.gather [hbm4b:s11+s2], $0x400, $0x38;
	[tilespmem:$0x8400] =	vst v63  }
0x44: {  	_ =	swait.ge [sflag:s3], $0x400  }
0x45: {  	[sflag:s3] =	ssyncset.done $0x0  }
0x46: {  	[sflag:s3] =	ssyncadd.s32 $0xFFFFFC00  }
0x47: {  	[tilespmem:s6], [sflag:$0x1] =	stream.indirect.gather [hbm4b:s5+s6], $0x20, s2, s6, $0xb8;
	[tilespmem:$0x8400] =	vst v63  }
0x48: {  	_ =	swait.ge [sflag:s7], $0x8000  }
0x49: {  	[sflag:s7] =	ssyncset.done $0x0  }
0x4a: {  	[sflag:s7] =	ssyncadd.s32 $0xFFFF8000  }
0x4b: {  	[hbm4b:s12+s9] =	stream.strided.scatter [tilespmem:s6], [sflag:$0x2], $0x8000, s10, s9, $0x38;
	[tilespmem:$0x8400] =	vst v63  }
0x4c: {  	_ =	swait.ge [sflag:s3], $0x8000  }
0x4d: {  	[sflag:s3] =	ssyncset.done $0x0  }
0x4e: {  	[sflag:s3] =	ssyncadd.s32 $0xFFFF8000  }
0x4f: {  	[tilespmem:s2], [sflag:$0x2] =	stream.linear.gather [hbm4b:s13+s2], $0x400, $0x38;
	[tilespmem:$0x8400] =	vst v63  }
0x50: {  	_ =	swait.ge [sflag:s3], $0x400  }
0x51: {  	[sflag:s3] =	ssyncset.done $0x0  }
0x52: {  	[sflag:s3] =	ssyncadd.s32 $0xFFFFFC00  }
0x53: {  	[tilespmem:s6], [sflag:$0x1] =	stream.indirect.gather [hbm4b:s5+s6], $0x20, s2, s6, $0xb8;
	[tilespmem:$0x8400] =	vst v63  }
0x54: {  	_ =	swait.ge [sflag:s7], $0x8000  }
0x55: {  	[sflag:s7] =	ssyncset.done $0x0  }
0x56: {  	[sflag:s7] =	ssyncadd.s32 $0xFFFF8000  }
0x57: {  	[hbm4b:s14+s9] =	stream.strided.scatter [tilespmem:s6], [sflag:$0x2], $0x8000, s10, s9, $0x38;
	[tilespmem:$0x8400] =	vst v63  }
0x58: {  	_ =	swait.ge [sflag:s3], $0x8000  }
0x59: {  	[sflag:s3] =	ssyncset.done $0x0  }
0x5a: {  	[sflag:s3] =	ssyncadd.s32 $0xFFFF8000  }
0x5b: {  	[tilespmem:s2], [sflag:$0x2] =	stream.linear.gather [hbm4b:s15+s2], $0x400, $0x38;
	[tilespmem:$0x8400] =	vst v63  }
0x5c: {  	_ =	swait.ge [sflag:s3], $0x400  }
0x5d: {  	[sflag:s3] =	ssyncset.done $0x0  }
0x5e: {  	[sflag:s3] =	ssyncadd.s32 $0xFFFFFC00  }
0x5f: {  	[tilespmem:s6], [sflag:$0x1] =	stream.indirect.gather [hbm4b:s5+s6], $0x20, s2, s6, $0xb8;
	[tilespmem:$0x8400] =	vst v63  }
0x60: {  	_ =	swait.ge [sflag:s7], $0x8000  }
.Ltmp1:
0x61: {  	[sflag:s7] =	ssyncset.done $0x0;
	(pc) =	sbr.rel @p0 .LBB2_1-.Ltmp1, $4  }
0x62: {  	[sflag:s7] =	ssyncadd.s32 $0xFFFF8000  }
0x63: {  	[hbm4b:s16+s9] =	stream.strided.scatter [tilespmem:s6], [sflag:$0x2], $0x8000, s10, s9, $0x38;
	[tilespmem:$0x8400] =	vst v63  }
0x64: {  	_ =	swait.ge [sflag:s3], $0x8000  }
0x65: {  	[sflag:s3] =	ssyncset.done $0x0  }
.LBB2_2:
0x66: {  	[sflag:s3] =	ssyncadd.s32 $0xFFFF8000  }
0x67: {  	_ =	sfence.sel $0x180000  }
0x68: {  	[bflag:$0x0] =	sbarrier.arrive $0xFFFF  }
0x69: {  	p0 =	sne.s32 s0, $0x0;
	_ =	strace $0x9000004A  }
0x6a: {  	s0 =	sadd.s32 @!p0 $0x100000, s1;
	[bflag:$0x2] =	sbarrier.arrive $0xFFFF  }
0x6b: {  	[sflag:s0] =	ssyncadd.tile.s32 @!p0 $0x1;
	_ =	shalt  }
.Lfunc_end2:
_tile_overlayer_lowered:
.L_overlay_start_2:
0x6c: {  	(tag) =	ssettag $0x2  }
0x6d: {  	s0 =	rddreg [dreg:$0x0];
	s2 =	stileid.u32  }
0x6e: {  	s1 =	rddreg [dreg:$0x1];
	p0 =	sne.s32 s2, $0x0  }
0x6f: {  	s3 =	rddreg [dreg:$0x2];
	[bflag:$0x3] =	sbarrier.arrive $0xFFFF;
	s2 =	simm.s32 @!p0 $0x1C02  }
0x70: {  	[timem:s3], [sflag:s2] =	dma.local @!p0 [hbm:s0], s1  }
0x71: {  	s0 =	simm.s32 @!p0 $0x2  }
0x72: {  	_ =	swait.ge @!p0 [sflag:s0], s1  }
0x73: {  	s1 =	ssub.s32 @!p0 $0x0, s1;
	[sflag:s0] =	ssyncset.done @!p0 $0x0  }
0x74: {  	[sflag:s0] =	ssyncadd.s32 @!p0 s1  }
0x75: {  	[bflag:$0x3] =	sbarrier.arrive $0xFFFF  }
0x76: {  	_ =	shalt  }

// kernel: kernel.37.cloned.1.call-start
scs
__scs_entry_jumppad:
0x0: {  	(pc) =	sbr.rel $0x88, $3  }
0x1: {  	(tag) =	ssettag $0x0;
	lr =	simm.s32 $0x1  }
0x2: {  	[smem:$0x3F72] =	sst lr;
	_ =	strace $0xD0000000  }
0x3: {  	_ = 	snop  }
0x4: {  	_ = 	snop  }
0x5: {  	_ = 	snop  }
0x6: {  	_ = 	snop  }
0x7: {  	_ = 	snop  }
__scs_overlays_trampoline_lowered:
0x8: {  	[smem:$0x3F81] =	sst s0  }
0x9: {  	[smem:$0x3F82] =	sst s1  }
0xa: {  	[smem:$0x3F83] =	sst s2  }
0xb: {  	[smem:$0x3F84] =	sst s3  }
0xc: {  	[smem:$0x3F85] =	sst s4  }
0xd: {  	[smem:$0x3F86] =	sst s5  }
0xe: {  	[smem:$0x3F87] =	sst s6  }
0xf: {  	[smem:$0x3F88] =	sst s7  }
0x10: {  	[smem:$0x3F89] =	sst s8  }
0x11: {  	[smem:$0x3F8A] =	sst s9;
	s0 =	simm.s32 @!p0 $0x0  }
0x12: {  	s1 =	sld [smem:$0x3F70];
	s0 =	simm.s32 @p0 $0x1  }
0x13: {  	[smem:$0x3F8B] =	sst s0;
	s0 =	simm.s32 @!p1 $0x0  }
0x14: {  	s2 =	sld [smem:$0x3F6F];
	s0 =	simm.s32 @p1 $0x1  }
0x15: {  	[smem:$0x3F8C] =	sst s0;
	s0 =	simm.s32 @!p2 $0x0  }
0x16: {  	s3 =	sld [smem:$0x3FDB];
	s0 =	simm.s32 @p2 $0x1  }
0x17: {  	s4 =	simm.s32 $0x1BF5;
	[smem:$0x3F8E] =	sst s0  }
0x18: {  	s0 =	sld [smem:$0x3F71];
	_ =	swait.ge [sflag:s4], $0x0  }
0x19: {  	s7 =	sld [smem:$0x3F72]  }
0x1a: {  	s8 =	sadd.s32 $0xFFFFE003, lr  }
0x1b: {  	s9 =	sadd.s32 $0xFFFFFEF7, lr;
	s5 =	simm.s32 $0xFFFFFFFF;
	p2 =	slt.u32 s8, $0xFFFFF086  }
0x1c: {  	p1 =	slt.u32 s9, $0xF7A;
	s5 =	simm.s32 @!p2 $0x0  }
0x1d: {  	s5 =	simm.s32 @p1 $0x1;
	p0 =	seq.s32 s7, s2  }
0x1e: {  	s7 =	smul.u32 @!p0 $0xF7A, s2;
	p2 =	seq.s32 @!p0 s5, $0x0  }
0x1f: {  	s9 =	smul.u32 $0xF7A, s1;
	s8 =	simm.s32 @!p0 $0x1BF5;
	p2 =	por !p2, p0  }
0x20: {  	[sflag:s8] =	ssyncset.s32 @!p0 $0xFFFFF086;
	s6 =	sadd.s32 @!p0 s3, s7;
	s7 =	simm.s32 @!p0 $0x108  }
0x21: {  	s3 =	sadd.s32 s3, s9;
	s6 =	sadd.s32 @!p0 $0x88, s6;
	s7 =	simm.s32 @p2 $0x1082  }
0x22: {  	[simem:s7], [sflag:s8] =	dma.local @!p0 [hbm:s6], $0xF7A  }
0x23: {  	s9 =	sor.u32 $0xD0000000, s2;
	s6 =	simm.s32 $0x108;
	_ =	swait.ge @!p0 [sflag:s8], $0x0  }
0x24: {  	s3 =	sadd.s32 $0x88, s3;
	s6 =	simm.s32 @!p1 $0x1082;
	[sflag:s4] =	ssyncset.s32 $0xFFFFF086  }
0x25: {  	[simem:s6], [sflag:s4] =	dma.local [hbm:s3], $0xF7A  }
0x26: {  	[smem:$0x3F72] =	sst s1;
	(tag) =	ssettag s2;
	_ =	strace s9  }
0x27: {  	s1 =	sld [smem:$0x3F82]  }
0x28: {  	s2 =	sld [smem:$0x3F83]  }
0x29: {  	s4 =	sld [smem:$0x3F85]  }
0x2a: {  	p0 =	seq.s32 s5, $0x0;
	s5 =	sld [smem:$0x3F86]  }
0x2b: {  	s6 =	sld [smem:$0x3F87]  }
0x2c: {  	s7 =	sld [smem:$0x3F88]  }
0x2d: {  	s3 =	simm.s32 $0x108;
	s8 =	sld [smem:$0x3F89]  }
0x2e: {  	s3 =	simm.s32 @!p0 $0x1082;
	s9 =	sld [smem:$0x3F8A]  }
0x2f: {  	lr =	sadd.s32 s0, s3;
	s0 =	sld [smem:$0x3F81]  }
0x30: {  	s3 =	sld [smem:$0x3F84]  }
0x31: {  	[smem:$0x3F8D] =	sst s10  }
0x32: {  	s10 =	sld [smem:$0x3F8B];
	_ =	sdelay $0x3  }
0x33: {  	p0 =	seq.s32 s10, $0x1;
	s10 =	sld [smem:$0x3F8D];
	_ =	sdelay $0x3  }
0x34: {  	[smem:$0x3F8D] =	sst s10  }
0x35: {  	s10 =	sld [smem:$0x3F8C];
	_ =	sdelay $0x3  }
0x36: {  	p1 =	seq.s32 s10, $0x1;
	s10 =	sld [smem:$0x3F8D];
	_ =	sdelay $0x3  }
0x37: {  	[smem:$0x3F8D] =	sst s10  }
0x38: {  	s10 =	sld [smem:$0x3F8E]  }
0x39: {  	_ = 	snop;
	(pc) =	sbr.ind lr, $3  }
0x3a: {  	_ = 	snop  }
0x3b: {  	_ = 	snop  }
0x3c: {  	p2 =	seq.s32 s10, $0x1;
	s10 =	sld [smem:$0x3F8D]  }
0x3d: {  	_ =	shalt  }
0x3e: {  	_ =	shalt  }
0x3f: {  	_ =	shalt  }
0x40: {  	_ =	shalt  }
0x41: {  	_ =	shalt  }
0x42: {  	_ =	shalt  }
0x43: {  	_ =	shalt  }
0x44: {  	_ =	shalt  }
0x45: {  	_ =	shalt  }
0x46: {  	_ =	shalt  }
0x47: {  	_ =	shalt  }
0x48: {  	_ =	shalt  }
0x49: {  	_ =	shalt  }
0x4a: {  	_ =	shalt  }
0x4b: {  	_ =	shalt  }
0x4c: {  	_ =	shalt  }
0x4d: {  	_ =	shalt  }
0x4e: {  	_ =	shalt  }
0x4f: {  	_ =	shalt  }
0x50: {  	_ =	shalt  }
0x51: {  	_ =	shalt  }
0x52: {  	_ =	shalt  }
0x53: {  	_ =	shalt  }
0x54: {  	_ =	shalt  }
0x55: {  	_ =	shalt  }
0x56: {  	_ =	shalt  }
0x57: {  	_ =	shalt  }
0x58: {  	_ =	shalt  }
0x59: {  	_ =	shalt  }
0x5a: {  	_ =	shalt  }
0x5b: {  	_ =	shalt  }
0x5c: {  	_ =	shalt  }
0x5d: {  	_ =	shalt  }
0x5e: {  	_ =	shalt  }
0x5f: {  	_ =	shalt  }
0x60: {  	_ =	shalt  }
0x61: {  	_ =	shalt  }
0x62: {  	_ =	shalt  }
0x63: {  	_ =	shalt  }
0x64: {  	_ =	shalt  }
0x65: {  	_ =	shalt  }
0x66: {  	_ =	shalt  }
0x67: {  	_ =	shalt  }
0x68: {  	_ =	shalt  }
0x69: {  	_ =	shalt  }
0x6a: {  	_ =	shalt  }
0x6b: {  	_ =	shalt  }
0x6c: {  	_ =	shalt  }
0x6d: {  	_ =	shalt  }
0x6e: {  	_ =	shalt  }
0x6f: {  	_ =	shalt  }
0x70: {  	_ =	shalt  }
0x71: {  	_ =	shalt  }
0x72: {  	_ =	shalt  }
0x73: {  	_ =	shalt  }
0x74: {  	_ =	shalt  }
0x75: {  	_ =	shalt  }
0x76: {  	_ =	shalt  }
0x77: {  	_ =	shalt  }
0x78: {  	_ =	shalt  }
0x79: {  	_ =	shalt  }
0x7a: {  	_ =	shalt  }
0x7b: {  	_ =	shalt  }
0x7c: {  	_ =	shalt  }
0x7d: {  	_ =	shalt  }
0x7e: {  	_ =	shalt  }
0x7f: {  	_ =	shalt  }
0x80: {  	_ =	shalt  }
0x81: {  	_ =	shalt  }
0x82: {  	_ =	shalt  }
0x83: {  	_ =	shalt  }
0x84: {  	_ =	shalt  }
0x85: {  	_ =	shalt  }
0x86: {  	_ =	shalt  }
0x87: {  	_ =	shalt  }
.Lfunc_end0:
.L_simem_size_0:
called_computation.5_lowered:
.L_overlay_start_0:
0x88: {  	s2 =	sld [smem:$0x3FD9]  }
0x89: {  	s3 =	sld [smem:$0x3FFE];
	_ =	sdelay $0x1  }
0x8a: {  	s1 =	srdreg.scid  }
0x8b: {  	s0 =	sand.u32 $0x1, s1  }
0x8c: {  	s17 =	sshll.u32 s0, $0xA;
	s2 =	sadd.s32 s3, s2  }
0x8d: {  	s2 =	sadd.s32 s2, s17  }
0x8e: {  	[smem:$0x3F99] =	sst s2  }
0x8f: {  	_ = 	snop  }
0x90: {  	(tm) =	ssettm $0x1  }
0x91: {  	s18 =	sld [smem:$0x3FFB];
	_ =	sdelay $0x3  }
0x92: {  	_ =	strace s18  }
0x93: {  	s2 =	sld [smem:$0x3FFC];
	_ =	sdelay $0x3  }
0x94: {  	_ =	strace s2  }
0x95: {  	s2 =	sld [smem:$0x3FFD];
	_ =	sdelay $0x3  }
0x96: {  	_ =	strace s2  }
0x97: {  	_ =	strace $0x8FFFFFFF  }
0x98: {  	s19 =	sld [smem:$0x3FDB];
	_ =	sdelay $0x1  }
0x99: {  	s20 =	simm.s32 $_scs_section_size  }
0x9a: {  	s4 =	simm.s32 $_size__tile_overlayer_lowered;
	s5 =	simm.s32 $_tile_overlayer_lowered  }
0x9b: {  	s6 =	simm.s32 $0x1BFF;
	s21 =	sshll.u32 s5, $0x1;
	s3 =	sadd.s32 s20, s19  }
0x9c: {  	s22 =	simm.s32 $0x0;
	s4 =	sshll.u32 s4, $0x1;
	s5 =	sadd.s32 s21, s3  }
0x9d: {  	[timem:s22], [sflag:s6] =	dma.local [hbm:s5], s4  }
0x9e: {  	_ =	swait.ge [sflag:s6], s4  }
0x9f: {  	s4 =	ssub.s32 $0x0, s4;
	[sflag:s6] =	ssyncset.done $0x0  }
0xa0: {  	[sflag:s6] =	ssyncadd.s32 s4;
	_ =	sdelay $0x1  }
0xa1: {  	s23 =	simm.s32 $0x1B8B  }
0xa2: {  	_ =	swait.ge [sflag:s23], $0x1  }
0xa3: {  	[sflag:s23] =	ssyncset.done $0x0  }
0xa4: {  	[sflag:s23] =	ssyncadd.s32 $0xFFFFFFFF  }
0xa5: {  	s4 =	sld [smem:$0x0]  }
0xa6: {  	s5 =	sand.u32 $0xFFFFFFFE, s1  }
0xa7: {  	p0 =	sne.s32 s1, s5  }
0xa8: {  	s5 =	sshll.u32 @p0 s5, $0xE  }
0xa9: {  	s5 =	sadd.s32 @p0 $0x11B8D, s5;
	s6 =	sshll.u32 @p0 s4, $0x11  }
0xaa: {  	s5 =	sor.u32 @p0 s6, s5  }
0xab: {  	[sflag:s5] =	ssyncadd.remote.s32 @p0 $0x1;
	_ =	sdelay $0x1  }
0xac: {  	s5 =	simm.s32 @p0 $0x1B8D  }
0xad: {  	_ =	swait.eq @p0 [sflag:s5], $0x1  }
0xae: {  	[sflag:s5] =	ssyncadd.s32 @p0 $0xFFFFFFFF  }
0xaf: {  	s6 =	sshll.u32 @!p0 s1, $0xE  }
0xb0: {  	s6 =	sor.u32 @!p0 $0x4000, s6;
	s5 =	simm.s32 @!p0 $0x1B8D  }
0xb1: {  	s4 =	sshll.u32 @!p0 s4, $0x11;
	s6 =	sadd.s32 @!p0 $0x11B8D, s6;
	_ =	swait.eq @!p0 [sflag:s5], $0x1  }
0xb2: {  	s4 =	sor.u32 @!p0 s4, s6;
	[sflag:s5] =	ssyncadd.s32 @!p0 $0xFFFFFFFF  }
0xb3: {  	s25 =	simm.s32 $0x1B8E;
	s24 =	sld [smem:$0x3FFE];
	[sflag:s4] =	ssyncadd.remote.s32 @!p0 $0x1  }
0xb4: {  	s26 =	simm.s32 $execute0_lowered;
	[smem:$0x3FD2] =	sst s25  }
0xb5: {  	s5 =	sshll.u32 s26, $0x1;
	_ =	strace $0x8000004F;
	[dreg:$0x1] =	wrdreg $0xFFFFFFFF  }
0xb6: {  	s28 =	simm.s32 $_size_execute0_lowered;
	s3 =	sadd.s32 s3, s5;
	[dreg:$0x0] =	wrdreg $0x0  }
0xb7: {  	s5 =	sshll.u32 s28, $0x1;
	[dreg:$0x2] =	wrdreg s3  }
0xb8: {  	[dreg:$0x3] =	wrdreg s5  }
0xb9: {  	[dreg:$0x4] =	wrdreg $0xC0  }
0xba: {  	_ =	task [dreg:s22], $0x5FFFF  }
0xbb: {  	[dreg:$0x1] =	wrdreg $0xFFFFFFFF  }
0xbc: {  	[dreg:$0x0] =	wrdreg $0x60  }
0xbd: {  	[dreg:$0x2] =	wrdreg s24  }
0xbe: {  	[dreg:$0x3] =	wrdreg $0xA  }
0xbf: {  	_ =	task.clear_ibuf [dreg:s22], $0x4FFFF;
	_ =	strace $0x9000004F  }
0xc0: {  	s29 =	simm.s32 $0xA;
	_ =	strace $0x80000051  }
0xc1: {  	_ =	swait.ge [sflag:s29], $0x1  }
0xc2: {  	[sflag:s29] =	ssyncadd.s32 $0xFFFFFFFF  }
0xc3: {  	_ =	strace $0x90000051  }
0xc4: {  	_ =	sfence  }
0xc5: {  	s30 =	sld [smem:$0x0];
	_ =	sdelay $0x2  }
0xc6: {  	s31 =	sshll.u32 s1, $0xD;
	s1 =	sshrl.u32 s1, $0x2  }
0xc7: {  	s4 =	sand.u32 $0x4000, s31;
	s1 =	sadd.s32 s1, s30  }
0xc8: {  	s0 =	sor.u32 s4, s0;
	s1 =	sshll.u32 s1, $0x11  }
0xc9: {  	s0 =	sor.u32 s1, s0  }
0xca: {  	s0 =	sadd.s32 $0x8F2B, s0  }
0xcb: {  	[sflag:s0] =	ssyncadd.remote.s32 $0x1  }
0xcc: {  	_ =	sfence.sel $0xFFFF  }
0xcd: {  	[dreg:$0x0] =	wrdreg $0xFFFFFFFF;
	(pc) =	sbr.abs _section_cstart, $3  }
0xce: {  	[dreg:$0x1] =	wrdreg $0xFFFFFFFF  }
0xcf: {  	_ =	task.clear_ibuf [dreg:s22], $0x2FFFF;
	_ =	strace $0x9FFFFFFF  }
0xd0: {  	(tm) =	ssettm $0x7FFFFFFF  }
0xd1: {  	_ =	shalt  }
tec
execute0_lowered:
.L_overlay_start_1:
0x0: {  	(tag) =	ssettag $0x1  }
0x1: {  	s1 =	srdreg.scid  }
0x2: {  	s0 =	stileid.u32;
	s16 =	sand.u32 $0x1, s1  }
0x3: {  	s8 =	rddreg [dreg:$0x0];
	s3 =	sshll.u32 s0, $0xD;
	s4 =	sshll.u32 s16, $0xC  }
0x4: {  	s2 =	simm.s32 $0x0;
	s1 =	rddreg [dreg:$0x1];
	s15 =	sor.u32 s4, s3  }
0x5: {  	[smem:$0x7FF] =	sst s2;
	s17 =	sadd.s32 $0x2E1000, s8;
	s3 =	sshrl.u32 s15, $0x3  }
0x6: {  	_ =	strace $0x80000050;
	s4 =	sadd.s32 s17, s3;
	s3 =	simm.s32 $0x2  }
0x7: {  	[tilespmem:s2], [sflag:$0x2] =	stream.linear.gather [hbm4b:s4+s2], $0x400, $0x38;
	[tilespmem:$0x8400] =	vst v63  }
0x8: {  	_ =	swait.ge [sflag:s3], $0x400  }
0x9: {  	s6 =	simm.s32 $0x400;
	[sflag:s3] =	ssyncset.done $0x0  }
0xa: {  	s7 =	simm.s32 $0x1;
	s5 =	sadd.s32 $0x2D9000, s8;
	[sflag:s3] =	ssyncadd.s32 $0xFFFFFC00  }
0xb: {  	[tilespmem:s6], [sflag:$0x1] =	stream.indirect.gather [hbm4b:s5+s6], $0x20, s2, s6, $0xb8;
	[tilespmem:$0x8400] =	vst v63  }
0xc: {  	s9 =	simm.s32 $0x20;
	_ =	swait.ge [sflag:s7], $0x8000  }
0xd: {  	s18 =	sadd.s32 $0x81000, s8;
	s29 =	sshll.u32 s15, $0x4;
	[sflag:s7] =	ssyncset.done $0x0  }
0xe: {  	s10 =	simm.s32 $0x80;
	s8 =	sadd.s32 s18, s29;
	[sflag:s7] =	ssyncadd.s32 $0xFFFF8000  }
0xf: {  	[hbm4b:s8+s9] =	stream.strided.scatter [tilespmem:s6], [sflag:$0x2], $0x8000, s10, s9, $0x38;
	[tilespmem:$0x8400] =	vst v63  }
0x10: {  	s12 =	sor.u32 $0x400, s15;
	_ =	swait.ge [sflag:s3], $0x8000  }
0x11: {  	s11 =	sshrl.u32 s12, $0x3;
	[sflag:s3] =	ssyncset.done $0x0  }
0x12: {  	s11 =	sadd.s32 s17, s11;
	[sflag:s3] =	ssyncadd.s32 $0xFFFF8000  }
0x13: {  	[tilespmem:s2], [sflag:$0x2] =	stream.linear.gather [hbm4b:s11+s2], $0x400, $0x38;
	[tilespmem:$0x8400] =	vst v63  }
0x14: {  	_ =	swait.ge [sflag:s3], $0x400  }
0x15: {  	[sflag:s3] =	ssyncset.done $0x0  }
0x16: {  	[sflag:s3] =	ssyncadd.s32 $0xFFFFFC00  }
0x17: {  	[tilespmem:s6], [sflag:$0x1] =	stream.indirect.gather [hbm4b:s5+s6], $0x20, s2, s6, $0xb8;
	[tilespmem:$0x8400] =	vst v63  }
0x18: {  	_ =	swait.ge [sflag:s7], $0x8000  }
0x19: {  	s12 =	sshll.u32 s12, $0x4;
	[sflag:s7] =	ssyncset.done $0x0  }
0x1a: {  	s12 =	sadd.s32 s18, s12;
	[sflag:s7] =	ssyncadd.s32 $0xFFFF8000  }
0x1b: {  	[hbm4b:s12+s9] =	stream.strided.scatter [tilespmem:s6], [sflag:$0x2], $0x8000, s10, s9, $0x38;
	[tilespmem:$0x8400] =	vst v63  }
0x1c: {  	s14 =	sor.u32 $0x800, s15;
	_ =	swait.ge [sflag:s3], $0x8000  }
0x1d: {  	s13 =	sshrl.u32 s14, $0x3;
	[sflag:s3] =	ssyncset.done $0x0  }
0x1e: {  	s13 =	sadd.s32 s17, s13;
	[sflag:s3] =	ssyncadd.s32 $0xFFFF8000  }
0x1f: {  	[tilespmem:s2], [sflag:$0x2] =	stream.linear.gather [hbm4b:s13+s2], $0x400, $0x38;
	[tilespmem:$0x8400] =	vst v63  }
0x20: {  	_ =	swait.ge [sflag:s3], $0x400  }
0x21: {  	[sflag:s3] =	ssyncset.done $0x0  }
0x22: {  	[sflag:s3] =	ssyncadd.s32 $0xFFFFFC00  }
0x23: {  	[tilespmem:s6], [sflag:$0x1] =	stream.indirect.gather [hbm4b:s5+s6], $0x20, s2, s6, $0xb8;
	[tilespmem:$0x8400] =	vst v63  }
0x24: {  	_ =	swait.ge [sflag:s7], $0x8000  }
0x25: {  	s14 =	sshll.u32 s14, $0x4;
	[sflag:s7] =	ssyncset.done $0x0  }
0x26: {  	s14 =	sadd.s32 s18, s14;
	[sflag:s7] =	ssyncadd.s32 $0xFFFF8000  }
0x27: {  	[hbm4b:s14+s9] =	stream.strided.scatter [tilespmem:s6], [sflag:$0x2], $0x8000, s10, s9, $0x38;
	[tilespmem:$0x8400] =	vst v63  }
0x28: {  	s19 =	sor.u32 $0xC00, s15;
	_ =	swait.ge [sflag:s3], $0x8000  }
0x29: {  	s15 =	sshrl.u32 s19, $0x3;
	[sflag:s3] =	ssyncset.done $0x0  }
0x2a: {  	s16 =	ssub.s32 $0x2, s16;
	s15 =	sadd.s32 s17, s15;
	[sflag:s3] =	ssyncadd.s32 $0xFFFF8000  }
0x2b: {  	[tilespmem:s2], [sflag:$0x2] =	stream.linear.gather [hbm4b:s15+s2], $0x400, $0x38;
	[tilespmem:$0x8400] =	vst v63  }
0x2c: {  	s30 =	sshrl.u32 s16, $0x1;
	_ =	swait.ge [sflag:s3], $0x400  }
0x2d: {  	s17 =	ssub.s32 s16, s30;
	[sflag:s3] =	ssyncset.done $0x0  }
0x2e: {  	s17 =	smax.u32 s17, $0x1;
	[sflag:s3] =	ssyncadd.s32 $0xFFFFFC00  }
0x2f: {  	[tilespmem:s6], [sflag:$0x1] =	stream.indirect.gather [hbm4b:s5+s6], $0x20, s2, s6, $0xb8;
	[tilespmem:$0x8400] =	vst v63  }
0x30: {  	p0 =	sne.s32 s17, $0x1;
	_ =	swait.ge [sflag:s7], $0x8000  }
.Ltmp0:
0x31: {  	s31 =	sshll.u32 s19, $0x4;
	[sflag:s7] =	ssyncset.done $0x0;
	(pc) =	sbr.rel @!p0 .LBB2_2-.Ltmp0, $4  }
0x32: {  	s16 =	sadd.s32 s18, s31;
	[sflag:s7] =	ssyncadd.s32 $0xFFFF8000  }
0x33: {  	[hbm4b:s16+s9] =	stream.strided.scatter [tilespmem:s6], [sflag:$0x2], $0x8000, s10, s9, $0x38;
	[tilespmem:$0x8400] =	vst v63  }
0x34: {  	_ =	swait.ge [sflag:s3], $0x8000  }
0x35: {  	s17 =	sadd.s32 $0xFFFFFFFF, s17;
	[sflag:s3] =	ssyncset.done $0x0  }
.LBB2_1:
0x36: {  	p0 =	sne.s32 s17, $0x1;
	s17 =	sadd.s32 $0xFFFFFFFF, s17;
	[sflag:s3] =	ssyncadd.s32 $0xFFFF8000  }
0x37: {  	[tilespmem:s2], [sflag:$0x2] =	stream.linear.gather [hbm4b:s4+s2], $0x400, $0x38;
	[tilespmem:$0x8400] =	vst v63  }
0x38: {  	_ =	swait.ge [sflag:s3], $0x400  }
0x39: {  	[sflag:s3] =	ssyncset.done $0x0  }
0x3a: {  	[sflag:s3] =	ssyncadd.s32 $0xFFFFFC00  }
0x3b: {  	[tilespmem:s6], [sflag:$0x1] =	stream.indirect.gather [hbm4b:s5+s6], $0x20, s2, s6, $0xb8;
	[tilespmem:$0x8400] =	vst v63  }
0x3c: {  	_ =	swait.ge [sflag:s7], $0x8000  }
0x3d: {  	[sflag:s7] =	ssyncset.done $0x0  }
0x3e: {  	[sflag:s7] =	ssyncadd.s32 $0xFFFF8000  }
0x3f: {  	[hbm4b:s8+s9] =	stream.strided.scatter [tilespmem:s6], [sflag:$0x2], $0x8000, s10, s9, $0x38;
	[tilespmem:$0x8400] =	vst v63  }
0x40: {  	_ =	swait.ge [sflag:s3], $0x8000  }
0x41: {  	[sflag:s3] =	ssyncset.done $0x0  }
0x42: {  	[sflag:s3] =	ssyncadd.s32 $0xFFFF8000  }
0x43: {  	[tilespmem:s2], [sflag:$0x2] =	stream.linear.gather [hbm4b:s11+s2], $0x400, $0x38;
	[tilespmem:$0x8400] =	vst v63  }
0x44: {  	_ =	swait.ge [sflag:s3], $0x400  }
0x45: {  	[sflag:s3] =	ssyncset.done $0x0  }
0x46: {  	[sflag:s3] =	ssyncadd.s32 $0xFFFFFC00  }
0x47: {  	[tilespmem:s6], [sflag:$0x1] =	stream.indirect.gather [hbm4b:s5+s6], $0x20, s2, s6, $0xb8;
	[tilespmem:$0x8400] =	vst v63  }
0x48: {  	_ =	swait.ge [sflag:s7], $0x8000  }
0x49: {  	[sflag:s7] =	ssyncset.done $0x0  }
0x4a: {  	[sflag:s7] =	ssyncadd.s32 $0xFFFF8000  }
0x4b: {  	[hbm4b:s12+s9] =	stream.strided.scatter [tilespmem:s6], [sflag:$0x2], $0x8000, s10, s9, $0x38;
	[tilespmem:$0x8400] =	vst v63  }
0x4c: {  	_ =	swait.ge [sflag:s3], $0x8000  }
0x4d: {  	[sflag:s3] =	ssyncset.done $0x0  }
0x4e: {  	[sflag:s3] =	ssyncadd.s32 $0xFFFF8000  }
0x4f: {  	[tilespmem:s2], [sflag:$0x2] =	stream.linear.gather [hbm4b:s13+s2], $0x400, $0x38;
	[tilespmem:$0x8400] =	vst v63  }
0x50: {  	_ =	swait.ge [sflag:s3], $0x400  }
0x51: {  	[sflag:s3] =	ssyncset.done $0x0  }
0x52: {  	[sflag:s3] =	ssyncadd.s32 $0xFFFFFC00  }
0x53: {  	[tilespmem:s6], [sflag:$0x1] =	stream.indirect.gather [hbm4b:s5+s6], $0x20, s2, s6, $0xb8;
	[tilespmem:$0x8400] =	vst v63  }
0x54: {  	_ =	swait.ge [sflag:s7], $0x8000  }
0x55: {  	[sflag:s7] =	ssyncset.done $0x0  }
0x56: {  	[sflag:s7] =	ssyncadd.s32 $0xFFFF8000  }
0x57: {  	[hbm4b:s14+s9] =	stream.strided.scatter [tilespmem:s6], [sflag:$0x2], $0x8000, s10, s9, $0x38;
	[tilespmem:$0x8400] =	vst v63  }
0x58: {  	_ =	swait.ge [sflag:s3], $0x8000  }
0x59: {  	[sflag:s3] =	ssyncset.done $0x0  }
0x5a: {  	[sflag:s3] =	ssyncadd.s32 $0xFFFF8000  }
0x5b: {  	[tilespmem:s2], [sflag:$0x2] =	stream.linear.gather [hbm4b:s15+s2], $0x400, $0x38;
	[tilespmem:$0x8400] =	vst v63  }
0x5c: {  	_ =	swait.ge [sflag:s3], $0x400  }
0x5d: {  	[sflag:s3] =	ssyncset.done $0x0  }
0x5e: {  	[sflag:s3] =	ssyncadd.s32 $0xFFFFFC00  }
0x5f: {  	[tilespmem:s6], [sflag:$0x1] =	stream.indirect.gather [hbm4b:s5+s6], $0x20, s2, s6, $0xb8;
	[tilespmem:$0x8400] =	vst v63  }
0x60: {  	_ =	swait.ge [sflag:s7], $0x8000  }
.Ltmp1:
0x61: {  	[sflag:s7] =	ssyncset.done $0x0;
	(pc) =	sbr.rel @p0 .LBB2_1-.Ltmp1, $4  }
0x62: {  	[sflag:s7] =	ssyncadd.s32 $0xFFFF8000  }
0x63: {  	[hbm4b:s16+s9] =	stream.strided.scatter [tilespmem:s6], [sflag:$0x2], $0x8000, s10, s9, $0x38;
	[tilespmem:$0x8400] =	vst v63  }
0x64: {  	_ =	swait.ge [sflag:s3], $0x8000  }
0x65: {  	[sflag:s3] =	ssyncset.done $0x0  }
.LBB2_2:
0x66: {  	[sflag:s3] =	ssyncadd.s32 $0xFFFF8000  }
0x67: {  	_ =	sfence.sel $0x180000  }
0x68: {  	[bflag:$0x0] =	sbarrier.arrive $0xFFFF  }
0x69: {  	p0 =	sne.s32 s0, $0x0;
	_ =	strace $0x90000050  }
0x6a: {  	s0 =	sadd.s32 @!p0 $0x100000, s1;
	[bflag:$0x2] =	sbarrier.arrive $0xFFFF  }
0x6b: {  	[sflag:s0] =	ssyncadd.tile.s32 @!p0 $0x1;
	_ =	shalt  }
.Lfunc_end2:
_tile_overlayer_lowered:
.L_overlay_start_2:
0x6c: {  	(tag) =	ssettag $0x2  }
0x6d: {  	s0 =	rddreg [dreg:$0x0];
	s2 =	stileid.u32  }
0x6e: {  	s1 =	rddreg [dreg:$0x1];
	p0 =	sne.s32 s2, $0x0  }
0x6f: {  	s3 =	rddreg [dreg:$0x2];
	[bflag:$0x3] =	sbarrier.arrive $0xFFFF;
	s2 =	simm.s32 @!p0 $0x1C02  }
0x70: {  	[timem:s3], [sflag:s2] =	dma.local @!p0 [hbm:s0], s1  }
0x71: {  	s0 =	simm.s32 @!p0 $0x2  }
0x72: {  	_ =	swait.ge @!p0 [sflag:s0], s1  }
0x73: {  	s1 =	ssub.s32 @!p0 $0x0, s1;
	[sflag:s0] =	ssyncset.done @!p0 $0x0  }
0x74: {  	[sflag:s0] =	ssyncadd.s32 @!p0 s1  }
0x75: {  	[bflag:$0x3] =	sbarrier.arrive $0xFFFF  }
0x76: {  	_ =	shalt  }

// kernel: kernel.40.cloned.1.call-start
scs
__scs_entry_jumppad:
0x0: {  	(pc) =	sbr.rel $0x88, $3  }
0x1: {  	(tag) =	ssettag $0x0;
	lr =	simm.s32 $0x1  }
0x2: {  	[smem:$0x3F72] =	sst lr;
	_ =	strace $0xD0000000  }
0x3: {  	_ = 	snop  }
0x4: {  	_ = 	snop  }
0x5: {  	_ = 	snop  }
0x6: {  	_ = 	snop  }
0x7: {  	_ = 	snop  }
__scs_overlays_trampoline_lowered:
0x8: {  	[smem:$0x3F81] =	sst s0  }
0x9: {  	[smem:$0x3F82] =	sst s1  }
0xa: {  	[smem:$0x3F83] =	sst s2  }
0xb: {  	[smem:$0x3F84] =	sst s3  }
0xc: {  	[smem:$0x3F85] =	sst s4  }
0xd: {  	[smem:$0x3F86] =	sst s5  }
0xe: {  	[smem:$0x3F87] =	sst s6  }
0xf: {  	[smem:$0x3F88] =	sst s7  }
0x10: {  	[smem:$0x3F89] =	sst s8  }
0x11: {  	[smem:$0x3F8A] =	sst s9;
	s0 =	simm.s32 @!p0 $0x0  }
0x12: {  	s1 =	sld [smem:$0x3F70];
	s0 =	simm.s32 @p0 $0x1  }
0x13: {  	[smem:$0x3F8B] =	sst s0;
	s0 =	simm.s32 @!p1 $0x0  }
0x14: {  	s2 =	sld [smem:$0x3F6F];
	s0 =	simm.s32 @p1 $0x1  }
0x15: {  	[smem:$0x3F8C] =	sst s0;
	s0 =	simm.s32 @!p2 $0x0  }
0x16: {  	s3 =	sld [smem:$0x3FDB];
	s0 =	simm.s32 @p2 $0x1  }
0x17: {  	s4 =	simm.s32 $0x1BF5;
	[smem:$0x3F8E] =	sst s0  }
0x18: {  	s0 =	sld [smem:$0x3F71];
	_ =	swait.ge [sflag:s4], $0x0  }
0x19: {  	s7 =	sld [smem:$0x3F72]  }
0x1a: {  	s8 =	sadd.s32 $0xFFFFE003, lr  }
0x1b: {  	s9 =	sadd.s32 $0xFFFFFEF7, lr;
	s5 =	simm.s32 $0xFFFFFFFF;
	p2 =	slt.u32 s8, $0xFFFFF086  }
0x1c: {  	p1 =	slt.u32 s9, $0xF7A;
	s5 =	simm.s32 @!p2 $0x0  }
0x1d: {  	s5 =	simm.s32 @p1 $0x1;
	p0 =	seq.s32 s7, s2  }
0x1e: {  	s7 =	smul.u32 @!p0 $0xF7A, s2;
	p2 =	seq.s32 @!p0 s5, $0x0  }
0x1f: {  	s9 =	smul.u32 $0xF7A, s1;
	s8 =	simm.s32 @!p0 $0x1BF5;
	p2 =	por !p2, p0  }
0x20: {  	[sflag:s8] =	ssyncset.s32 @!p0 $0xFFFFF086;
	s6 =	sadd.s32 @!p0 s3, s7;
	s7 =	simm.s32 @!p0 $0x108  }
0x21: {  	s3 =	sadd.s32 s3, s9;
	s6 =	sadd.s32 @!p0 $0x88, s6;
	s7 =	simm.s32 @p2 $0x1082  }
0x22: {  	[simem:s7], [sflag:s8] =	dma.local @!p0 [hbm:s6], $0xF7A  }
0x23: {  	s9 =	sor.u32 $0xD0000000, s2;
	s6 =	simm.s32 $0x108;
	_ =	swait.ge @!p0 [sflag:s8], $0x0  }
0x24: {  	s3 =	sadd.s32 $0x88, s3;
	s6 =	simm.s32 @!p1 $0x1082;
	[sflag:s4] =	ssyncset.s32 $0xFFFFF086  }
0x25: {  	[simem:s6], [sflag:s4] =	dma.local [hbm:s3], $0xF7A  }
0x26: {  	[smem:$0x3F72] =	sst s1;
	(tag) =	ssettag s2;
	_ =	strace s9  }
0x27: {  	s1 =	sld [smem:$0x3F82]  }
0x28: {  	s2 =	sld [smem:$0x3F83]  }
0x29: {  	s4 =	sld [smem:$0x3F85]  }
0x2a: {  	p0 =	seq.s32 s5, $0x0;
	s5 =	sld [smem:$0x3F86]  }
0x2b: {  	s6 =	sld [smem:$0x3F87]  }
0x2c: {  	s7 =	sld [smem:$0x3F88]  }
0x2d: {  	s3 =	simm.s32 $0x108;
	s8 =	sld [smem:$0x3F89]  }
0x2e: {  	s3 =	simm.s32 @!p0 $0x1082;
	s9 =	sld [smem:$0x3F8A]  }
0x2f: {  	lr =	sadd.s32 s0, s3;
	s0 =	sld [smem:$0x3F81]  }
0x30: {  	s3 =	sld [smem:$0x3F84]  }
0x31: {  	[smem:$0x3F8D] =	sst s10  }
0x32: {  	s10 =	sld [smem:$0x3F8B];
	_ =	sdelay $0x3  }
0x33: {  	p0 =	seq.s32 s10, $0x1;
	s10 =	sld [smem:$0x3F8D];
	_ =	sdelay $0x3  }
0x34: {  	[smem:$0x3F8D] =	sst s10  }
0x35: {  	s10 =	sld [smem:$0x3F8C];
	_ =	sdelay $0x3  }
0x36: {  	p1 =	seq.s32 s10, $0x1;
	s10 =	sld [smem:$0x3F8D];
	_ =	sdelay $0x3  }
0x37: {  	[smem:$0x3F8D] =	sst s10  }
0x38: {  	s10 =	sld [smem:$0x3F8E]  }
0x39: {  	_ = 	snop;
	(pc) =	sbr.ind lr, $3  }
0x3a: {  	_ = 	snop  }
0x3b: {  	_ = 	snop  }
0x3c: {  	p2 =	seq.s32 s10, $0x1;
	s10 =	sld [smem:$0x3F8D]  }
0x3d: {  	_ =	shalt  }
0x3e: {  	_ =	shalt  }
0x3f: {  	_ =	shalt  }
0x40: {  	_ =	shalt  }
0x41: {  	_ =	shalt  }
0x42: {  	_ =	shalt  }
0x43: {  	_ =	shalt  }
0x44: {  	_ =	shalt  }
0x45: {  	_ =	shalt  }
0x46: {  	_ =	shalt  }
0x47: {  	_ =	shalt  }
0x48: {  	_ =	shalt  }
0x49: {  	_ =	shalt  }
0x4a: {  	_ =	shalt  }
0x4b: {  	_ =	shalt  }
0x4c: {  	_ =	shalt  }
0x4d: {  	_ =	shalt  }
0x4e: {  	_ =	shalt  }
0x4f: {  	_ =	shalt  }
0x50: {  	_ =	shalt  }
0x51: {  	_ =	shalt  }
0x52: {  	_ =	shalt  }
0x53: {  	_ =	shalt  }
0x54: {  	_ =	shalt  }
0x55: {  	_ =	shalt  }
0x56: {  	_ =	shalt  }
0x57: {  	_ =	shalt  }
0x58: {  	_ =	shalt  }
0x59: {  	_ =	shalt  }
0x5a: {  	_ =	shalt  }
0x5b: {  	_ =	shalt  }
0x5c: {  	_ =	shalt  }
0x5d: {  	_ =	shalt  }
0x5e: {  	_ =	shalt  }
0x5f: {  	_ =	shalt  }
0x60: {  	_ =	shalt  }
0x61: {  	_ =	shalt  }
0x62: {  	_ =	shalt  }
0x63: {  	_ =	shalt  }
0x64: {  	_ =	shalt  }
0x65: {  	_ =	shalt  }
0x66: {  	_ =	shalt  }
0x67: {  	_ =	shalt  }
0x68: {  	_ =	shalt  }
0x69: {  	_ =	shalt  }
0x6a: {  	_ =	shalt  }
0x6b: {  	_ =	shalt  }
0x6c: {  	_ =	shalt  }
0x6d: {  	_ =	shalt  }
0x6e: {  	_ =	shalt  }
0x6f: {  	_ =	shalt  }
0x70: {  	_ =	shalt  }
0x71: {  	_ =	shalt  }
0x72: {  	_ =	shalt  }
0x73: {  	_ =	shalt  }
0x74: {  	_ =	shalt  }
0x75: {  	_ =	shalt  }
0x76: {  	_ =	shalt  }
0x77: {  	_ =	shalt  }
0x78: {  	_ =	shalt  }
0x79: {  	_ =	shalt  }
0x7a: {  	_ =	shalt  }
0x7b: {  	_ =	shalt  }
0x7c: {  	_ =	shalt  }
0x7d: {  	_ =	shalt  }
0x7e: {  	_ =	shalt  }
0x7f: {  	_ =	shalt  }
0x80: {  	_ =	shalt  }
0x81: {  	_ =	shalt  }
0x82: {  	_ =	shalt  }
0x83: {  	_ =	shalt  }
0x84: {  	_ =	shalt  }
0x85: {  	_ =	shalt  }
0x86: {  	_ =	shalt  }
0x87: {  	_ =	shalt  }
.Lfunc_end0:
.L_simem_size_0:
called_computation.6_lowered:
.L_overlay_start_0:
0x88: {  	s2 =	sld [smem:$0x3FD9]  }
0x89: {  	s3 =	sld [smem:$0x3FFE];
	_ =	sdelay $0x1  }
0x8a: {  	s1 =	srdreg.scid  }
0x8b: {  	s0 =	sand.u32 $0x1, s1  }
0x8c: {  	s17 =	sshll.u32 s0, $0xA;
	s2 =	sadd.s32 s3, s2  }
0x8d: {  	s2 =	sadd.s32 s2, s17  }
0x8e: {  	[smem:$0x3F99] =	sst s2  }
0x8f: {  	_ = 	snop  }
0x90: {  	(tm) =	ssettm $0x1  }
0x91: {  	s18 =	sld [smem:$0x3FFB];
	_ =	sdelay $0x3  }
0x92: {  	_ =	strace s18  }
0x93: {  	s2 =	sld [smem:$0x3FFC];
	_ =	sdelay $0x3  }
0x94: {  	_ =	strace s2  }
0x95: {  	s2 =	sld [smem:$0x3FFD];
	_ =	sdelay $0x3  }
0x96: {  	_ =	strace s2  }
0x97: {  	_ =	strace $0x8FFFFFFF  }
0x98: {  	s19 =	sld [smem:$0x3FDB];
	_ =	sdelay $0x1  }
0x99: {  	s20 =	simm.s32 $_scs_section_size  }
0x9a: {  	s4 =	simm.s32 $_size__tile_overlayer_lowered;
	s5 =	simm.s32 $_tile_overlayer_lowered  }
0x9b: {  	s6 =	simm.s32 $0x1BFF;
	s21 =	sshll.u32 s5, $0x1;
	s3 =	sadd.s32 s20, s19  }
0x9c: {  	s22 =	simm.s32 $0x0;
	s4 =	sshll.u32 s4, $0x1;
	s5 =	sadd.s32 s21, s3  }
0x9d: {  	[timem:s22], [sflag:s6] =	dma.local [hbm:s5], s4  }
0x9e: {  	_ =	swait.ge [sflag:s6], s4  }
0x9f: {  	s4 =	ssub.s32 $0x0, s4;
	[sflag:s6] =	ssyncset.done $0x0  }
0xa0: {  	[sflag:s6] =	ssyncadd.s32 s4;
	_ =	sdelay $0x1  }
0xa1: {  	s23 =	simm.s32 $0x1B8B  }
0xa2: {  	_ =	swait.ge [sflag:s23], $0x1  }
0xa3: {  	[sflag:s23] =	ssyncset.done $0x0  }
0xa4: {  	[sflag:s23] =	ssyncadd.s32 $0xFFFFFFFF  }
0xa5: {  	s4 =	sld [smem:$0x0]  }
0xa6: {  	s5 =	sand.u32 $0xFFFFFFFE, s1  }
0xa7: {  	p0 =	sne.s32 s1, s5  }
0xa8: {  	s5 =	sshll.u32 @p0 s5, $0xE  }
0xa9: {  	s5 =	sadd.s32 @p0 $0x11B8D, s5;
	s6 =	sshll.u32 @p0 s4, $0x11  }
0xaa: {  	s5 =	sor.u32 @p0 s6, s5  }
0xab: {  	[sflag:s5] =	ssyncadd.remote.s32 @p0 $0x1;
	_ =	sdelay $0x1  }
0xac: {  	s5 =	simm.s32 @p0 $0x1B8D  }
0xad: {  	_ =	swait.eq @p0 [sflag:s5], $0x1  }
0xae: {  	[sflag:s5] =	ssyncadd.s32 @p0 $0xFFFFFFFF  }
0xaf: {  	s6 =	sshll.u32 @!p0 s1, $0xE  }
0xb0: {  	s6 =	sor.u32 @!p0 $0x4000, s6;
	s5 =	simm.s32 @!p0 $0x1B8D  }
0xb1: {  	s4 =	sshll.u32 @!p0 s4, $0x11;
	s6 =	sadd.s32 @!p0 $0x11B8D, s6;
	_ =	swait.eq @!p0 [sflag:s5], $0x1  }
0xb2: {  	s4 =	sor.u32 @!p0 s4, s6;
	[sflag:s5] =	ssyncadd.s32 @!p0 $0xFFFFFFFF  }
0xb3: {  	s25 =	simm.s32 $0x1B8E;
	s24 =	sld [smem:$0x3FFE];
	[sflag:s4] =	ssyncadd.remote.s32 @!p0 $0x1  }
0xb4: {  	s26 =	simm.s32 $execute0_lowered;
	[smem:$0x3FD2] =	sst s25  }
0xb5: {  	s5 =	sshll.u32 s26, $0x1;
	_ =	strace $0x80000055;
	[dreg:$0x1] =	wrdreg $0xFFFFFFFF  }
0xb6: {  	s28 =	simm.s32 $_size_execute0_lowered;
	s3 =	sadd.s32 s3, s5;
	[dreg:$0x0] =	wrdreg $0x0  }
0xb7: {  	s5 =	sshll.u32 s28, $0x1;
	[dreg:$0x2] =	wrdreg s3  }
0xb8: {  	[dreg:$0x3] =	wrdreg s5  }
0xb9: {  	[dreg:$0x4] =	wrdreg $0xC0  }
0xba: {  	_ =	task [dreg:s22], $0x5FFFF  }
0xbb: {  	[dreg:$0x1] =	wrdreg $0xFFFFFFFF  }
0xbc: {  	[dreg:$0x0] =	wrdreg $0x60  }
0xbd: {  	[dreg:$0x2] =	wrdreg s24  }
0xbe: {  	[dreg:$0x3] =	wrdreg $0xA  }
0xbf: {  	_ =	task.clear_ibuf [dreg:s22], $0x4FFFF;
	_ =	strace $0x90000055  }
0xc0: {  	s29 =	simm.s32 $0xA;
	_ =	strace $0x80000057  }
0xc1: {  	_ =	swait.ge [sflag:s29], $0x1  }
0xc2: {  	[sflag:s29] =	ssyncadd.s32 $0xFFFFFFFF  }
0xc3: {  	_ =	strace $0x90000057  }
0xc4: {  	_ =	sfence  }
0xc5: {  	s30 =	sld [smem:$0x0];
	_ =	sdelay $0x2  }
0xc6: {  	s31 =	sshll.u32 s1, $0xD;
	s1 =	sshrl.u32 s1, $0x2  }
0xc7: {  	s4 =	sand.u32 $0x4000, s31;
	s1 =	sadd.s32 s1, s30  }
0xc8: {  	s0 =	sor.u32 s4, s0;
	s1 =	sshll.u32 s1, $0x11  }
0xc9: {  	s0 =	sor.u32 s1, s0  }
0xca: {  	s0 =	sadd.s32 $0x8F2B, s0  }
0xcb: {  	[sflag:s0] =	ssyncadd.remote.s32 $0x1  }
0xcc: {  	_ =	sfence.sel $0xFFFF  }
0xcd: {  	[dreg:$0x0] =	wrdreg $0xFFFFFFFF;
	(pc) =	sbr.abs _section_cstart, $3  }
0xce: {  	[dreg:$0x1] =	wrdreg $0xFFFFFFFF  }
0xcf: {  	_ =	task.clear_ibuf [dreg:s22], $0x2FFFF;
	_ =	strace $0x9FFFFFFF  }
0xd0: {  	(tm) =	ssettm $0x7FFFFFFF  }
0xd1: {  	_ =	shalt  }
tec
execute0_lowered:
.L_overlay_start_1:
0x0: {  	(tag) =	ssettag $0x1  }
0x1: {  	s1 =	srdreg.scid  }
0x2: {  	s0 =	stileid.u32;
	s16 =	sand.u32 $0x1, s1  }
0x3: {  	s8 =	rddreg [dreg:$0x0];
	s3 =	sshll.u32 s0, $0xD;
	s4 =	sshll.u32 s16, $0xC  }
0x4: {  	s2 =	simm.s32 $0x0;
	s1 =	rddreg [dreg:$0x1];
	s15 =	sor.u32 s4, s3  }
0x5: {  	[smem:$0x7FF] =	sst s2;
	s17 =	sadd.s32 $0x2E1000, s8;
	s3 =	sshrl.u32 s15, $0x3  }
0x6: {  	_ =	strace $0x80000056;
	s4 =	sadd.s32 s17, s3;
	s3 =	simm.s32 $0x2  }
0x7: {  	[tilespmem:s2], [sflag:$0x2] =	stream.linear.gather [hbm4b:s4+s2], $0x400, $0x38;
	[tilespmem:$0xC400] =	vst v63  }
0x8: {  	_ =	swait.ge [sflag:s3], $0x400  }
0x9: {  	s6 =	simm.s32 $0x400;
	[sflag:s3] =	ssyncset.done $0x0  }
0xa: {  	s7 =	simm.s32 $0x1;
	s5 =	sadd.s32 $0x28D000, s8;
	[sflag:s3] =	ssyncadd.s32 $0xFFFFFC00  }
0xb: {  	[tilespmem:s6], [sflag:$0x1] =	stream.indirect.gather [hbm4b:s5+s6], $0x30, s2, s6, $0xb8;
	[tilespmem:$0xC400] =	vst v63  }
0xc: {  	s9 =	simm.s32 $0x30;
	_ =	swait.ge [sflag:s7], $0xC000  }
0xd: {  	s18 =	sadd.s32 $0x79000, s8;
	s29 =	sshll.u32 s15, $0x4;
	[sflag:s7] =	ssyncset.done $0x0  }
0xe: {  	s10 =	simm.s32 $0x80;
	s8 =	sadd.s32 s18, s29;
	[sflag:s7] =	ssyncadd.s32 $0xFFFF4000  }
0xf: {  	[hbm4b:s8+s9] =	stream.strided.scatter [tilespmem:s6], [sflag:$0x2], $0xC000, s10, s9, $0x38;
	[tilespmem:$0xC400] =	vst v63  }
0x10: {  	s12 =	sor.u32 $0x400, s15;
	_ =	swait.ge [sflag:s3], $0xC000  }
0x11: {  	s11 =	sshrl.u32 s12, $0x3;
	[sflag:s3] =	ssyncset.done $0x0  }
0x12: {  	s11 =	sadd.s32 s17, s11;
	[sflag:s3] =	ssyncadd.s32 $0xFFFF4000  }
0x13: {  	[tilespmem:s2], [sflag:$0x2] =	stream.linear.gather [hbm4b:s11+s2], $0x400, $0x38;
	[tilespmem:$0xC400] =	vst v63  }
0x14: {  	_ =	swait.ge [sflag:s3], $0x400  }
0x15: {  	[sflag:s3] =	ssyncset.done $0x0  }
0x16: {  	[sflag:s3] =	ssyncadd.s32 $0xFFFFFC00  }
0x17: {  	[tilespmem:s6], [sflag:$0x1] =	stream.indirect.gather [hbm4b:s5+s6], $0x30, s2, s6, $0xb8;
	[tilespmem:$0xC400] =	vst v63  }
0x18: {  	_ =	swait.ge [sflag:s7], $0xC000  }
0x19: {  	s12 =	sshll.u32 s12, $0x4;
	[sflag:s7] =	ssyncset.done $0x0  }
0x1a: {  	s12 =	sadd.s32 s18, s12;
	[sflag:s7] =	ssyncadd.s32 $0xFFFF4000  }
0x1b: {  	[hbm4b:s12+s9] =	stream.strided.scatter [tilespmem:s6], [sflag:$0x2], $0xC000, s10, s9, $0x38;
	[tilespmem:$0xC400] =	vst v63  }
0x1c: {  	s14 =	sor.u32 $0x800, s15;
	_ =	swait.ge [sflag:s3], $0xC000  }
0x1d: {  	s13 =	sshrl.u32 s14, $0x3;
	[sflag:s3] =	ssyncset.done $0x0  }
0x1e: {  	s13 =	sadd.s32 s17, s13;
	[sflag:s3] =	ssyncadd.s32 $0xFFFF4000  }
0x1f: {  	[tilespmem:s2], [sflag:$0x2] =	stream.linear.gather [hbm4b:s13+s2], $0x400, $0x38;
	[tilespmem:$0xC400] =	vst v63  }
0x20: {  	_ =	swait.ge [sflag:s3], $0x400  }
0x21: {  	[sflag:s3] =	ssyncset.done $0x0  }
0x22: {  	[sflag:s3] =	ssyncadd.s32 $0xFFFFFC00  }
0x23: {  	[tilespmem:s6], [sflag:$0x1] =	stream.indirect.gather [hbm4b:s5+s6], $0x30, s2, s6, $0xb8;
	[tilespmem:$0xC400] =	vst v63  }
0x24: {  	_ =	swait.ge [sflag:s7], $0xC000  }
0x25: {  	s14 =	sshll.u32 s14, $0x4;
	[sflag:s7] =	ssyncset.done $0x0  }
0x26: {  	s14 =	sadd.s32 s18, s14;
	[sflag:s7] =	ssyncadd.s32 $0xFFFF4000  }
0x27: {  	[hbm4b:s14+s9] =	stream.strided.scatter [tilespmem:s6], [sflag:$0x2], $0xC000, s10, s9, $0x38;
	[tilespmem:$0xC400] =	vst v63  }
0x28: {  	s19 =	sor.u32 $0xC00, s15;
	_ =	swait.ge [sflag:s3], $0xC000  }
0x29: {  	s15 =	sshrl.u32 s19, $0x3;
	[sflag:s3] =	ssyncset.done $0x0  }
0x2a: {  	s16 =	ssub.s32 $0x2, s16;
	s15 =	sadd.s32 s17, s15;
	[sflag:s3] =	ssyncadd.s32 $0xFFFF4000  }
0x2b: {  	[tilespmem:s2], [sflag:$0x2] =	stream.linear.gather [hbm4b:s15+s2], $0x400, $0x38;
	[tilespmem:$0xC400] =	vst v63  }
0x2c: {  	s30 =	sshrl.u32 s16, $0x1;
	_ =	swait.ge [sflag:s3], $0x400  }
0x2d: {  	s17 =	ssub.s32 s16, s30;
	[sflag:s3] =	ssyncset.done $0x0  }
0x2e: {  	s17 =	smax.u32 s17, $0x1;
	[sflag:s3] =	ssyncadd.s32 $0xFFFFFC00  }
0x2f: {  	[tilespmem:s6], [sflag:$0x1] =	stream.indirect.gather [hbm4b:s5+s6], $0x30, s2, s6, $0xb8;
	[tilespmem:$0xC400] =	vst v63  }
0x30: {  	p0 =	sne.s32 s17, $0x1;
	_ =	swait.ge [sflag:s7], $0xC000  }
.Ltmp0:
0x31: {  	s31 =	sshll.u32 s19, $0x4;
	[sflag:s7] =	ssyncset.done $0x0;
	(pc) =	sbr.rel @!p0 .LBB2_2-.Ltmp0, $4  }
0x32: {  	s16 =	sadd.s32 s18, s31;
	[sflag:s7] =	ssyncadd.s32 $0xFFFF4000  }
0x33: {  	[hbm4b:s16+s9] =	stream.strided.scatter [tilespmem:s6], [sflag:$0x2], $0xC000, s10, s9, $0x38;
	[tilespmem:$0xC400] =	vst v63  }
0x34: {  	_ =	swait.ge [sflag:s3], $0xC000  }
0x35: {  	s17 =	sadd.s32 $0xFFFFFFFF, s17;
	[sflag:s3] =	ssyncset.done $0x0  }
.LBB2_1:
0x36: {  	p0 =	sne.s32 s17, $0x1;
	s17 =	sadd.s32 $0xFFFFFFFF, s17;
	[sflag:s3] =	ssyncadd.s32 $0xFFFF4000  }
0x37: {  	[tilespmem:s2], [sflag:$0x2] =	stream.linear.gather [hbm4b:s4+s2], $0x400, $0x38;
	[tilespmem:$0xC400] =	vst v63  }
0x38: {  	_ =	swait.ge [sflag:s3], $0x400  }
0x39: {  	[sflag:s3] =	ssyncset.done $0x0  }
0x3a: {  	[sflag:s3] =	ssyncadd.s32 $0xFFFFFC00  }
0x3b: {  	[tilespmem:s6], [sflag:$0x1] =	stream.indirect.gather [hbm4b:s5+s6], $0x30, s2, s6, $0xb8;
	[tilespmem:$0xC400] =	vst v63  }
0x3c: {  	_ =	swait.ge [sflag:s7], $0xC000  }
0x3d: {  	[sflag:s7] =	ssyncset.done $0x0  }
0x3e: {  	[sflag:s7] =	ssyncadd.s32 $0xFFFF4000  }
0x3f: {  	[hbm4b:s8+s9] =	stream.strided.scatter [tilespmem:s6], [sflag:$0x2], $0xC000, s10, s9, $0x38;
	[tilespmem:$0xC400] =	vst v63  }
0x40: {  	_ =	swait.ge [sflag:s3], $0xC000  }
0x41: {  	[sflag:s3] =	ssyncset.done $0x0  }
0x42: {  	[sflag:s3] =	ssyncadd.s32 $0xFFFF4000  }
0x43: {  	[tilespmem:s2], [sflag:$0x2] =	stream.linear.gather [hbm4b:s11+s2], $0x400, $0x38;
	[tilespmem:$0xC400] =	vst v63  }
0x44: {  	_ =	swait.ge [sflag:s3], $0x400  }
0x45: {  	[sflag:s3] =	ssyncset.done $0x0  }
0x46: {  	[sflag:s3] =	ssyncadd.s32 $0xFFFFFC00  }
0x47: {  	[tilespmem:s6], [sflag:$0x1] =	stream.indirect.gather [hbm4b:s5+s6], $0x30, s2, s6, $0xb8;
	[tilespmem:$0xC400] =	vst v63  }
0x48: {  	_ =	swait.ge [sflag:s7], $0xC000  }
0x49: {  	[sflag:s7] =	ssyncset.done $0x0  }
0x4a: {  	[sflag:s7] =	ssyncadd.s32 $0xFFFF4000  }
0x4b: {  	[hbm4b:s12+s9] =	stream.strided.scatter [tilespmem:s6], [sflag:$0x2], $0xC000, s10, s9, $0x38;
	[tilespmem:$0xC400] =	vst v63  }
0x4c: {  	_ =	swait.ge [sflag:s3], $0xC000  }
0x4d: {  	[sflag:s3] =	ssyncset.done $0x0  }
0x4e: {  	[sflag:s3] =	ssyncadd.s32 $0xFFFF4000  }
0x4f: {  	[tilespmem:s2], [sflag:$0x2] =	stream.linear.gather [hbm4b:s13+s2], $0x400, $0x38;
	[tilespmem:$0xC400] =	vst v63  }
0x50: {  	_ =	swait.ge [sflag:s3], $0x400  }
0x51: {  	[sflag:s3] =	ssyncset.done $0x0  }
0x52: {  	[sflag:s3] =	ssyncadd.s32 $0xFFFFFC00  }
0x53: {  	[tilespmem:s6], [sflag:$0x1] =	stream.indirect.gather [hbm4b:s5+s6], $0x30, s2, s6, $0xb8;
	[tilespmem:$0xC400] =	vst v63  }
0x54: {  	_ =	swait.ge [sflag:s7], $0xC000  }
0x55: {  	[sflag:s7] =	ssyncset.done $0x0  }
0x56: {  	[sflag:s7] =	ssyncadd.s32 $0xFFFF4000  }
0x57: {  	[hbm4b:s14+s9] =	stream.strided.scatter [tilespmem:s6], [sflag:$0x2], $0xC000, s10, s9, $0x38;
	[tilespmem:$0xC400] =	vst v63  }
0x58: {  	_ =	swait.ge [sflag:s3], $0xC000  }
0x59: {  	[sflag:s3] =	ssyncset.done $0x0  }
0x5a: {  	[sflag:s3] =	ssyncadd.s32 $0xFFFF4000  }
0x5b: {  	[tilespmem:s2], [sflag:$0x2] =	stream.linear.gather [hbm4b:s15+s2], $0x400, $0x38;
	[tilespmem:$0xC400] =	vst v63  }
0x5c: {  	_ =	swait.ge [sflag:s3], $0x400  }
0x5d: {  	[sflag:s3] =	ssyncset.done $0x0  }
0x5e: {  	[sflag:s3] =	ssyncadd.s32 $0xFFFFFC00  }
0x5f: {  	[tilespmem:s6], [sflag:$0x1] =	stream.indirect.gather [hbm4b:s5+s6], $0x30, s2, s6, $0xb8;
	[tilespmem:$0xC400] =	vst v63  }
0x60: {  	_ =	swait.ge [sflag:s7], $0xC000  }
.Ltmp1:
0x61: {  	[sflag:s7] =	ssyncset.done $0x0;
	(pc) =	sbr.rel @p0 .LBB2_1-.Ltmp1, $4  }
0x62: {  	[sflag:s7] =	ssyncadd.s32 $0xFFFF4000  }
0x63: {  	[hbm4b:s16+s9] =	stream.strided.scatter [tilespmem:s6], [sflag:$0x2], $0xC000, s10, s9, $0x38;
	[tilespmem:$0xC400] =	vst v63  }
0x64: {  	_ =	swait.ge [sflag:s3], $0xC000  }
0x65: {  	[sflag:s3] =	ssyncset.done $0x0  }
.LBB2_2:
0x66: {  	[sflag:s3] =	ssyncadd.s32 $0xFFFF4000  }
0x67: {  	_ =	sfence.sel $0x180000  }
0x68: {  	[bflag:$0x0] =	sbarrier.arrive $0xFFFF  }
0x69: {  	p0 =	sne.s32 s0, $0x0;
	_ =	strace $0x90000056  }
0x6a: {  	s0 =	sadd.s32 @!p0 $0x100000, s1;
	[bflag:$0x2] =	sbarrier.arrive $0xFFFF  }
0x6b: {  	[sflag:s0] =	ssyncadd.tile.s32 @!p0 $0x1;
	_ =	shalt  }
.Lfunc_end2:
_tile_overlayer_lowered:
.L_overlay_start_2:
0x6c: {  	(tag) =	ssettag $0x2  }
0x6d: {  	s0 =	rddreg [dreg:$0x0];
	s2 =	stileid.u32  }
0x6e: {  	s1 =	rddreg [dreg:$0x1];
	p0 =	sne.s32 s2, $0x0  }
0x6f: {  	s3 =	rddreg [dreg:$0x2];
	[bflag:$0x3] =	sbarrier.arrive $0xFFFF;
	s2 =	simm.s32 @!p0 $0x1C02  }
0x70: {  	[timem:s3], [sflag:s2] =	dma.local @!p0 [hbm:s0], s1  }
0x71: {  	s0 =	simm.s32 @!p0 $0x2  }
0x72: {  	_ =	swait.ge @!p0 [sflag:s0], s1  }
0x73: {  	s1 =	ssub.s32 @!p0 $0x0, s1;
	[sflag:s0] =	ssyncset.done @!p0 $0x0  }
0x74: {  	[sflag:s0] =	ssyncadd.s32 @!p0 s1  }
0x75: {  	[bflag:$0x3] =	sbarrier.arrive $0xFFFF  }
0x76: {  	_ =	shalt  }

// kernel: kernel.43.cloned.1.call-start
scs
__scs_entry_jumppad:
0x0: {  	(pc) =	sbr.rel $0x88, $3  }
0x1: {  	(tag) =	ssettag $0x0;
	lr =	simm.s32 $0x1  }
0x2: {  	[smem:$0x3F72] =	sst lr;
	_ =	strace $0xD0000000  }
0x3: {  	_ = 	snop  }
0x4: {  	_ = 	snop  }
0x5: {  	_ = 	snop  }
0x6: {  	_ = 	snop  }
0x7: {  	_ = 	snop  }
__scs_overlays_trampoline_lowered:
0x8: {  	[smem:$0x3F81] =	sst s0  }
0x9: {  	[smem:$0x3F82] =	sst s1  }
0xa: {  	[smem:$0x3F83] =	sst s2  }
0xb: {  	[smem:$0x3F84] =	sst s3  }
0xc: {  	[smem:$0x3F85] =	sst s4  }
0xd: {  	[smem:$0x3F86] =	sst s5  }
0xe: {  	[smem:$0x3F87] =	sst s6  }
0xf: {  	[smem:$0x3F88] =	sst s7  }
0x10: {  	[smem:$0x3F89] =	sst s8  }
0x11: {  	[smem:$0x3F8A] =	sst s9;
	s0 =	simm.s32 @!p0 $0x0  }
0x12: {  	s1 =	sld [smem:$0x3F70];
	s0 =	simm.s32 @p0 $0x1  }
0x13: {  	[smem:$0x3F8B] =	sst s0;
	s0 =	simm.s32 @!p1 $0x0  }
0x14: {  	s2 =	sld [smem:$0x3F6F];
	s0 =	simm.s32 @p1 $0x1  }
0x15: {  	[smem:$0x3F8C] =	sst s0;
	s0 =	simm.s32 @!p2 $0x0  }
0x16: {  	s3 =	sld [smem:$0x3FDB];
	s0 =	simm.s32 @p2 $0x1  }
0x17: {  	s4 =	simm.s32 $0x1BF5;
	[smem:$0x3F8E] =	sst s0  }
0x18: {  	s0 =	sld [smem:$0x3F71];
	_ =	swait.ge [sflag:s4], $0x0  }
0x19: {  	s7 =	sld [smem:$0x3F72]  }
0x1a: {  	s8 =	sadd.s32 $0xFFFFE003, lr  }
0x1b: {  	s9 =	sadd.s32 $0xFFFFFEF7, lr;
	s5 =	simm.s32 $0xFFFFFFFF;
	p2 =	slt.u32 s8, $0xFFFFF086  }
0x1c: {  	p1 =	slt.u32 s9, $0xF7A;
	s5 =	simm.s32 @!p2 $0x0  }
0x1d: {  	s5 =	simm.s32 @p1 $0x1;
	p0 =	seq.s32 s7, s2  }
0x1e: {  	s7 =	smul.u32 @!p0 $0xF7A, s2;
	p2 =	seq.s32 @!p0 s5, $0x0  }
0x1f: {  	s9 =	smul.u32 $0xF7A, s1;
	s8 =	simm.s32 @!p0 $0x1BF5;
	p2 =	por !p2, p0  }
0x20: {  	[sflag:s8] =	ssyncset.s32 @!p0 $0xFFFFF086;
	s6 =	sadd.s32 @!p0 s3, s7;
	s7 =	simm.s32 @!p0 $0x108  }
0x21: {  	s3 =	sadd.s32 s3, s9;
	s6 =	sadd.s32 @!p0 $0x88, s6;
	s7 =	simm.s32 @p2 $0x1082  }
0x22: {  	[simem:s7], [sflag:s8] =	dma.local @!p0 [hbm:s6], $0xF7A  }
0x23: {  	s9 =	sor.u32 $0xD0000000, s2;
	s6 =	simm.s32 $0x108;
	_ =	swait.ge @!p0 [sflag:s8], $0x0  }
0x24: {  	s3 =	sadd.s32 $0x88, s3;
	s6 =	simm.s32 @!p1 $0x1082;
	[sflag:s4] =	ssyncset.s32 $0xFFFFF086  }
0x25: {  	[simem:s6], [sflag:s4] =	dma.local [hbm:s3], $0xF7A  }
0x26: {  	[smem:$0x3F72] =	sst s1;
	(tag) =	ssettag s2;
	_ =	strace s9  }
0x27: {  	s1 =	sld [smem:$0x3F82]  }
0x28: {  	s2 =	sld [smem:$0x3F83]  }
0x29: {  	s4 =	sld [smem:$0x3F85]  }
0x2a: {  	p0 =	seq.s32 s5, $0x0;
	s5 =	sld [smem:$0x3F86]  }
0x2b: {  	s6 =	sld [smem:$0x3F87]  }
0x2c: {  	s7 =	sld [smem:$0x3F88]  }
0x2d: {  	s3 =	simm.s32 $0x108;
	s8 =	sld [smem:$0x3F89]  }
0x2e: {  	s3 =	simm.s32 @!p0 $0x1082;
	s9 =	sld [smem:$0x3F8A]  }
0x2f: {  	lr =	sadd.s32 s0, s3;
	s0 =	sld [smem:$0x3F81]  }
0x30: {  	s3 =	sld [smem:$0x3F84]  }
0x31: {  	[smem:$0x3F8D] =	sst s10  }
0x32: {  	s10 =	sld [smem:$0x3F8B];
	_ =	sdelay $0x3  }
0x33: {  	p0 =	seq.s32 s10, $0x1;
	s10 =	sld [smem:$0x3F8D];
	_ =	sdelay $0x3  }
0x34: {  	[smem:$0x3F8D] =	sst s10  }
0x35: {  	s10 =	sld [smem:$0x3F8C];
	_ =	sdelay $0x3  }
0x36: {  	p1 =	seq.s32 s10, $0x1;
	s10 =	sld [smem:$0x3F8D];
	_ =	sdelay $0x3  }
0x37: {  	[smem:$0x3F8D] =	sst s10  }
0x38: {  	s10 =	sld [smem:$0x3F8E]  }
0x39: {  	_ = 	snop;
	(pc) =	sbr.ind lr, $3  }
0x3a: {  	_ = 	snop  }
0x3b: {  	_ = 	snop  }
0x3c: {  	p2 =	seq.s32 s10, $0x1;
	s10 =	sld [smem:$0x3F8D]  }
0x3d: {  	_ =	shalt  }
0x3e: {  	_ =	shalt  }
0x3f: {  	_ =	shalt  }
0x40: {  	_ =	shalt  }
0x41: {  	_ =	shalt  }
0x42: {  	_ =	shalt  }
0x43: {  	_ =	shalt  }
0x44: {  	_ =	shalt  }
0x45: {  	_ =	shalt  }
0x46: {  	_ =	shalt  }
0x47: {  	_ =	shalt  }
0x48: {  	_ =	shalt  }
0x49: {  	_ =	shalt  }
0x4a: {  	_ =	shalt  }
0x4b: {  	_ =	shalt  }
0x4c: {  	_ =	shalt  }
0x4d: {  	_ =	shalt  }
0x4e: {  	_ =	shalt  }
0x4f: {  	_ =	shalt  }
0x50: {  	_ =	shalt  }
0x51: {  	_ =	shalt  }
0x52: {  	_ =	shalt  }
0x53: {  	_ =	shalt  }
0x54: {  	_ =	shalt  }
0x55: {  	_ =	shalt  }
0x56: {  	_ =	shalt  }
0x57: {  	_ =	shalt  }
0x58: {  	_ =	shalt  }
0x59: {  	_ =	shalt  }
0x5a: {  	_ =	shalt  }
0x5b: {  	_ =	shalt  }
0x5c: {  	_ =	shalt  }
0x5d: {  	_ =	shalt  }
0x5e: {  	_ =	shalt  }
0x5f: {  	_ =	shalt  }
0x60: {  	_ =	shalt  }
0x61: {  	_ =	shalt  }
0x62: {  	_ =	shalt  }
0x63: {  	_ =	shalt  }
0x64: {  	_ =	shalt  }
0x65: {  	_ =	shalt  }
0x66: {  	_ =	shalt  }
0x67: {  	_ =	shalt  }
0x68: {  	_ =	shalt  }
0x69: {  	_ =	shalt  }
0x6a: {  	_ =	shalt  }
0x6b: {  	_ =	shalt  }
0x6c: {  	_ =	shalt  }
0x6d: {  	_ =	shalt  }
0x6e: {  	_ =	shalt  }
0x6f: {  	_ =	shalt  }
0x70: {  	_ =	shalt  }
0x71: {  	_ =	shalt  }
0x72: {  	_ =	shalt  }
0x73: {  	_ =	shalt  }
0x74: {  	_ =	shalt  }
0x75: {  	_ =	shalt  }
0x76: {  	_ =	shalt  }
0x77: {  	_ =	shalt  }
0x78: {  	_ =	shalt  }
0x79: {  	_ =	shalt  }
0x7a: {  	_ =	shalt  }
0x7b: {  	_ =	shalt  }
0x7c: {  	_ =	shalt  }
0x7d: {  	_ =	shalt  }
0x7e: {  	_ =	shalt  }
0x7f: {  	_ =	shalt  }
0x80: {  	_ =	shalt  }
0x81: {  	_ =	shalt  }
0x82: {  	_ =	shalt  }
0x83: {  	_ =	shalt  }
0x84: {  	_ =	shalt  }
0x85: {  	_ =	shalt  }
0x86: {  	_ =	shalt  }
0x87: {  	_ =	shalt  }
.Lfunc_end0:
.L_simem_size_0:
called_computation.7_lowered:
.L_overlay_start_0:
0x88: {  	s2 =	sld [smem:$0x3FD9]  }
0x89: {  	s3 =	sld [smem:$0x3FFE];
	_ =	sdelay $0x1  }
0x8a: {  	s1 =	srdreg.scid  }
0x8b: {  	s0 =	sand.u32 $0x1, s1  }
0x8c: {  	s17 =	sshll.u32 s0, $0xA;
	s2 =	sadd.s32 s3, s2  }
0x8d: {  	s2 =	sadd.s32 s2, s17  }
0x8e: {  	[smem:$0x3F99] =	sst s2  }
0x8f: {  	_ = 	snop  }
0x90: {  	(tm) =	ssettm $0x1  }
0x91: {  	s18 =	sld [smem:$0x3FFB];
	_ =	sdelay $0x3  }
0x92: {  	_ =	strace s18  }
0x93: {  	s2 =	sld [smem:$0x3FFC];
	_ =	sdelay $0x3  }
0x94: {  	_ =	strace s2  }
0x95: {  	s2 =	sld [smem:$0x3FFD];
	_ =	sdelay $0x3  }
0x96: {  	_ =	strace s2  }
0x97: {  	_ =	strace $0x8FFFFFFF  }
0x98: {  	s19 =	sld [smem:$0x3FDB];
	_ =	sdelay $0x1  }
0x99: {  	s20 =	simm.s32 $_scs_section_size  }
0x9a: {  	s4 =	simm.s32 $_size__tile_overlayer_lowered;
	s5 =	simm.s32 $_tile_overlayer_lowered  }
0x9b: {  	s6 =	simm.s32 $0x1BFF;
	s21 =	sshll.u32 s5, $0x1;
	s3 =	sadd.s32 s20, s19  }
0x9c: {  	s22 =	simm.s32 $0x0;
	s4 =	sshll.u32 s4, $0x1;
	s5 =	sadd.s32 s21, s3  }
0x9d: {  	[timem:s22], [sflag:s6] =	dma.local [hbm:s5], s4  }
0x9e: {  	_ =	swait.ge [sflag:s6], s4  }
0x9f: {  	s4 =	ssub.s32 $0x0, s4;
	[sflag:s6] =	ssyncset.done $0x0  }
0xa0: {  	[sflag:s6] =	ssyncadd.s32 s4;
	_ =	sdelay $0x1  }
0xa1: {  	s23 =	simm.s32 $0x1B8B  }
0xa2: {  	_ =	swait.ge [sflag:s23], $0x1  }
0xa3: {  	[sflag:s23] =	ssyncset.done $0x0  }
0xa4: {  	[sflag:s23] =	ssyncadd.s32 $0xFFFFFFFF  }
0xa5: {  	s4 =	sld [smem:$0x0]  }
0xa6: {  	s5 =	sand.u32 $0xFFFFFFFE, s1  }
0xa7: {  	p0 =	sne.s32 s1, s5  }
0xa8: {  	s5 =	sshll.u32 @p0 s5, $0xE  }
0xa9: {  	s5 =	sadd.s32 @p0 $0x11B8D, s5;
	s6 =	sshll.u32 @p0 s4, $0x11  }
0xaa: {  	s5 =	sor.u32 @p0 s6, s5  }
0xab: {  	[sflag:s5] =	ssyncadd.remote.s32 @p0 $0x1;
	_ =	sdelay $0x1  }
0xac: {  	s5 =	simm.s32 @p0 $0x1B8D  }
0xad: {  	_ =	swait.eq @p0 [sflag:s5], $0x1  }
0xae: {  	[sflag:s5] =	ssyncadd.s32 @p0 $0xFFFFFFFF  }
0xaf: {  	s6 =	sshll.u32 @!p0 s1, $0xE  }
0xb0: {  	s6 =	sor.u32 @!p0 $0x4000, s6;
	s5 =	simm.s32 @!p0 $0x1B8D  }
0xb1: {  	s4 =	sshll.u32 @!p0 s4, $0x11;
	s6 =	sadd.s32 @!p0 $0x11B8D, s6;
	_ =	swait.eq @!p0 [sflag:s5], $0x1  }
0xb2: {  	s4 =	sor.u32 @!p0 s4, s6;
	[sflag:s5] =	ssyncadd.s32 @!p0 $0xFFFFFFFF  }
0xb3: {  	s25 =	simm.s32 $0x1B8E;
	s24 =	sld [smem:$0x3FFE];
	[sflag:s4] =	ssyncadd.remote.s32 @!p0 $0x1  }
0xb4: {  	s26 =	simm.s32 $execute0_lowered;
	[smem:$0x3FD2] =	sst s25  }
0xb5: {  	s5 =	sshll.u32 s26, $0x1;
	_ =	strace $0x8000005B;
	[dreg:$0x1] =	wrdreg $0xFFFFFFFF  }
0xb6: {  	s28 =	simm.s32 $_size_execute0_lowered;
	s3 =	sadd.s32 s3, s5;
	[dreg:$0x0] =	wrdreg $0x0  }
0xb7: {  	s5 =	sshll.u32 s28, $0x1;
	[dreg:$0x2] =	wrdreg s3  }
0xb8: {  	[dreg:$0x3] =	wrdreg s5  }
0xb9: {  	[dreg:$0x4] =	wrdreg $0xC0  }
0xba: {  	_ =	task [dreg:s22], $0x5FFFF  }
0xbb: {  	[dreg:$0x1] =	wrdreg $0xFFFFFFFF  }
0xbc: {  	[dreg:$0x0] =	wrdreg $0x60  }
0xbd: {  	[dreg:$0x2] =	wrdreg s24  }
0xbe: {  	[dreg:$0x3] =	wrdreg $0xA  }
0xbf: {  	_ =	task.clear_ibuf [dreg:s22], $0x4FFFF;
	_ =	strace $0x9000005B  }
0xc0: {  	s29 =	simm.s32 $0xA;
	_ =	strace $0x8000005D  }
0xc1: {  	_ =	swait.ge [sflag:s29], $0x1  }
0xc2: {  	[sflag:s29] =	ssyncadd.s32 $0xFFFFFFFF  }
0xc3: {  	_ =	strace $0x9000005D  }
0xc4: {  	_ =	sfence  }
0xc5: {  	s30 =	sld [smem:$0x0];
	_ =	sdelay $0x2  }
0xc6: {  	s31 =	sshll.u32 s1, $0xD;
	s1 =	sshrl.u32 s1, $0x2  }
0xc7: {  	s4 =	sand.u32 $0x4000, s31;
	s1 =	sadd.s32 s1, s30  }
0xc8: {  	s0 =	sor.u32 s4, s0;
	s1 =	sshll.u32 s1, $0x11  }
0xc9: {  	s0 =	sor.u32 s1, s0  }
0xca: {  	s0 =	sadd.s32 $0x8F2B, s0  }
0xcb: {  	[sflag:s0] =	ssyncadd.remote.s32 $0x1  }
0xcc: {  	_ =	sfence.sel $0xFFFF  }
0xcd: {  	[dreg:$0x0] =	wrdreg $0xFFFFFFFF;
	(pc) =	sbr.abs _section_cstart, $3  }
0xce: {  	[dreg:$0x1] =	wrdreg $0xFFFFFFFF  }
0xcf: {  	_ =	task.clear_ibuf [dreg:s22], $0x2FFFF;
	_ =	strace $0x9FFFFFFF  }
0xd0: {  	(tm) =	ssettm $0x7FFFFFFF  }
0xd1: {  	_ =	shalt  }
tec
execute0_lowered:
.L_overlay_start_1:
0x0: {  	(tag) =	ssettag $0x1  }
0x1: {  	s1 =	srdreg.scid  }
0x2: {  	s0 =	stileid.u32;
	s16 =	sand.u32 $0x1, s1  }
0x3: {  	s8 =	rddreg [dreg:$0x0];
	s3 =	sshll.u32 s0, $0xD;
	s4 =	sshll.u32 s16, $0xC  }
0x4: {  	s2 =	simm.s32 $0x0;
	s1 =	rddreg [dreg:$0x1];
	s15 =	sor.u32 s4, s3  }
0x5: {  	[smem:$0x7FF] =	sst s2;
	s17 =	sadd.s32 $0x2E1000, s8;
	s3 =	sshrl.u32 s15, $0x3  }
0x6: {  	_ =	strace $0x8000005C;
	s4 =	sadd.s32 s17, s3;
	s3 =	simm.s32 $0x2  }
0x7: {  	[tilespmem:s2], [sflag:$0x2] =	stream.linear.gather [hbm4b:s4+s2], $0x400, $0x38;
	[tilespmem:$0x14400] =	vst v63  }
0x8: {  	_ =	swait.ge [sflag:s3], $0x400  }
0x9: {  	s6 =	simm.s32 $0x400;
	[sflag:s3] =	ssyncset.done $0x0  }
0xa: {  	s7 =	simm.s32 $0x1;
	s5 =	sadd.s32 $0x28D000, s8;
	[sflag:s3] =	ssyncadd.s32 $0xFFFFFC00  }
0xb: {  	[tilespmem:s6], [sflag:$0x1] =	stream.indirect.gather [hbm4b:s5+s6], $0x50, s2, s6, $0xb8;
	[tilespmem:$0x14400] =	vst v63  }
0xc: {  	s9 =	simm.s32 $0x50;
	_ =	swait.ge [sflag:s7], $0x14000  }
0xd: {  	s18 =	sadd.s32 $0x79000, s8;
	s29 =	sshll.u32 s15, $0x4;
	[sflag:s7] =	ssyncset.done $0x0  }
0xe: {  	s10 =	simm.s32 $0x80;
	s8 =	sadd.s32 s18, s29;
	[sflag:s7] =	ssyncadd.s32 $0xFFFEC000  }
0xf: {  	[hbm4b:s8+s9] =	stream.strided.scatter [tilespmem:s6], [sflag:$0x2], $0x14000, s10, s9, $0x38;
	[tilespmem:$0x14400] =	vst v63  }
0x10: {  	s12 =	sor.u32 $0x400, s15;
	_ =	swait.ge [sflag:s3], $0x14000  }
0x11: {  	s11 =	sshrl.u32 s12, $0x3;
	[sflag:s3] =	ssyncset.done $0x0  }
0x12: {  	s11 =	sadd.s32 s17, s11;
	[sflag:s3] =	ssyncadd.s32 $0xFFFEC000  }
0x13: {  	[tilespmem:s2], [sflag:$0x2] =	stream.linear.gather [hbm4b:s11+s2], $0x400, $0x38;
	[tilespmem:$0x14400] =	vst v63  }
0x14: {  	_ =	swait.ge [sflag:s3], $0x400  }
0x15: {  	[sflag:s3] =	ssyncset.done $0x0  }
0x16: {  	[sflag:s3] =	ssyncadd.s32 $0xFFFFFC00  }
0x17: {  	[tilespmem:s6], [sflag:$0x1] =	stream.indirect.gather [hbm4b:s5+s6], $0x50, s2, s6, $0xb8;
	[tilespmem:$0x14400] =	vst v63  }
0x18: {  	_ =	swait.ge [sflag:s7], $0x14000  }
0x19: {  	s12 =	sshll.u32 s12, $0x4;
	[sflag:s7] =	ssyncset.done $0x0  }
0x1a: {  	s12 =	sadd.s32 s18, s12;
	[sflag:s7] =	ssyncadd.s32 $0xFFFEC000  }
0x1b: {  	[hbm4b:s12+s9] =	stream.strided.scatter [tilespmem:s6], [sflag:$0x2], $0x14000, s10, s9, $0x38;
	[tilespmem:$0x14400] =	vst v63  }
0x1c: {  	s14 =	sor.u32 $0x800, s15;
	_ =	swait.ge [sflag:s3], $0x14000  }
0x1d: {  	s13 =	sshrl.u32 s14, $0x3;
	[sflag:s3] =	ssyncset.done $0x0  }
0x1e: {  	s13 =	sadd.s32 s17, s13;
	[sflag:s3] =	ssyncadd.s32 $0xFFFEC000  }
0x1f: {  	[tilespmem:s2], [sflag:$0x2] =	stream.linear.gather [hbm4b:s13+s2], $0x400, $0x38;
	[tilespmem:$0x14400] =	vst v63  }
0x20: {  	_ =	swait.ge [sflag:s3], $0x400  }
0x21: {  	[sflag:s3] =	ssyncset.done $0x0  }
0x22: {  	[sflag:s3] =	ssyncadd.s32 $0xFFFFFC00  }
0x23: {  	[tilespmem:s6], [sflag:$0x1] =	stream.indirect.gather [hbm4b:s5+s6], $0x50, s2, s6, $0xb8;
	[tilespmem:$0x14400] =	vst v63  }
0x24: {  	_ =	swait.ge [sflag:s7], $0x14000  }
0x25: {  	s14 =	sshll.u32 s14, $0x4;
	[sflag:s7] =	ssyncset.done $0x0  }
0x26: {  	s14 =	sadd.s32 s18, s14;
	[sflag:s7] =	ssyncadd.s32 $0xFFFEC000  }
0x27: {  	[hbm4b:s14+s9] =	stream.strided.scatter [tilespmem:s6], [sflag:$0x2], $0x14000, s10, s9, $0x38;
	[tilespmem:$0x14400] =	vst v63  }
0x28: {  	s19 =	sor.u32 $0xC00, s15;
	_ =	swait.ge [sflag:s3], $0x14000  }
0x29: {  	s15 =	sshrl.u32 s19, $0x3;
	[sflag:s3] =	ssyncset.done $0x0  }
0x2a: {  	s16 =	ssub.s32 $0x2, s16;
	s15 =	sadd.s32 s17, s15;
	[sflag:s3] =	ssyncadd.s32 $0xFFFEC000  }
0x2b: {  	[tilespmem:s2], [sflag:$0x2] =	stream.linear.gather [hbm4b:s15+s2], $0x400, $0x38;
	[tilespmem:$0x14400] =	vst v63  }
0x2c: {  	s30 =	sshrl.u32 s16, $0x1;
	_ =	swait.ge [sflag:s3], $0x400  }
0x2d: {  	s17 =	ssub.s32 s16, s30;
	[sflag:s3] =	ssyncset.done $0x0  }
0x2e: {  	s17 =	smax.u32 s17, $0x1;
	[sflag:s3] =	ssyncadd.s32 $0xFFFFFC00  }
0x2f: {  	[tilespmem:s6], [sflag:$0x1] =	stream.indirect.gather [hbm4b:s5+s6], $0x50, s2, s6, $0xb8;
	[tilespmem:$0x14400] =	vst v63  }
0x30: {  	p0 =	sne.s32 s17, $0x1;
	_ =	swait.ge [sflag:s7], $0x14000  }
.Ltmp0:
0x31: {  	s31 =	sshll.u32 s19, $0x4;
	[sflag:s7] =	ssyncset.done $0x0;
	(pc) =	sbr.rel @!p0 .LBB2_2-.Ltmp0, $4  }
0x32: {  	s16 =	sadd.s32 s18, s31;
	[sflag:s7] =	ssyncadd.s32 $0xFFFEC000  }
0x33: {  	[hbm4b:s16+s9] =	stream.strided.scatter [tilespmem:s6], [sflag:$0x2], $0x14000, s10, s9, $0x38;
	[tilespmem:$0x14400] =	vst v63  }
0x34: {  	_ =	swait.ge [sflag:s3], $0x14000  }
0x35: {  	s17 =	sadd.s32 $0xFFFFFFFF, s17;
	[sflag:s3] =	ssyncset.done $0x0  }
.LBB2_1:
0x36: {  	p0 =	sne.s32 s17, $0x1;
	s17 =	sadd.s32 $0xFFFFFFFF, s17;
	[sflag:s3] =	ssyncadd.s32 $0xFFFEC000  }
0x37: {  	[tilespmem:s2], [sflag:$0x2] =	stream.linear.gather [hbm4b:s4+s2], $0x400, $0x38;
	[tilespmem:$0x14400] =	vst v63  }
0x38: {  	_ =	swait.ge [sflag:s3], $0x400  }
0x39: {  	[sflag:s3] =	ssyncset.done $0x0  }
0x3a: {  	[sflag:s3] =	ssyncadd.s32 $0xFFFFFC00  }
0x3b: {  	[tilespmem:s6], [sflag:$0x1] =	stream.indirect.gather [hbm4b:s5+s6], $0x50, s2, s6, $0xb8;
	[tilespmem:$0x14400] =	vst v63  }
0x3c: {  	_ =	swait.ge [sflag:s7], $0x14000  }
0x3d: {  	[sflag:s7] =	ssyncset.done $0x0  }
0x3e: {  	[sflag:s7] =	ssyncadd.s32 $0xFFFEC000  }
0x3f: {  	[hbm4b:s8+s9] =	stream.strided.scatter [tilespmem:s6], [sflag:$0x2], $0x14000, s10, s9, $0x38;
	[tilespmem:$0x14400] =	vst v63  }
0x40: {  	_ =	swait.ge [sflag:s3], $0x14000  }
0x41: {  	[sflag:s3] =	ssyncset.done $0x0  }
0x42: {  	[sflag:s3] =	ssyncadd.s32 $0xFFFEC000  }
0x43: {  	[tilespmem:s2], [sflag:$0x2] =	stream.linear.gather [hbm4b:s11+s2], $0x400, $0x38;
	[tilespmem:$0x14400] =	vst v63  }
0x44: {  	_ =	swait.ge [sflag:s3], $0x400  }
0x45: {  	[sflag:s3] =	ssyncset.done $0x0  }
0x46: {  	[sflag:s3] =	ssyncadd.s32 $0xFFFFFC00  }
0x47: {  	[tilespmem:s6], [sflag:$0x1] =	stream.indirect.gather [hbm4b:s5+s6], $0x50, s2, s6, $0xb8;
	[tilespmem:$0x14400] =	vst v63  }
0x48: {  	_ =	swait.ge [sflag:s7], $0x14000  }
0x49: {  	[sflag:s7] =	ssyncset.done $0x0  }
0x4a: {  	[sflag:s7] =	ssyncadd.s32 $0xFFFEC000  }
0x4b: {  	[hbm4b:s12+s9] =	stream.strided.scatter [tilespmem:s6], [sflag:$0x2], $0x14000, s10, s9, $0x38;
	[tilespmem:$0x14400] =	vst v63  }
0x4c: {  	_ =	swait.ge [sflag:s3], $0x14000  }
0x4d: {  	[sflag:s3] =	ssyncset.done $0x0  }
0x4e: {  	[sflag:s3] =	ssyncadd.s32 $0xFFFEC000  }
0x4f: {  	[tilespmem:s2], [sflag:$0x2] =	stream.linear.gather [hbm4b:s13+s2], $0x400, $0x38;
	[tilespmem:$0x14400] =	vst v63  }
0x50: {  	_ =	swait.ge [sflag:s3], $0x400  }
0x51: {  	[sflag:s3] =	ssyncset.done $0x0  }
0x52: {  	[sflag:s3] =	ssyncadd.s32 $0xFFFFFC00  }
0x53: {  	[tilespmem:s6], [sflag:$0x1] =	stream.indirect.gather [hbm4b:s5+s6], $0x50, s2, s6, $0xb8;
	[tilespmem:$0x14400] =	vst v63  }
0x54: {  	_ =	swait.ge [sflag:s7], $0x14000  }
0x55: {  	[sflag:s7] =	ssyncset.done $0x0  }
0x56: {  	[sflag:s7] =	ssyncadd.s32 $0xFFFEC000  }
0x57: {  	[hbm4b:s14+s9] =	stream.strided.scatter [tilespmem:s6], [sflag:$0x2], $0x14000, s10, s9, $0x38;
	[tilespmem:$0x14400] =	vst v63  }
0x58: {  	_ =	swait.ge [sflag:s3], $0x14000  }
0x59: {  	[sflag:s3] =	ssyncset.done $0x0  }
0x5a: {  	[sflag:s3] =	ssyncadd.s32 $0xFFFEC000  }
0x5b: {  	[tilespmem:s2], [sflag:$0x2] =	stream.linear.gather [hbm4b:s15+s2], $0x400, $0x38;
	[tilespmem:$0x14400] =	vst v63  }
0x5c: {  	_ =	swait.ge [sflag:s3], $0x400  }
0x5d: {  	[sflag:s3] =	ssyncset.done $0x0  }
0x5e: {  	[sflag:s3] =	ssyncadd.s32 $0xFFFFFC00  }
0x5f: {  	[tilespmem:s6], [sflag:$0x1] =	stream.indirect.gather [hbm4b:s5+s6], $0x50, s2, s6, $0xb8;
	[tilespmem:$0x14400] =	vst v63  }
0x60: {  	_ =	swait.ge [sflag:s7], $0x14000  }
.Ltmp1:
0x61: {  	[sflag:s7] =	ssyncset.done $0x0;
	(pc) =	sbr.rel @p0 .LBB2_1-.Ltmp1, $4  }
0x62: {  	[sflag:s7] =	ssyncadd.s32 $0xFFFEC000  }
0x63: {  	[hbm4b:s16+s9] =	stream.strided.scatter [tilespmem:s6], [sflag:$0x2], $0x14000, s10, s9, $0x38;
	[tilespmem:$0x14400] =	vst v63  }
0x64: {  	_ =	swait.ge [sflag:s3], $0x14000  }
0x65: {  	[sflag:s3] =	ssyncset.done $0x0  }
.LBB2_2:
0x66: {  	[sflag:s3] =	ssyncadd.s32 $0xFFFEC000  }
0x67: {  	_ =	sfence.sel $0x180000  }
0x68: {  	[bflag:$0x0] =	sbarrier.arrive $0xFFFF  }
0x69: {  	p0 =	sne.s32 s0, $0x0;
	_ =	strace $0x9000005C  }
0x6a: {  	s0 =	sadd.s32 @!p0 $0x100000, s1;
	[bflag:$0x2] =	sbarrier.arrive $0xFFFF  }
0x6b: {  	[sflag:s0] =	ssyncadd.tile.s32 @!p0 $0x1;
	_ =	shalt  }
.Lfunc_end2:
_tile_overlayer_lowered:
.L_overlay_start_2:
0x6c: {  	(tag) =	ssettag $0x2  }
0x6d: {  	s0 =	rddreg [dreg:$0x0];
	s2 =	stileid.u32  }
0x6e: {  	s1 =	rddreg [dreg:$0x1];
	p0 =	sne.s32 s2, $0x0  }
0x6f: {  	s3 =	rddreg [dreg:$0x2];
	[bflag:$0x3] =	sbarrier.arrive $0xFFFF;
	s2 =	simm.s32 @!p0 $0x1C02  }
0x70: {  	[timem:s3], [sflag:s2] =	dma.local @!p0 [hbm:s0], s1  }
0x71: {  	s0 =	simm.s32 @!p0 $0x2  }
0x72: {  	_ =	swait.ge @!p0 [sflag:s0], s1  }
0x73: {  	s1 =	ssub.s32 @!p0 $0x0, s1;
	[sflag:s0] =	ssyncset.done @!p0 $0x0  }
0x74: {  	[sflag:s0] =	ssyncadd.s32 @!p0 s1  }
0x75: {  	[bflag:$0x3] =	sbarrier.arrive $0xFFFF  }
0x76: {  	_ =	shalt  }

</sc_bundles>
